<compile_context>
chip_gen: v7x
topology: tpu7x:2x2x1
jax: 0.10.2.dev20260603
libtpu: 0.0.44.dev20260713+nightly
codegen_flags: <defaults>
</compile_context>

<pallas_src>
import functools

import jax
import jax.numpy as jnp
import numpy as np
from jax import lax
from jax.experimental import pallas as pl
from jax.experimental.pallas import tpu as pltpu
from jax.experimental.pallas import tpu_sc as plsc

N_WIDTH = 32
N_ORDER = 5
N_ELEMENTS = 16
N_NODES = N_ELEMENTS * N_ORDER + 1
X_MIN = 0.0
X_MAX = 1.0
DELTA_X = 0.5 * N_ORDER * (X_MAX - X_MIN) / (N_NODES - 1)

_ND = np.linspace(-1.0, 1.0, N_ORDER + 1)


def _np_diff_matrix():
    n = N_ORDER + 1
    dm = np.zeros((n, n))
    for j in range(n):
        for i in range(n):
            s = 0.0
            for l in range(n):
                if l == j:
                    continue
                p = 1.0 / (_ND[j] - _ND[l])
                for m in range(n):
                    if m != j and m != l:
                        p *= (_ND[i] - _ND[m]) / (_ND[j] - _ND[m])
                s += p
            dm[i, j] = s
    return dm


def _np_placement_consts():
    a = np.zeros((N_ORDER + 1, N_NODES))
    for p in range(N_NODES):
        if p % N_ORDER < N_ORDER:
            a[p % N_ORDER, p] = 1.0
    a2 = np.zeros((N_ORDER + 1, N_NODES))
    a2[N_ORDER, np.arange(N_NODES) % N_ORDER == 0] = 1.0
    dm = _np_diff_matrix()
    mats = []
    for k, scale in ((0, 1.0), (1, 1.0 / DELTA_X), (2, 1.0 / DELTA_X**2)):
        dmk = np.linalg.matrix_power(dm, k)
        for base in (a, a2):
            m6 = scale * (dmk @ base)
            m8 = np.zeros((8, N_NODES), np.float32)
            m8[: N_ORDER + 1] = m6
            mats.append(m8)
    return np.concatenate(mats, axis=0).astype(np.float32)


_CONSTS = _np_placement_consts()

_DM2S = (np.linalg.matrix_power(_np_diff_matrix(), 2) / DELTA_X**2).astype(
    np.float64)
_CJ = [
    float(np.prod([1.0 / (_ND[j] - _ND[m]) for m in range(6) if m != j]))
    for j in range(6)
]


def _sc_ddphi_kernel(x_hbm, out_hbm, xv, slab, *, rows, C):
    wid = lax.axis_index("s") * 2 + lax.axis_index("c")
    base = wid * rows

    zero16 = jnp.zeros((16,), jnp.float32)
    for c in range(C):
        for k in range(N_WIDTH):
            for off in (0, 16, 32, 48, 64, 65):
                slab[c, k, pl.ds(off, 16)] = zero16
    iota16 = lax.broadcasted_iota(jnp.int32, (16,), 0)

    def body(it, _):
        i0 = base + it * C
        pltpu.sync_copy(x_hbm.at[pl.ds(i0, C)], xv)
        stores = []
        for c in range(C):
            ci = jnp.full((16,), c, jnp.int32)
            for g in range(N_WIDTH // 16):
                xg = xv[c, pl.ds(16 * g, 16)]
                xs = (N_NODES - 1.0) * xg
                ei = jnp.clip((xs * (1.0 / N_ORDER)).astype(jnp.int32),
                              0, N_ELEMENTS - 1)
                ef = ei.astype(jnp.float32)
                xt = 2.0 * (xs - N_ORDER * ef) * (1.0 / N_ORDER) - 1.0
                d = [xt - float(_ND[m]) for m in range(6)]
                phis = []
                for j in range(6):
                    p = None
                    for m in range(6):
                        if m != j:
                            p = d[m] if p is None else p * d[m]
                    phis.append(p * _CJ[j])
                kvec = iota16 + 16 * g
                pcol = N_ORDER * ei
                for j in range(6):
                    v = None
                    for m in range(6):
                        term = phis[m] * float(_DM2S[m, j])
                        v = term if v is None else v + term
                    idx = [ci, kvec, pcol + j]
                    plsc.store_scatter(slab, idx, v)
                    stores.append(idx)
        pltpu.sync_copy(slab, out_hbm.at[pl.ds(i0, C)])
        for idx in stores:
            plsc.store_scatter(slab, idx, zero16)
        return 0

    lax.fori_loop(0, rows // C, body, 0)


def _sc_ddphi(x):
    S, W = x.shape
    mesh = plsc.VectorSubcoreMesh(core_axis_name="c", subcore_axis_name="s")
    C = 2
    fn = pl.kernel(
        functools.partial(_sc_ddphi_kernel, rows=S // 32, C=C),
        out_type=jax.ShapeDtypeStruct((S, W, N_NODES), jnp.float32),
        mesh=mesh,
        scratch_types=[
            pltpu.VMEM((C, W), jnp.float32),
            pltpu.VMEM((C, W, N_NODES), jnp.float32),
        ],
        compiler_params=pltpu.CompilerParams(needs_layout_passes=False),
    )
    return fn(x)


def _block_kernel(xa_ref, xb_ref, w_ref, c_ref,
                  t_ref, dt_ref, ddt_ref,
                  phi_ref, dphi_ref, *, bs):
    n = bs * N_WIDTH

    xb = xb_ref[...]
    xs = (N_NODES - 1) * (xb - X_MIN) * (1.0 / (X_MAX - X_MIN))
    e_f = jnp.clip(jnp.floor(xs * (1.0 / N_ORDER)), 0.0, N_ELEMENTS - 1)
    e_i = e_f.astype(jnp.int32)[..., None]
    p_iota = jax.lax.broadcasted_iota(jnp.int32, (bs, N_WIDTH, N_NODES), 2)
    rel = p_iota - N_ORDER * e_i
    m1 = (rel >= 0) & (rel < N_ORDER)
    m5 = rel == N_ORDER

    xa = xa_ref[0]
    xsa = (N_NODES - 1) * (xa - X_MIN) * (1.0 / (X_MAX - X_MIN))
    efa = jnp.clip(jnp.floor(xsa * (1.0 / N_ORDER)), 0.0, N_ELEMENTS - 1)
    xt = 2.0 * (xsa - N_ORDER * efa) * (1.0 / N_ORDER) - 1.0
    xt8 = jnp.broadcast_to(xt, (8, n))
    j8 = jax.lax.broadcasted_iota(jnp.int32, (8, n), 0)
    jc = jax.lax.broadcasted_iota(jnp.int32, (8, 128), 0)
    jcf = jc.astype(jnp.float32)
    lhs = None
    for m in range(N_ORDER + 1):
        cm = 2.5 / jnp.where(jc == m, 1.0, jcf - m)
        f = jnp.where(j8 == m, 1.0, (xt8 - _ND[m]) * cm[:, :1])
        lhs = f if lhs is None else lhs * f

    c = c_ref[...]
    w = w_ref[...][None, :, :]

    for idx, (out_ref, red_ref) in enumerate(
        ((phi_ref, t_ref), (dphi_ref, dt_ref), (None, ddt_ref))
    ):
        av = c[16 * idx: 16 * idx + 8]
        ab = c[16 * idx + 8: 16 * idx + 16]
        v = jax.lax.dot_general(
            lhs, av, (((0,), (0,)), ((), ())),
            preferred_element_type=jnp.float32,
        ).reshape(bs, N_WIDTH, N_NODES)
        v2 = jax.lax.dot_general(
            lhs, ab, (((0,), (0,)), ((), ())),
            preferred_element_type=jnp.float32,
        ).reshape(bs, N_WIDTH, N_NODES)
        out = jnp.where(m1, v, jnp.where(m5, v2, 0.0))
        if out_ref is not None:
            out_ref[...] = out
        red_ref[...] = jnp.sum(out * w, axis=-1)


def kernel(x, weight):
    if x.ndim != 2:
        x = jnp.repeat(x[..., None], N_WIDTH, axis=-1)
    S, W = x.shape
    bs = 256
    while S % bs != 0:
        bs //= 2
    nb = S // bs
    grid = (nb,)

    xa = x.reshape(nb, 1, bs * W)
    consts = jnp.asarray(_CONSTS)

    out_shapes = (
        jax.ShapeDtypeStruct((S, W), jnp.float32),
        jax.ShapeDtypeStruct((S, W), jnp.float32),
        jax.ShapeDtypeStruct((S, W), jnp.float32),
        jax.ShapeDtypeStruct((S, W, N_NODES), jnp.float32),
        jax.ShapeDtypeStruct((S, W, N_NODES), jnp.float32),
    )
    ddphi = _sc_ddphi(x)
    spec2 = pl.BlockSpec((bs, W), lambda i: (i, 0))
    spec3 = pl.BlockSpec((bs, W, N_NODES), lambda i: (i, 0, 0))
    t, dt, ddt, phi, dphi = pl.pallas_call(
        functools.partial(_block_kernel, bs=bs),
        grid=grid,
        in_specs=[
            pl.BlockSpec((1, 1, bs * W), lambda i: (i, 0, 0)),
            spec2,
            pl.BlockSpec((W, N_NODES), lambda i: (0, 0)),
            pl.BlockSpec((48, N_NODES), lambda i: (0, 0)),
        ],
        out_specs=(spec2, spec2, spec2, spec3, spec3),
        out_shape=out_shapes,
        compiler_params=pltpu.CompilerParams(
            vmem_limit_bytes=100 * 1024 * 1024,
        ),
    )(xa, x, weight, consts)
    return (t, dt, ddt, phi, dphi, ddphi)

# --- scband reference (transcript-rebuilt; emitter-appended) ---
"""Pipeline reference for scband-lagr-kannautoinner-532575944766 (READ-ONLY COPY).

The authoritative reference and input builder live on the scoring server;
editing this copy changes nothing except your own understanding.
"""

import jax, jax.numpy as jnp
import numpy as np
import math

N_WIDTH = 32
N_ORDER = 5
N_ELEMENTS = 16
N_NODES = N_ELEMENTS * N_ORDER + 1
N_SAMPLES = 4096
X_MIN = 0.0
X_MAX = 1.0


def _lagrange(x, n_order):
    nodes = np.linspace(-1.0, 1.0, n_order + 1)
    outs = []
    for j in range(n_order + 1):
        p = jnp.ones_like(x)
        for m in range(n_order + 1):
            if j != m:
                p = p * (x - nodes[m]) / (nodes[j] - nodes[m])
        outs.append(p)
    return jnp.stack(outs, axis=-1)


def _dlagrange(x, n_order):
    nodes = np.linspace(-1.0, 1.0, n_order + 1)
    outs = []
    for j in range(n_order + 1):
        y = jnp.zeros_like(x)
        for i in range(n_order + 1):
            if i != j:
                k = jnp.ones_like(x) / (nodes[j] - nodes[i])
                for m in range(n_order + 1):
                    if m != i and m != j:
                        k = k * (x - nodes[m]) / (nodes[j] - nodes[m])
                y = y + k
        outs.append(y)
    return jnp.stack(outs, axis=-1)


def _ddlagrange(x, n_order):
    nodes = np.linspace(-1.0, 1.0, n_order + 1)
    outs = []
    for j in range(n_order + 1):
        y = jnp.zeros_like(x)
        for i in range(n_order + 1):
            if i != j:
                k_sum = jnp.zeros_like(x)
                for m in range(n_order + 1):
                    if m != i and m != j:
                        k_prod = jnp.ones_like(x) / (nodes[j] - nodes[m])
                        for n in range(n_order + 1):
                            if n != i and n != j and n != m:
                                k_prod = k_prod * (x - nodes[n]) / (nodes[j] - nodes[n])
                        k_sum = k_sum + k_prod
                y = y + (1.0 / (nodes[j] - nodes[i])) * k_sum
        outs.append(y)
    return jnp.stack(outs, axis=-1)


def setup_inputs(seed: int = 0):
    key = jax.random.key(seed)
    kx, kw = jax.random.split(key)
    x = jax.random.uniform(kx, (N_SAMPLES, N_WIDTH), dtype=jnp.float32)
    std = math.sqrt(2.0 / (N_WIDTH + N_NODES))
    weight = jax.random.normal(kw, (N_WIDTH, N_NODES), dtype=jnp.float32) * std
    return {"x": x, "weight": weight}


def reference(x, weight):
    if x.ndim != 2:
        x = jnp.repeat(x[..., None], N_WIDTH, axis=-1)
    x_shift = (N_NODES - 1) * (x - X_MIN) / (X_MAX - X_MIN)
    id_element = jnp.floor(x_shift / N_ORDER)
    id_element = jnp.clip(id_element, 0.0, N_ELEMENTS - 1)
    nodes_in_l = (id_element * N_ORDER).astype(jnp.int32)
    nodes_in_r = nodes_in_l + N_ORDER
    x_t = 2.0 * (x_shift - nodes_in_l) / (nodes_in_r - nodes_in_l) - 1.0
    delta_x = 0.5 * N_ORDER * (X_MAX - X_MIN) / (N_NODES - 1)
    phi_local = _lagrange(x_t, N_ORDER)
    dphi_local = _dlagrange(x_t, N_ORDER) / delta_x
    ddphi_local = _ddlagrange(x_t, N_ORDER) / (delta_x ** 2)
    S, W = x.shape
    ii = jnp.arange(S)[:, None, None]
    kk = jnp.arange(W)[None, :, None]
    pp = nodes_in_l[:, :, None] + jnp.arange(N_ORDER + 1)[None, None, :]
    phi_ikp = jnp.zeros((S, W, N_NODES), jnp.float32).at[ii, kk, pp].set(phi_local)
    dphi_ikp = jnp.zeros((S, W, N_NODES), jnp.float32).at[ii, kk, pp].set(dphi_local)
    ddphi_ikp = jnp.zeros((S, W, N_NODES), jnp.float32).at[ii, kk, pp].set(ddphi_local)
    t_ik = jnp.einsum('kp,ikp->ik', weight, phi_ikp)
    dt_ik = jnp.einsum('kp,ikp->ik', weight, dphi_ikp)
    ddt_ik = jnp.einsum('kp,ikp->ik', weight, ddphi_ikp)
    return (t_ik, dt_ik, ddt_ik, phi_ikp, dphi_ikp, ddphi_ikp)

if __name__ == "__main__":
    import jax
    _d = setup_inputs()
    print(jax.jit(kernel)(*tuple(_d.values())))

</pallas_src>

<mosaic_0001>
#map = affine_map<(d0, d1) -> (0, 0)>
#map1 = affine_map<(d0, d1) -> (0, 0, 0)>
module attributes {stable_mosaic.version = 14 : i64} {
  func.func @_sc_ddphi_kernel(%arg0: i32, %arg1: i32, %arg2: memref<4096x32xf32, #tpu.memory_space<hbm>>, %arg3: memref<4096x32x81xf32, #tpu.memory_space<hbm>>, %arg4: memref<2x32xf32, #tpu.memory_space<vmem>>, %arg5: memref<2x32x81xf32, #tpu.memory_space<vmem>>) attributes {dimension_semantics = [#tpu.dimension_semantics<core_parallel>, #tpu.dimension_semantics<subcore_parallel>], iteration_bounds = array<i64: 2, 16>, scalar_prefetch = 0 : i64, scratch_operands = 2 : i64, tpu.core_type = #tpu.core_type<sc_vector_subcore>, window_params = [{transform_indices = #map}, {transform_indices = #map1}]} {
    %mul3A = arith.constant 2 : i32
    %mul3A_0 = arith.muli %arg1, %mul3A : i32
    %add3A = arith.addi %mul3A_0, %arg0 : i32
    %mul3A_1 = arith.constant 128 : i32
    %mul3A_2 = arith.muli %add3A, %mul3A_1 : i32
    %broadcast_in_dim3A = arith.constant 0.000000e+00 : f32
    %broadcast_in_dim3A_3 = vector.broadcast %broadcast_in_dim3A : f32 to vector<16xf32>
    %swap3A = arith.constant 0 : i32
    %swap3A_4 = arith.constant 0 : i32
    %swap3A_5 = arith.index_cast %swap3A : i32 to index
    %swap3A_6 = arith.index_cast %swap3A_4 : i32 to index
    %swap3A_7 = arith.constant 0 : index
    %swap3A_8 = tpu.vector_load %arg5[%swap3A_5, %swap3A_6, %swap3A_7] {strides = array<i32>} : memref<2x32x81xf32, #tpu.memory_space<vmem>>, vector<16xf32>,
    tpu.vector_store %arg5[%swap3A_5, %swap3A_6, %swap3A_7], %broadcast_in_dim3A_3 {strides = array<i32>} : memref<2x32x81xf32, #tpu.memory_space<vmem>>, vector<16xf32>,
    %swap3A_9 = arith.constant 0 : i32
    %swap3A_10 = arith.constant 0 : i32
    %swap3A_11 = arith.index_cast %swap3A_9 : i32 to index
    %swap3A_12 = arith.index_cast %swap3A_10 : i32 to index
    %swap3A_13 = arith.constant 16 : index
    %swap3A_14 = tpu.vector_load %arg5[%swap3A_11, %swap3A_12, %swap3A_13] {strides = array<i32>} : memref<2x32x81xf32, #tpu.memory_space<vmem>>, vector<16xf32>,
    tpu.vector_store %arg5[%swap3A_11, %swap3A_12, %swap3A_13], %broadcast_in_dim3A_3 {strides = array<i32>} : memref<2x32x81xf32, #tpu.memory_space<vmem>>, vector<16xf32>,
    %swap3A_15 = arith.constant 0 : i32
    %swap3A_16 = arith.constant 0 : i32
    %swap3A_17 = arith.index_cast %swap3A_15 : i32 to index
    %swap3A_18 = arith.index_cast %swap3A_16 : i32 to index
    %swap3A_19 = arith.constant 32 : index
    %swap3A_20 = tpu.vector_load %arg5[%swap3A_17, %swap3A_18, %swap3A_19] {strides = array<i32>} : memref<2x32x81xf32, #tpu.memory_space<vmem>>, vector<16xf32>,
    tpu.vector_store %arg5[%swap3A_17, %swap3A_18, %swap3A_19], %broadcast_in_dim3A_3 {strides = array<i32>} : memref<2x32x81xf32, #tpu.memory_space<vmem>>, vector<16xf32>,
    %swap3A_21 = arith.constant 0 : i32
    %swap3A_22 = arith.constant 0 : i32
    %swap3A_23 = arith.index_cast %swap3A_21 : i32 to index
    %swap3A_24 = arith.index_cast %swap3A_22 : i32 to index
    %swap3A_25 = arith.constant 48 : index
    %swap3A_26 = tpu.vector_load %arg5[%swap3A_23, %swap3A_24, %swap3A_25] {strides = array<i32>} : memref<2x32x81xf32, #tpu.memory_space<vmem>>, vector<16xf32>,
    tpu.vector_store %arg5[%swap3A_23, %swap3A_24, %swap3A_25], %broadcast_in_dim3A_3 {strides = array<i32>} : memref<2x32x81xf32, #tpu.memory_space<vmem>>, vector<16xf32>,
    %swap3A_27 = arith.constant 0 : i32
    %swap3A_28 = arith.constant 0 : i32
    %swap3A_29 = arith.index_cast %swap3A_27 : i32 to index
    %swap3A_30 = arith.index_cast %swap3A_28 : i32 to index
    %swap3A_31 = arith.constant 64 : index
    %swap3A_32 = tpu.vector_load %arg5[%swap3A_29, %swap3A_30, %swap3A_31] {strides = array<i32>} : memref<2x32x81xf32, #tpu.memory_space<vmem>>, vector<16xf32>,
    tpu.vector_store %arg5[%swap3A_29, %swap3A_30, %swap3A_31], %broadcast_in_dim3A_3 {strides = array<i32>} : memref<2x32x81xf32, #tpu.memory_space<vmem>>, vector<16xf32>,
    %swap3A_33 = arith.constant 0 : i32
    %swap3A_34 = arith.constant 0 : i32
    %swap3A_35 = arith.index_cast %swap3A_33 : i32 to index
    %swap3A_36 = arith.index_cast %swap3A_34 : i32 to index
    %swap3A_37 = arith.constant 65 : index
    %swap3A_38 = tpu.vector_load %arg5[%swap3A_35, %swap3A_36, %swap3A_37] {strides = array<i32>} : memref<2x32x81xf32, #tpu.memory_space<vmem>>, vector<16xf32>,
    tpu.vector_store %arg5[%swap3A_35, %swap3A_36, %swap3A_37], %broadcast_in_dim3A_3 {strides = array<i32>} : memref<2x32x81xf32, #tpu.memory_space<vmem>>, vector<16xf32>,
    %swap3A_39 = arith.constant 0 : i32
    %swap3A_40 = arith.constant 1 : i32
    %swap3A_41 = arith.index_cast %swap3A_39 : i32 to index
    %swap3A_42 = arith.index_cast %swap3A_40 : i32 to index
    %swap3A_43 = arith.constant 0 : index
    %swap3A_44 = tpu.vector_load %arg5[%swap3A_41, %swap3A_42, %swap3A_43] {strides = array<i32>} : memref<2x32x81xf32, #tpu.memory_space<vmem>>, vector<16xf32>,
    tpu.vector_store %arg5[%swap3A_41, %swap3A_42, %swap3A_43], %broadcast_in_dim3A_3 {strides = array<i32>} : memref<2x32x81xf32, #tpu.memory_space<vmem>>, vector<16xf32>,
    %swap3A_45 = arith.constant 0 : i32
    %swap3A_46 = arith.constant 1 : i32
    %swap3A_47 = arith.index_cast %swap3A_45 : i32 to index
    %swap3A_48 = arith.index_cast %swap3A_46 : i32 to index
    %swap3A_49 = arith.constant 16 : index
    %swap3A_50 = tpu.vector_load %arg5[%swap3A_47, %swap3A_48, %swap3A_49] {strides = array<i32>} : memref<2x32x81xf32, #tpu.memory_space<vmem>>, vector<16xf32>,
    tpu.vector_store %arg5[%swap3A_47, %swap3A_48, %swap3A_49], %broadcast_in_dim3A_3 {strides = array<i32>} : memref<2x32x81xf32, #tpu.memory_space<vmem>>, vector<16xf32>,
    %swap3A_51 = arith.constant 0 : i32
    %swap3A_52 = arith.constant 1 : i32
    %swap3A_53 = arith.index_cast %swap3A_51 : i32 to index
    %swap3A_54 = arith.index_cast %swap3A_52 : i32 to index
    %swap3A_55 = arith.constant 32 : index
    %swap3A_56 = tpu.vector_load %arg5[%swap3A_53, %swap3A_54, %swap3A_55] {strides = array<i32>} : memref<2x32x81xf32, #tpu.memory_space<vmem>>, vector<16xf32>,
    tpu.vector_store %arg5[%swap3A_53, %swap3A_54, %swap3A_55], %broadcast_in_dim3A_3 {strides = array<i32>} : memref<2x32x81xf32, #tpu.memory_space<vmem>>, vector<16xf32>,
    %swap3A_57 = arith.constant 0 : i32
    %swap3A_58 = arith.constant 1 : i32
    %swap3A_59 = arith.index_cast %swap3A_57 : i32 to index
    %swap3A_60 = arith.index_cast %swap3A_58 : i32 to index
    %swap3A_61 = arith.constant 48 : index
    %swap3A_62 = tpu.vector_load %arg5[%swap3A_59, %swap3A_60, %swap3A_61] {strides = array<i32>} : memref<2x32x81xf32, #tpu.memory_space<vmem>>, vector<16xf32>,
    tpu.vector_store %arg5[%swap3A_59, %swap3A_60, %swap3A_61], %broadcast_in_dim3A_3 {strides = array<i32>} : memref<2x32x81xf32, #tpu.memory_space<vmem>>, vector<16xf32>,
    %swap3A_63 = arith.constant 0 : i32
    %swap3A_64 = arith.constant 1 : i32
    %swap3A_65 = arith.index_cast %swap3A_63 : i32 to index
    %swap3A_66 = arith.index_cast %swap3A_64 : i32 to index
    %swap3A_67 = arith.constant 64 : index
    %swap3A_68 = tpu.vector_load %arg5[%swap3A_65, %swap3A_66, %swap3A_67] {strides = array<i32>} : memref<2x32x81xf32, #tpu.memory_space<vmem>>, vector<16xf32>,
    tpu.vector_store %arg5[%swap3A_65, %swap3A_66, %swap3A_67], %broadcast_in_dim3A_3 {strides = array<i32>} : memref<2x32x81xf32, #tpu.memory_space<vmem>>, vector<16xf32>,
    %swap3A_69 = arith.constant 0 : i32
    %swap3A_70 = arith.constant 1 : i32
    %swap3A_71 = arith.index_cast %swap3A_69 : i32 to index
    %swap3A_72 = arith.index_cast %swap3A_70 : i32 to index
    %swap3A_73 = arith.constant 65 : index
    %swap3A_74 = tpu.vector_load %arg5[%swap3A_71, %swap3A_72, %swap3A_73] {strides = array<i32>} : memref<2x32x81xf32, #tpu.memory_space<vmem>>, vector<16xf32>,
    tpu.vector_store %arg5[%swap3A_71, %swap3A_72, %swap3A_73], %broadcast_in_dim3A_3 {strides = array<i32>} : memref<2x32x81xf32, #tpu.memory_space<vmem>>, vector<16xf32>,
    %swap3A_75 = arith.constant 0 : i32
    %swap3A_76 = arith.constant 2 : i32
    %swap3A_77 = arith.index_cast %swap3A_75 : i32 to index
    %swap3A_78 = arith.index_cast %swap3A_76 : i32 to index
    %swap3A_79 = arith.constant 0 : index
    %swap3A_80 = tpu.vector_load %arg5[%swap3A_77, %swap3A_78, %swap3A_79] {strides = array<i32>} : memref<2x32x81xf32, #tpu.memory_space<vmem>>, vector<16xf32>,
    tpu.vector_store %arg5[%swap3A_77, %swap3A_78, %swap3A_79], %broadcast_in_dim3A_3 {strides = array<i32>} : memref<2x32x81xf32, #tpu.memory_space<vmem>>, vector<16xf32>,
    %swap3A_81 = arith.constant 0 : i32
    %swap3A_82 = arith.constant 2 : i32
    %swap3A_83 = arith.index_cast %swap3A_81 : i32 to index
    %swap3A_84 = arith.index_cast %swap3A_82 : i32 to index
    %swap3A_85 = arith.constant 16 : index
    %swap3A_86 = tpu.vector_load %arg5[%swap3A_83, %swap3A_84, %swap3A_85] {strides = array<i32>} : memref<2x32x81xf32, #tpu.memory_space<vmem>>, vector<16xf32>,
    tpu.vector_store %arg5[%swap3A_83, %swap3A_84, %swap3A_85], %broadcast_in_dim3A_3 {strides = array<i32>} : memref<2x32x81xf32, #tpu.memory_space<vmem>>, vector<16xf32>,
    %swap3A_87 = arith.constant 0 : i32
    %swap3A_88 = arith.constant 2 : i32
    %swap3A_89 = arith.index_cast %swap3A_87 : i32 to index
    %swap3A_90 = arith.index_cast %swap3A_88 : i32 to index
    %swap3A_91 = arith.constant 32 : index
    %swap3A_92 = tpu.vector_load %arg5[%swap3A_89, %swap3A_90, %swap3A_91] {strides = array<i32>} : memref<2x32x81xf32, #tpu.memory_space<vmem>>, vector<16xf32>,
    tpu.vector_store %arg5[%swap3A_89, %swap3A_90, %swap3A_91], %broadcast_in_dim3A_3 {strides = array<i32>} : memref<2x32x81xf32, #tpu.memory_space<vmem>>, vector<16xf32>,
    %swap3A_93 = arith.constant 0 : i32
    %swap3A_94 = arith.constant 2 : i32
    %swap3A_95 = arith.index_cast %swap3A_93 : i32 to index
    %swap3A_96 = arith.index_cast %swap3A_94 : i32 to index
    %swap3A_97 = arith.constant 48 : index
    %swap3A_98 = tpu.vector_load %arg5[%swap3A_95, %swap3A_96, %swap3A_97] {strides = array<i32>} : memref<2x32x81xf32, #tpu.memory_space<vmem>>, vector<16xf32>,
    tpu.vector_store %arg5[%swap3A_95, %swap3A_96, %swap3A_97], %broadcast_in_dim3A_3 {strides = array<i32>} : memref<2x32x81xf32, #tpu.memory_space<vmem>>, vector<16xf32>,
    %swap3A_99 = arith.constant 0 : i32
    %swap3A_100 = arith.constant 2 : i32
    %swap3A_101 = arith.index_cast %swap3A_99 : i32 to index
    %swap3A_102 = arith.index_cast %swap3A_100 : i32 to index
    %swap3A_103 = arith.constant 64 : index
    %swap3A_104 = tpu.vector_load %arg5[%swap3A_101, %swap3A_102, %swap3A_103] {strides = array<i32>} : memref<2x32x81xf32, #tpu.memory_space<vmem>>, vector<16xf32>,
    tpu.vector_store %arg5[%swap3A_101, %swap3A_102, %swap3A_103], %broadcast_in_dim3A_3 {strides = array<i32>} : memref<2x32x81xf32, #tpu.memory_space<vmem>>, vector<16xf32>,
    %swap3A_105 = arith.constant 0 : i32
    %swap3A_106 = arith.constant 2 : i32
    %swap3A_107 = arith.index_cast %swap3A_105 : i32 to index
    %swap3A_108 = arith.index_cast %swap3A_106 : i32 to index
    %swap3A_109 = arith.constant 65 : index
    %swap3A_110 = tpu.vector_load %arg5[%swap3A_107, %swap3A_108, %swap3A_109] {strides = array<i32>} : memref<2x32x81xf32, #tpu.memory_space<vmem>>, vector<16xf32>,
    tpu.vector_store %arg5[%swap3A_107, %swap3A_108, %swap3A_109], %broadcast_in_dim3A_3 {strides = array<i32>} : memref<2x32x81xf32, #tpu.memory_space<vmem>>, vector<16xf32>,
    %swap3A_111 = arith.constant 0 : i32
    %swap3A_112 = arith.constant 3 : i32
    %swap3A_113 = arith.index_cast %swap3A_111 : i32 to index
    %swap3A_114 = arith.index_cast %swap3A_112 : i32 to index
    %swap3A_115 = arith.constant 0 : index
    %swap3A_116 = tpu.vector_load %arg5[%swap3A_113, %swap3A_114, %swap3A_115] {strides = array<i32>} : memref<2x32x81xf32, #tpu.memory_space<vmem>>, vector<16xf32>,
    tpu.vector_store %arg5[%swap3A_113, %swap3A_114, %swap3A_115], %broadcast_in_dim3A_3 {strides = array<i32>} : memref<2x32x81xf32, #tpu.memory_space<vmem>>, vector<16xf32>,
    %swap3A_117 = arith.constant 0 : i32
    %swap3A_118 = arith.constant 3 : i32
    %swap3A_119 = arith.index_cast %swap3A_117 : i32 to index
    %swap3A_120 = arith.index_cast %swap3A_118 : i32 to index
    %swap3A_121 = arith.constant 16 : index
    %swap3A_122 = tpu.vector_load %arg5[%swap3A_119, %swap3A_120, %swap3A_121] {strides = array<i32>} : memref<2x32x81xf32, #tpu.memory_space<vmem>>, vector<16xf32>,
    tpu.vector_store %arg5[%swap3A_119, %swap3A_120, %swap3A_121], %broadcast_in_dim3A_3 {strides = array<i32>} : memref<2x32x81xf32, #tpu.memory_space<vmem>>, vector<16xf32>,
    %swap3A_123 = arith.constant 0 : i32
    %swap3A_124 = arith.constant 3 : i32
    %swap3A_125 = arith.index_cast %swap3A_123 : i32 to index
    %swap3A_126 = arith.index_cast %swap3A_124 : i32 to index
    %swap3A_127 = arith.constant 32 : index
    %swap3A_128 = tpu.vector_load %arg5[%swap3A_125, %swap3A_126, %swap3A_127] {strides = array<i32>} : memref<2x32x81xf32, #tpu.memory_space<vmem>>, vector<16xf32>,
    tpu.vector_store %arg5[%swap3A_125, %swap3A_126, %swap3A_127], %broadcast_in_dim3A_3 {strides = array<i32>} : memref<2x32x81xf32, #tpu.memory_space<vmem>>, vector<16xf32>,
    %swap3A_129 = arith.constant 0 : i32
    %swap3A_130 = arith.constant 3 : i32
    %swap3A_131 = arith.index_cast %swap3A_129 : i32 to index
    %swap3A_132 = arith.index_cast %swap3A_130 : i32 to index
    %swap3A_133 = arith.constant 48 : index
    %swap3A_134 = tpu.vector_load %arg5[%swap3A_131, %swap3A_132, %swap3A_133] {strides = array<i32>} : memref<2x32x81xf32, #tpu.memory_space<vmem>>, vector<16xf32>,
    tpu.vector_store %arg5[%swap3A_131, %swap3A_132, %swap3A_133], %broadcast_in_dim3A_3 {strides = array<i32>} : memref<2x32x81xf32, #tpu.memory_space<vmem>>, vector<16xf32>,
    %swap3A_135 = arith.constant 0 : i32
    %swap3A_136 = arith.constant 3 : i32
    %swap3A_137 = arith.index_cast %swap3A_135 : i32 to index
    %swap3A_138 = arith.index_cast %swap3A_136 : i32 to index
    %swap3A_139 = arith.constant 64 : index
    %swap3A_140 = tpu.vector_load %arg5[%swap3A_137, %swap3A_138, %swap3A_139] {strides = array<i32>} : memref<2x32x81xf32, #tpu.memory_space<vmem>>, vector<16xf32>,
    tpu.vector_store %arg5[%swap3A_137, %swap3A_138, %swap3A_139], %broadcast_in_dim3A_3 {strides = array<i32>} : memref<2x32x81xf32, #tpu.memory_space<vmem>>, vector<16xf32>,
    %swap3A_141 = arith.constant 0 : i32
    %swap3A_142 = arith.constant 3 : i32
    %swap3A_143 = arith.index_cast %swap3A_141 : i32 to index
    %swap3A_144 = arith.index_cast %swap3A_142 : i32 to index
    %swap3A_145 = arith.constant 65 : index
    %swap3A_146 = tpu.vector_load %arg5[%swap3A_143, %swap3A_144, %swap3A_145] {strides = array<i32>} : memref<2x32x81xf32, #tpu.memory_space<vmem>>, vector<16xf32>,
    tpu.vector_store %arg5[%swap3A_143, %swap3A_144, %swap3A_145], %broadcast_in_dim3A_3 {strides = array<i32>} : memref<2x32x81xf32, #tpu.memory_space<vmem>>, vector<16xf32>,
    %swap3A_147 = arith.constant 0 : i32
    %swap3A_148 = arith.constant 4 : i32
    %swap3A_149 = arith.index_cast %swap3A_147 : i32 to index
    %swap3A_150 = arith.index_cast %swap3A_148 : i32 to index
    %swap3A_151 = arith.constant 0 : index
    %swap3A_152 = tpu.vector_load %arg5[%swap3A_149, %swap3A_150, %swap3A_151] {strides = array<i32>} : memref<2x32x81xf32, #tpu.memory_space<vmem>>, vector<16xf32>,
    tpu.vector_store %arg5[%swap3A_149, %swap3A_150, %swap3A_151], %broadcast_in_dim3A_3 {strides = array<i32>} : memref<2x32x81xf32, #tpu.memory_space<vmem>>, vector<16xf32>,
    %swap3A_153 = arith.constant 0 : i32
    %swap3A_154 = arith.constant 4 : i32
    %swap3A_155 = arith.index_cast %swap3A_153 : i32 to index
    %swap3A_156 = arith.index_cast %swap3A_154 : i32 to index
    %swap3A_157 = arith.constant 16 : index
    %swap3A_158 = tpu.vector_load %arg5[%swap3A_155, %swap3A_156, %swap3A_157] {strides = array<i32>} : memref<2x32x81xf32, #tpu.memory_space<vmem>>, vector<16xf32>,
    tpu.vector_store %arg5[%swap3A_155, %swap3A_156, %swap3A_157], %broadcast_in_dim3A_3 {strides = array<i32>} : memref<2x32x81xf32, #tpu.memory_space<vmem>>, vector<16xf32>,
    %swap3A_159 = arith.constant 0 : i32
    %swap3A_160 = arith.constant 4 : i32
    %swap3A_161 = arith.index_cast %swap3A_159 : i32 to index
    %swap3A_162 = arith.index_cast %swap3A_160 : i32 to index
    %swap3A_163 = arith.constant 32 : index
    %swap3A_164 = tpu.vector_load %arg5[%swap3A_161, %swap3A_162, %swap3A_163] {strides = array<i32>} : memref<2x32x81xf32, #tpu.memory_space<vmem>>, vector<16xf32>,
    tpu.vector_store %arg5[%swap3A_161, %swap3A_162, %swap3A_163], %broadcast_in_dim3A_3 {strides = array<i32>} : memref<2x32x81xf32, #tpu.memory_space<vmem>>, vector<16xf32>,
    %swap3A_165 = arith.constant 0 : i32
    %swap3A_166 = arith.constant 4 : i32
    %swap3A_167 = arith.index_cast %swap3A_165 : i32 to index
    %swap3A_168 = arith.index_cast %swap3A_166 : i32 to index
    %swap3A_169 = arith.constant 48 : index
    %swap3A_170 = tpu.vector_load %arg5[%swap3A_167, %swap3A_168, %swap3A_169] {strides = array<i32>} : memref<2x32x81xf32, #tpu.memory_space<vmem>>, vector<16xf32>,
    tpu.vector_store %arg5[%swap3A_167, %swap3A_168, %swap3A_169], %broadcast_in_dim3A_3 {strides = array<i32>} : memref<2x32x81xf32, #tpu.memory_space<vmem>>, vector<16xf32>,
    %swap3A_171 = arith.constant 0 : i32
    %swap3A_172 = arith.constant 4 : i32
    %swap3A_173 = arith.index_cast %swap3A_171 : i32 to index
    %swap3A_174 = arith.index_cast %swap3A_172 : i32 to index
    %swap3A_175 = arith.constant 64 : index
    %swap3A_176 = tpu.vector_load %arg5[%swap3A_173, %swap3A_174, %swap3A_175] {strides = array<i32>} : memref<2x32x81xf32, #tpu.memory_space<vmem>>, vector<16xf32>,
    tpu.vector_store %arg5[%swap3A_173, %swap3A_174, %swap3A_175], %broadcast_in_dim3A_3 {strides = array<i32>} : memref<2x32x81xf32, #tpu.memory_space<vmem>>, vector<16xf32>,
    %swap3A_177 = arith.constant 0 : i32
    %swap3A_178 = arith.constant 4 : i32
    %swap3A_179 = arith.index_cast %swap3A_177 : i32 to index
    %swap3A_180 = arith.index_cast %swap3A_178 : i32 to index
    %swap3A_181 = arith.constant 65 : index
    %swap3A_182 = tpu.vector_load %arg5[%swap3A_179, %swap3A_180, %swap3A_181] {strides = array<i32>} : memref<2x32x81xf32, #tpu.memory_space<vmem>>, vector<16xf32>,
    tpu.vector_store %arg5[%swap3A_179, %swap3A_180, %swap3A_181], %broadcast_in_dim3A_3 {strides = array<i32>} : memref<2x32x81xf32, #tpu.memory_space<vmem>>, vector<16xf32>,
    %swap3A_183 = arith.constant 0 : i32
    %swap3A_184 = arith.constant 5 : i32
    %swap3A_185 = arith.index_cast %swap3A_183 : i32 to index
    %swap3A_186 = arith.index_cast %swap3A_184 : i32 to index
    %swap3A_187 = arith.constant 0 : index
    %swap3A_188 = tpu.vector_load %arg5[%swap3A_185, %swap3A_186, %swap3A_187] {strides = array<i32>} : memref<2x32x81xf32, #tpu.memory_space<vmem>>, vector<16xf32>,
    tpu.vector_store %arg5[%swap3A_185, %swap3A_186, %swap3A_187], %broadcast_in_dim3A_3 {strides = array<i32>} : memref<2x32x81xf32, #tpu.memory_space<vmem>>, vector<16xf32>,
    %swap3A_189 = arith.constant 0 : i32
    %swap3A_190 = arith.constant 5 : i32
    %swap3A_191 = arith.index_cast %swap3A_189 : i32 to index
    %swap3A_192 = arith.index_cast %swap3A_190 : i32 to index
    %swap3A_193 = arith.constant 16 : index
    %swap3A_194 = tpu.vector_load %arg5[%swap3A_191, %swap3A_192, %swap3A_193] {strides = array<i32>} : memref<2x32x81xf32, #tpu.memory_space<vmem>>, vector<16xf32>,
    tpu.vector_store %arg5[%swap3A_191, %swap3A_192, %swap3A_193], %broadcast_in_dim3A_3 {strides = array<i32>} : memref<2x32x81xf32, #tpu.memory_space<vmem>>, vector<16xf32>,
    %swap3A_195 = arith.constant 0 : i32
    %swap3A_196 = arith.constant 5 : i32
    %swap3A_197 = arith.index_cast %swap3A_195 : i32 to index
    %swap3A_198 = arith.index_cast %swap3A_196 : i32 to index
    %swap3A_199 = arith.constant 32 : index
    %swap3A_200 = tpu.vector_load %arg5[%swap3A_197, %swap3A_198, %swap3A_199] {strides = array<i32>} : memref<2x32x81xf32, #tpu.memory_space<vmem>>, vector<16xf32>,
    tpu.vector_store %arg5[%swap3A_197, %swap3A_198, %swap3A_199], %broadcast_in_dim3A_3 {strides = array<i32>} : memref<2x32x81xf32, #tpu.memory_space<vmem>>, vector<16xf32>,
    %swap3A_201 = arith.constant 0 : i32
    %swap3A_202 = arith.constant 5 : i32
    %swap3A_203 = arith.index_cast %swap3A_201 : i32 to index
    %swap3A_204 = arith.index_cast %swap3A_202 : i32 to index
    %swap3A_205 = arith.constant 48 : index
    %swap3A_206 = tpu.vector_load %arg5[%swap3A_203, %swap3A_204, %swap3A_205] {strides = array<i32>} : memref<2x32x81xf32, #tpu.memory_space<vmem>>, vector<16xf32>,
    tpu.vector_store %arg5[%swap3A_203, %swap3A_204, %swap3A_205], %broadcast_in_dim3A_3 {strides = array<i32>} : memref<2x32x81xf32, #tpu.memory_space<vmem>>, vector<16xf32>,
    %swap3A_207 = arith.constant 0 : i32
    %swap3A_208 = arith.constant 5 : i32
    %swap3A_209 = arith.index_cast %swap3A_207 : i32 to index
    %swap3A_210 = arith.index_cast %swap3A_208 : i32 to index
    %swap3A_211 = arith.constant 64 : index
    %swap3A_212 = tpu.vector_load %arg5[%swap3A_209, %swap3A_210, %swap3A_211] {strides = array<i32>} : memref<2x32x81xf32, #tpu.memory_space<vmem>>, vector<16xf32>,
    tpu.vector_store %arg5[%swap3A_209, %swap3A_210, %swap3A_211], %broadcast_in_dim3A_3 {strides = array<i32>} : memref<2x32x81xf32, #tpu.memory_space<vmem>>, vector<16xf32>,
    %swap3A_213 = arith.constant 0 : i32
    %swap3A_214 = arith.constant 5 : i32
    %swap3A_215 = arith.index_cast %swap3A_213 : i32 to index
    %swap3A_216 = arith.index_cast %swap3A_214 : i32 to index
    %swap3A_217 = arith.constant 65 : index
    %swap3A_218 = tpu.vector_load %arg5[%swap3A_215, %swap3A_216, %swap3A_217] {strides = array<i32>} : memref<2x32x81xf32, #tpu.memory_space<vmem>>, vector<16xf32>,
    tpu.vector_store %arg5[%swap3A_215, %swap3A_216, %swap3A_217], %broadcast_in_dim3A_3 {strides = array<i32>} : memref<2x32x81xf32, #tpu.memory_space<vmem>>, vector<16xf32>,
    %swap3A_219 = arith.constant 0 : i32
    %swap3A_220 = arith.constant 6 : i32
    %swap3A_221 = arith.index_cast %swap3A_219 : i32 to index
    %swap3A_222 = arith.index_cast %swap3A_220 : i32 to index
    %swap3A_223 = arith.constant 0 : index
    %swap3A_224 = tpu.vector_load %arg5[%swap3A_221, %swap3A_222, %swap3A_223] {strides = array<i32>} : memref<2x32x81xf32, #tpu.memory_space<vmem>>, vector<16xf32>,
    tpu.vector_store %arg5[%swap3A_221, %swap3A_222, %swap3A_223], %broadcast_in_dim3A_3 {strides = array<i32>} : memref<2x32x81xf32, #tpu.memory_space<vmem>>, vector<16xf32>,
    %swap3A_225 = arith.constant 0 : i32
    %swap3A_226 = arith.constant 6 : i32
    %swap3A_227 = arith.index_cast %swap3A_225 : i32 to index
    %swap3A_228 = arith.index_cast %swap3A_226 : i32 to index
    %swap3A_229 = arith.constant 16 : index
    %swap3A_230 = tpu.vector_load %arg5[%swap3A_227, %swap3A_228, %swap3A_229] {strides = array<i32>} : memref<2x32x81xf32, #tpu.memory_space<vmem>>, vector<16xf32>,
    tpu.vector_store %arg5[%swap3A_227, %swap3A_228, %swap3A_229], %broadcast_in_dim3A_3 {strides = array<i32>} : memref<2x32x81xf32, #tpu.memory_space<vmem>>, vector<16xf32>,
    %swap3A_231 = arith.constant 0 : i32
    %swap3A_232 = arith.constant 6 : i32
    %swap3A_233 = arith.index_cast %swap3A_231 : i32 to index
    %swap3A_234 = arith.index_cast %swap3A_232 : i32 to index
    %swap3A_235 = arith.constant 32 : index
    %swap3A_236 = tpu.vector_load %arg5[%swap3A_233, %swap3A_234, %swap3A_235] {strides = array<i32>} : memref<2x32x81xf32, #tpu.memory_space<vmem>>, vector<16xf32>,
    tpu.vector_store %arg5[%swap3A_233, %swap3A_234, %swap3A_235], %broadcast_in_dim3A_3 {strides = array<i32>} : memref<2x32x81xf32, #tpu.memory_space<vmem>>, vector<16xf32>,
    %swap3A_237 = arith.constant 0 : i32
    %swap3A_238 = arith.constant 6 : i32
    %swap3A_239 = arith.index_cast %swap3A_237 : i32 to index
    %swap3A_240 = arith.index_cast %swap3A_238 : i32 to index
    %swap3A_241 = arith.constant 48 : index
    %swap3A_242 = tpu.vector_load %arg5[%swap3A_239, %swap3A_240, %swap3A_241] {strides = array<i32>} : memref<2x32x81xf32, #tpu.memory_space<vmem>>, vector<16xf32>,
    tpu.vector_store %arg5[%swap3A_239, %swap3A_240, %swap3A_241], %broadcast_in_dim3A_3 {strides = array<i32>} : memref<2x32x81xf32, #tpu.memory_space<vmem>>, vector<16xf32>,
    %swap3A_243 = arith.constant 0 : i32
    %swap3A_244 = arith.constant 6 : i32
    %swap3A_245 = arith.index_cast %swap3A_243 : i32 to index
    %swap3A_246 = arith.index_cast %swap3A_244 : i32 to index
    %swap3A_247 = arith.constant 64 : index
    %swap3A_248 = tpu.vector_load %arg5[%swap3A_245, %swap3A_246, %swap3A_247] {strides = array<i32>} : memref<2x32x81xf32, #tpu.memory_space<vmem>>, vector<16xf32>,
    tpu.vector_store %arg5[%swap3A_245, %swap3A_246, %swap3A_247], %broadcast_in_dim3A_3 {strides = array<i32>} : memref<2x32x81xf32, #tpu.memory_space<vmem>>, vector<16xf32>,
    %swap3A_249 = arith.constant 0 : i32
    %swap3A_250 = arith.constant 6 : i32
    %swap3A_251 = arith.index_cast %swap3A_249 : i32 to index
    %swap3A_252 = arith.index_cast %swap3A_250 : i32 to index
    %swap3A_253 = arith.constant 65 : index
    %swap3A_254 = tpu.vector_load %arg5[%swap3A_251, %swap3A_252, %swap3A_253] {strides = array<i32>} : memref<2x32x81xf32, #tpu.memory_space<vmem>>, vector<16xf32>,
    tpu.vector_store %arg5[%swap3A_251, %swap3A_252, %swap3A_253], %broadcast_in_dim3A_3 {strides = array<i32>} : memref<2x32x81xf32, #tpu.memory_space<vmem>>, vector<16xf32>,
    %swap3A_255 = arith.constant 0 : i32
    %swap3A_256 = arith.constant 7 : i32
    %swap3A_257 = arith.index_cast %swap3A_255 : i32 to index
    %swap3A_258 = arith.index_cast %swap3A_256 : i32 to index
    %swap3A_259 = arith.constant 0 : index
    %swap3A_260 = tpu.vector_load %arg5[%swap3A_257, %swap3A_258, %swap3A_259] {strides = array<i32>} : memref<2x32x81xf32, #tpu.memory_space<vmem>>, vector<16xf32>,
    tpu.vector_store %arg5[%swap3A_257, %swap3A_258, %swap3A_259], %broadcast_in_dim3A_3 {strides = array<i32>} : memref<2x32x81xf32, #tpu.memory_space<vmem>>, vector<16xf32>,
    %swap3A_261 = arith.constant 0 : i32
    %swap3A_262 = arith.constant 7 : i32
    %swap3A_263 = arith.index_cast %swap3A_261 : i32 to index
    %swap3A_264 = arith.index_cast %swap3A_262 : i32 to index
    %swap3A_265 = arith.constant 16 : index
    %swap3A_266 = tpu.vector_load %arg5[%swap3A_263, %swap3A_264, %swap3A_265] {strides = array<i32>} : memref<2x32x81xf32, #tpu.memory_space<vmem>>, vector<16xf32>,
    tpu.vector_store %arg5[%swap3A_263, %swap3A_264, %swap3A_265], %broadcast_in_dim3A_3 {strides = array<i32>} : memref<2x32x81xf32, #tpu.memory_space<vmem>>, vector<16xf32>,
    %swap3A_267 = arith.constant 0 : i32
    %swap3A_268 = arith.constant 7 : i32
    %swap3A_269 = arith.index_cast %swap3A_267 : i32 to index
    %swap3A_270 = arith.index_cast %swap3A_268 : i32 to index
    %swap3A_271 = arith.constant 32 : index
    %swap3A_272 = tpu.vector_load %arg5[%swap3A_269, %swap3A_270, %swap3A_271] {strides = array<i32>} : memref<2x32x81xf32, #tpu.memory_space<vmem>>, vector<16xf32>,
    tpu.vector_store %arg5[%swap3A_269, %swap3A_270, %swap3A_271], %broadcast_in_dim3A_3 {strides = array<i32>} : memref<2x32x81xf32, #tpu.memory_space<vmem>>, vector<16xf32>,
    %swap3A_273 = arith.constant 0 : i32
    %swap3A_274 = arith.constant 7 : i32
    %swap3A_275 = arith.index_cast %swap3A_273 : i32 to index
    %swap3A_276 = arith.index_cast %swap3A_274 : i32 to index
    %swap3A_277 = arith.constant 48 : index
    %swap3A_278 = tpu.vector_load %arg5[%swap3A_275, %swap3A_276, %swap3A_277] {strides = array<i32>} : memref<2x32x81xf32, #tpu.memory_space<vmem>>, vector<16xf32>,
    tpu.vector_store %arg5[%swap3A_275, %swap3A_276, %swap3A_277], %broadcast_in_dim3A_3 {strides = array<i32>} : memref<2x32x81xf32, #tpu.memory_space<vmem>>, vector<16xf32>,
    %swap3A_279 = arith.constant 0 : i32
    %swap3A_280 = arith.constant 7 : i32
    %swap3A_281 = arith.index_cast %swap3A_279 : i32 to index
    %swap3A_282 = arith.index_cast %swap3A_280 : i32 to index
    %swap3A_283 = arith.constant 64 : index
    %swap3A_284 = tpu.vector_load %arg5[%swap3A_281, %swap3A_282, %swap3A_283] {strides = array<i32>} : memref<2x32x81xf32, #tpu.memory_space<vmem>>, vector<16xf32>,
    tpu.vector_store %arg5[%swap3A_281, %swap3A_282, %swap3A_283], %broadcast_in_dim3A_3 {strides = array<i32>} : memref<2x32x81xf32, #tpu.memory_space<vmem>>, vector<16xf32>,
    %swap3A_285 = arith.constant 0 : i32
    %swap3A_286 = arith.constant 7 : i32
    %swap3A_287 = arith.index_cast %swap3A_285 : i32 to index
    %swap3A_288 = arith.index_cast %swap3A_286 : i32 to index
    %swap3A_289 = arith.constant 65 : index
    %swap3A_290 = tpu.vector_load %arg5[%swap3A_287, %swap3A_288, %swap3A_289] {strides = array<i32>} : memref<2x32x81xf32, #tpu.memory_space<vmem>>, vector<16xf32>,
    tpu.vector_store %arg5[%swap3A_287, %swap3A_288, %swap3A_289], %broadcast_in_dim3A_3 {strides = array<i32>} : memref<2x32x81xf32, #tpu.memory_space<vmem>>, vector<16xf32>,
    %swap3A_291 = arith.constant 0 : i32
    %swap3A_292 = arith.constant 8 : i32
    %swap3A_293 = arith.index_cast %swap3A_291 : i32 to index
    %swap3A_294 = arith.index_cast %swap3A_292 : i32 to index
    %swap3A_295 = arith.constant 0 : index
    %swap3A_296 = tpu.vector_load %arg5[%swap3A_293, %swap3A_294, %swap3A_295] {strides = array<i32>} : memref<2x32x81xf32, #tpu.memory_space<vmem>>, vector<16xf32>,
    tpu.vector_store %arg5[%swap3A_293, %swap3A_294, %swap3A_295], %broadcast_in_dim3A_3 {strides = array<i32>} : memref<2x32x81xf32, #tpu.memory_space<vmem>>, vector<16xf32>,
    %swap3A_297 = arith.constant 0 : i32
    %swap3A_298 = arith.constant 8 : i32
    %swap3A_299 = arith.index_cast %swap3A_297 : i32 to index
    %swap3A_300 = arith.index_cast %swap3A_298 : i32 to index
    %swap3A_301 = arith.constant 16 : index
    %swap3A_302 = tpu.vector_load %arg5[%swap3A_299, %swap3A_300, %swap3A_301] {strides = array<i32>} : memref<2x32x81xf32, #tpu.memory_space<vmem>>, vector<16xf32>,
    tpu.vector_store %arg5[%swap3A_299, %swap3A_300, %swap3A_301], %broadcast_in_dim3A_3 {strides = array<i32>} : memref<2x32x81xf32, #tpu.memory_space<vmem>>, vector<16xf32>,
    %swap3A_303 = arith.constant 0 : i32
    %swap3A_304 = arith.constant 8 : i32
    %swap3A_305 = arith.index_cast %swap3A_303 : i32 to index
    %swap3A_306 = arith.index_cast %swap3A_304 : i32 to index
    %swap3A_307 = arith.constant 32 : index
    %swap3A_308 = tpu.vector_load %arg5[%swap3A_305, %swap3A_306, %swap3A_307] {strides = array<i32>} : memref<2x32x81xf32, #tpu.memory_space<vmem>>, vector<16xf32>,
    tpu.vector_store %arg5[%swap3A_305, %swap3A_306, %swap3A_307], %broadcast_in_dim3A_3 {strides = array<i32>} : memref<2x32x81xf32, #tpu.memory_space<vmem>>, vector<16xf32>,
    %swap3A_309 = arith.constant 0 : i32
    %swap3A_310 = arith.constant 8 : i32
    %swap3A_311 = arith.index_cast %swap3A_309 : i32 to index
    %swap3A_312 = arith.index_cast %swap3A_310 : i32 to index
    %swap3A_313 = arith.constant 48 : index
    %swap3A_314 = tpu.vector_load %arg5[%swap3A_311, %swap3A_312, %swap3A_313] {strides = array<i32>} : memref<2x32x81xf32, #tpu.memory_space<vmem>>, vector<16xf32>,
    tpu.vector_store %arg5[%swap3A_311, %swap3A_312, %swap3A_313], %broadcast_in_dim3A_3 {strides = array<i32>} : memref<2x32x81xf32, #tpu.memory_space<vmem>>, vector<16xf32>,
    %swap3A_315 = arith.constant 0 : i32
    %swap3A_316 = arith.constant 8 : i32
    %swap3A_317 = arith.index_cast %swap3A_315 : i32 to index
    %swap3A_318 = arith.index_cast %swap3A_316 : i32 to index
    %swap3A_319 = arith.constant 64 : index
    %swap3A_320 = tpu.vector_load %arg5[%swap3A_317, %swap3A_318, %swap3A_319] {strides = array<i32>} : memref<2x32x81xf32, #tpu.memory_space<vmem>>, vector<16xf32>,
    tpu.vector_store %arg5[%swap3A_317, %swap3A_318, %swap3A_319], %broadcast_in_dim3A_3 {strides = array<i32>} : memref<2x32x81xf32, #tpu.memory_space<vmem>>, vector<16xf32>,
    %swap3A_321 = arith.constant 0 : i32
    %swap3A_322 = arith.constant 8 : i32
    %swap3A_323 = arith.index_cast %swap3A_321 : i32 to index
    %swap3A_324 = arith.index_cast %swap3A_322 : i32 to index
    %swap3A_325 = arith.constant 65 : index
    %swap3A_326 = tpu.vector_load %arg5[%swap3A_323, %swap3A_324, %swap3A_325] {strides = array<i32>} : memref<2x32x81xf32, #tpu.memory_space<vmem>>, vector<16xf32>,
    tpu.vector_store %arg5[%swap3A_323, %swap3A_324, %swap3A_325], %broadcast_in_dim3A_3 {strides = array<i32>} : memref<2x32x81xf32, #tpu.memory_space<vmem>>, vector<16xf32>,
    %swap3A_327 = arith.constant 0 : i32
    %swap3A_328 = arith.constant 9 : i32
    %swap3A_329 = arith.index_cast %swap3A_327 : i32 to index
    %swap3A_330 = arith.index_cast %swap3A_328 : i32 to index
    %swap3A_331 = arith.constant 0 : index
    %swap3A_332 = tpu.vector_load %arg5[%swap3A_329, %swap3A_330, %swap3A_331] {strides = array<i32>} : memref<2x32x81xf32, #tpu.memory_space<vmem>>, vector<16xf32>,
    tpu.vector_store %arg5[%swap3A_329, %swap3A_330, %swap3A_331], %broadcast_in_dim3A_3 {strides = array<i32>} : memref<2x32x81xf32, #tpu.memory_space<vmem>>, vector<16xf32>,
    %swap3A_333 = arith.constant 0 : i32
    %swap3A_334 = arith.constant 9 : i32
    %swap3A_335 = arith.index_cast %swap3A_333 : i32 to index
    %swap3A_336 = arith.index_cast %swap3A_334 : i32 to index
    %swap3A_337 = arith.constant 16 : index
    %swap3A_338 = tpu.vector_load %arg5[%swap3A_335, %swap3A_336, %swap3A_337] {strides = array<i32>} : memref<2x32x81xf32, #tpu.memory_space<vmem>>, vector<16xf32>,
    tpu.vector_store %arg5[%swap3A_335, %swap3A_336, %swap3A_337], %broadcast_in_dim3A_3 {strides = array<i32>} : memref<2x32x81xf32, #tpu.memory_space<vmem>>, vector<16xf32>,
    %swap3A_339 = arith.constant 0 : i32
    %swap3A_340 = arith.constant 9 : i32
    %swap3A_341 = arith.index_cast %swap3A_339 : i32 to index
    %swap3A_342 = arith.index_cast %swap3A_340 : i32 to index
    %swap3A_343 = arith.constant 32 : index
    %swap3A_344 = tpu.vector_load %arg5[%swap3A_341, %swap3A_342, %swap3A_343] {strides = array<i32>} : memref<2x32x81xf32, #tpu.memory_space<vmem>>, vector<16xf32>,
    tpu.vector_store %arg5[%swap3A_341, %swap3A_342, %swap3A_343], %broadcast_in_dim3A_3 {strides = array<i32>} : memref<2x32x81xf32, #tpu.memory_space<vmem>>, vector<16xf32>,
    %swap3A_345 = arith.constant 0 : i32
    %swap3A_346 = arith.constant 9 : i32
    %swap3A_347 = arith.index_cast %swap3A_345 : i32 to index
    %swap3A_348 = arith.index_cast %swap3A_346 : i32 to index
    %swap3A_349 = arith.constant 48 : index
    %swap3A_350 = tpu.vector_load %arg5[%swap3A_347, %swap3A_348, %swap3A_349] {strides = array<i32>} : memref<2x32x81xf32, #tpu.memory_space<vmem>>, vector<16xf32>,
    tpu.vector_store %arg5[%swap3A_347, %swap3A_348, %swap3A_349], %broadcast_in_dim3A_3 {strides = array<i32>} : memref<2x32x81xf32, #tpu.memory_space<vmem>>, vector<16xf32>,
    %swap3A_351 = arith.constant 0 : i32
    %swap3A_352 = arith.constant 9 : i32
    %swap3A_353 = arith.index_cast %swap3A_351 : i32 to index
    %swap3A_354 = arith.index_cast %swap3A_352 : i32 to index
    %swap3A_355 = arith.constant 64 : index
    %swap3A_356 = tpu.vector_load %arg5[%swap3A_353, %swap3A_354, %swap3A_355] {strides = array<i32>} : memref<2x32x81xf32, #tpu.memory_space<vmem>>, vector<16xf32>,
    tpu.vector_store %arg5[%swap3A_353, %swap3A_354, %swap3A_355], %broadcast_in_dim3A_3 {strides = array<i32>} : memref<2x32x81xf32, #tpu.memory_space<vmem>>, vector<16xf32>,
    %swap3A_357 = arith.constant 0 : i32
    %swap3A_358 = arith.constant 9 : i32
    %swap3A_359 = arith.index_cast %swap3A_357 : i32 to index
    %swap3A_360 = arith.index_cast %swap3A_358 : i32 to index
    %swap3A_361 = arith.constant 65 : index
    %swap3A_362 = tpu.vector_load %arg5[%swap3A_359, %swap3A_360, %swap3A_361] {strides = array<i32>} : memref<2x32x81xf32, #tpu.memory_space<vmem>>, vector<16xf32>,
    tpu.vector_store %arg5[%swap3A_359, %swap3A_360, %swap3A_361], %broadcast_in_dim3A_3 {strides = array<i32>} : memref<2x32x81xf32, #tpu.memory_space<vmem>>, vector<16xf32>,
    %swap3A_363 = arith.constant 0 : i32
    %swap3A_364 = arith.constant 10 : i32
    %swap3A_365 = arith.index_cast %swap3A_363 : i32 to index
    %swap3A_366 = arith.index_cast %swap3A_364 : i32 to index
    %swap3A_367 = arith.constant 0 : index
    %swap3A_368 = tpu.vector_load %arg5[%swap3A_365, %swap3A_366, %swap3A_367] {strides = array<i32>} : memref<2x32x81xf32, #tpu.memory_space<vmem>>, vector<16xf32>,
    tpu.vector_store %arg5[%swap3A_365, %swap3A_366, %swap3A_367], %broadcast_in_dim3A_3 {strides = array<i32>} : memref<2x32x81xf32, #tpu.memory_space<vmem>>, vector<16xf32>,
    %swap3A_369 = arith.constant 0 : i32
    %swap3A_370 = arith.constant 10 : i32
    %swap3A_371 = arith.index_cast %swap3A_369 : i32 to index
    %swap3A_372 = arith.index_cast %swap3A_370 : i32 to index
    %swap3A_373 = arith.constant 16 : index
    %swap3A_374 = tpu.vector_load %arg5[%swap3A_371, %swap3A_372, %swap3A_373] {strides = array<i32>} : memref<2x32x81xf32, #tpu.memory_space<vmem>>, vector<16xf32>,
    tpu.vector_store %arg5[%swap3A_371, %swap3A_372, %swap3A_373], %broadcast_in_dim3A_3 {strides = array<i32>} : memref<2x32x81xf32, #tpu.memory_space<vmem>>, vector<16xf32>,
    %swap3A_375 = arith.constant 0 : i32
    %swap3A_376 = arith.constant 10 : i32
    %swap3A_377 = arith.index_cast %swap3A_375 : i32 to index
    %swap3A_378 = arith.index_cast %swap3A_376 : i32 to index
    %swap3A_379 = arith.constant 32 : index
    %swap3A_380 = tpu.vector_load %arg5[%swap3A_377, %swap3A_378, %swap3A_379] {strides = array<i32>} : memref<2x32x81xf32, #tpu.memory_space<vmem>>, vector<16xf32>,
    tpu.vector_store %arg5[%swap3A_377, %swap3A_378, %swap3A_379], %broadcast_in_dim3A_3 {strides = array<i32>} : memref<2x32x81xf32, #tpu.memory_space<vmem>>, vector<16xf32>,
    %swap3A_381 = arith.constant 0 : i32
    %swap3A_382 = arith.constant 10 : i32
    %swap3A_383 = arith.index_cast %swap3A_381 : i32 to index
    %swap3A_384 = arith.index_cast %swap3A_382 : i32 to index
    %swap3A_385 = arith.constant 48 : index
    %swap3A_386 = tpu.vector_load %arg5[%swap3A_383, %swap3A_384, %swap3A_385] {strides = array<i32>} : memref<2x32x81xf32, #tpu.memory_space<vmem>>, vector<16xf32>,
    tpu.vector_store %arg5[%swap3A_383, %swap3A_384, %swap3A_385], %broadcast_in_dim3A_3 {strides = array<i32>} : memref<2x32x81xf32, #tpu.memory_space<vmem>>, vector<16xf32>,
    %swap3A_387 = arith.constant 0 : i32
    %swap3A_388 = arith.constant 10 : i32
    %swap3A_389 = arith.index_cast %swap3A_387 : i32 to index
    %swap3A_390 = arith.index_cast %swap3A_388 : i32 to index
    %swap3A_391 = arith.constant 64 : index
    %swap3A_392 = tpu.vector_load %arg5[%swap3A_389, %swap3A_390, %swap3A_391] {strides = array<i32>} : memref<2x32x81xf32, #tpu.memory_space<vmem>>, vector<16xf32>,
    tpu.vector_store %arg5[%swap3A_389, %swap3A_390, %swap3A_391], %broadcast_in_dim3A_3 {strides = array<i32>} : memref<2x32x81xf32, #tpu.memory_space<vmem>>, vector<16xf32>,
    %swap3A_393 = arith.constant 0 : i32
    %swap3A_394 = arith.constant 10 : i32
    %swap3A_395 = arith.index_cast %swap3A_393 : i32 to index
    %swap3A_396 = arith.index_cast %swap3A_394 : i32 to index
    %swap3A_397 = arith.constant 65 : index
    %swap3A_398 = tpu.vector_load %arg5[%swap3A_395, %swap3A_396, %swap3A_397] {strides = array<i32>} : memref<2x32x81xf32, #tpu.memory_space<vmem>>, vector<16xf32>,
    tpu.vector_store %arg5[%swap3A_395, %swap3A_396, %swap3A_397], %broadcast_in_dim3A_3 {strides = array<i32>} : memref<2x32x81xf32, #tpu.memory_space<vmem>>, vector<16xf32>,
    %swap3A_399 = arith.constant 0 : i32
    %swap3A_400 = arith.constant 11 : i32
    %swap3A_401 = arith.index_cast %swap3A_399 : i32 to index
    %swap3A_402 = arith.index_cast %swap3A_400 : i32 to index
    %swap3A_403 = arith.constant 0 : index
    %swap3A_404 = tpu.vector_load %arg5[%swap3A_401, %swap3A_402, %swap3A_403] {strides = array<i32>} : memref<2x32x81xf32, #tpu.memory_space<vmem>>, vector<16xf32>,
    tpu.vector_store %arg5[%swap3A_401, %swap3A_402, %swap3A_403], %broadcast_in_dim3A_3 {strides = array<i32>} : memref<2x32x81xf32, #tpu.memory_space<vmem>>, vector<16xf32>,
    %swap3A_405 = arith.constant 0 : i32
    %swap3A_406 = arith.constant 11 : i32
    %swap3A_407 = arith.index_cast %swap3A_405 : i32 to index
    %swap3A_408 = arith.index_cast %swap3A_406 : i32 to index
    %swap3A_409 = arith.constant 16 : index
    %swap3A_410 = tpu.vector_load %arg5[%swap3A_407, %swap3A_408, %swap3A_409] {strides = array<i32>} : memref<2x32x81xf32, #tpu.memory_space<vmem>>, vector<16xf32>,
    tpu.vector_store %arg5[%swap3A_407, %swap3A_408, %swap3A_409], %broadcast_in_dim3A_3 {strides = array<i32>} : memref<2x32x81xf32, #tpu.memory_space<vmem>>, vector<16xf32>,
    %swap3A_411 = arith.constant 0 : i32
    %swap3A_412 = arith.constant 11 : i32
    %swap3A_413 = arith.index_cast %swap3A_411 : i32 to index
    %swap3A_414 = arith.index_cast %swap3A_412 : i32 to index
    %swap3A_415 = arith.constant 32 : index
    %swap3A_416 = tpu.vector_load %arg5[%swap3A_413, %swap3A_414, %swap3A_415] {strides = array<i32>} : memref<2x32x81xf32, #tpu.memory_space<vmem>>, vector<16xf32>,
    tpu.vector_store %arg5[%swap3A_413, %swap3A_414, %swap3A_415], %broadcast_in_dim3A_3 {strides = array<i32>} : memref<2x32x81xf32, #tpu.memory_space<vmem>>, vector<16xf32>,
    %swap3A_417 = arith.constant 0 : i32
    %swap3A_418 = arith.constant 11 : i32
    %swap3A_419 = arith.index_cast %swap3A_417 : i32 to index
    %swap3A_420 = arith.index_cast %swap3A_418 : i32 to index
    %swap3A_421 = arith.constant 48 : index
    %swap3A_422 = tpu.vector_load %arg5[%swap3A_419, %swap3A_420, %swap3A_421] {strides = array<i32>} : memref<2x32x81xf32, #tpu.memory_space<vmem>>, vector<16xf32>,
    tpu.vector_store %arg5[%swap3A_419, %swap3A_420, %swap3A_421], %broadcast_in_dim3A_3 {strides = array<i32>} : memref<2x32x81xf32, #tpu.memory_space<vmem>>, vector<16xf32>,
    %swap3A_423 = arith.constant 0 : i32
    %swap3A_424 = arith.constant 11 : i32
    %swap3A_425 = arith.index_cast %swap3A_423 : i32 to index
    %swap3A_426 = arith.index_cast %swap3A_424 : i32 to index
    %swap3A_427 = arith.constant 64 : index
    %swap3A_428 = tpu.vector_load %arg5[%swap3A_425, %swap3A_426, %swap3A_427] {strides = array<i32>} : memref<2x32x81xf32, #tpu.memory_space<vmem>>, vector<16xf32>,
    tpu.vector_store %arg5[%swap3A_425, %swap3A_426, %swap3A_427], %broadcast_in_dim3A_3 {strides = array<i32>} : memref<2x32x81xf32, #tpu.memory_space<vmem>>, vector<16xf32>,
    %swap3A_429 = arith.constant 0 : i32
    %swap3A_430 = arith.constant 11 : i32
    %swap3A_431 = arith.index_cast %swap3A_429 : i32 to index
    %swap3A_432 = arith.index_cast %swap3A_430 : i32 to index
    %swap3A_433 = arith.constant 65 : index
    %swap3A_434 = tpu.vector_load %arg5[%swap3A_431, %swap3A_432, %swap3A_433] {strides = array<i32>} : memref<2x32x81xf32, #tpu.memory_space<vmem>>, vector<16xf32>,
    tpu.vector_store %arg5[%swap3A_431, %swap3A_432, %swap3A_433], %broadcast_in_dim3A_3 {strides = array<i32>} : memref<2x32x81xf32, #tpu.memory_space<vmem>>, vector<16xf32>,
    %swap3A_435 = arith.constant 0 : i32
    %swap3A_436 = arith.constant 12 : i32
    %swap3A_437 = arith.index_cast %swap3A_435 : i32 to index
    %swap3A_438 = arith.index_cast %swap3A_436 : i32 to index
    %swap3A_439 = arith.constant 0 : index
    %swap3A_440 = tpu.vector_load %arg5[%swap3A_437, %swap3A_438, %swap3A_439] {strides = array<i32>} : memref<2x32x81xf32, #tpu.memory_space<vmem>>, vector<16xf32>,
    tpu.vector_store %arg5[%swap3A_437, %swap3A_438, %swap3A_439], %broadcast_in_dim3A_3 {strides = array<i32>} : memref<2x32x81xf32, #tpu.memory_space<vmem>>, vector<16xf32>,
    %swap3A_441 = arith.constant 0 : i32
    %swap3A_442 = arith.constant 12 : i32
    %swap3A_443 = arith.index_cast %swap3A_441 : i32 to index
    %swap3A_444 = arith.index_cast %swap3A_442 : i32 to index
    %swap3A_445 = arith.constant 16 : index
    %swap3A_446 = tpu.vector_load %arg5[%swap3A_443, %swap3A_444, %swap3A_445] {strides = array<i32>} : memref<2x32x81xf32, #tpu.memory_space<vmem>>, vector<16xf32>,
    tpu.vector_store %arg5[%swap3A_443, %swap3A_444, %swap3A_445], %broadcast_in_dim3A_3 {strides = array<i32>} : memref<2x32x81xf32, #tpu.memory_space<vmem>>, vector<16xf32>,
    %swap3A_447 = arith.constant 0 : i32
    %swap3A_448 = arith.constant 12 : i32
    %swap3A_449 = arith.index_cast %swap3A_447 : i32 to index
    %swap3A_450 = arith.index_cast %swap3A_448 : i32 to index
    %swap3A_451 = arith.constant 32 : index
    %swap3A_452 = tpu.vector_load %arg5[%swap3A_449, %swap3A_450, %swap3A_451] {strides = array<i32>} : memref<2x32x81xf32, #tpu.memory_space<vmem>>, vector<16xf32>,
    tpu.vector_store %arg5[%swap3A_449, %swap3A_450, %swap3A_451], %broadcast_in_dim3A_3 {strides = array<i32>} : memref<2x32x81xf32, #tpu.memory_space<vmem>>, vector<16xf32>,
    %swap3A_453 = arith.constant 0 : i32
    %swap3A_454 = arith.constant 12 : i32
    %swap3A_455 = arith.index_cast %swap3A_453 : i32 to index
    %swap3A_456 = arith.index_cast %swap3A_454 : i32 to index
    %swap3A_457 = arith.constant 48 : index
    %swap3A_458 = tpu.vector_load %arg5[%swap3A_455, %swap3A_456, %swap3A_457] {strides = array<i32>} : memref<2x32x81xf32, #tpu.memory_space<vmem>>, vector<16xf32>,
    tpu.vector_store %arg5[%swap3A_455, %swap3A_456, %swap3A_457], %broadcast_in_dim3A_3 {strides = array<i32>} : memref<2x32x81xf32, #tpu.memory_space<vmem>>, vector<16xf32>,
    %swap3A_459 = arith.constant 0 : i32
    %swap3A_460 = arith.constant 12 : i32
    %swap3A_461 = arith.index_cast %swap3A_459 : i32 to index
    %swap3A_462 = arith.index_cast %swap3A_460 : i32 to index
    %swap3A_463 = arith.constant 64 : index
    %swap3A_464 = tpu.vector_load %arg5[%swap3A_461, %swap3A_462, %swap3A_463] {strides = array<i32>} : memref<2x32x81xf32, #tpu.memory_space<vmem>>, vector<16xf32>,
    tpu.vector_store %arg5[%swap3A_461, %swap3A_462, %swap3A_463], %broadcast_in_dim3A_3 {strides = array<i32>} : memref<2x32x81xf32, #tpu.memory_space<vmem>>, vector<16xf32>,
    %swap3A_465 = arith.constant 0 : i32
    %swap3A_466 = arith.constant 12 : i32
    %swap3A_467 = arith.index_cast %swap3A_465 : i32 to index
    %swap3A_468 = arith.index_cast %swap3A_466 : i32 to index
    %swap3A_469 = arith.constant 65 : index
    %swap3A_470 = tpu.vector_load %arg5[%swap3A_467, %swap3A_468, %swap3A_469] {strides = array<i32>} : memref<2x32x81xf32, #tpu.memory_space<vmem>>, vector<16xf32>,
    tpu.vector_store %arg5[%swap3A_467, %swap3A_468, %swap3A_469], %broadcast_in_dim3A_3 {strides = array<i32>} : memref<2x32x81xf32, #tpu.memory_space<vmem>>, vector<16xf32>,
    %swap3A_471 = arith.constant 0 : i32
    %swap3A_472 = arith.constant 13 : i32
    %swap3A_473 = arith.index_cast %swap3A_471 : i32 to index
    %swap3A_474 = arith.index_cast %swap3A_472 : i32 to index
    %swap3A_475 = arith.constant 0 : index
    %swap3A_476 = tpu.vector_load %arg5[%swap3A_473, %swap3A_474, %swap3A_475] {strides = array<i32>} : memref<2x32x81xf32, #tpu.memory_space<vmem>>, vector<16xf32>,
    tpu.vector_store %arg5[%swap3A_473, %swap3A_474, %swap3A_475], %broadcast_in_dim3A_3 {strides = array<i32>} : memref<2x32x81xf32, #tpu.memory_space<vmem>>, vector<16xf32>,
    %swap3A_477 = arith.constant 0 : i32
    %swap3A_478 = arith.constant 13 : i32
    %swap3A_479 = arith.index_cast %swap3A_477 : i32 to index
    %swap3A_480 = arith.index_cast %swap3A_478 : i32 to index
    %swap3A_481 = arith.constant 16 : index
    %swap3A_482 = tpu.vector_load %arg5[%swap3A_479, %swap3A_480, %swap3A_481] {strides = array<i32>} : memref<2x32x81xf32, #tpu.memory_space<vmem>>, vector<16xf32>,
    tpu.vector_store %arg5[%swap3A_479, %swap3A_480, %swap3A_481], %broadcast_in_dim3A_3 {strides = array<i32>} : memref<2x32x81xf32, #tpu.memory_space<vmem>>, vector<16xf32>,
    %swap3A_483 = arith.constant 0 : i32
    %swap3A_484 = arith.constant 13 : i32
    %swap3A_485 = arith.index_cast %swap3A_483 : i32 to index
    %swap3A_486 = arith.index_cast %swap3A_484 : i32 to index
    %swap3A_487 = arith.constant 32 : index
    %swap3A_488 = tpu.vector_load %arg5[%swap3A_485, %swap3A_486, %swap3A_487] {strides = array<i32>} : memref<2x32x81xf32, #tpu.memory_space<vmem>>, vector<16xf32>,
    tpu.vector_store %arg5[%swap3A_485, %swap3A_486, %swap3A_487], %broadcast_in_dim3A_3 {strides = array<i32>} : memref<2x32x81xf32, #tpu.memory_space<vmem>>, vector<16xf32>,
    %swap3A_489 = arith.constant 0 : i32
    %swap3A_490 = arith.constant 13 : i32
    %swap3A_491 = arith.index_cast %swap3A_489 : i32 to index
    %swap3A_492 = arith.index_cast %swap3A_490 : i32 to index
    %swap3A_493 = arith.constant 48 : index
    %swap3A_494 = tpu.vector_load %arg5[%swap3A_491, %swap3A_492, %swap3A_493] {strides = array<i32>} : memref<2x32x81xf32, #tpu.memory_space<vmem>>, vector<16xf32>,
    tpu.vector_store %arg5[%swap3A_491, %swap3A_492, %swap3A_493], %broadcast_in_dim3A_3 {strides = array<i32>} : memref<2x32x81xf32, #tpu.memory_space<vmem>>, vector<16xf32>,
    %swap3A_495 = arith.constant 0 : i32
    %swap3A_496 = arith.constant 13 : i32
    %swap3A_497 = arith.index_cast %swap3A_495 : i32 to index
    %swap3A_498 = arith.index_cast %swap3A_496 : i32 to index
    %swap3A_499 = arith.constant 64 : index
    %swap3A_500 = tpu.vector_load %arg5[%swap3A_497, %swap3A_498, %swap3A_499] {strides = array<i32>} : memref<2x32x81xf32, #tpu.memory_space<vmem>>, vector<16xf32>,
    tpu.vector_store %arg5[%swap3A_497, %swap3A_498, %swap3A_499], %broadcast_in_dim3A_3 {strides = array<i32>} : memref<2x32x81xf32, #tpu.memory_space<vmem>>, vector<16xf32>,
    %swap3A_501 = arith.constant 0 : i32
    %swap3A_502 = arith.constant 13 : i32
    %swap3A_503 = arith.index_cast %swap3A_501 : i32 to index
    %swap3A_504 = arith.index_cast %swap3A_502 : i32 to index
    %swap3A_505 = arith.constant 65 : index
    %swap3A_506 = tpu.vector_load %arg5[%swap3A_503, %swap3A_504, %swap3A_505] {strides = array<i32>} : memref<2x32x81xf32, #tpu.memory_space<vmem>>, vector<16xf32>,
    tpu.vector_store %arg5[%swap3A_503, %swap3A_504, %swap3A_505], %broadcast_in_dim3A_3 {strides = array<i32>} : memref<2x32x81xf32, #tpu.memory_space<vmem>>, vector<16xf32>,
    %swap3A_507 = arith.constant 0 : i32
    %swap3A_508 = arith.constant 14 : i32
    %swap3A_509 = arith.index_cast %swap3A_507 : i32 to index
    %swap3A_510 = arith.index_cast %swap3A_508 : i32 to index
    %swap3A_511 = arith.constant 0 : index
    %swap3A_512 = tpu.vector_load %arg5[%swap3A_509, %swap3A_510, %swap3A_511] {strides = array<i32>} : memref<2x32x81xf32, #tpu.memory_space<vmem>>, vector<16xf32>,
    tpu.vector_store %arg5[%swap3A_509, %swap3A_510, %swap3A_511], %broadcast_in_dim3A_3 {strides = array<i32>} : memref<2x32x81xf32, #tpu.memory_space<vmem>>, vector<16xf32>,
    %swap3A_513 = arith.constant 0 : i32
    %swap3A_514 = arith.constant 14 : i32
    %swap3A_515 = arith.index_cast %swap3A_513 : i32 to index
    %swap3A_516 = arith.index_cast %swap3A_514 : i32 to index
    %swap3A_517 = arith.constant 16 : index
    %swap3A_518 = tpu.vector_load %arg5[%swap3A_515, %swap3A_516, %swap3A_517] {strides = array<i32>} : memref<2x32x81xf32, #tpu.memory_space<vmem>>, vector<16xf32>,
    tpu.vector_store %arg5[%swap3A_515, %swap3A_516, %swap3A_517], %broadcast_in_dim3A_3 {strides = array<i32>} : memref<2x32x81xf32, #tpu.memory_space<vmem>>, vector<16xf32>,
    %swap3A_519 = arith.constant 0 : i32
    %swap3A_520 = arith.constant 14 : i32
    %swap3A_521 = arith.index_cast %swap3A_519 : i32 to index
    %swap3A_522 = arith.index_cast %swap3A_520 : i32 to index
    %swap3A_523 = arith.constant 32 : index
    %swap3A_524 = tpu.vector_load %arg5[%swap3A_521, %swap3A_522, %swap3A_523] {strides = array<i32>} : memref<2x32x81xf32, #tpu.memory_space<vmem>>, vector<16xf32>,
    tpu.vector_store %arg5[%swap3A_521, %swap3A_522, %swap3A_523], %broadcast_in_dim3A_3 {strides = array<i32>} : memref<2x32x81xf32, #tpu.memory_space<vmem>>, vector<16xf32>,
    %swap3A_525 = arith.constant 0 : i32
    %swap3A_526 = arith.constant 14 : i32
    %swap3A_527 = arith.index_cast %swap3A_525 : i32 to index
    %swap3A_528 = arith.index_cast %swap3A_526 : i32 to index
    %swap3A_529 = arith.constant 48 : index
    %swap3A_530 = tpu.vector_load %arg5[%swap3A_527, %swap3A_528, %swap3A_529] {strides = array<i32>} : memref<2x32x81xf32, #tpu.memory_space<vmem>>, vector<16xf32>,
    tpu.vector_store %arg5[%swap3A_527, %swap3A_528, %swap3A_529], %broadcast_in_dim3A_3 {strides = array<i32>} : memref<2x32x81xf32, #tpu.memory_space<vmem>>, vector<16xf32>,
    %swap3A_531 = arith.constant 0 : i32
    %swap3A_532 = arith.constant 14 : i32
    %swap3A_533 = arith.index_cast %swap3A_531 : i32 to index
    %swap3A_534 = arith.index_cast %swap3A_532 : i32 to index
    %swap3A_535 = arith.constant 64 : index
    %swap3A_536 = tpu.vector_load %arg5[%swap3A_533, %swap3A_534, %swap3A_535] {strides = array<i32>} : memref<2x32x81xf32, #tpu.memory_space<vmem>>, vector<16xf32>,
    tpu.vector_store %arg5[%swap3A_533, %swap3A_534, %swap3A_535], %broadcast_in_dim3A_3 {strides = array<i32>} : memref<2x32x81xf32, #tpu.memory_space<vmem>>, vector<16xf32>,
    %swap3A_537 = arith.constant 0 : i32
    %swap3A_538 = arith.constant 14 : i32
    %swap3A_539 = arith.index_cast %swap3A_537 : i32 to index
    %swap3A_540 = arith.index_cast %swap3A_538 : i32 to index
    %swap3A_541 = arith.constant 65 : index
    %swap3A_542 = tpu.vector_load %arg5[%swap3A_539, %swap3A_540, %swap3A_541] {strides = array<i32>} : memref<2x32x81xf32, #tpu.memory_space<vmem>>, vector<16xf32>,
    tpu.vector_store %arg5[%swap3A_539, %swap3A_540, %swap3A_541], %broadcast_in_dim3A_3 {strides = array<i32>} : memref<2x32x81xf32, #tpu.memory_space<vmem>>, vector<16xf32>,
    %swap3A_543 = arith.constant 0 : i32
    %swap3A_544 = arith.constant 15 : i32
    %swap3A_545 = arith.index_cast %swap3A_543 : i32 to index
    %swap3A_546 = arith.index_cast %swap3A_544 : i32 to index
    %swap3A_547 = arith.constant 0 : index
    %swap3A_548 = tpu.vector_load %arg5[%swap3A_545, %swap3A_546, %swap3A_547] {strides = array<i32>} : memref<2x32x81xf32, #tpu.memory_space<vmem>>, vector<16xf32>,
    tpu.vector_store %arg5[%swap3A_545, %swap3A_546, %swap3A_547], %broadcast_in_dim3A_3 {strides = array<i32>} : memref<2x32x81xf32, #tpu.memory_space<vmem>>, vector<16xf32>,
    %swap3A_549 = arith.constant 0 : i32
    %swap3A_550 = arith.constant 15 : i32
    %swap3A_551 = arith.index_cast %swap3A_549 : i32 to index
    %swap3A_552 = arith.index_cast %swap3A_550 : i32 to index
    %swap3A_553 = arith.constant 16 : index
    %swap3A_554 = tpu.vector_load %arg5[%swap3A_551, %swap3A_552, %swap3A_553] {strides = array<i32>} : memref<2x32x81xf32, #tpu.memory_space<vmem>>, vector<16xf32>,
    tpu.vector_store %arg5[%swap3A_551, %swap3A_552, %swap3A_553], %broadcast_in_dim3A_3 {strides = array<i32>} : memref<2x32x81xf32, #tpu.memory_space<vmem>>, vector<16xf32>,
    %swap3A_555 = arith.constant 0 : i32
    %swap3A_556 = arith.constant 15 : i32
    %swap3A_557 = arith.index_cast %swap3A_555 : i32 to index
    %swap3A_558 = arith.index_cast %swap3A_556 : i32 to index
    %swap3A_559 = arith.constant 32 : index
    %swap3A_560 = tpu.vector_load %arg5[%swap3A_557, %swap3A_558, %swap3A_559] {strides = array<i32>} : memref<2x32x81xf32, #tpu.memory_space<vmem>>, vector<16xf32>,
    tpu.vector_store %arg5[%swap3A_557, %swap3A_558, %swap3A_559], %broadcast_in_dim3A_3 {strides = array<i32>} : memref<2x32x81xf32, #tpu.memory_space<vmem>>, vector<16xf32>,
    %swap3A_561 = arith.constant 0 : i32
    %swap3A_562 = arith.constant 15 : i32
    %swap3A_563 = arith.index_cast %swap3A_561 : i32 to index
    %swap3A_564 = arith.index_cast %swap3A_562 : i32 to index
    %swap3A_565 = arith.constant 48 : index
    %swap3A_566 = tpu.vector_load %arg5[%swap3A_563, %swap3A_564, %swap3A_565] {strides = array<i32>} : memref<2x32x81xf32, #tpu.memory_space<vmem>>, vector<16xf32>,
    tpu.vector_store %arg5[%swap3A_563, %swap3A_564, %swap3A_565], %broadcast_in_dim3A_3 {strides = array<i32>} : memref<2x32x81xf32, #tpu.memory_space<vmem>>, vector<16xf32>,
    %swap3A_567 = arith.constant 0 : i32
    %swap3A_568 = arith.constant 15 : i32
    %swap3A_569 = arith.index_cast %swap3A_567 : i32 to index
    %swap3A_570 = arith.index_cast %swap3A_568 : i32 to index
    %swap3A_571 = arith.constant 64 : index
    %swap3A_572 = tpu.vector_load %arg5[%swap3A_569, %swap3A_570, %swap3A_571] {strides = array<i32>} : memref<2x32x81xf32, #tpu.memory_space<vmem>>, vector<16xf32>,
    tpu.vector_store %arg5[%swap3A_569, %swap3A_570, %swap3A_571], %broadcast_in_dim3A_3 {strides = array<i32>} : memref<2x32x81xf32, #tpu.memory_space<vmem>>, vector<16xf32>,
    %swap3A_573 = arith.constant 0 : i32
    %swap3A_574 = arith.constant 15 : i32
    %swap3A_575 = arith.index_cast %swap3A_573 : i32 to index
    %swap3A_576 = arith.index_cast %swap3A_574 : i32 to index
    %swap3A_577 = arith.constant 65 : index
    %swap3A_578 = tpu.vector_load %arg5[%swap3A_575, %swap3A_576, %swap3A_577] {strides = array<i32>} : memref<2x32x81xf32, #tpu.memory_space<vmem>>, vector<16xf32>,
    tpu.vector_store %arg5[%swap3A_575, %swap3A_576, %swap3A_577], %broadcast_in_dim3A_3 {strides = array<i32>} : memref<2x32x81xf32, #tpu.memory_space<vmem>>, vector<16xf32>,
    %swap3A_579 = arith.constant 0 : i32
    %swap3A_580 = arith.constant 16 : i32
    %swap3A_581 = arith.index_cast %swap3A_579 : i32 to index
    %swap3A_582 = arith.index_cast %swap3A_580 : i32 to index
    %swap3A_583 = arith.constant 0 : index
    %swap3A_584 = tpu.vector_load %arg5[%swap3A_581, %swap3A_582, %swap3A_583] {strides = array<i32>} : memref<2x32x81xf32, #tpu.memory_space<vmem>>, vector<16xf32>,
    tpu.vector_store %arg5[%swap3A_581, %swap3A_582, %swap3A_583], %broadcast_in_dim3A_3 {strides = array<i32>} : memref<2x32x81xf32, #tpu.memory_space<vmem>>, vector<16xf32>,
    %swap3A_585 = arith.constant 0 : i32
    %swap3A_586 = arith.constant 16 : i32
    %swap3A_587 = arith.index_cast %swap3A_585 : i32 to index
    %swap3A_588 = arith.index_cast %swap3A_586 : i32 to index
    %swap3A_589 = arith.constant 16 : index
    %swap3A_590 = tpu.vector_load %arg5[%swap3A_587, %swap3A_588, %swap3A_589] {strides = array<i32>} : memref<2x32x81xf32, #tpu.memory_space<vmem>>, vector<16xf32>,
    tpu.vector_store %arg5[%swap3A_587, %swap3A_588, %swap3A_589], %broadcast_in_dim3A_3 {strides = array<i32>} : memref<2x32x81xf32, #tpu.memory_space<vmem>>, vector<16xf32>,
    %swap3A_591 = arith.constant 0 : i32
    %swap3A_592 = arith.constant 16 : i32
    %swap3A_593 = arith.index_cast %swap3A_591 : i32 to index
    %swap3A_594 = arith.index_cast %swap3A_592 : i32 to index
    %swap3A_595 = arith.constant 32 : index
    %swap3A_596 = tpu.vector_load %arg5[%swap3A_593, %swap3A_594, %swap3A_595] {strides = array<i32>} : memref<2x32x81xf32, #tpu.memory_space<vmem>>, vector<16xf32>,
    tpu.vector_store %arg5[%swap3A_593, %swap3A_594, %swap3A_595], %broadcast_in_dim3A_3 {strides = array<i32>} : memref<2x32x81xf32, #tpu.memory_space<vmem>>, vector<16xf32>,
    %swap3A_597 = arith.constant 0 : i32
    %swap3A_598 = arith.constant 16 : i32
    %swap3A_599 = arith.index_cast %swap3A_597 : i32 to index
    %swap3A_600 = arith.index_cast %swap3A_598 : i32 to index
    %swap3A_601 = arith.constant 48 : index
    %swap3A_602 = tpu.vector_load %arg5[%swap3A_599, %swap3A_600, %swap3A_601] {strides = array<i32>} : memref<2x32x81xf32, #tpu.memory_space<vmem>>, vector<16xf32>,
    tpu.vector_store %arg5[%swap3A_599, %swap3A_600, %swap3A_601], %broadcast_in_dim3A_3 {strides = array<i32>} : memref<2x32x81xf32, #tpu.memory_space<vmem>>, vector<16xf32>,
    %swap3A_603 = arith.constant 0 : i32
    %swap3A_604 = arith.constant 16 : i32
    %swap3A_605 = arith.index_cast %swap3A_603 : i32 to index
    %swap3A_606 = arith.index_cast %swap3A_604 : i32 to index
    %swap3A_607 = arith.constant 64 : index
    %swap3A_608 = tpu.vector_load %arg5[%swap3A_605, %swap3A_606, %swap3A_607] {strides = array<i32>} : memref<2x32x81xf32, #tpu.memory_space<vmem>>, vector<16xf32>,
    tpu.vector_store %arg5[%swap3A_605, %swap3A_606, %swap3A_607], %broadcast_in_dim3A_3 {strides = array<i32>} : memref<2x32x81xf32, #tpu.memory_space<vmem>>, vector<16xf32>,
    %swap3A_609 = arith.constant 0 : i32
    %swap3A_610 = arith.constant 16 : i32
    %swap3A_611 = arith.index_cast %swap3A_609 : i32 to index
    %swap3A_612 = arith.index_cast %swap3A_610 : i32 to index
    %swap3A_613 = arith.constant 65 : index
    %swap3A_614 = tpu.vector_load %arg5[%swap3A_611, %swap3A_612, %swap3A_613] {strides = array<i32>} : memref<2x32x81xf32, #tpu.memory_space<vmem>>, vector<16xf32>,
    tpu.vector_store %arg5[%swap3A_611, %swap3A_612, %swap3A_613], %broadcast_in_dim3A_3 {strides = array<i32>} : memref<2x32x81xf32, #tpu.memory_space<vmem>>, vector<16xf32>,
    %swap3A_615 = arith.constant 0 : i32
    %swap3A_616 = arith.constant 17 : i32
    %swap3A_617 = arith.index_cast %swap3A_615 : i32 to index
    %swap3A_618 = arith.index_cast %swap3A_616 : i32 to index
    %swap3A_619 = arith.constant 0 : index
    %swap3A_620 = tpu.vector_load %arg5[%swap3A_617, %swap3A_618, %swap3A_619] {strides = array<i32>} : memref<2x32x81xf32, #tpu.memory_space<vmem>>, vector<16xf32>,
    tpu.vector_store %arg5[%swap3A_617, %swap3A_618, %swap3A_619], %broadcast_in_dim3A_3 {strides = array<i32>} : memref<2x32x81xf32, #tpu.memory_space<vmem>>, vector<16xf32>,
    %swap3A_621 = arith.constant 0 : i32
    %swap3A_622 = arith.constant 17 : i32
    %swap3A_623 = arith.index_cast %swap3A_621 : i32 to index
    %swap3A_624 = arith.index_cast %swap3A_622 : i32 to index
    %swap3A_625 = arith.constant 16 : index
    %swap3A_626 = tpu.vector_load %arg5[%swap3A_623, %swap3A_624, %swap3A_625] {strides = array<i32>} : memref<2x32x81xf32, #tpu.memory_space<vmem>>, vector<16xf32>,
    tpu.vector_store %arg5[%swap3A_623, %swap3A_624, %swap3A_625], %broadcast_in_dim3A_3 {strides = array<i32>} : memref<2x32x81xf32, #tpu.memory_space<vmem>>, vector<16xf32>,
    %swap3A_627 = arith.constant 0 : i32
    %swap3A_628 = arith.constant 17 : i32
    %swap3A_629 = arith.index_cast %swap3A_627 : i32 to index
    %swap3A_630 = arith.index_cast %swap3A_628 : i32 to index
    %swap3A_631 = arith.constant 32 : index
    %swap3A_632 = tpu.vector_load %arg5[%swap3A_629, %swap3A_630, %swap3A_631] {strides = array<i32>} : memref<2x32x81xf32, #tpu.memory_space<vmem>>, vector<16xf32>,
    tpu.vector_store %arg5[%swap3A_629, %swap3A_630, %swap3A_631], %broadcast_in_dim3A_3 {strides = array<i32>} : memref<2x32x81xf32, #tpu.memory_space<vmem>>, vector<16xf32>,
    %swap3A_633 = arith.constant 0 : i32
    %swap3A_634 = arith.constant 17 : i32
    %swap3A_635 = arith.index_cast %swap3A_633 : i32 to index
    %swap3A_636 = arith.index_cast %swap3A_634 : i32 to index
    %swap3A_637 = arith.constant 48 : index
    %swap3A_638 = tpu.vector_load %arg5[%swap3A_635, %swap3A_636, %swap3A_637] {strides = array<i32>} : memref<2x32x81xf32, #tpu.memory_space<vmem>>, vector<16xf32>,
    tpu.vector_store %arg5[%swap3A_635, %swap3A_636, %swap3A_637], %broadcast_in_dim3A_3 {strides = array<i32>} : memref<2x32x81xf32, #tpu.memory_space<vmem>>, vector<16xf32>,
    %swap3A_639 = arith.constant 0 : i32
    %swap3A_640 = arith.constant 17 : i32
    %swap3A_641 = arith.index_cast %swap3A_639 : i32 to index
    %swap3A_642 = arith.index_cast %swap3A_640 : i32 to index
    %swap3A_643 = arith.constant 64 : index
    %swap3A_644 = tpu.vector_load %arg5[%swap3A_641, %swap3A_642, %swap3A_643] {strides = array<i32>} : memref<2x32x81xf32, #tpu.memory_space<vmem>>, vector<16xf32>,
    tpu.vector_store %arg5[%swap3A_641, %swap3A_642, %swap3A_643], %broadcast_in_dim3A_3 {strides = array<i32>} : memref<2x32x81xf32, #tpu.memory_space<vmem>>, vector<16xf32>,
    %swap3A_645 = arith.constant 0 : i32
    %swap3A_646 = arith.constant 17 : i32
    %swap3A_647 = arith.index_cast %swap3A_645 : i32 to index
    %swap3A_648 = arith.index_cast %swap3A_646 : i32 to index
    %swap3A_649 = arith.constant 65 : index
    %swap3A_650 = tpu.vector_load %arg5[%swap3A_647, %swap3A_648, %swap3A_649] {strides = array<i32>} : memref<2x32x81xf32, #tpu.memory_space<vmem>>, vector<16xf32>,
    tpu.vector_store %arg5[%swap3A_647, %swap3A_648, %swap3A_649], %broadcast_in_dim3A_3 {strides = array<i32>} : memref<2x32x81xf32, #tpu.memory_space<vmem>>, vector<16xf32>,
    %swap3A_651 = arith.constant 0 : i32
    %swap3A_652 = arith.constant 18 : i32
    %swap3A_653 = arith.index_cast %swap3A_651 : i32 to index
    %swap3A_654 = arith.index_cast %swap3A_652 : i32 to index
    %swap3A_655 = arith.constant 0 : index
    %swap3A_656 = tpu.vector_load %arg5[%swap3A_653, %swap3A_654, %swap3A_655] {strides = array<i32>} : memref<2x32x81xf32, #tpu.memory_space<vmem>>, vector<16xf32>,
    tpu.vector_store %arg5[%swap3A_653, %swap3A_654, %swap3A_655], %broadcast_in_dim3A_3 {strides = array<i32>} : memref<2x32x81xf32, #tpu.memory_space<vmem>>, vector<16xf32>,
    %swap3A_657 = arith.constant 0 : i32
    %swap3A_658 = arith.constant 18 : i32
    %swap3A_659 = arith.index_cast %swap3A_657 : i32 to index
    %swap3A_660 = arith.index_cast %swap3A_658 : i32 to index
    %swap3A_661 = arith.constant 16 : index
    %swap3A_662 = tpu.vector_load %arg5[%swap3A_659, %swap3A_660, %swap3A_661] {strides = array<i32>} : memref<2x32x81xf32, #tpu.memory_space<vmem>>, vector<16xf32>,
    tpu.vector_store %arg5[%swap3A_659, %swap3A_660, %swap3A_661], %broadcast_in_dim3A_3 {strides = array<i32>} : memref<2x32x81xf32, #tpu.memory_space<vmem>>, vector<16xf32>,
    %swap3A_663 = arith.constant 0 : i32
    %swap3A_664 = arith.constant 18 : i32
    %swap3A_665 = arith.index_cast %swap3A_663 : i32 to index
    %swap3A_666 = arith.index_cast %swap3A_664 : i32 to index
    %swap3A_667 = arith.constant 32 : index
    %swap3A_668 = tpu.vector_load %arg5[%swap3A_665, %swap3A_666, %swap3A_667] {strides = array<i32>} : memref<2x32x81xf32, #tpu.memory_space<vmem>>, vector<16xf32>,
    tpu.vector_store %arg5[%swap3A_665, %swap3A_666, %swap3A_667], %broadcast_in_dim3A_3 {strides = array<i32>} : memref<2x32x81xf32, #tpu.memory_space<vmem>>, vector<16xf32>,
    %swap3A_669 = arith.constant 0 : i32
    %swap3A_670 = arith.constant 18 : i32
    %swap3A_671 = arith.index_cast %swap3A_669 : i32 to index
    %swap3A_672 = arith.index_cast %swap3A_670 : i32 to index
    %swap3A_673 = arith.constant 48 : index
    %swap3A_674 = tpu.vector_load %arg5[%swap3A_671, %swap3A_672, %swap3A_673] {strides = array<i32>} : memref<2x32x81xf32, #tpu.memory_space<vmem>>, vector<16xf32>,
    tpu.vector_store %arg5[%swap3A_671, %swap3A_672, %swap3A_673], %broadcast_in_dim3A_3 {strides = array<i32>} : memref<2x32x81xf32, #tpu.memory_space<vmem>>, vector<16xf32>,
    %swap3A_675 = arith.constant 0 : i32
    %swap3A_676 = arith.constant 18 : i32
    %swap3A_677 = arith.index_cast %swap3A_675 : i32 to index
    %swap3A_678 = arith.index_cast %swap3A_676 : i32 to index
    %swap3A_679 = arith.constant 64 : index
    %swap3A_680 = tpu.vector_load %arg5[%swap3A_677, %swap3A_678, %swap3A_679] {strides = array<i32>} : memref<2x32x81xf32, #tpu.memory_space<vmem>>, vector<16xf32>,
    tpu.vector_store %arg5[%swap3A_677, %swap3A_678, %swap3A_679], %broadcast_in_dim3A_3 {strides = array<i32>} : memref<2x32x81xf32, #tpu.memory_space<vmem>>, vector<16xf32>,
    %swap3A_681 = arith.constant 0 : i32
    %swap3A_682 = arith.constant 18 : i32
    %swap3A_683 = arith.index_cast %swap3A_681 : i32 to index
    %swap3A_684 = arith.index_cast %swap3A_682 : i32 to index
    %swap3A_685 = arith.constant 65 : index
    %swap3A_686 = tpu.vector_load %arg5[%swap3A_683, %swap3A_684, %swap3A_685] {strides = array<i32>} : memref<2x32x81xf32, #tpu.memory_space<vmem>>, vector<16xf32>,
    tpu.vector_store %arg5[%swap3A_683, %swap3A_684, %swap3A_685], %broadcast_in_dim3A_3 {strides = array<i32>} : memref<2x32x81xf32, #tpu.memory_space<vmem>>, vector<16xf32>,
    %swap3A_687 = arith.constant 0 : i32
    %swap3A_688 = arith.constant 19 : i32
    %swap3A_689 = arith.index_cast %swap3A_687 : i32 to index
    %swap3A_690 = arith.index_cast %swap3A_688 : i32 to index
    %swap3A_691 = arith.constant 0 : index
    %swap3A_692 = tpu.vector_load %arg5[%swap3A_689, %swap3A_690, %swap3A_691] {strides = array<i32>} : memref<2x32x81xf32, #tpu.memory_space<vmem>>, vector<16xf32>,
    tpu.vector_store %arg5[%swap3A_689, %swap3A_690, %swap3A_691], %broadcast_in_dim3A_3 {strides = array<i32>} : memref<2x32x81xf32, #tpu.memory_space<vmem>>, vector<16xf32>,
    %swap3A_693 = arith.constant 0 : i32
    %swap3A_694 = arith.constant 19 : i32
    %swap3A_695 = arith.index_cast %swap3A_693 : i32 to index
    %swap3A_696 = arith.index_cast %swap3A_694 : i32 to index
    %swap3A_697 = arith.constant 16 : index
    %swap3A_698 = tpu.vector_load %arg5[%swap3A_695, %swap3A_696, %swap3A_697] {strides = array<i32>} : memref<2x32x81xf32, #tpu.memory_space<vmem>>, vector<16xf32>,
    tpu.vector_store %arg5[%swap3A_695, %swap3A_696, %swap3A_697], %broadcast_in_dim3A_3 {strides = array<i32>} : memref<2x32x81xf32, #tpu.memory_space<vmem>>, vector<16xf32>,
    %swap3A_699 = arith.constant 0 : i32
    %swap3A_700 = arith.constant 19 : i32
    %swap3A_701 = arith.index_cast %swap3A_699 : i32 to index
    %swap3A_702 = arith.index_cast %swap3A_700 : i32 to index
    %swap3A_703 = arith.constant 32 : index
    %swap3A_704 = tpu.vector_load %arg5[%swap3A_701, %swap3A_702, %swap3A_703] {strides = array<i32>} : memref<2x32x81xf32, #tpu.memory_space<vmem>>, vector<16xf32>,
    tpu.vector_store %arg5[%swap3A_701, %swap3A_702, %swap3A_703], %broadcast_in_dim3A_3 {strides = array<i32>} : memref<2x32x81xf32, #tpu.memory_space<vmem>>, vector<16xf32>,
    %swap3A_705 = arith.constant 0 : i32
    %swap3A_706 = arith.constant 19 : i32
    %swap3A_707 = arith.index_cast %swap3A_705 : i32 to index
    %swap3A_708 = arith.index_cast %swap3A_706 : i32 to index
    %swap3A_709 = arith.constant 48 : index
    %swap3A_710 = tpu.vector_load %arg5[%swap3A_707, %swap3A_708, %swap3A_709] {strides = array<i32>} : memref<2x32x81xf32, #tpu.memory_space<vmem>>, vector<16xf32>,
    tpu.vector_store %arg5[%swap3A_707, %swap3A_708, %swap3A_709], %broadcast_in_dim3A_3 {strides = array<i32>} : memref<2x32x81xf32, #tpu.memory_space<vmem>>, vector<16xf32>,
    %swap3A_711 = arith.constant 0 : i32
    %swap3A_712 = arith.constant 19 : i32
    %swap3A_713 = arith.index_cast %swap3A_711 : i32 to index
    %swap3A_714 = arith.index_cast %swap3A_712 : i32 to index
    %swap3A_715 = arith.constant 64 : index
    %swap3A_716 = tpu.vector_load %arg5[%swap3A_713, %swap3A_714, %swap3A_715] {strides = array<i32>} : memref<2x32x81xf32, #tpu.memory_space<vmem>>, vector<16xf32>,
    tpu.vector_store %arg5[%swap3A_713, %swap3A_714, %swap3A_715], %broadcast_in_dim3A_3 {strides = array<i32>} : memref<2x32x81xf32, #tpu.memory_space<vmem>>, vector<16xf32>,
    %swap3A_717 = arith.constant 0 : i32
    %swap3A_718 = arith.constant 19 : i32
    %swap3A_719 = arith.index_cast %swap3A_717 : i32 to index
    %swap3A_720 = arith.index_cast %swap3A_718 : i32 to index
    %swap3A_721 = arith.constant 65 : index
    %swap3A_722 = tpu.vector_load %arg5[%swap3A_719, %swap3A_720, %swap3A_721] {strides = array<i32>} : memref<2x32x81xf32, #tpu.memory_space<vmem>>, vector<16xf32>,
    tpu.vector_store %arg5[%swap3A_719, %swap3A_720, %swap3A_721], %broadcast_in_dim3A_3 {strides = array<i32>} : memref<2x32x81xf32, #tpu.memory_space<vmem>>, vector<16xf32>,
    %swap3A_723 = arith.constant 0 : i32
    %swap3A_724 = arith.constant 20 : i32
    %swap3A_725 = arith.index_cast %swap3A_723 : i32 to index
    %swap3A_726 = arith.index_cast %swap3A_724 : i32 to index
    %swap3A_727 = arith.constant 0 : index
    %swap3A_728 = tpu.vector_load %arg5[%swap3A_725, %swap3A_726, %swap3A_727] {strides = array<i32>} : memref<2x32x81xf32, #tpu.memory_space<vmem>>, vector<16xf32>,
    tpu.vector_store %arg5[%swap3A_725, %swap3A_726, %swap3A_727], %broadcast_in_dim3A_3 {strides = array<i32>} : memref<2x32x81xf32, #tpu.memory_space<vmem>>, vector<16xf32>,
    %swap3A_729 = arith.constant 0 : i32
    %swap3A_730 = arith.constant 20 : i32
    %swap3A_731 = arith.index_cast %swap3A_729 : i32 to index
    %swap3A_732 = arith.index_cast %swap3A_730 : i32 to index
    %swap3A_733 = arith.constant 16 : index
    %swap3A_734 = tpu.vector_load %arg5[%swap3A_731, %swap3A_732, %swap3A_733] {strides = array<i32>} : memref<2x32x81xf32, #tpu.memory_space<vmem>>, vector<16xf32>,
    tpu.vector_store %arg5[%swap3A_731, %swap3A_732, %swap3A_733], %broadcast_in_dim3A_3 {strides = array<i32>} : memref<2x32x81xf32, #tpu.memory_space<vmem>>, vector<16xf32>,
    %swap3A_735 = arith.constant 0 : i32
    %swap3A_736 = arith.constant 20 : i32
    %swap3A_737 = arith.index_cast %swap3A_735 : i32 to index
    %swap3A_738 = arith.index_cast %swap3A_736 : i32 to index
    %swap3A_739 = arith.constant 32 : index
    %swap3A_740 = tpu.vector_load %arg5[%swap3A_737, %swap3A_738, %swap3A_739] {strides = array<i32>} : memref<2x32x81xf32, #tpu.memory_space<vmem>>, vector<16xf32>,
    tpu.vector_store %arg5[%swap3A_737, %swap3A_738, %swap3A_739], %broadcast_in_dim3A_3 {strides = array<i32>} : memref<2x32x81xf32, #tpu.memory_space<vmem>>, vector<16xf32>,
    %swap3A_741 = arith.constant 0 : i32
    %swap3A_742 = arith.constant 20 : i32
    %swap3A_743 = arith.index_cast %swap3A_741 : i32 to index
    %swap3A_744 = arith.index_cast %swap3A_742 : i32 to index
    %swap3A_745 = arith.constant 48 : index
    %swap3A_746 = tpu.vector_load %arg5[%swap3A_743, %swap3A_744, %swap3A_745] {strides = array<i32>} : memref<2x32x81xf32, #tpu.memory_space<vmem>>, vector<16xf32>,
    tpu.vector_store %arg5[%swap3A_743, %swap3A_744, %swap3A_745], %broadcast_in_dim3A_3 {strides = array<i32>} : memref<2x32x81xf32, #tpu.memory_space<vmem>>, vector<16xf32>,
    %swap3A_747 = arith.constant 0 : i32
    %swap3A_748 = arith.constant 20 : i32
    %swap3A_749 = arith.index_cast %swap3A_747 : i32 to index
    %swap3A_750 = arith.index_cast %swap3A_748 : i32 to index
    %swap3A_751 = arith.constant 64 : index
    %swap3A_752 = tpu.vector_load %arg5[%swap3A_749, %swap3A_750, %swap3A_751] {strides = array<i32>} : memref<2x32x81xf32, #tpu.memory_space<vmem>>, vector<16xf32>,
    tpu.vector_store %arg5[%swap3A_749, %swap3A_750, %swap3A_751], %broadcast_in_dim3A_3 {strides = array<i32>} : memref<2x32x81xf32, #tpu.memory_space<vmem>>, vector<16xf32>,
    %swap3A_753 = arith.constant 0 : i32
    %swap3A_754 = arith.constant 20 : i32
    %swap3A_755 = arith.index_cast %swap3A_753 : i32 to index
    %swap3A_756 = arith.index_cast %swap3A_754 : i32 to index
    %swap3A_757 = arith.constant 65 : index
    %swap3A_758 = tpu.vector_load %arg5[%swap3A_755, %swap3A_756, %swap3A_757] {strides = array<i32>} : memref<2x32x81xf32, #tpu.memory_space<vmem>>, vector<16xf32>,
    tpu.vector_store %arg5[%swap3A_755, %swap3A_756, %swap3A_757], %broadcast_in_dim3A_3 {strides = array<i32>} : memref<2x32x81xf32, #tpu.memory_space<vmem>>, vector<16xf32>,
    %swap3A_759 = arith.constant 0 : i32
    %swap3A_760 = arith.constant 21 : i32
    %swap3A_761 = arith.index_cast %swap3A_759 : i32 to index
    %swap3A_762 = arith.index_cast %swap3A_760 : i32 to index
    %swap3A_763 = arith.constant 0 : index
    %swap3A_764 = tpu.vector_load %arg5[%swap3A_761, %swap3A_762, %swap3A_763] {strides = array<i32>} : memref<2x32x81xf32, #tpu.memory_space<vmem>>, vector<16xf32>,
    tpu.vector_store %arg5[%swap3A_761, %swap3A_762, %swap3A_763], %broadcast_in_dim3A_3 {strides = array<i32>} : memref<2x32x81xf32, #tpu.memory_space<vmem>>, vector<16xf32>,
    %swap3A_765 = arith.constant 0 : i32
    %swap3A_766 = arith.constant 21 : i32
    %swap3A_767 = arith.index_cast %swap3A_765 : i32 to index
    %swap3A_768 = arith.index_cast %swap3A_766 : i32 to index
    %swap3A_769 = arith.constant 16 : index
    %swap3A_770 = tpu.vector_load %arg5[%swap3A_767, %swap3A_768, %swap3A_769] {strides = array<i32>} : memref<2x32x81xf32, #tpu.memory_space<vmem>>, vector<16xf32>,
    tpu.vector_store %arg5[%swap3A_767, %swap3A_768, %swap3A_769], %broadcast_in_dim3A_3 {strides = array<i32>} : memref<2x32x81xf32, #tpu.memory_space<vmem>>, vector<16xf32>,
    %swap3A_771 = arith.constant 0 : i32
    %swap3A_772 = arith.constant 21 : i32
    %swap3A_773 = arith.index_cast %swap3A_771 : i32 to index
    %swap3A_774 = arith.index_cast %swap3A_772 : i32 to index
    %swap3A_775 = arith.constant 32 : index
    %swap3A_776 = tpu.vector_load %arg5[%swap3A_773, %swap3A_774, %swap3A_775] {strides = array<i32>} : memref<2x32x81xf32, #tpu.memory_space<vmem>>, vector<16xf32>,
    tpu.vector_store %arg5[%swap3A_773, %swap3A_774, %swap3A_775], %broadcast_in_dim3A_3 {strides = array<i32>} : memref<2x32x81xf32, #tpu.memory_space<vmem>>, vector<16xf32>,
    %swap3A_777 = arith.constant 0 : i32
    %swap3A_778 = arith.constant 21 : i32
    %swap3A_779 = arith.index_cast %swap3A_777 : i32 to index
    %swap3A_780 = arith.index_cast %swap3A_778 : i32 to index
    %swap3A_781 = arith.constant 48 : index
    %swap3A_782 = tpu.vector_load %arg5[%swap3A_779, %swap3A_780, %swap3A_781] {strides = array<i32>} : memref<2x32x81xf32, #tpu.memory_space<vmem>>, vector<16xf32>,
    tpu.vector_store %arg5[%swap3A_779, %swap3A_780, %swap3A_781], %broadcast_in_dim3A_3 {strides = array<i32>} : memref<2x32x81xf32, #tpu.memory_space<vmem>>, vector<16xf32>,
    %swap3A_783 = arith.constant 0 : i32
    %swap3A_784 = arith.constant 21 : i32
    %swap3A_785 = arith.index_cast %swap3A_783 : i32 to index
    %swap3A_786 = arith.index_cast %swap3A_784 : i32 to index
    %swap3A_787 = arith.constant 64 : index
    %swap3A_788 = tpu.vector_load %arg5[%swap3A_785, %swap3A_786, %swap3A_787] {strides = array<i32>} : memref<2x32x81xf32, #tpu.memory_space<vmem>>, vector<16xf32>,
    tpu.vector_store %arg5[%swap3A_785, %swap3A_786, %swap3A_787], %broadcast_in_dim3A_3 {strides = array<i32>} : memref<2x32x81xf32, #tpu.memory_space<vmem>>, vector<16xf32>,
    %swap3A_789 = arith.constant 0 : i32
    %swap3A_790 = arith.constant 21 : i32
    %swap3A_791 = arith.index_cast %swap3A_789 : i32 to index
    %swap3A_792 = arith.index_cast %swap3A_790 : i32 to index
    %swap3A_793 = arith.constant 65 : index
    %swap3A_794 = tpu.vector_load %arg5[%swap3A_791, %swap3A_792, %swap3A_793] {strides = array<i32>} : memref<2x32x81xf32, #tpu.memory_space<vmem>>, vector<16xf32>,
    tpu.vector_store %arg5[%swap3A_791, %swap3A_792, %swap3A_793], %broadcast_in_dim3A_3 {strides = array<i32>} : memref<2x32x81xf32, #tpu.memory_space<vmem>>, vector<16xf32>,
    %swap3A_795 = arith.constant 0 : i32
    %swap3A_796 = arith.constant 22 : i32
    %swap3A_797 = arith.index_cast %swap3A_795 : i32 to index
    %swap3A_798 = arith.index_cast %swap3A_796 : i32 to index
    %swap3A_799 = arith.constant 0 : index
    %swap3A_800 = tpu.vector_load %arg5[%swap3A_797, %swap3A_798, %swap3A_799] {strides = array<i32>} : memref<2x32x81xf32, #tpu.memory_space<vmem>>, vector<16xf32>,
    tpu.vector_store %arg5[%swap3A_797, %swap3A_798, %swap3A_799], %broadcast_in_dim3A_3 {strides = array<i32>} : memref<2x32x81xf32, #tpu.memory_space<vmem>>, vector<16xf32>,
    %swap3A_801 = arith.constant 0 : i32
    %swap3A_802 = arith.constant 22 : i32
    %swap3A_803 = arith.index_cast %swap3A_801 : i32 to index
    %swap3A_804 = arith.index_cast %swap3A_802 : i32 to index
    %swap3A_805 = arith.constant 16 : index
    %swap3A_806 = tpu.vector_load %arg5[%swap3A_803, %swap3A_804, %swap3A_805] {strides = array<i32>} : memref<2x32x81xf32, #tpu.memory_space<vmem>>, vector<16xf32>,
    tpu.vector_store %arg5[%swap3A_803, %swap3A_804, %swap3A_805], %broadcast_in_dim3A_3 {strides = array<i32>} : memref<2x32x81xf32, #tpu.memory_space<vmem>>, vector<16xf32>,
    %swap3A_807 = arith.constant 0 : i32
    %swap3A_808 = arith.constant 22 : i32
    %swap3A_809 = arith.index_cast %swap3A_807 : i32 to index
    %swap3A_810 = arith.index_cast %swap3A_808 : i32 to index
    %swap3A_811 = arith.constant 32 : index
    %swap3A_812 = tpu.vector_load %arg5[%swap3A_809, %swap3A_810, %swap3A_811] {strides = array<i32>} : memref<2x32x81xf32, #tpu.memory_space<vmem>>, vector<16xf32>,
    tpu.vector_store %arg5[%swap3A_809, %swap3A_810, %swap3A_811], %broadcast_in_dim3A_3 {strides = array<i32>} : memref<2x32x81xf32, #tpu.memory_space<vmem>>, vector<16xf32>,
    %swap3A_813 = arith.constant 0 : i32
    %swap3A_814 = arith.constant 22 : i32
    %swap3A_815 = arith.index_cast %swap3A_813 : i32 to index
    %swap3A_816 = arith.index_cast %swap3A_814 : i32 to index
    %swap3A_817 = arith.constant 48 : index
    %swap3A_818 = tpu.vector_load %arg5[%swap3A_815, %swap3A_816, %swap3A_817] {strides = array<i32>} : memref<2x32x81xf32, #tpu.memory_space<vmem>>, vector<16xf32>,
    tpu.vector_store %arg5[%swap3A_815, %swap3A_816, %swap3A_817], %broadcast_in_dim3A_3 {strides = array<i32>} : memref<2x32x81xf32, #tpu.memory_space<vmem>>, vector<16xf32>,
    %swap3A_819 = arith.constant 0 : i32
    %swap3A_820 = arith.constant 22 : i32
    %swap3A_821 = arith.index_cast %swap3A_819 : i32 to index
    %swap3A_822 = arith.index_cast %swap3A_820 : i32 to index
    %swap3A_823 = arith.constant 64 : index
    %swap3A_824 = tpu.vector_load %arg5[%swap3A_821, %swap3A_822, %swap3A_823] {strides = array<i32>} : memref<2x32x81xf32, #tpu.memory_space<vmem>>, vector<16xf32>,
    tpu.vector_store %arg5[%swap3A_821, %swap3A_822, %swap3A_823], %broadcast_in_dim3A_3 {strides = array<i32>} : memref<2x32x81xf32, #tpu.memory_space<vmem>>, vector<16xf32>,
    %swap3A_825 = arith.constant 0 : i32
    %swap3A_826 = arith.constant 22 : i32
    %swap3A_827 = arith.index_cast %swap3A_825 : i32 to index
    %swap3A_828 = arith.index_cast %swap3A_826 : i32 to index
    %swap3A_829 = arith.constant 65 : index
    %swap3A_830 = tpu.vector_load %arg5[%swap3A_827, %swap3A_828, %swap3A_829] {strides = array<i32>} : memref<2x32x81xf32, #tpu.memory_space<vmem>>, vector<16xf32>,
    tpu.vector_store %arg5[%swap3A_827, %swap3A_828, %swap3A_829], %broadcast_in_dim3A_3 {strides = array<i32>} : memref<2x32x81xf32, #tpu.memory_space<vmem>>, vector<16xf32>,
    %swap3A_831 = arith.constant 0 : i32
    %swap3A_832 = arith.constant 23 : i32
    %swap3A_833 = arith.index_cast %swap3A_831 : i32 to index
    %swap3A_834 = arith.index_cast %swap3A_832 : i32 to index
    %swap3A_835 = arith.constant 0 : index
    %swap3A_836 = tpu.vector_load %arg5[%swap3A_833, %swap3A_834, %swap3A_835] {strides = array<i32>} : memref<2x32x81xf32, #tpu.memory_space<vmem>>, vector<16xf32>,
    tpu.vector_store %arg5[%swap3A_833, %swap3A_834, %swap3A_835], %broadcast_in_dim3A_3 {strides = array<i32>} : memref<2x32x81xf32, #tpu.memory_space<vmem>>, vector<16xf32>,
    %swap3A_837 = arith.constant 0 : i32
    %swap3A_838 = arith.constant 23 : i32
    %swap3A_839 = arith.index_cast %swap3A_837 : i32 to index
    %swap3A_840 = arith.index_cast %swap3A_838 : i32 to index
    %swap3A_841 = arith.constant 16 : index
    %swap3A_842 = tpu.vector_load %arg5[%swap3A_839, %swap3A_840, %swap3A_841] {strides = array<i32>} : memref<2x32x81xf32, #tpu.memory_space<vmem>>, vector<16xf32>,
    tpu.vector_store %arg5[%swap3A_839, %swap3A_840, %swap3A_841], %broadcast_in_dim3A_3 {strides = array<i32>} : memref<2x32x81xf32, #tpu.memory_space<vmem>>, vector<16xf32>,
    %swap3A_843 = arith.constant 0 : i32
    %swap3A_844 = arith.constant 23 : i32
    %swap3A_845 = arith.index_cast %swap3A_843 : i32 to index
    %swap3A_846 = arith.index_cast %swap3A_844 : i32 to index
    %swap3A_847 = arith.constant 32 : index
    %swap3A_848 = tpu.vector_load %arg5[%swap3A_845, %swap3A_846, %swap3A_847] {strides = array<i32>} : memref<2x32x81xf32, #tpu.memory_space<vmem>>, vector<16xf32>,
    tpu.vector_store %arg5[%swap3A_845, %swap3A_846, %swap3A_847], %broadcast_in_dim3A_3 {strides = array<i32>} : memref<2x32x81xf32, #tpu.memory_space<vmem>>, vector<16xf32>,
    %swap3A_849 = arith.constant 0 : i32
    %swap3A_850 = arith.constant 23 : i32
    %swap3A_851 = arith.index_cast %swap3A_849 : i32 to index
    %swap3A_852 = arith.index_cast %swap3A_850 : i32 to index
    %swap3A_853 = arith.constant 48 : index
    %swap3A_854 = tpu.vector_load %arg5[%swap3A_851, %swap3A_852, %swap3A_853] {strides = array<i32>} : memref<2x32x81xf32, #tpu.memory_space<vmem>>, vector<16xf32>,
    tpu.vector_store %arg5[%swap3A_851, %swap3A_852, %swap3A_853], %broadcast_in_dim3A_3 {strides = array<i32>} : memref<2x32x81xf32, #tpu.memory_space<vmem>>, vector<16xf32>,
    %swap3A_855 = arith.constant 0 : i32
    %swap3A_856 = arith.constant 23 : i32
    %swap3A_857 = arith.index_cast %swap3A_855 : i32 to index
    %swap3A_858 = arith.index_cast %swap3A_856 : i32 to index
    %swap3A_859 = arith.constant 64 : index
    %swap3A_860 = tpu.vector_load %arg5[%swap3A_857, %swap3A_858, %swap3A_859] {strides = array<i32>} : memref<2x32x81xf32, #tpu.memory_space<vmem>>, vector<16xf32>,
    tpu.vector_store %arg5[%swap3A_857, %swap3A_858, %swap3A_859], %broadcast_in_dim3A_3 {strides = array<i32>} : memref<2x32x81xf32, #tpu.memory_space<vmem>>, vector<16xf32>,
    %swap3A_861 = arith.constant 0 : i32
    %swap3A_862 = arith.constant 23 : i32
    %swap3A_863 = arith.index_cast %swap3A_861 : i32 to index
    %swap3A_864 = arith.index_cast %swap3A_862 : i32 to index
    %swap3A_865 = arith.constant 65 : index
    %swap3A_866 = tpu.vector_load %arg5[%swap3A_863, %swap3A_864, %swap3A_865] {strides = array<i32>} : memref<2x32x81xf32, #tpu.memory_space<vmem>>, vector<16xf32>,
    tpu.vector_store %arg5[%swap3A_863, %swap3A_864, %swap3A_865], %broadcast_in_dim3A_3 {strides = array<i32>} : memref<2x32x81xf32, #tpu.memory_space<vmem>>, vector<16xf32>,
    %swap3A_867 = arith.constant 0 : i32
    %swap3A_868 = arith.constant 24 : i32
    %swap3A_869 = arith.index_cast %swap3A_867 : i32 to index
    %swap3A_870 = arith.index_cast %swap3A_868 : i32 to index
    %swap3A_871 = arith.constant 0 : index
    %swap3A_872 = tpu.vector_load %arg5[%swap3A_869, %swap3A_870, %swap3A_871] {strides = array<i32>} : memref<2x32x81xf32, #tpu.memory_space<vmem>>, vector<16xf32>,
    tpu.vector_store %arg5[%swap3A_869, %swap3A_870, %swap3A_871], %broadcast_in_dim3A_3 {strides = array<i32>} : memref<2x32x81xf32, #tpu.memory_space<vmem>>, vector<16xf32>,
    %swap3A_873 = arith.constant 0 : i32
    %swap3A_874 = arith.constant 24 : i32
    %swap3A_875 = arith.index_cast %swap3A_873 : i32 to index
    %swap3A_876 = arith.index_cast %swap3A_874 : i32 to index
    %swap3A_877 = arith.constant 16 : index
    %swap3A_878 = tpu.vector_load %arg5[%swap3A_875, %swap3A_876, %swap3A_877] {strides = array<i32>} : memref<2x32x81xf32, #tpu.memory_space<vmem>>, vector<16xf32>,
    tpu.vector_store %arg5[%swap3A_875, %swap3A_876, %swap3A_877], %broadcast_in_dim3A_3 {strides = array<i32>} : memref<2x32x81xf32, #tpu.memory_space<vmem>>, vector<16xf32>,
    %swap3A_879 = arith.constant 0 : i32
    %swap3A_880 = arith.constant 24 : i32
    %swap3A_881 = arith.index_cast %swap3A_879 : i32 to index
    %swap3A_882 = arith.index_cast %swap3A_880 : i32 to index
    %swap3A_883 = arith.constant 32 : index
    %swap3A_884 = tpu.vector_load %arg5[%swap3A_881, %swap3A_882, %swap3A_883] {strides = array<i32>} : memref<2x32x81xf32, #tpu.memory_space<vmem>>, vector<16xf32>,
    tpu.vector_store %arg5[%swap3A_881, %swap3A_882, %swap3A_883], %broadcast_in_dim3A_3 {strides = array<i32>} : memref<2x32x81xf32, #tpu.memory_space<vmem>>, vector<16xf32>,
    %swap3A_885 = arith.constant 0 : i32
    %swap3A_886 = arith.constant 24 : i32
    %swap3A_887 = arith.index_cast %swap3A_885 : i32 to index
    %swap3A_888 = arith.index_cast %swap3A_886 : i32 to index
    %swap3A_889 = arith.constant 48 : index
    %swap3A_890 = tpu.vector_load %arg5[%swap3A_887, %swap3A_888, %swap3A_889] {strides = array<i32>} : memref<2x32x81xf32, #tpu.memory_space<vmem>>, vector<16xf32>,
    tpu.vector_store %arg5[%swap3A_887, %swap3A_888, %swap3A_889], %broadcast_in_dim3A_3 {strides = array<i32>} : memref<2x32x81xf32, #tpu.memory_space<vmem>>, vector<16xf32>,
    %swap3A_891 = arith.constant 0 : i32
    %swap3A_892 = arith.constant 24 : i32
    %swap3A_893 = arith.index_cast %swap3A_891 : i32 to index
    %swap3A_894 = arith.index_cast %swap3A_892 : i32 to index
    %swap3A_895 = arith.constant 64 : index
    %swap3A_896 = tpu.vector_load %arg5[%swap3A_893, %swap3A_894, %swap3A_895] {strides = array<i32>} : memref<2x32x81xf32, #tpu.memory_space<vmem>>, vector<16xf32>,
    tpu.vector_store %arg5[%swap3A_893, %swap3A_894, %swap3A_895], %broadcast_in_dim3A_3 {strides = array<i32>} : memref<2x32x81xf32, #tpu.memory_space<vmem>>, vector<16xf32>,
    %swap3A_897 = arith.constant 0 : i32
    %swap3A_898 = arith.constant 24 : i32
    %swap3A_899 = arith.index_cast %swap3A_897 : i32 to index
    %swap3A_900 = arith.index_cast %swap3A_898 : i32 to index
    %swap3A_901 = arith.constant 65 : index
    %swap3A_902 = tpu.vector_load %arg5[%swap3A_899, %swap3A_900, %swap3A_901] {strides = array<i32>} : memref<2x32x81xf32, #tpu.memory_space<vmem>>, vector<16xf32>,
    tpu.vector_store %arg5[%swap3A_899, %swap3A_900, %swap3A_901], %broadcast_in_dim3A_3 {strides = array<i32>} : memref<2x32x81xf32, #tpu.memory_space<vmem>>, vector<16xf32>,
    %swap3A_903 = arith.constant 0 : i32
    %swap3A_904 = arith.constant 25 : i32
    %swap3A_905 = arith.index_cast %swap3A_903 : i32 to index
    %swap3A_906 = arith.index_cast %swap3A_904 : i32 to index
    %swap3A_907 = arith.constant 0 : index
    %swap3A_908 = tpu.vector_load %arg5[%swap3A_905, %swap3A_906, %swap3A_907] {strides = array<i32>} : memref<2x32x81xf32, #tpu.memory_space<vmem>>, vector<16xf32>,
    tpu.vector_store %arg5[%swap3A_905, %swap3A_906, %swap3A_907], %broadcast_in_dim3A_3 {strides = array<i32>} : memref<2x32x81xf32, #tpu.memory_space<vmem>>, vector<16xf32>,
    %swap3A_909 = arith.constant 0 : i32
    %swap3A_910 = arith.constant 25 : i32
    %swap3A_911 = arith.index_cast %swap3A_909 : i32 to index
    %swap3A_912 = arith.index_cast %swap3A_910 : i32 to index
    %swap3A_913 = arith.constant 16 : index
    %swap3A_914 = tpu.vector_load %arg5[%swap3A_911, %swap3A_912, %swap3A_913] {strides = array<i32>} : memref<2x32x81xf32, #tpu.memory_space<vmem>>, vector<16xf32>,
    tpu.vector_store %arg5[%swap3A_911, %swap3A_912, %swap3A_913], %broadcast_in_dim3A_3 {strides = array<i32>} : memref<2x32x81xf32, #tpu.memory_space<vmem>>, vector<16xf32>,
    %swap3A_915 = arith.constant 0 : i32
    %swap3A_916 = arith.constant 25 : i32
    %swap3A_917 = arith.index_cast %swap3A_915 : i32 to index
    %swap3A_918 = arith.index_cast %swap3A_916 : i32 to index
    %swap3A_919 = arith.constant 32 : index
    %swap3A_920 = tpu.vector_load %arg5[%swap3A_917, %swap3A_918, %swap3A_919] {strides = array<i32>} : memref<2x32x81xf32, #tpu.memory_space<vmem>>, vector<16xf32>,
    tpu.vector_store %arg5[%swap3A_917, %swap3A_918, %swap3A_919], %broadcast_in_dim3A_3 {strides = array<i32>} : memref<2x32x81xf32, #tpu.memory_space<vmem>>, vector<16xf32>,
    %swap3A_921 = arith.constant 0 : i32
    %swap3A_922 = arith.constant 25 : i32
    %swap3A_923 = arith.index_cast %swap3A_921 : i32 to index
    %swap3A_924 = arith.index_cast %swap3A_922 : i32 to index
    %swap3A_925 = arith.constant 48 : index
    %swap3A_926 = tpu.vector_load %arg5[%swap3A_923, %swap3A_924, %swap3A_925] {strides = array<i32>} : memref<2x32x81xf32, #tpu.memory_space<vmem>>, vector<16xf32>,
    tpu.vector_store %arg5[%swap3A_923, %swap3A_924, %swap3A_925], %broadcast_in_dim3A_3 {strides = array<i32>} : memref<2x32x81xf32, #tpu.memory_space<vmem>>, vector<16xf32>,
    %swap3A_927 = arith.constant 0 : i32
    %swap3A_928 = arith.constant 25 : i32
    %swap3A_929 = arith.index_cast %swap3A_927 : i32 to index
    %swap3A_930 = arith.index_cast %swap3A_928 : i32 to index
    %swap3A_931 = arith.constant 64 : index
    %swap3A_932 = tpu.vector_load %arg5[%swap3A_929, %swap3A_930, %swap3A_931] {strides = array<i32>} : memref<2x32x81xf32, #tpu.memory_space<vmem>>, vector<16xf32>,
    tpu.vector_store %arg5[%swap3A_929, %swap3A_930, %swap3A_931], %broadcast_in_dim3A_3 {strides = array<i32>} : memref<2x32x81xf32, #tpu.memory_space<vmem>>, vector<16xf32>,
    %swap3A_933 = arith.constant 0 : i32
    %swap3A_934 = arith.constant 25 : i32
    %swap3A_935 = arith.index_cast %swap3A_933 : i32 to index
    %swap3A_936 = arith.index_cast %swap3A_934 : i32 to index
    %swap3A_937 = arith.constant 65 : index
    %swap3A_938 = tpu.vector_load %arg5[%swap3A_935, %swap3A_936, %swap3A_937] {strides = array<i32>} : memref<2x32x81xf32, #tpu.memory_space<vmem>>, vector<16xf32>,
    tpu.vector_store %arg5[%swap3A_935, %swap3A_936, %swap3A_937], %broadcast_in_dim3A_3 {strides = array<i32>} : memref<2x32x81xf32, #tpu.memory_space<vmem>>, vector<16xf32>,
    %swap3A_939 = arith.constant 0 : i32
    %swap3A_940 = arith.constant 26 : i32
    %swap3A_941 = arith.index_cast %swap3A_939 : i32 to index
    %swap3A_942 = arith.index_cast %swap3A_940 : i32 to index
    %swap3A_943 = arith.constant 0 : index
    %swap3A_944 = tpu.vector_load %arg5[%swap3A_941, %swap3A_942, %swap3A_943] {strides = array<i32>} : memref<2x32x81xf32, #tpu.memory_space<vmem>>, vector<16xf32>,
    tpu.vector_store %arg5[%swap3A_941, %swap3A_942, %swap3A_943], %broadcast_in_dim3A_3 {strides = array<i32>} : memref<2x32x81xf32, #tpu.memory_space<vmem>>, vector<16xf32>,
    %swap3A_945 = arith.constant 0 : i32
    %swap3A_946 = arith.constant 26 : i32
    %swap3A_947 = arith.index_cast %swap3A_945 : i32 to index
    %swap3A_948 = arith.index_cast %swap3A_946 : i32 to index
    %swap3A_949 = arith.constant 16 : index
    %swap3A_950 = tpu.vector_load %arg5[%swap3A_947, %swap3A_948, %swap3A_949] {strides = array<i32>} : memref<2x32x81xf32, #tpu.memory_space<vmem>>, vector<16xf32>,
    tpu.vector_store %arg5[%swap3A_947, %swap3A_948, %swap3A_949], %broadcast_in_dim3A_3 {strides = array<i32>} : memref<2x32x81xf32, #tpu.memory_space<vmem>>, vector<16xf32>,
    %swap3A_951 = arith.constant 0 : i32
    %swap3A_952 = arith.constant 26 : i32
    %swap3A_953 = arith.index_cast %swap3A_951 : i32 to index
    %swap3A_954 = arith.index_cast %swap3A_952 : i32 to index
    %swap3A_955 = arith.constant 32 : index
    %swap3A_956 = tpu.vector_load %arg5[%swap3A_953, %swap3A_954, %swap3A_955] {strides = array<i32>} : memref<2x32x81xf32, #tpu.memory_space<vmem>>, vector<16xf32>,
    tpu.vector_store %arg5[%swap3A_953, %swap3A_954, %swap3A_955], %broadcast_in_dim3A_3 {strides = array<i32>} : memref<2x32x81xf32, #tpu.memory_space<vmem>>, vector<16xf32>,
    %swap3A_957 = arith.constant 0 : i32
    %swap3A_958 = arith.constant 26 : i32
    %swap3A_959 = arith.index_cast %swap3A_957 : i32 to index
    %swap3A_960 = arith.index_cast %swap3A_958 : i32 to index
    %swap3A_961 = arith.constant 48 : index
    %swap3A_962 = tpu.vector_load %arg5[%swap3A_959, %swap3A_960, %swap3A_961] {strides = array<i32>} : memref<2x32x81xf32, #tpu.memory_space<vmem>>, vector<16xf32>,
    tpu.vector_store %arg5[%swap3A_959, %swap3A_960, %swap3A_961], %broadcast_in_dim3A_3 {strides = array<i32>} : memref<2x32x81xf32, #tpu.memory_space<vmem>>, vector<16xf32>,
    %swap3A_963 = arith.constant 0 : i32
    %swap3A_964 = arith.constant 26 : i32
    %swap3A_965 = arith.index_cast %swap3A_963 : i32 to index
    %swap3A_966 = arith.index_cast %swap3A_964 : i32 to index
    %swap3A_967 = arith.constant 64 : index
    %swap3A_968 = tpu.vector_load %arg5[%swap3A_965, %swap3A_966, %swap3A_967] {strides = array<i32>} : memref<2x32x81xf32, #tpu.memory_space<vmem>>, vector<16xf32>,
    tpu.vector_store %arg5[%swap3A_965, %swap3A_966, %swap3A_967], %broadcast_in_dim3A_3 {strides = array<i32>} : memref<2x32x81xf32, #tpu.memory_space<vmem>>, vector<16xf32>,
    %swap3A_969 = arith.constant 0 : i32
    %swap3A_970 = arith.constant 26 : i32
    %swap3A_971 = arith.index_cast %swap3A_969 : i32 to index
    %swap3A_972 = arith.index_cast %swap3A_970 : i32 to index
    %swap3A_973 = arith.constant 65 : index
    %swap3A_974 = tpu.vector_load %arg5[%swap3A_971, %swap3A_972, %swap3A_973] {strides = array<i32>} : memref<2x32x81xf32, #tpu.memory_space<vmem>>, vector<16xf32>,
    tpu.vector_store %arg5[%swap3A_971, %swap3A_972, %swap3A_973], %broadcast_in_dim3A_3 {strides = array<i32>} : memref<2x32x81xf32, #tpu.memory_space<vmem>>, vector<16xf32>,
    %swap3A_975 = arith.constant 0 : i32
    %swap3A_976 = arith.constant 27 : i32
    %swap3A_977 = arith.index_cast %swap3A_975 : i32 to index
    %swap3A_978 = arith.index_cast %swap3A_976 : i32 to index
    %swap3A_979 = arith.constant 0 : index
    %swap3A_980 = tpu.vector_load %arg5[%swap3A_977, %swap3A_978, %swap3A_979] {strides = array<i32>} : memref<2x32x81xf32, #tpu.memory_space<vmem>>, vector<16xf32>,
    tpu.vector_store %arg5[%swap3A_977, %swap3A_978, %swap3A_979], %broadcast_in_dim3A_3 {strides = array<i32>} : memref<2x32x81xf32, #tpu.memory_space<vmem>>, vector<16xf32>,
    %swap3A_981 = arith.constant 0 : i32
    %swap3A_982 = arith.constant 27 : i32
    %swap3A_983 = arith.index_cast %swap3A_981 : i32 to index
    %swap3A_984 = arith.index_cast %swap3A_982 : i32 to index
    %swap3A_985 = arith.constant 16 : index
    %swap3A_986 = tpu.vector_load %arg5[%swap3A_983, %swap3A_984, %swap3A_985] {strides = array<i32>} : memref<2x32x81xf32, #tpu.memory_space<vmem>>, vector<16xf32>,
    tpu.vector_store %arg5[%swap3A_983, %swap3A_984, %swap3A_985], %broadcast_in_dim3A_3 {strides = array<i32>} : memref<2x32x81xf32, #tpu.memory_space<vmem>>, vector<16xf32>,
    %swap3A_987 = arith.constant 0 : i32
    %swap3A_988 = arith.constant 27 : i32
    %swap3A_989 = arith.index_cast %swap3A_987 : i32 to index
    %swap3A_990 = arith.index_cast %swap3A_988 : i32 to index
    %swap3A_991 = arith.constant 32 : index
    %swap3A_992 = tpu.vector_load %arg5[%swap3A_989, %swap3A_990, %swap3A_991] {strides = array<i32>} : memref<2x32x81xf32, #tpu.memory_space<vmem>>, vector<16xf32>,
    tpu.vector_store %arg5[%swap3A_989, %swap3A_990, %swap3A_991], %broadcast_in_dim3A_3 {strides = array<i32>} : memref<2x32x81xf32, #tpu.memory_space<vmem>>, vector<16xf32>,
    %swap3A_993 = arith.constant 0 : i32
    %swap3A_994 = arith.constant 27 : i32
    %swap3A_995 = arith.index_cast %swap3A_993 : i32 to index
    %swap3A_996 = arith.index_cast %swap3A_994 : i32 to index
    %swap3A_997 = arith.constant 48 : index
    %swap3A_998 = tpu.vector_load %arg5[%swap3A_995, %swap3A_996, %swap3A_997] {strides = array<i32>} : memref<2x32x81xf32, #tpu.memory_space<vmem>>, vector<16xf32>,
    tpu.vector_store %arg5[%swap3A_995, %swap3A_996, %swap3A_997], %broadcast_in_dim3A_3 {strides = array<i32>} : memref<2x32x81xf32, #tpu.memory_space<vmem>>, vector<16xf32>,
    %swap3A_999 = arith.constant 0 : i32
    %swap3A_1000 = arith.constant 27 : i32
    %swap3A_1001 = arith.index_cast %swap3A_999 : i32 to index
    %swap3A_1002 = arith.index_cast %swap3A_1000 : i32 to index
    %swap3A_1003 = arith.constant 64 : index
    %swap3A_1004 = tpu.vector_load %arg5[%swap3A_1001, %swap3A_1002, %swap3A_1003] {strides = array<i32>} : memref<2x32x81xf32, #tpu.memory_space<vmem>>, vector<16xf32>,
    tpu.vector_store %arg5[%swap3A_1001, %swap3A_1002, %swap3A_1003], %broadcast_in_dim3A_3 {strides = array<i32>} : memref<2x32x81xf32, #tpu.memory_space<vmem>>, vector<16xf32>,
    %swap3A_1005 = arith.constant 0 : i32
    %swap3A_1006 = arith.constant 27 : i32
    %swap3A_1007 = arith.index_cast %swap3A_1005 : i32 to index
    %swap3A_1008 = arith.index_cast %swap3A_1006 : i32 to index
    %swap3A_1009 = arith.constant 65 : index
    %swap3A_1010 = tpu.vector_load %arg5[%swap3A_1007, %swap3A_1008, %swap3A_1009] {strides = array<i32>} : memref<2x32x81xf32, #tpu.memory_space<vmem>>, vector<16xf32>,
    tpu.vector_store %arg5[%swap3A_1007, %swap3A_1008, %swap3A_1009], %broadcast_in_dim3A_3 {strides = array<i32>} : memref<2x32x81xf32, #tpu.memory_space<vmem>>, vector<16xf32>,
    %swap3A_1011 = arith.constant 0 : i32
    %swap3A_1012 = arith.constant 28 : i32
    %swap3A_1013 = arith.index_cast %swap3A_1011 : i32 to index
    %swap3A_1014 = arith.index_cast %swap3A_1012 : i32 to index
    %swap3A_1015 = arith.constant 0 : index
    %swap3A_1016 = tpu.vector_load %arg5[%swap3A_1013, %swap3A_1014, %swap3A_1015] {strides = array<i32>} : memref<2x32x81xf32, #tpu.memory_space<vmem>>, vector<16xf32>,
    tpu.vector_store %arg5[%swap3A_1013, %swap3A_1014, %swap3A_1015], %broadcast_in_dim3A_3 {strides = array<i32>} : memref<2x32x81xf32, #tpu.memory_space<vmem>>, vector<16xf32>,
    %swap3A_1017 = arith.constant 0 : i32
    %swap3A_1018 = arith.constant 28 : i32
    %swap3A_1019 = arith.index_cast %swap3A_1017 : i32 to index
    %swap3A_1020 = arith.index_cast %swap3A_1018 : i32 to index
    %swap3A_1021 = arith.constant 16 : index
    %swap3A_1022 = tpu.vector_load %arg5[%swap3A_1019, %swap3A_1020, %swap3A_1021] {strides = array<i32>} : memref<2x32x81xf32, #tpu.memory_space<vmem>>, vector<16xf32>,
    tpu.vector_store %arg5[%swap3A_1019, %swap3A_1020, %swap3A_1021], %broadcast_in_dim3A_3 {strides = array<i32>} : memref<2x32x81xf32, #tpu.memory_space<vmem>>, vector<16xf32>,
    %swap3A_1023 = arith.constant 0 : i32
    %swap3A_1024 = arith.constant 28 : i32
    %swap3A_1025 = arith.index_cast %swap3A_1023 : i32 to index
    %swap3A_1026 = arith.index_cast %swap3A_1024 : i32 to index
    %swap3A_1027 = arith.constant 32 : index
    %swap3A_1028 = tpu.vector_load %arg5[%swap3A_1025, %swap3A_1026, %swap3A_1027] {strides = array<i32>} : memref<2x32x81xf32, #tpu.memory_space<vmem>>, vector<16xf32>,
    tpu.vector_store %arg5[%swap3A_1025, %swap3A_1026, %swap3A_1027], %broadcast_in_dim3A_3 {strides = array<i32>} : memref<2x32x81xf32, #tpu.memory_space<vmem>>, vector<16xf32>,
    %swap3A_1029 = arith.constant 0 : i32
    %swap3A_1030 = arith.constant 28 : i32
    %swap3A_1031 = arith.index_cast %swap3A_1029 : i32 to index
    %swap3A_1032 = arith.index_cast %swap3A_1030 : i32 to index
    %swap3A_1033 = arith.constant 48 : index
    %swap3A_1034 = tpu.vector_load %arg5[%swap3A_1031, %swap3A_1032, %swap3A_1033] {strides = array<i32>} : memref<2x32x81xf32, #tpu.memory_space<vmem>>, vector<16xf32>,
    tpu.vector_store %arg5[%swap3A_1031, %swap3A_1032, %swap3A_1033], %broadcast_in_dim3A_3 {strides = array<i32>} : memref<2x32x81xf32, #tpu.memory_space<vmem>>, vector<16xf32>,
    %swap3A_1035 = arith.constant 0 : i32
    %swap3A_1036 = arith.constant 28 : i32
    %swap3A_1037 = arith.index_cast %swap3A_1035 : i32 to index
    %swap3A_1038 = arith.index_cast %swap3A_1036 : i32 to index
    %swap3A_1039 = arith.constant 64 : index
    %swap3A_1040 = tpu.vector_load %arg5[%swap3A_1037, %swap3A_1038, %swap3A_1039] {strides = array<i32>} : memref<2x32x81xf32, #tpu.memory_space<vmem>>, vector<16xf32>,
    tpu.vector_store %arg5[%swap3A_1037, %swap3A_1038, %swap3A_1039], %broadcast_in_dim3A_3 {strides = array<i32>} : memref<2x32x81xf32, #tpu.memory_space<vmem>>, vector<16xf32>,
    %swap3A_1041 = arith.constant 0 : i32
    %swap3A_1042 = arith.constant 28 : i32
    %swap3A_1043 = arith.index_cast %swap3A_1041 : i32 to index
    %swap3A_1044 = arith.index_cast %swap3A_1042 : i32 to index
    %swap3A_1045 = arith.constant 65 : index
    %swap3A_1046 = tpu.vector_load %arg5[%swap3A_1043, %swap3A_1044, %swap3A_1045] {strides = array<i32>} : memref<2x32x81xf32, #tpu.memory_space<vmem>>, vector<16xf32>,
    tpu.vector_store %arg5[%swap3A_1043, %swap3A_1044, %swap3A_1045], %broadcast_in_dim3A_3 {strides = array<i32>} : memref<2x32x81xf32, #tpu.memory_space<vmem>>, vector<16xf32>,
    %swap3A_1047 = arith.constant 0 : i32
    %swap3A_1048 = arith.constant 29 : i32
    %swap3A_1049 = arith.index_cast %swap3A_1047 : i32 to index
    %swap3A_1050 = arith.index_cast %swap3A_1048 : i32 to index
    %swap3A_1051 = arith.constant 0 : index
    %swap3A_1052 = tpu.vector_load %arg5[%swap3A_1049, %swap3A_1050, %swap3A_1051] {strides = array<i32>} : memref<2x32x81xf32, #tpu.memory_space<vmem>>, vector<16xf32>,
    tpu.vector_store %arg5[%swap3A_1049, %swap3A_1050, %swap3A_1051], %broadcast_in_dim3A_3 {strides = array<i32>} : memref<2x32x81xf32, #tpu.memory_space<vmem>>, vector<16xf32>,
    %swap3A_1053 = arith.constant 0 : i32
    %swap3A_1054 = arith.constant 29 : i32
    %swap3A_1055 = arith.index_cast %swap3A_1053 : i32 to index
    %swap3A_1056 = arith.index_cast %swap3A_1054 : i32 to index
    %swap3A_1057 = arith.constant 16 : index
    %swap3A_1058 = tpu.vector_load %arg5[%swap3A_1055, %swap3A_1056, %swap3A_1057] {strides = array<i32>} : memref<2x32x81xf32, #tpu.memory_space<vmem>>, vector<16xf32>,
    tpu.vector_store %arg5[%swap3A_1055, %swap3A_1056, %swap3A_1057], %broadcast_in_dim3A_3 {strides = array<i32>} : memref<2x32x81xf32, #tpu.memory_space<vmem>>, vector<16xf32>,
    %swap3A_1059 = arith.constant 0 : i32
    %swap3A_1060 = arith.constant 29 : i32
    %swap3A_1061 = arith.index_cast %swap3A_1059 : i32 to index
    %swap3A_1062 = arith.index_cast %swap3A_1060 : i32 to index
    %swap3A_1063 = arith.constant 32 : index
    %swap3A_1064 = tpu.vector_load %arg5[%swap3A_1061, %swap3A_1062, %swap3A_1063] {strides = array<i32>} : memref<2x32x81xf32, #tpu.memory_space<vmem>>, vector<16xf32>,
    tpu.vector_store %arg5[%swap3A_1061, %swap3A_1062, %swap3A_1063], %broadcast_in_dim3A_3 {strides = array<i32>} : memref<2x32x81xf32, #tpu.memory_space<vmem>>, vector<16xf32>,
    %swap3A_1065 = arith.constant 0 : i32
    %swap3A_1066 = arith.constant 29 : i32
    %swap3A_1067 = arith.index_cast %swap3A_1065 : i32 to index
    %swap3A_1068 = arith.index_cast %swap3A_1066 : i32 to index
    %swap3A_1069 = arith.constant 48 : index
    %swap3A_1070 = tpu.vector_load %arg5[%swap3A_1067, %swap3A_1068, %swap3A_1069] {strides = array<i32>} : memref<2x32x81xf32, #tpu.memory_space<vmem>>, vector<16xf32>,
    tpu.vector_store %arg5[%swap3A_1067, %swap3A_1068, %swap3A_1069], %broadcast_in_dim3A_3 {strides = array<i32>} : memref<2x32x81xf32, #tpu.memory_space<vmem>>, vector<16xf32>,
    %swap3A_1071 = arith.constant 0 : i32
    %swap3A_1072 = arith.constant 29 : i32
    %swap3A_1073 = arith.index_cast %swap3A_1071 : i32 to index
    %swap3A_1074 = arith.index_cast %swap3A_1072 : i32 to index
    %swap3A_1075 = arith.constant 64 : index
    %swap3A_1076 = tpu.vector_load %arg5[%swap3A_1073, %swap3A_1074, %swap3A_1075] {strides = array<i32>} : memref<2x32x81xf32, #tpu.memory_space<vmem>>, vector<16xf32>,
    tpu.vector_store %arg5[%swap3A_1073, %swap3A_1074, %swap3A_1075], %broadcast_in_dim3A_3 {strides = array<i32>} : memref<2x32x81xf32, #tpu.memory_space<vmem>>, vector<16xf32>,
    %swap3A_1077 = arith.constant 0 : i32
    %swap3A_1078 = arith.constant 29 : i32
    %swap3A_1079 = arith.index_cast %swap3A_1077 : i32 to index
    %swap3A_1080 = arith.index_cast %swap3A_1078 : i32 to index
    %swap3A_1081 = arith.constant 65 : index
    %swap3A_1082 = tpu.vector_load %arg5[%swap3A_1079, %swap3A_1080, %swap3A_1081] {strides = array<i32>} : memref<2x32x81xf32, #tpu.memory_space<vmem>>, vector<16xf32>,
    tpu.vector_store %arg5[%swap3A_1079, %swap3A_1080, %swap3A_1081], %broadcast_in_dim3A_3 {strides = array<i32>} : memref<2x32x81xf32, #tpu.memory_space<vmem>>, vector<16xf32>,
    %swap3A_1083 = arith.constant 0 : i32
    %swap3A_1084 = arith.constant 30 : i32
    %swap3A_1085 = arith.index_cast %swap3A_1083 : i32 to index
    %swap3A_1086 = arith.index_cast %swap3A_1084 : i32 to index
    %swap3A_1087 = arith.constant 0 : index
    %swap3A_1088 = tpu.vector_load %arg5[%swap3A_1085, %swap3A_1086, %swap3A_1087] {strides = array<i32>} : memref<2x32x81xf32, #tpu.memory_space<vmem>>, vector<16xf32>,
    tpu.vector_store %arg5[%swap3A_1085, %swap3A_1086, %swap3A_1087], %broadcast_in_dim3A_3 {strides = array<i32>} : memref<2x32x81xf32, #tpu.memory_space<vmem>>, vector<16xf32>,
    %swap3A_1089 = arith.constant 0 : i32
    %swap3A_1090 = arith.constant 30 : i32
    %swap3A_1091 = arith.index_cast %swap3A_1089 : i32 to index
    %swap3A_1092 = arith.index_cast %swap3A_1090 : i32 to index
    %swap3A_1093 = arith.constant 16 : index
    %swap3A_1094 = tpu.vector_load %arg5[%swap3A_1091, %swap3A_1092, %swap3A_1093] {strides = array<i32>} : memref<2x32x81xf32, #tpu.memory_space<vmem>>, vector<16xf32>,
    tpu.vector_store %arg5[%swap3A_1091, %swap3A_1092, %swap3A_1093], %broadcast_in_dim3A_3 {strides = array<i32>} : memref<2x32x81xf32, #tpu.memory_space<vmem>>, vector<16xf32>,
    %swap3A_1095 = arith.constant 0 : i32
    %swap3A_1096 = arith.constant 30 : i32
    %swap3A_1097 = arith.index_cast %swap3A_1095 : i32 to index
    %swap3A_1098 = arith.index_cast %swap3A_1096 : i32 to index
    %swap3A_1099 = arith.constant 32 : index
    %swap3A_1100 = tpu.vector_load %arg5[%swap3A_1097, %swap3A_1098, %swap3A_1099] {strides = array<i32>} : memref<2x32x81xf32, #tpu.memory_space<vmem>>, vector<16xf32>,
    tpu.vector_store %arg5[%swap3A_1097, %swap3A_1098, %swap3A_1099], %broadcast_in_dim3A_3 {strides = array<i32>} : memref<2x32x81xf32, #tpu.memory_space<vmem>>, vector<16xf32>,
    %swap3A_1101 = arith.constant 0 : i32
    %swap3A_1102 = arith.constant 30 : i32
    %swap3A_1103 = arith.index_cast %swap3A_1101 : i32 to index
    %swap3A_1104 = arith.index_cast %swap3A_1102 : i32 to index
    %swap3A_1105 = arith.constant 48 : index
    %swap3A_1106 = tpu.vector_load %arg5[%swap3A_1103, %swap3A_1104, %swap3A_1105] {strides = array<i32>} : memref<2x32x81xf32, #tpu.memory_space<vmem>>, vector<16xf32>,
    tpu.vector_store %arg5[%swap3A_1103, %swap3A_1104, %swap3A_1105], %broadcast_in_dim3A_3 {strides = array<i32>} : memref<2x32x81xf32, #tpu.memory_space<vmem>>, vector<16xf32>,
    %swap3A_1107 = arith.constant 0 : i32
    %swap3A_1108 = arith.constant 30 : i32
    %swap3A_1109 = arith.index_cast %swap3A_1107 : i32 to index
    %swap3A_1110 = arith.index_cast %swap3A_1108 : i32 to index
    %swap3A_1111 = arith.constant 64 : index
    %swap3A_1112 = tpu.vector_load %arg5[%swap3A_1109, %swap3A_1110, %swap3A_1111] {strides = array<i32>} : memref<2x32x81xf32, #tpu.memory_space<vmem>>, vector<16xf32>,
    tpu.vector_store %arg5[%swap3A_1109, %swap3A_1110, %swap3A_1111], %broadcast_in_dim3A_3 {strides = array<i32>} : memref<2x32x81xf32, #tpu.memory_space<vmem>>, vector<16xf32>,
    %swap3A_1113 = arith.constant 0 : i32
    %swap3A_1114 = arith.constant 30 : i32
    %swap3A_1115 = arith.index_cast %swap3A_1113 : i32 to index
    %swap3A_1116 = arith.index_cast %swap3A_1114 : i32 to index
    %swap3A_1117 = arith.constant 65 : index
    %swap3A_1118 = tpu.vector_load %arg5[%swap3A_1115, %swap3A_1116, %swap3A_1117] {strides = array<i32>} : memref<2x32x81xf32, #tpu.memory_space<vmem>>, vector<16xf32>,
    tpu.vector_store %arg5[%swap3A_1115, %swap3A_1116, %swap3A_1117], %broadcast_in_dim3A_3 {strides = array<i32>} : memref<2x32x81xf32, #tpu.memory_space<vmem>>, vector<16xf32>,
    %swap3A_1119 = arith.constant 0 : i32
    %swap3A_1120 = arith.constant 31 : i32
    %swap3A_1121 = arith.index_cast %swap3A_1119 : i32 to index
    %swap3A_1122 = arith.index_cast %swap3A_1120 : i32 to index
    %swap3A_1123 = arith.constant 0 : index
    %swap3A_1124 = tpu.vector_load %arg5[%swap3A_1121, %swap3A_1122, %swap3A_1123] {strides = array<i32>} : memref<2x32x81xf32, #tpu.memory_space<vmem>>, vector<16xf32>,
    tpu.vector_store %arg5[%swap3A_1121, %swap3A_1122, %swap3A_1123], %broadcast_in_dim3A_3 {strides = array<i32>} : memref<2x32x81xf32, #tpu.memory_space<vmem>>, vector<16xf32>,
    %swap3A_1125 = arith.constant 0 : i32
    %swap3A_1126 = arith.constant 31 : i32
    %swap3A_1127 = arith.index_cast %swap3A_1125 : i32 to index
    %swap3A_1128 = arith.index_cast %swap3A_1126 : i32 to index
    %swap3A_1129 = arith.constant 16 : index
    %swap3A_1130 = tpu.vector_load %arg5[%swap3A_1127, %swap3A_1128, %swap3A_1129] {strides = array<i32>} : memref<2x32x81xf32, #tpu.memory_space<vmem>>, vector<16xf32>,
    tpu.vector_store %arg5[%swap3A_1127, %swap3A_1128, %swap3A_1129], %broadcast_in_dim3A_3 {strides = array<i32>} : memref<2x32x81xf32, #tpu.memory_space<vmem>>, vector<16xf32>,
    %swap3A_1131 = arith.constant 0 : i32
    %swap3A_1132 = arith.constant 31 : i32
    %swap3A_1133 = arith.index_cast %swap3A_1131 : i32 to index
    %swap3A_1134 = arith.index_cast %swap3A_1132 : i32 to index
    %swap3A_1135 = arith.constant 32 : index
    %swap3A_1136 = tpu.vector_load %arg5[%swap3A_1133, %swap3A_1134, %swap3A_1135] {strides = array<i32>} : memref<2x32x81xf32, #tpu.memory_space<vmem>>, vector<16xf32>,
    tpu.vector_store %arg5[%swap3A_1133, %swap3A_1134, %swap3A_1135], %broadcast_in_dim3A_3 {strides = array<i32>} : memref<2x32x81xf32, #tpu.memory_space<vmem>>, vector<16xf32>,
    %swap3A_1137 = arith.constant 0 : i32
    %swap3A_1138 = arith.constant 31 : i32
    %swap3A_1139 = arith.index_cast %swap3A_1137 : i32 to index
    %swap3A_1140 = arith.index_cast %swap3A_1138 : i32 to index
    %swap3A_1141 = arith.constant 48 : index
    %swap3A_1142 = tpu.vector_load %arg5[%swap3A_1139, %swap3A_1140, %swap3A_1141] {strides = array<i32>} : memref<2x32x81xf32, #tpu.memory_space<vmem>>, vector<16xf32>,
    tpu.vector_store %arg5[%swap3A_1139, %swap3A_1140, %swap3A_1141], %broadcast_in_dim3A_3 {strides = array<i32>} : memref<2x32x81xf32, #tpu.memory_space<vmem>>, vector<16xf32>,
    %swap3A_1143 = arith.constant 0 : i32
    %swap3A_1144 = arith.constant 31 : i32
    %swap3A_1145 = arith.index_cast %swap3A_1143 : i32 to index
    %swap3A_1146 = arith.index_cast %swap3A_1144 : i32 to index
    %swap3A_1147 = arith.constant 64 : index
    %swap3A_1148 = tpu.vector_load %arg5[%swap3A_1145, %swap3A_1146, %swap3A_1147] {strides = array<i32>} : memref<2x32x81xf32, #tpu.memory_space<vmem>>, vector<16xf32>,
    tpu.vector_store %arg5[%swap3A_1145, %swap3A_1146, %swap3A_1147], %broadcast_in_dim3A_3 {strides = array<i32>} : memref<2x32x81xf32, #tpu.memory_space<vmem>>, vector<16xf32>,
    %swap3A_1149 = arith.constant 0 : i32
    %swap3A_1150 = arith.constant 31 : i32
    %swap3A_1151 = arith.index_cast %swap3A_1149 : i32 to index
    %swap3A_1152 = arith.index_cast %swap3A_1150 : i32 to index
    %swap3A_1153 = arith.constant 65 : index
    %swap3A_1154 = tpu.vector_load %arg5[%swap3A_1151, %swap3A_1152, %swap3A_1153] {strides = array<i32>} : memref<2x32x81xf32, #tpu.memory_space<vmem>>, vector<16xf32>,
    tpu.vector_store %arg5[%swap3A_1151, %swap3A_1152, %swap3A_1153], %broadcast_in_dim3A_3 {strides = array<i32>} : memref<2x32x81xf32, #tpu.memory_space<vmem>>, vector<16xf32>,
    %swap3A_1155 = arith.constant 1 : i32
    %swap3A_1156 = arith.constant 0 : i32
    %swap3A_1157 = arith.index_cast %swap3A_1155 : i32 to index
    %swap3A_1158 = arith.index_cast %swap3A_1156 : i32 to index
    %swap3A_1159 = arith.constant 0 : index
    %swap3A_1160 = tpu.vector_load %arg5[%swap3A_1157, %swap3A_1158, %swap3A_1159] {strides = array<i32>} : memref<2x32x81xf32, #tpu.memory_space<vmem>>, vector<16xf32>,
    tpu.vector_store %arg5[%swap3A_1157, %swap3A_1158, %swap3A_1159], %broadcast_in_dim3A_3 {strides = array<i32>} : memref<2x32x81xf32, #tpu.memory_space<vmem>>, vector<16xf32>,
    %swap3A_1161 = arith.constant 1 : i32
    %swap3A_1162 = arith.constant 0 : i32
    %swap3A_1163 = arith.index_cast %swap3A_1161 : i32 to index
    %swap3A_1164 = arith.index_cast %swap3A_1162 : i32 to index
    %swap3A_1165 = arith.constant 16 : index
    %swap3A_1166 = tpu.vector_load %arg5[%swap3A_1163, %swap3A_1164, %swap3A_1165] {strides = array<i32>} : memref<2x32x81xf32, #tpu.memory_space<vmem>>, vector<16xf32>,
    tpu.vector_store %arg5[%swap3A_1163, %swap3A_1164, %swap3A_1165], %broadcast_in_dim3A_3 {strides = array<i32>} : memref<2x32x81xf32, #tpu.memory_space<vmem>>, vector<16xf32>,
    %swap3A_1167 = arith.constant 1 : i32
    %swap3A_1168 = arith.constant 0 : i32
    %swap3A_1169 = arith.index_cast %swap3A_1167 : i32 to index
    %swap3A_1170 = arith.index_cast %swap3A_1168 : i32 to index
    %swap3A_1171 = arith.constant 32 : index
    %swap3A_1172 = tpu.vector_load %arg5[%swap3A_1169, %swap3A_1170, %swap3A_1171] {strides = array<i32>} : memref<2x32x81xf32, #tpu.memory_space<vmem>>, vector<16xf32>,
    tpu.vector_store %arg5[%swap3A_1169, %swap3A_1170, %swap3A_1171], %broadcast_in_dim3A_3 {strides = array<i32>} : memref<2x32x81xf32, #tpu.memory_space<vmem>>, vector<16xf32>,
    %swap3A_1173 = arith.constant 1 : i32
    %swap3A_1174 = arith.constant 0 : i32
    %swap3A_1175 = arith.index_cast %swap3A_1173 : i32 to index
    %swap3A_1176 = arith.index_cast %swap3A_1174 : i32 to index
    %swap3A_1177 = arith.constant 48 : index
    %swap3A_1178 = tpu.vector_load %arg5[%swap3A_1175, %swap3A_1176, %swap3A_1177] {strides = array<i32>} : memref<2x32x81xf32, #tpu.memory_space<vmem>>, vector<16xf32>,
    tpu.vector_store %arg5[%swap3A_1175, %swap3A_1176, %swap3A_1177], %broadcast_in_dim3A_3 {strides = array<i32>} : memref<2x32x81xf32, #tpu.memory_space<vmem>>, vector<16xf32>,
    %swap3A_1179 = arith.constant 1 : i32
    %swap3A_1180 = arith.constant 0 : i32
    %swap3A_1181 = arith.index_cast %swap3A_1179 : i32 to index
    %swap3A_1182 = arith.index_cast %swap3A_1180 : i32 to index
    %swap3A_1183 = arith.constant 64 : index
    %swap3A_1184 = tpu.vector_load %arg5[%swap3A_1181, %swap3A_1182, %swap3A_1183] {strides = array<i32>} : memref<2x32x81xf32, #tpu.memory_space<vmem>>, vector<16xf32>,
    tpu.vector_store %arg5[%swap3A_1181, %swap3A_1182, %swap3A_1183], %broadcast_in_dim3A_3 {strides = array<i32>} : memref<2x32x81xf32, #tpu.memory_space<vmem>>, vector<16xf32>,
    %swap3A_1185 = arith.constant 1 : i32
    %swap3A_1186 = arith.constant 0 : i32
    %swap3A_1187 = arith.index_cast %swap3A_1185 : i32 to index
    %swap3A_1188 = arith.index_cast %swap3A_1186 : i32 to index
    %swap3A_1189 = arith.constant 65 : index
    %swap3A_1190 = tpu.vector_load %arg5[%swap3A_1187, %swap3A_1188, %swap3A_1189] {strides = array<i32>} : memref<2x32x81xf32, #tpu.memory_space<vmem>>, vector<16xf32>,
    tpu.vector_store %arg5[%swap3A_1187, %swap3A_1188, %swap3A_1189], %broadcast_in_dim3A_3 {strides = array<i32>} : memref<2x32x81xf32, #tpu.memory_space<vmem>>, vector<16xf32>,
    %swap3A_1191 = arith.constant 1 : i32
    %swap3A_1192 = arith.constant 1 : i32
    %swap3A_1193 = arith.index_cast %swap3A_1191 : i32 to index
    %swap3A_1194 = arith.index_cast %swap3A_1192 : i32 to index
    %swap3A_1195 = arith.constant 0 : index
    %swap3A_1196 = tpu.vector_load %arg5[%swap3A_1193, %swap3A_1194, %swap3A_1195] {strides = array<i32>} : memref<2x32x81xf32, #tpu.memory_space<vmem>>, vector<16xf32>,
    tpu.vector_store %arg5[%swap3A_1193, %swap3A_1194, %swap3A_1195], %broadcast_in_dim3A_3 {strides = array<i32>} : memref<2x32x81xf32, #tpu.memory_space<vmem>>, vector<16xf32>,
    %swap3A_1197 = arith.constant 1 : i32
    %swap3A_1198 = arith.constant 1 : i32
    %swap3A_1199 = arith.index_cast %swap3A_1197 : i32 to index
    %swap3A_1200 = arith.index_cast %swap3A_1198 : i32 to index
    %swap3A_1201 = arith.constant 16 : index
    %swap3A_1202 = tpu.vector_load %arg5[%swap3A_1199, %swap3A_1200, %swap3A_1201] {strides = array<i32>} : memref<2x32x81xf32, #tpu.memory_space<vmem>>, vector<16xf32>,
    tpu.vector_store %arg5[%swap3A_1199, %swap3A_1200, %swap3A_1201], %broadcast_in_dim3A_3 {strides = array<i32>} : memref<2x32x81xf32, #tpu.memory_space<vmem>>, vector<16xf32>,
    %swap3A_1203 = arith.constant 1 : i32
    %swap3A_1204 = arith.constant 1 : i32
    %swap3A_1205 = arith.index_cast %swap3A_1203 : i32 to index
    %swap3A_1206 = arith.index_cast %swap3A_1204 : i32 to index
    %swap3A_1207 = arith.constant 32 : index
    %swap3A_1208 = tpu.vector_load %arg5[%swap3A_1205, %swap3A_1206, %swap3A_1207] {strides = array<i32>} : memref<2x32x81xf32, #tpu.memory_space<vmem>>, vector<16xf32>,
    tpu.vector_store %arg5[%swap3A_1205, %swap3A_1206, %swap3A_1207], %broadcast_in_dim3A_3 {strides = array<i32>} : memref<2x32x81xf32, #tpu.memory_space<vmem>>, vector<16xf32>,
    %swap3A_1209 = arith.constant 1 : i32
    %swap3A_1210 = arith.constant 1 : i32
    %swap3A_1211 = arith.index_cast %swap3A_1209 : i32 to index
    %swap3A_1212 = arith.index_cast %swap3A_1210 : i32 to index
    %swap3A_1213 = arith.constant 48 : index
    %swap3A_1214 = tpu.vector_load %arg5[%swap3A_1211, %swap3A_1212, %swap3A_1213] {strides = array<i32>} : memref<2x32x81xf32, #tpu.memory_space<vmem>>, vector<16xf32>,
    tpu.vector_store %arg5[%swap3A_1211, %swap3A_1212, %swap3A_1213], %broadcast_in_dim3A_3 {strides = array<i32>} : memref<2x32x81xf32, #tpu.memory_space<vmem>>, vector<16xf32>,
    %swap3A_1215 = arith.constant 1 : i32
    %swap3A_1216 = arith.constant 1 : i32
    %swap3A_1217 = arith.index_cast %swap3A_1215 : i32 to index
    %swap3A_1218 = arith.index_cast %swap3A_1216 : i32 to index
    %swap3A_1219 = arith.constant 64 : index
    %swap3A_1220 = tpu.vector_load %arg5[%swap3A_1217, %swap3A_1218, %swap3A_1219] {strides = array<i32>} : memref<2x32x81xf32, #tpu.memory_space<vmem>>, vector<16xf32>,
    tpu.vector_store %arg5[%swap3A_1217, %swap3A_1218, %swap3A_1219], %broadcast_in_dim3A_3 {strides = array<i32>} : memref<2x32x81xf32, #tpu.memory_space<vmem>>, vector<16xf32>,
    %swap3A_1221 = arith.constant 1 : i32
    %swap3A_1222 = arith.constant 1 : i32
    %swap3A_1223 = arith.index_cast %swap3A_1221 : i32 to index
    %swap3A_1224 = arith.index_cast %swap3A_1222 : i32 to index
    %swap3A_1225 = arith.constant 65 : index
    %swap3A_1226 = tpu.vector_load %arg5[%swap3A_1223, %swap3A_1224, %swap3A_1225] {strides = array<i32>} : memref<2x32x81xf32, #tpu.memory_space<vmem>>, vector<16xf32>,
    tpu.vector_store %arg5[%swap3A_1223, %swap3A_1224, %swap3A_1225], %broadcast_in_dim3A_3 {strides = array<i32>} : memref<2x32x81xf32, #tpu.memory_space<vmem>>, vector<16xf32>,
    %swap3A_1227 = arith.constant 1 : i32
    %swap3A_1228 = arith.constant 2 : i32
    %swap3A_1229 = arith.index_cast %swap3A_1227 : i32 to index
    %swap3A_1230 = arith.index_cast %swap3A_1228 : i32 to index
    %swap3A_1231 = arith.constant 0 : index
    %swap3A_1232 = tpu.vector_load %arg5[%swap3A_1229, %swap3A_1230, %swap3A_1231] {strides = array<i32>} : memref<2x32x81xf32, #tpu.memory_space<vmem>>, vector<16xf32>,
    tpu.vector_store %arg5[%swap3A_1229, %swap3A_1230, %swap3A_1231], %broadcast_in_dim3A_3 {strides = array<i32>} : memref<2x32x81xf32, #tpu.memory_space<vmem>>, vector<16xf32>,
    %swap3A_1233 = arith.constant 1 : i32
    %swap3A_1234 = arith.constant 2 : i32
    %swap3A_1235 = arith.index_cast %swap3A_1233 : i32 to index
    %swap3A_1236 = arith.index_cast %swap3A_1234 : i32 to index
    %swap3A_1237 = arith.constant 16 : index
    %swap3A_1238 = tpu.vector_load %arg5[%swap3A_1235, %swap3A_1236, %swap3A_1237] {strides = array<i32>} : memref<2x32x81xf32, #tpu.memory_space<vmem>>, vector<16xf32>,
    tpu.vector_store %arg5[%swap3A_1235, %swap3A_1236, %swap3A_1237], %broadcast_in_dim3A_3 {strides = array<i32>} : memref<2x32x81xf32, #tpu.memory_space<vmem>>, vector<16xf32>,
    %swap3A_1239 = arith.constant 1 : i32
    %swap3A_1240 = arith.constant 2 : i32
    %swap3A_1241 = arith.index_cast %swap3A_1239 : i32 to index
    %swap3A_1242 = arith.index_cast %swap3A_1240 : i32 to index
    %swap3A_1243 = arith.constant 32 : index
    %swap3A_1244 = tpu.vector_load %arg5[%swap3A_1241, %swap3A_1242, %swap3A_1243] {strides = array<i32>} : memref<2x32x81xf32, #tpu.memory_space<vmem>>, vector<16xf32>,
    tpu.vector_store %arg5[%swap3A_1241, %swap3A_1242, %swap3A_1243], %broadcast_in_dim3A_3 {strides = array<i32>} : memref<2x32x81xf32, #tpu.memory_space<vmem>>, vector<16xf32>,
    %swap3A_1245 = arith.constant 1 : i32
    %swap3A_1246 = arith.constant 2 : i32
    %swap3A_1247 = arith.index_cast %swap3A_1245 : i32 to index
    %swap3A_1248 = arith.index_cast %swap3A_1246 : i32 to index
    %swap3A_1249 = arith.constant 48 : index
    %swap3A_1250 = tpu.vector_load %arg5[%swap3A_1247, %swap3A_1248, %swap3A_1249] {strides = array<i32>} : memref<2x32x81xf32, #tpu.memory_space<vmem>>, vector<16xf32>,
    tpu.vector_store %arg5[%swap3A_1247, %swap3A_1248, %swap3A_1249], %broadcast_in_dim3A_3 {strides = array<i32>} : memref<2x32x81xf32, #tpu.memory_space<vmem>>, vector<16xf32>,
    %swap3A_1251 = arith.constant 1 : i32
    %swap3A_1252 = arith.constant 2 : i32
    %swap3A_1253 = arith.index_cast %swap3A_1251 : i32 to index
    %swap3A_1254 = arith.index_cast %swap3A_1252 : i32 to index
    %swap3A_1255 = arith.constant 64 : index
    %swap3A_1256 = tpu.vector_load %arg5[%swap3A_1253, %swap3A_1254, %swap3A_1255] {strides = array<i32>} : memref<2x32x81xf32, #tpu.memory_space<vmem>>, vector<16xf32>,
    tpu.vector_store %arg5[%swap3A_1253, %swap3A_1254, %swap3A_1255], %broadcast_in_dim3A_3 {strides = array<i32>} : memref<2x32x81xf32, #tpu.memory_space<vmem>>, vector<16xf32>,
    %swap3A_1257 = arith.constant 1 : i32
    %swap3A_1258 = arith.constant 2 : i32
    %swap3A_1259 = arith.index_cast %swap3A_1257 : i32 to index
    %swap3A_1260 = arith.index_cast %swap3A_1258 : i32 to index
    %swap3A_1261 = arith.constant 65 : index
    %swap3A_1262 = tpu.vector_load %arg5[%swap3A_1259, %swap3A_1260, %swap3A_1261] {strides = array<i32>} : memref<2x32x81xf32, #tpu.memory_space<vmem>>, vector<16xf32>,
    tpu.vector_store %arg5[%swap3A_1259, %swap3A_1260, %swap3A_1261], %broadcast_in_dim3A_3 {strides = array<i32>} : memref<2x32x81xf32, #tpu.memory_space<vmem>>, vector<16xf32>,
    %swap3A_1263 = arith.constant 1 : i32
    %swap3A_1264 = arith.constant 3 : i32
    %swap3A_1265 = arith.index_cast %swap3A_1263 : i32 to index
    %swap3A_1266 = arith.index_cast %swap3A_1264 : i32 to index
    %swap3A_1267 = arith.constant 0 : index
    %swap3A_1268 = tpu.vector_load %arg5[%swap3A_1265, %swap3A_1266, %swap3A_1267] {strides = array<i32>} : memref<2x32x81xf32, #tpu.memory_space<vmem>>, vector<16xf32>,
    tpu.vector_store %arg5[%swap3A_1265, %swap3A_1266, %swap3A_1267], %broadcast_in_dim3A_3 {strides = array<i32>} : memref<2x32x81xf32, #tpu.memory_space<vmem>>, vector<16xf32>,
    %swap3A_1269 = arith.constant 1 : i32
    %swap3A_1270 = arith.constant 3 : i32
    %swap3A_1271 = arith.index_cast %swap3A_1269 : i32 to index
    %swap3A_1272 = arith.index_cast %swap3A_1270 : i32 to index
    %swap3A_1273 = arith.constant 16 : index
    %swap3A_1274 = tpu.vector_load %arg5[%swap3A_1271, %swap3A_1272, %swap3A_1273] {strides = array<i32>} : memref<2x32x81xf32, #tpu.memory_space<vmem>>, vector<16xf32>,
    tpu.vector_store %arg5[%swap3A_1271, %swap3A_1272, %swap3A_1273], %broadcast_in_dim3A_3 {strides = array<i32>} : memref<2x32x81xf32, #tpu.memory_space<vmem>>, vector<16xf32>,
    %swap3A_1275 = arith.constant 1 : i32
    %swap3A_1276 = arith.constant 3 : i32
    %swap3A_1277 = arith.index_cast %swap3A_1275 : i32 to index
    %swap3A_1278 = arith.index_cast %swap3A_1276 : i32 to index
    %swap3A_1279 = arith.constant 32 : index
    %swap3A_1280 = tpu.vector_load %arg5[%swap3A_1277, %swap3A_1278, %swap3A_1279] {strides = array<i32>} : memref<2x32x81xf32, #tpu.memory_space<vmem>>, vector<16xf32>,
    tpu.vector_store %arg5[%swap3A_1277, %swap3A_1278, %swap3A_1279], %broadcast_in_dim3A_3 {strides = array<i32>} : memref<2x32x81xf32, #tpu.memory_space<vmem>>, vector<16xf32>,
    %swap3A_1281 = arith.constant 1 : i32
    %swap3A_1282 = arith.constant 3 : i32
    %swap3A_1283 = arith.index_cast %swap3A_1281 : i32 to index
    %swap3A_1284 = arith.index_cast %swap3A_1282 : i32 to index
    %swap3A_1285 = arith.constant 48 : index
    %swap3A_1286 = tpu.vector_load %arg5[%swap3A_1283, %swap3A_1284, %swap3A_1285] {strides = array<i32>} : memref<2x32x81xf32, #tpu.memory_space<vmem>>, vector<16xf32>,
    tpu.vector_store %arg5[%swap3A_1283, %swap3A_1284, %swap3A_1285], %broadcast_in_dim3A_3 {strides = array<i32>} : memref<2x32x81xf32, #tpu.memory_space<vmem>>, vector<16xf32>,
    %swap3A_1287 = arith.constant 1 : i32
    %swap3A_1288 = arith.constant 3 : i32
    %swap3A_1289 = arith.index_cast %swap3A_1287 : i32 to index
    %swap3A_1290 = arith.index_cast %swap3A_1288 : i32 to index
    %swap3A_1291 = arith.constant 64 : index
    %swap3A_1292 = tpu.vector_load %arg5[%swap3A_1289, %swap3A_1290, %swap3A_1291] {strides = array<i32>} : memref<2x32x81xf32, #tpu.memory_space<vmem>>, vector<16xf32>,
    tpu.vector_store %arg5[%swap3A_1289, %swap3A_1290, %swap3A_1291], %broadcast_in_dim3A_3 {strides = array<i32>} : memref<2x32x81xf32, #tpu.memory_space<vmem>>, vector<16xf32>,
    %swap3A_1293 = arith.constant 1 : i32
    %swap3A_1294 = arith.constant 3 : i32
    %swap3A_1295 = arith.index_cast %swap3A_1293 : i32 to index
    %swap3A_1296 = arith.index_cast %swap3A_1294 : i32 to index
    %swap3A_1297 = arith.constant 65 : index
    %swap3A_1298 = tpu.vector_load %arg5[%swap3A_1295, %swap3A_1296, %swap3A_1297] {strides = array<i32>} : memref<2x32x81xf32, #tpu.memory_space<vmem>>, vector<16xf32>,
    tpu.vector_store %arg5[%swap3A_1295, %swap3A_1296, %swap3A_1297], %broadcast_in_dim3A_3 {strides = array<i32>} : memref<2x32x81xf32, #tpu.memory_space<vmem>>, vector<16xf32>,
    %swap3A_1299 = arith.constant 1 : i32
    %swap3A_1300 = arith.constant 4 : i32
    %swap3A_1301 = arith.index_cast %swap3A_1299 : i32 to index
    %swap3A_1302 = arith.index_cast %swap3A_1300 : i32 to index
    %swap3A_1303 = arith.constant 0 : index
    %swap3A_1304 = tpu.vector_load %arg5[%swap3A_1301, %swap3A_1302, %swap3A_1303] {strides = array<i32>} : memref<2x32x81xf32, #tpu.memory_space<vmem>>, vector<16xf32>,
    tpu.vector_store %arg5[%swap3A_1301, %swap3A_1302, %swap3A_1303], %broadcast_in_dim3A_3 {strides = array<i32>} : memref<2x32x81xf32, #tpu.memory_space<vmem>>, vector<16xf32>,
    %swap3A_1305 = arith.constant 1 : i32
    %swap3A_1306 = arith.constant 4 : i32
    %swap3A_1307 = arith.index_cast %swap3A_1305 : i32 to index
    %swap3A_1308 = arith.index_cast %swap3A_1306 : i32 to index
    %swap3A_1309 = arith.constant 16 : index
    %swap3A_1310 = tpu.vector_load %arg5[%swap3A_1307, %swap3A_1308, %swap3A_1309] {strides = array<i32>} : memref<2x32x81xf32, #tpu.memory_space<vmem>>, vector<16xf32>,
    tpu.vector_store %arg5[%swap3A_1307, %swap3A_1308, %swap3A_1309], %broadcast_in_dim3A_3 {strides = array<i32>} : memref<2x32x81xf32, #tpu.memory_space<vmem>>, vector<16xf32>,
    %swap3A_1311 = arith.constant 1 : i32
    %swap3A_1312 = arith.constant 4 : i32
    %swap3A_1313 = arith.index_cast %swap3A_1311 : i32 to index
    %swap3A_1314 = arith.index_cast %swap3A_1312 : i32 to index
    %swap3A_1315 = arith.constant 32 : index
    %swap3A_1316 = tpu.vector_load %arg5[%swap3A_1313, %swap3A_1314, %swap3A_1315] {strides = array<i32>} : memref<2x32x81xf32, #tpu.memory_space<vmem>>, vector<16xf32>,
    tpu.vector_store %arg5[%swap3A_1313, %swap3A_1314, %swap3A_1315], %broadcast_in_dim3A_3 {strides = array<i32>} : memref<2x32x81xf32, #tpu.memory_space<vmem>>, vector<16xf32>,
    %swap3A_1317 = arith.constant 1 : i32
    %swap3A_1318 = arith.constant 4 : i32
    %swap3A_1319 = arith.index_cast %swap3A_1317 : i32 to index
    %swap3A_1320 = arith.index_cast %swap3A_1318 : i32 to index
    %swap3A_1321 = arith.constant 48 : index
    %swap3A_1322 = tpu.vector_load %arg5[%swap3A_1319, %swap3A_1320, %swap3A_1321] {strides = array<i32>} : memref<2x32x81xf32, #tpu.memory_space<vmem>>, vector<16xf32>,
    tpu.vector_store %arg5[%swap3A_1319, %swap3A_1320, %swap3A_1321], %broadcast_in_dim3A_3 {strides = array<i32>} : memref<2x32x81xf32, #tpu.memory_space<vmem>>, vector<16xf32>,
    %swap3A_1323 = arith.constant 1 : i32
    %swap3A_1324 = arith.constant 4 : i32
    %swap3A_1325 = arith.index_cast %swap3A_1323 : i32 to index
    %swap3A_1326 = arith.index_cast %swap3A_1324 : i32 to index
    %swap3A_1327 = arith.constant 64 : index
    %swap3A_1328 = tpu.vector_load %arg5[%swap3A_1325, %swap3A_1326, %swap3A_1327] {strides = array<i32>} : memref<2x32x81xf32, #tpu.memory_space<vmem>>, vector<16xf32>,
    tpu.vector_store %arg5[%swap3A_1325, %swap3A_1326, %swap3A_1327], %broadcast_in_dim3A_3 {strides = array<i32>} : memref<2x32x81xf32, #tpu.memory_space<vmem>>, vector<16xf32>,
    %swap3A_1329 = arith.constant 1 : i32
    %swap3A_1330 = arith.constant 4 : i32
    %swap3A_1331 = arith.index_cast %swap3A_1329 : i32 to index
    %swap3A_1332 = arith.index_cast %swap3A_1330 : i32 to index
    %swap3A_1333 = arith.constant 65 : index
    %swap3A_1334 = tpu.vector_load %arg5[%swap3A_1331, %swap3A_1332, %swap3A_1333] {strides = array<i32>} : memref<2x32x81xf32, #tpu.memory_space<vmem>>, vector<16xf32>,
    tpu.vector_store %arg5[%swap3A_1331, %swap3A_1332, %swap3A_1333], %broadcast_in_dim3A_3 {strides = array<i32>} : memref<2x32x81xf32, #tpu.memory_space<vmem>>, vector<16xf32>,
    %swap3A_1335 = arith.constant 1 : i32
    %swap3A_1336 = arith.constant 5 : i32
    %swap3A_1337 = arith.index_cast %swap3A_1335 : i32 to index
    %swap3A_1338 = arith.index_cast %swap3A_1336 : i32 to index
    %swap3A_1339 = arith.constant 0 : index
    %swap3A_1340 = tpu.vector_load %arg5[%swap3A_1337, %swap3A_1338, %swap3A_1339] {strides = array<i32>} : memref<2x32x81xf32, #tpu.memory_space<vmem>>, vector<16xf32>,
    tpu.vector_store %arg5[%swap3A_1337, %swap3A_1338, %swap3A_1339], %broadcast_in_dim3A_3 {strides = array<i32>} : memref<2x32x81xf32, #tpu.memory_space<vmem>>, vector<16xf32>,
    %swap3A_1341 = arith.constant 1 : i32
    %swap3A_1342 = arith.constant 5 : i32
    %swap3A_1343 = arith.index_cast %swap3A_1341 : i32 to index
    %swap3A_1344 = arith.index_cast %swap3A_1342 : i32 to index
    %swap3A_1345 = arith.constant 16 : index
    %swap3A_1346 = tpu.vector_load %arg5[%swap3A_1343, %swap3A_1344, %swap3A_1345] {strides = array<i32>} : memref<2x32x81xf32, #tpu.memory_space<vmem>>, vector<16xf32>,
    tpu.vector_store %arg5[%swap3A_1343, %swap3A_1344, %swap3A_1345], %broadcast_in_dim3A_3 {strides = array<i32>} : memref<2x32x81xf32, #tpu.memory_space<vmem>>, vector<16xf32>,
    %swap3A_1347 = arith.constant 1 : i32
    %swap3A_1348 = arith.constant 5 : i32
    %swap3A_1349 = arith.index_cast %swap3A_1347 : i32 to index
    %swap3A_1350 = arith.index_cast %swap3A_1348 : i32 to index
    %swap3A_1351 = arith.constant 32 : index
    %swap3A_1352 = tpu.vector_load %arg5[%swap3A_1349, %swap3A_1350, %swap3A_1351] {strides = array<i32>} : memref<2x32x81xf32, #tpu.memory_space<vmem>>, vector<16xf32>,
    tpu.vector_store %arg5[%swap3A_1349, %swap3A_1350, %swap3A_1351], %broadcast_in_dim3A_3 {strides = array<i32>} : memref<2x32x81xf32, #tpu.memory_space<vmem>>, vector<16xf32>,
    %swap3A_1353 = arith.constant 1 : i32
    %swap3A_1354 = arith.constant 5 : i32
    %swap3A_1355 = arith.index_cast %swap3A_1353 : i32 to index
    %swap3A_1356 = arith.index_cast %swap3A_1354 : i32 to index
    %swap3A_1357 = arith.constant 48 : index
    %swap3A_1358 = tpu.vector_load %arg5[%swap3A_1355, %swap3A_1356, %swap3A_1357] {strides = array<i32>} : memref<2x32x81xf32, #tpu.memory_space<vmem>>, vector<16xf32>,
    tpu.vector_store %arg5[%swap3A_1355, %swap3A_1356, %swap3A_1357], %broadcast_in_dim3A_3 {strides = array<i32>} : memref<2x32x81xf32, #tpu.memory_space<vmem>>, vector<16xf32>,
    %swap3A_1359 = arith.constant 1 : i32
    %swap3A_1360 = arith.constant 5 : i32
    %swap3A_1361 = arith.index_cast %swap3A_1359 : i32 to index
    %swap3A_1362 = arith.index_cast %swap3A_1360 : i32 to index
    %swap3A_1363 = arith.constant 64 : index
    %swap3A_1364 = tpu.vector_load %arg5[%swap3A_1361, %swap3A_1362, %swap3A_1363] {strides = array<i32>} : memref<2x32x81xf32, #tpu.memory_space<vmem>>, vector<16xf32>,
    tpu.vector_store %arg5[%swap3A_1361, %swap3A_1362, %swap3A_1363], %broadcast_in_dim3A_3 {strides = array<i32>} : memref<2x32x81xf32, #tpu.memory_space<vmem>>, vector<16xf32>,
    %swap3A_1365 = arith.constant 1 : i32
    %swap3A_1366 = arith.constant 5 : i32
    %swap3A_1367 = arith.index_cast %swap3A_1365 : i32 to index
    %swap3A_1368 = arith.index_cast %swap3A_1366 : i32 to index
    %swap3A_1369 = arith.constant 65 : index
    %swap3A_1370 = tpu.vector_load %arg5[%swap3A_1367, %swap3A_1368, %swap3A_1369] {strides = array<i32>} : memref<2x32x81xf32, #tpu.memory_space<vmem>>, vector<16xf32>,
    tpu.vector_store %arg5[%swap3A_1367, %swap3A_1368, %swap3A_1369], %broadcast_in_dim3A_3 {strides = array<i32>} : memref<2x32x81xf32, #tpu.memory_space<vmem>>, vector<16xf32>,
    %swap3A_1371 = arith.constant 1 : i32
    %swap3A_1372 = arith.constant 6 : i32
    %swap3A_1373 = arith.index_cast %swap3A_1371 : i32 to index
    %swap3A_1374 = arith.index_cast %swap3A_1372 : i32 to index
    %swap3A_1375 = arith.constant 0 : index
    %swap3A_1376 = tpu.vector_load %arg5[%swap3A_1373, %swap3A_1374, %swap3A_1375] {strides = array<i32>} : memref<2x32x81xf32, #tpu.memory_space<vmem>>, vector<16xf32>,
    tpu.vector_store %arg5[%swap3A_1373, %swap3A_1374, %swap3A_1375], %broadcast_in_dim3A_3 {strides = array<i32>} : memref<2x32x81xf32, #tpu.memory_space<vmem>>, vector<16xf32>,
    %swap3A_1377 = arith.constant 1 : i32
    %swap3A_1378 = arith.constant 6 : i32
    %swap3A_1379 = arith.index_cast %swap3A_1377 : i32 to index
    %swap3A_1380 = arith.index_cast %swap3A_1378 : i32 to index
    %swap3A_1381 = arith.constant 16 : index
    %swap3A_1382 = tpu.vector_load %arg5[%swap3A_1379, %swap3A_1380, %swap3A_1381] {strides = array<i32>} : memref<2x32x81xf32, #tpu.memory_space<vmem>>, vector<16xf32>,
    tpu.vector_store %arg5[%swap3A_1379, %swap3A_1380, %swap3A_1381], %broadcast_in_dim3A_3 {strides = array<i32>} : memref<2x32x81xf32, #tpu.memory_space<vmem>>, vector<16xf32>,
    %swap3A_1383 = arith.constant 1 : i32
    %swap3A_1384 = arith.constant 6 : i32
    %swap3A_1385 = arith.index_cast %swap3A_1383 : i32 to index
    %swap3A_1386 = arith.index_cast %swap3A_1384 : i32 to index
    %swap3A_1387 = arith.constant 32 : index
    %swap3A_1388 = tpu.vector_load %arg5[%swap3A_1385, %swap3A_1386, %swap3A_1387] {strides = array<i32>} : memref<2x32x81xf32, #tpu.memory_space<vmem>>, vector<16xf32>,
    tpu.vector_store %arg5[%swap3A_1385, %swap3A_1386, %swap3A_1387], %broadcast_in_dim3A_3 {strides = array<i32>} : memref<2x32x81xf32, #tpu.memory_space<vmem>>, vector<16xf32>,
    %swap3A_1389 = arith.constant 1 : i32
    %swap3A_1390 = arith.constant 6 : i32
    %swap3A_1391 = arith.index_cast %swap3A_1389 : i32 to index
    %swap3A_1392 = arith.index_cast %swap3A_1390 : i32 to index
    %swap3A_1393 = arith.constant 48 : index
    %swap3A_1394 = tpu.vector_load %arg5[%swap3A_1391, %swap3A_1392, %swap3A_1393] {strides = array<i32>} : memref<2x32x81xf32, #tpu.memory_space<vmem>>, vector<16xf32>,
    tpu.vector_store %arg5[%swap3A_1391, %swap3A_1392, %swap3A_1393], %broadcast_in_dim3A_3 {strides = array<i32>} : memref<2x32x81xf32, #tpu.memory_space<vmem>>, vector<16xf32>,
    %swap3A_1395 = arith.constant 1 : i32
    %swap3A_1396 = arith.constant 6 : i32
    %swap3A_1397 = arith.index_cast %swap3A_1395 : i32 to index
    %swap3A_1398 = arith.index_cast %swap3A_1396 : i32 to index
    %swap3A_1399 = arith.constant 64 : index
    %swap3A_1400 = tpu.vector_load %arg5[%swap3A_1397, %swap3A_1398, %swap3A_1399] {strides = array<i32>} : memref<2x32x81xf32, #tpu.memory_space<vmem>>, vector<16xf32>,
    tpu.vector_store %arg5[%swap3A_1397, %swap3A_1398, %swap3A_1399], %broadcast_in_dim3A_3 {strides = array<i32>} : memref<2x32x81xf32, #tpu.memory_space<vmem>>, vector<16xf32>,
    %swap3A_1401 = arith.constant 1 : i32
    %swap3A_1402 = arith.constant 6 : i32
    %swap3A_1403 = arith.index_cast %swap3A_1401 : i32 to index
    %swap3A_1404 = arith.index_cast %swap3A_1402 : i32 to index
    %swap3A_1405 = arith.constant 65 : index
    %swap3A_1406 = tpu.vector_load %arg5[%swap3A_1403, %swap3A_1404, %swap3A_1405] {strides = array<i32>} : memref<2x32x81xf32, #tpu.memory_space<vmem>>, vector<16xf32>,
    tpu.vector_store %arg5[%swap3A_1403, %swap3A_1404, %swap3A_1405], %broadcast_in_dim3A_3 {strides = array<i32>} : memref<2x32x81xf32, #tpu.memory_space<vmem>>, vector<16xf32>,
    %swap3A_1407 = arith.constant 1 : i32
    %swap3A_1408 = arith.constant 7 : i32
    %swap3A_1409 = arith.index_cast %swap3A_1407 : i32 to index
    %swap3A_1410 = arith.index_cast %swap3A_1408 : i32 to index
    %swap3A_1411 = arith.constant 0 : index
    %swap3A_1412 = tpu.vector_load %arg5[%swap3A_1409, %swap3A_1410, %swap3A_1411] {strides = array<i32>} : memref<2x32x81xf32, #tpu.memory_space<vmem>>, vector<16xf32>,
    tpu.vector_store %arg5[%swap3A_1409, %swap3A_1410, %swap3A_1411], %broadcast_in_dim3A_3 {strides = array<i32>} : memref<2x32x81xf32, #tpu.memory_space<vmem>>, vector<16xf32>,
    %swap3A_1413 = arith.constant 1 : i32
    %swap3A_1414 = arith.constant 7 : i32
    %swap3A_1415 = arith.index_cast %swap3A_1413 : i32 to index
    %swap3A_1416 = arith.index_cast %swap3A_1414 : i32 to index
    %swap3A_1417 = arith.constant 16 : index
    %swap3A_1418 = tpu.vector_load %arg5[%swap3A_1415, %swap3A_1416, %swap3A_1417] {strides = array<i32>} : memref<2x32x81xf32, #tpu.memory_space<vmem>>, vector<16xf32>,
    tpu.vector_store %arg5[%swap3A_1415, %swap3A_1416, %swap3A_1417], %broadcast_in_dim3A_3 {strides = array<i32>} : memref<2x32x81xf32, #tpu.memory_space<vmem>>, vector<16xf32>,
    %swap3A_1419 = arith.constant 1 : i32
    %swap3A_1420 = arith.constant 7 : i32
    %swap3A_1421 = arith.index_cast %swap3A_1419 : i32 to index
    %swap3A_1422 = arith.index_cast %swap3A_1420 : i32 to index
    %swap3A_1423 = arith.constant 32 : index
    %swap3A_1424 = tpu.vector_load %arg5[%swap3A_1421, %swap3A_1422, %swap3A_1423] {strides = array<i32>} : memref<2x32x81xf32, #tpu.memory_space<vmem>>, vector<16xf32>,
    tpu.vector_store %arg5[%swap3A_1421, %swap3A_1422, %swap3A_1423], %broadcast_in_dim3A_3 {strides = array<i32>} : memref<2x32x81xf32, #tpu.memory_space<vmem>>, vector<16xf32>,
    %swap3A_1425 = arith.constant 1 : i32
    %swap3A_1426 = arith.constant 7 : i32
    %swap3A_1427 = arith.index_cast %swap3A_1425 : i32 to index
    %swap3A_1428 = arith.index_cast %swap3A_1426 : i32 to index
    %swap3A_1429 = arith.constant 48 : index
    %swap3A_1430 = tpu.vector_load %arg5[%swap3A_1427, %swap3A_1428, %swap3A_1429] {strides = array<i32>} : memref<2x32x81xf32, #tpu.memory_space<vmem>>, vector<16xf32>,
    tpu.vector_store %arg5[%swap3A_1427, %swap3A_1428, %swap3A_1429], %broadcast_in_dim3A_3 {strides = array<i32>} : memref<2x32x81xf32, #tpu.memory_space<vmem>>, vector<16xf32>,
    %swap3A_1431 = arith.constant 1 : i32
    %swap3A_1432 = arith.constant 7 : i32
    %swap3A_1433 = arith.index_cast %swap3A_1431 : i32 to index
    %swap3A_1434 = arith.index_cast %swap3A_1432 : i32 to index
    %swap3A_1435 = arith.constant 64 : index
    %swap3A_1436 = tpu.vector_load %arg5[%swap3A_1433, %swap3A_1434, %swap3A_1435] {strides = array<i32>} : memref<2x32x81xf32, #tpu.memory_space<vmem>>, vector<16xf32>,
    tpu.vector_store %arg5[%swap3A_1433, %swap3A_1434, %swap3A_1435], %broadcast_in_dim3A_3 {strides = array<i32>} : memref<2x32x81xf32, #tpu.memory_space<vmem>>, vector<16xf32>,
    %swap3A_1437 = arith.constant 1 : i32
    %swap3A_1438 = arith.constant 7 : i32
    %swap3A_1439 = arith.index_cast %swap3A_1437 : i32 to index
    %swap3A_1440 = arith.index_cast %swap3A_1438 : i32 to index
    %swap3A_1441 = arith.constant 65 : index
    %swap3A_1442 = tpu.vector_load %arg5[%swap3A_1439, %swap3A_1440, %swap3A_1441] {strides = array<i32>} : memref<2x32x81xf32, #tpu.memory_space<vmem>>, vector<16xf32>,
    tpu.vector_store %arg5[%swap3A_1439, %swap3A_1440, %swap3A_1441], %broadcast_in_dim3A_3 {strides = array<i32>} : memref<2x32x81xf32, #tpu.memory_space<vmem>>, vector<16xf32>,
    %swap3A_1443 = arith.constant 1 : i32
    %swap3A_1444 = arith.constant 8 : i32
    %swap3A_1445 = arith.index_cast %swap3A_1443 : i32 to index
    %swap3A_1446 = arith.index_cast %swap3A_1444 : i32 to index
    %swap3A_1447 = arith.constant 0 : index
    %swap3A_1448 = tpu.vector_load %arg5[%swap3A_1445, %swap3A_1446, %swap3A_1447] {strides = array<i32>} : memref<2x32x81xf32, #tpu.memory_space<vmem>>, vector<16xf32>,
    tpu.vector_store %arg5[%swap3A_1445, %swap3A_1446, %swap3A_1447], %broadcast_in_dim3A_3 {strides = array<i32>} : memref<2x32x81xf32, #tpu.memory_space<vmem>>, vector<16xf32>,
    %swap3A_1449 = arith.constant 1 : i32
    %swap3A_1450 = arith.constant 8 : i32
    %swap3A_1451 = arith.index_cast %swap3A_1449 : i32 to index
    %swap3A_1452 = arith.index_cast %swap3A_1450 : i32 to index
    %swap3A_1453 = arith.constant 16 : index
    %swap3A_1454 = tpu.vector_load %arg5[%swap3A_1451, %swap3A_1452, %swap3A_1453] {strides = array<i32>} : memref<2x32x81xf32, #tpu.memory_space<vmem>>, vector<16xf32>,
    tpu.vector_store %arg5[%swap3A_1451, %swap3A_1452, %swap3A_1453], %broadcast_in_dim3A_3 {strides = array<i32>} : memref<2x32x81xf32, #tpu.memory_space<vmem>>, vector<16xf32>,
    %swap3A_1455 = arith.constant 1 : i32
    %swap3A_1456 = arith.constant 8 : i32
    %swap3A_1457 = arith.index_cast %swap3A_1455 : i32 to index
    %swap3A_1458 = arith.index_cast %swap3A_1456 : i32 to index
    %swap3A_1459 = arith.constant 32 : index
    %swap3A_1460 = tpu.vector_load %arg5[%swap3A_1457, %swap3A_1458, %swap3A_1459] {strides = array<i32>} : memref<2x32x81xf32, #tpu.memory_space<vmem>>, vector<16xf32>,
    tpu.vector_store %arg5[%swap3A_1457, %swap3A_1458, %swap3A_1459], %broadcast_in_dim3A_3 {strides = array<i32>} : memref<2x32x81xf32, #tpu.memory_space<vmem>>, vector<16xf32>,
    %swap3A_1461 = arith.constant 1 : i32
    %swap3A_1462 = arith.constant 8 : i32
    %swap3A_1463 = arith.index_cast %swap3A_1461 : i32 to index
    %swap3A_1464 = arith.index_cast %swap3A_1462 : i32 to index
    %swap3A_1465 = arith.constant 48 : index
    %swap3A_1466 = tpu.vector_load %arg5[%swap3A_1463, %swap3A_1464, %swap3A_1465] {strides = array<i32>} : memref<2x32x81xf32, #tpu.memory_space<vmem>>, vector<16xf32>,
    tpu.vector_store %arg5[%swap3A_1463, %swap3A_1464, %swap3A_1465], %broadcast_in_dim3A_3 {strides = array<i32>} : memref<2x32x81xf32, #tpu.memory_space<vmem>>, vector<16xf32>,
    %swap3A_1467 = arith.constant 1 : i32
    %swap3A_1468 = arith.constant 8 : i32
    %swap3A_1469 = arith.index_cast %swap3A_1467 : i32 to index
    %swap3A_1470 = arith.index_cast %swap3A_1468 : i32 to index
    %swap3A_1471 = arith.constant 64 : index
    %swap3A_1472 = tpu.vector_load %arg5[%swap3A_1469, %swap3A_1470, %swap3A_1471] {strides = array<i32>} : memref<2x32x81xf32, #tpu.memory_space<vmem>>, vector<16xf32>,
    tpu.vector_store %arg5[%swap3A_1469, %swap3A_1470, %swap3A_1471], %broadcast_in_dim3A_3 {strides = array<i32>} : memref<2x32x81xf32, #tpu.memory_space<vmem>>, vector<16xf32>,
    %swap3A_1473 = arith.constant 1 : i32
    %swap3A_1474 = arith.constant 8 : i32
    %swap3A_1475 = arith.index_cast %swap3A_1473 : i32 to index
    %swap3A_1476 = arith.index_cast %swap3A_1474 : i32 to index
    %swap3A_1477 = arith.constant 65 : index
    %swap3A_1478 = tpu.vector_load %arg5[%swap3A_1475, %swap3A_1476, %swap3A_1477] {strides = array<i32>} : memref<2x32x81xf32, #tpu.memory_space<vmem>>, vector<16xf32>,
    tpu.vector_store %arg5[%swap3A_1475, %swap3A_1476, %swap3A_1477], %broadcast_in_dim3A_3 {strides = array<i32>} : memref<2x32x81xf32, #tpu.memory_space<vmem>>, vector<16xf32>,
    %swap3A_1479 = arith.constant 1 : i32
    %swap3A_1480 = arith.constant 9 : i32
    %swap3A_1481 = arith.index_cast %swap3A_1479 : i32 to index
    %swap3A_1482 = arith.index_cast %swap3A_1480 : i32 to index
    %swap3A_1483 = arith.constant 0 : index
    %swap3A_1484 = tpu.vector_load %arg5[%swap3A_1481, %swap3A_1482, %swap3A_1483] {strides = array<i32>} : memref<2x32x81xf32, #tpu.memory_space<vmem>>, vector<16xf32>,
    tpu.vector_store %arg5[%swap3A_1481, %swap3A_1482, %swap3A_1483], %broadcast_in_dim3A_3 {strides = array<i32>} : memref<2x32x81xf32, #tpu.memory_space<vmem>>, vector<16xf32>,
    %swap3A_1485 = arith.constant 1 : i32
    %swap3A_1486 = arith.constant 9 : i32
    %swap3A_1487 = arith.index_cast %swap3A_1485 : i32 to index
    %swap3A_1488 = arith.index_cast %swap3A_1486 : i32 to index
    %swap3A_1489 = arith.constant 16 : index
    %swap3A_1490 = tpu.vector_load %arg5[%swap3A_1487, %swap3A_1488, %swap3A_1489] {strides = array<i32>} : memref<2x32x81xf32, #tpu.memory_space<vmem>>, vector<16xf32>,
    tpu.vector_store %arg5[%swap3A_1487, %swap3A_1488, %swap3A_1489], %broadcast_in_dim3A_3 {strides = array<i32>} : memref<2x32x81xf32, #tpu.memory_space<vmem>>, vector<16xf32>,
    %swap3A_1491 = arith.constant 1 : i32
    %swap3A_1492 = arith.constant 9 : i32
    %swap3A_1493 = arith.index_cast %swap3A_1491 : i32 to index
    %swap3A_1494 = arith.index_cast %swap3A_1492 : i32 to index
    %swap3A_1495 = arith.constant 32 : index
    %swap3A_1496 = tpu.vector_load %arg5[%swap3A_1493, %swap3A_1494, %swap3A_1495] {strides = array<i32>} : memref<2x32x81xf32, #tpu.memory_space<vmem>>, vector<16xf32>,
    tpu.vector_store %arg5[%swap3A_1493, %swap3A_1494, %swap3A_1495], %broadcast_in_dim3A_3 {strides = array<i32>} : memref<2x32x81xf32, #tpu.memory_space<vmem>>, vector<16xf32>,
    %swap3A_1497 = arith.constant 1 : i32
    %swap3A_1498 = arith.constant 9 : i32
    %swap3A_1499 = arith.index_cast %swap3A_1497 : i32 to index
    %swap3A_1500 = arith.index_cast %swap3A_1498 : i32 to index
    %swap3A_1501 = arith.constant 48 : index
    %swap3A_1502 = tpu.vector_load %arg5[%swap3A_1499, %swap3A_1500, %swap3A_1501] {strides = array<i32>} : memref<2x32x81xf32, #tpu.memory_space<vmem>>, vector<16xf32>,
    tpu.vector_store %arg5[%swap3A_1499, %swap3A_1500, %swap3A_1501], %broadcast_in_dim3A_3 {strides = array<i32>} : memref<2x32x81xf32, #tpu.memory_space<vmem>>, vector<16xf32>,
    %swap3A_1503 = arith.constant 1 : i32
    %swap3A_1504 = arith.constant 9 : i32
    %swap3A_1505 = arith.index_cast %swap3A_1503 : i32 to index
    %swap3A_1506 = arith.index_cast %swap3A_1504 : i32 to index
    %swap3A_1507 = arith.constant 64 : index
    %swap3A_1508 = tpu.vector_load %arg5[%swap3A_1505, %swap3A_1506, %swap3A_1507] {strides = array<i32>} : memref<2x32x81xf32, #tpu.memory_space<vmem>>, vector<16xf32>,
    tpu.vector_store %arg5[%swap3A_1505, %swap3A_1506, %swap3A_1507], %broadcast_in_dim3A_3 {strides = array<i32>} : memref<2x32x81xf32, #tpu.memory_space<vmem>>, vector<16xf32>,
    %swap3A_1509 = arith.constant 1 : i32
    %swap3A_1510 = arith.constant 9 : i32
    %swap3A_1511 = arith.index_cast %swap3A_1509 : i32 to index
    %swap3A_1512 = arith.index_cast %swap3A_1510 : i32 to index
    %swap3A_1513 = arith.constant 65 : index
    %swap3A_1514 = tpu.vector_load %arg5[%swap3A_1511, %swap3A_1512, %swap3A_1513] {strides = array<i32>} : memref<2x32x81xf32, #tpu.memory_space<vmem>>, vector<16xf32>,
    tpu.vector_store %arg5[%swap3A_1511, %swap3A_1512, %swap3A_1513], %broadcast_in_dim3A_3 {strides = array<i32>} : memref<2x32x81xf32, #tpu.memory_space<vmem>>, vector<16xf32>,
    %swap3A_1515 = arith.constant 1 : i32
    %swap3A_1516 = arith.constant 10 : i32
    %swap3A_1517 = arith.index_cast %swap3A_1515 : i32 to index
    %swap3A_1518 = arith.index_cast %swap3A_1516 : i32 to index
    %swap3A_1519 = arith.constant 0 : index
    %swap3A_1520 = tpu.vector_load %arg5[%swap3A_1517, %swap3A_1518, %swap3A_1519] {strides = array<i32>} : memref<2x32x81xf32, #tpu.memory_space<vmem>>, vector<16xf32>,
    tpu.vector_store %arg5[%swap3A_1517, %swap3A_1518, %swap3A_1519], %broadcast_in_dim3A_3 {strides = array<i32>} : memref<2x32x81xf32, #tpu.memory_space<vmem>>, vector<16xf32>,
    %swap3A_1521 = arith.constant 1 : i32
    %swap3A_1522 = arith.constant 10 : i32
    %swap3A_1523 = arith.index_cast %swap3A_1521 : i32 to index
    %swap3A_1524 = arith.index_cast %swap3A_1522 : i32 to index
    %swap3A_1525 = arith.constant 16 : index
    %swap3A_1526 = tpu.vector_load %arg5[%swap3A_1523, %swap3A_1524, %swap3A_1525] {strides = array<i32>} : memref<2x32x81xf32, #tpu.memory_space<vmem>>, vector<16xf32>,
    tpu.vector_store %arg5[%swap3A_1523, %swap3A_1524, %swap3A_1525], %broadcast_in_dim3A_3 {strides = array<i32>} : memref<2x32x81xf32, #tpu.memory_space<vmem>>, vector<16xf32>,
    %swap3A_1527 = arith.constant 1 : i32
    %swap3A_1528 = arith.constant 10 : i32
    %swap3A_1529 = arith.index_cast %swap3A_1527 : i32 to index
    %swap3A_1530 = arith.index_cast %swap3A_1528 : i32 to index
    %swap3A_1531 = arith.constant 32 : index
    %swap3A_1532 = tpu.vector_load %arg5[%swap3A_1529, %swap3A_1530, %swap3A_1531] {strides = array<i32>} : memref<2x32x81xf32, #tpu.memory_space<vmem>>, vector<16xf32>,
    tpu.vector_store %arg5[%swap3A_1529, %swap3A_1530, %swap3A_1531], %broadcast_in_dim3A_3 {strides = array<i32>} : memref<2x32x81xf32, #tpu.memory_space<vmem>>, vector<16xf32>,
    %swap3A_1533 = arith.constant 1 : i32
    %swap3A_1534 = arith.constant 10 : i32
    %swap3A_1535 = arith.index_cast %swap3A_1533 : i32 to index
    %swap3A_1536 = arith.index_cast %swap3A_1534 : i32 to index
    %swap3A_1537 = arith.constant 48 : index
    %swap3A_1538 = tpu.vector_load %arg5[%swap3A_1535, %swap3A_1536, %swap3A_1537] {strides = array<i32>} : memref<2x32x81xf32, #tpu.memory_space<vmem>>, vector<16xf32>,
    tpu.vector_store %arg5[%swap3A_1535, %swap3A_1536, %swap3A_1537], %broadcast_in_dim3A_3 {strides = array<i32>} : memref<2x32x81xf32, #tpu.memory_space<vmem>>, vector<16xf32>,
    %swap3A_1539 = arith.constant 1 : i32
    %swap3A_1540 = arith.constant 10 : i32
    %swap3A_1541 = arith.index_cast %swap3A_1539 : i32 to index
    %swap3A_1542 = arith.index_cast %swap3A_1540 : i32 to index
    %swap3A_1543 = arith.constant 64 : index
    %swap3A_1544 = tpu.vector_load %arg5[%swap3A_1541, %swap3A_1542, %swap3A_1543] {strides = array<i32>} : memref<2x32x81xf32, #tpu.memory_space<vmem>>, vector<16xf32>,
    tpu.vector_store %arg5[%swap3A_1541, %swap3A_1542, %swap3A_1543], %broadcast_in_dim3A_3 {strides = array<i32>} : memref<2x32x81xf32, #tpu.memory_space<vmem>>, vector<16xf32>,
    %swap3A_1545 = arith.constant 1 : i32
    %swap3A_1546 = arith.constant 10 : i32
    %swap3A_1547 = arith.index_cast %swap3A_1545 : i32 to index
    %swap3A_1548 = arith.index_cast %swap3A_1546 : i32 to index
    %swap3A_1549 = arith.constant 65 : index
    %swap3A_1550 = tpu.vector_load %arg5[%swap3A_1547, %swap3A_1548, %swap3A_1549] {strides = array<i32>} : memref<2x32x81xf32, #tpu.memory_space<vmem>>, vector<16xf32>,
    tpu.vector_store %arg5[%swap3A_1547, %swap3A_1548, %swap3A_1549], %broadcast_in_dim3A_3 {strides = array<i32>} : memref<2x32x81xf32, #tpu.memory_space<vmem>>, vector<16xf32>,
    %swap3A_1551 = arith.constant 1 : i32
    %swap3A_1552 = arith.constant 11 : i32
    %swap3A_1553 = arith.index_cast %swap3A_1551 : i32 to index
    %swap3A_1554 = arith.index_cast %swap3A_1552 : i32 to index
    %swap3A_1555 = arith.constant 0 : index
    %swap3A_1556 = tpu.vector_load %arg5[%swap3A_1553, %swap3A_1554, %swap3A_1555] {strides = array<i32>} : memref<2x32x81xf32, #tpu.memory_space<vmem>>, vector<16xf32>,
    tpu.vector_store %arg5[%swap3A_1553, %swap3A_1554, %swap3A_1555], %broadcast_in_dim3A_3 {strides = array<i32>} : memref<2x32x81xf32, #tpu.memory_space<vmem>>, vector<16xf32>,
    %swap3A_1557 = arith.constant 1 : i32
    %swap3A_1558 = arith.constant 11 : i32
    %swap3A_1559 = arith.index_cast %swap3A_1557 : i32 to index
    %swap3A_1560 = arith.index_cast %swap3A_1558 : i32 to index
    %swap3A_1561 = arith.constant 16 : index
    %swap3A_1562 = tpu.vector_load %arg5[%swap3A_1559, %swap3A_1560, %swap3A_1561] {strides = array<i32>} : memref<2x32x81xf32, #tpu.memory_space<vmem>>, vector<16xf32>,
    tpu.vector_store %arg5[%swap3A_1559, %swap3A_1560, %swap3A_1561], %broadcast_in_dim3A_3 {strides = array<i32>} : memref<2x32x81xf32, #tpu.memory_space<vmem>>, vector<16xf32>,
    %swap3A_1563 = arith.constant 1 : i32
    %swap3A_1564 = arith.constant 11 : i32
    %swap3A_1565 = arith.index_cast %swap3A_1563 : i32 to index
    %swap3A_1566 = arith.index_cast %swap3A_1564 : i32 to index
    %swap3A_1567 = arith.constant 32 : index
    %swap3A_1568 = tpu.vector_load %arg5[%swap3A_1565, %swap3A_1566, %swap3A_1567] {strides = array<i32>} : memref<2x32x81xf32, #tpu.memory_space<vmem>>, vector<16xf32>,
    tpu.vector_store %arg5[%swap3A_1565, %swap3A_1566, %swap3A_1567], %broadcast_in_dim3A_3 {strides = array<i32>} : memref<2x32x81xf32, #tpu.memory_space<vmem>>, vector<16xf32>,
    %swap3A_1569 = arith.constant 1 : i32
    %swap3A_1570 = arith.constant 11 : i32
    %swap3A_1571 = arith.index_cast %swap3A_1569 : i32 to index
    %swap3A_1572 = arith.index_cast %swap3A_1570 : i32 to index
    %swap3A_1573 = arith.constant 48 : index
    %swap3A_1574 = tpu.vector_load %arg5[%swap3A_1571, %swap3A_1572, %swap3A_1573] {strides = array<i32>} : memref<2x32x81xf32, #tpu.memory_space<vmem>>, vector<16xf32>,
    tpu.vector_store %arg5[%swap3A_1571, %swap3A_1572, %swap3A_1573], %broadcast_in_dim3A_3 {strides = array<i32>} : memref<2x32x81xf32, #tpu.memory_space<vmem>>, vector<16xf32>,
    %swap3A_1575 = arith.constant 1 : i32
    %swap3A_1576 = arith.constant 11 : i32
    %swap3A_1577 = arith.index_cast %swap3A_1575 : i32 to index
    %swap3A_1578 = arith.index_cast %swap3A_1576 : i32 to index
    %swap3A_1579 = arith.constant 64 : index
    %swap3A_1580 = tpu.vector_load %arg5[%swap3A_1577, %swap3A_1578, %swap3A_1579] {strides = array<i32>} : memref<2x32x81xf32, #tpu.memory_space<vmem>>, vector<16xf32>,
    tpu.vector_store %arg5[%swap3A_1577, %swap3A_1578, %swap3A_1579], %broadcast_in_dim3A_3 {strides = array<i32>} : memref<2x32x81xf32, #tpu.memory_space<vmem>>, vector<16xf32>,
    %swap3A_1581 = arith.constant 1 : i32
    %swap3A_1582 = arith.constant 11 : i32
    %swap3A_1583 = arith.index_cast %swap3A_1581 : i32 to index
    %swap3A_1584 = arith.index_cast %swap3A_1582 : i32 to index
    %swap3A_1585 = arith.constant 65 : index
    %swap3A_1586 = tpu.vector_load %arg5[%swap3A_1583, %swap3A_1584, %swap3A_1585] {strides = array<i32>} : memref<2x32x81xf32, #tpu.memory_space<vmem>>, vector<16xf32>,
    tpu.vector_store %arg5[%swap3A_1583, %swap3A_1584, %swap3A_1585], %broadcast_in_dim3A_3 {strides = array<i32>} : memref<2x32x81xf32, #tpu.memory_space<vmem>>, vector<16xf32>,
    %swap3A_1587 = arith.constant 1 : i32
    %swap3A_1588 = arith.constant 12 : i32
    %swap3A_1589 = arith.index_cast %swap3A_1587 : i32 to index
    %swap3A_1590 = arith.index_cast %swap3A_1588 : i32 to index
    %swap3A_1591 = arith.constant 0 : index
    %swap3A_1592 = tpu.vector_load %arg5[%swap3A_1589, %swap3A_1590, %swap3A_1591] {strides = array<i32>} : memref<2x32x81xf32, #tpu.memory_space<vmem>>, vector<16xf32>,
    tpu.vector_store %arg5[%swap3A_1589, %swap3A_1590, %swap3A_1591], %broadcast_in_dim3A_3 {strides = array<i32>} : memref<2x32x81xf32, #tpu.memory_space<vmem>>, vector<16xf32>,
    %swap3A_1593 = arith.constant 1 : i32
    %swap3A_1594 = arith.constant 12 : i32
    %swap3A_1595 = arith.index_cast %swap3A_1593 : i32 to index
    %swap3A_1596 = arith.index_cast %swap3A_1594 : i32 to index
    %swap3A_1597 = arith.constant 16 : index
    %swap3A_1598 = tpu.vector_load %arg5[%swap3A_1595, %swap3A_1596, %swap3A_1597] {strides = array<i32>} : memref<2x32x81xf32, #tpu.memory_space<vmem>>, vector<16xf32>,
    tpu.vector_store %arg5[%swap3A_1595, %swap3A_1596, %swap3A_1597], %broadcast_in_dim3A_3 {strides = array<i32>} : memref<2x32x81xf32, #tpu.memory_space<vmem>>, vector<16xf32>,
    %swap3A_1599 = arith.constant 1 : i32
    %swap3A_1600 = arith.constant 12 : i32
    %swap3A_1601 = arith.index_cast %swap3A_1599 : i32 to index
    %swap3A_1602 = arith.index_cast %swap3A_1600 : i32 to index
    %swap3A_1603 = arith.constant 32 : index
    %swap3A_1604 = tpu.vector_load %arg5[%swap3A_1601, %swap3A_1602, %swap3A_1603] {strides = array<i32>} : memref<2x32x81xf32, #tpu.memory_space<vmem>>, vector<16xf32>,
    tpu.vector_store %arg5[%swap3A_1601, %swap3A_1602, %swap3A_1603], %broadcast_in_dim3A_3 {strides = array<i32>} : memref<2x32x81xf32, #tpu.memory_space<vmem>>, vector<16xf32>,
    %swap3A_1605 = arith.constant 1 : i32
    %swap3A_1606 = arith.constant 12 : i32
    %swap3A_1607 = arith.index_cast %swap3A_1605 : i32 to index
    %swap3A_1608 = arith.index_cast %swap3A_1606 : i32 to index
    %swap3A_1609 = arith.constant 48 : index
    %swap3A_1610 = tpu.vector_load %arg5[%swap3A_1607, %swap3A_1608, %swap3A_1609] {strides = array<i32>} : memref<2x32x81xf32, #tpu.memory_space<vmem>>, vector<16xf32>,
    tpu.vector_store %arg5[%swap3A_1607, %swap3A_1608, %swap3A_1609], %broadcast_in_dim3A_3 {strides = array<i32>} : memref<2x32x81xf32, #tpu.memory_space<vmem>>, vector<16xf32>,
    %swap3A_1611 = arith.constant 1 : i32
    %swap3A_1612 = arith.constant 12 : i32
    %swap3A_1613 = arith.index_cast %swap3A_1611 : i32 to index
    %swap3A_1614 = arith.index_cast %swap3A_1612 : i32 to index
    %swap3A_1615 = arith.constant 64 : index
    %swap3A_1616 = tpu.vector_load %arg5[%swap3A_1613, %swap3A_1614, %swap3A_1615] {strides = array<i32>} : memref<2x32x81xf32, #tpu.memory_space<vmem>>, vector<16xf32>,
    tpu.vector_store %arg5[%swap3A_1613, %swap3A_1614, %swap3A_1615], %broadcast_in_dim3A_3 {strides = array<i32>} : memref<2x32x81xf32, #tpu.memory_space<vmem>>, vector<16xf32>,
    %swap3A_1617 = arith.constant 1 : i32
    %swap3A_1618 = arith.constant 12 : i32
    %swap3A_1619 = arith.index_cast %swap3A_1617 : i32 to index
    %swap3A_1620 = arith.index_cast %swap3A_1618 : i32 to index
    %swap3A_1621 = arith.constant 65 : index
    %swap3A_1622 = tpu.vector_load %arg5[%swap3A_1619, %swap3A_1620, %swap3A_1621] {strides = array<i32>} : memref<2x32x81xf32, #tpu.memory_space<vmem>>, vector<16xf32>,
    tpu.vector_store %arg5[%swap3A_1619, %swap3A_1620, %swap3A_1621], %broadcast_in_dim3A_3 {strides = array<i32>} : memref<2x32x81xf32, #tpu.memory_space<vmem>>, vector<16xf32>,
    %swap3A_1623 = arith.constant 1 : i32
    %swap3A_1624 = arith.constant 13 : i32
    %swap3A_1625 = arith.index_cast %swap3A_1623 : i32 to index
    %swap3A_1626 = arith.index_cast %swap3A_1624 : i32 to index
    %swap3A_1627 = arith.constant 0 : index
    %swap3A_1628 = tpu.vector_load %arg5[%swap3A_1625, %swap3A_1626, %swap3A_1627] {strides = array<i32>} : memref<2x32x81xf32, #tpu.memory_space<vmem>>, vector<16xf32>,
    tpu.vector_store %arg5[%swap3A_1625, %swap3A_1626, %swap3A_1627], %broadcast_in_dim3A_3 {strides = array<i32>} : memref<2x32x81xf32, #tpu.memory_space<vmem>>, vector<16xf32>,
    %swap3A_1629 = arith.constant 1 : i32
    %swap3A_1630 = arith.constant 13 : i32
    %swap3A_1631 = arith.index_cast %swap3A_1629 : i32 to index
    %swap3A_1632 = arith.index_cast %swap3A_1630 : i32 to index
    %swap3A_1633 = arith.constant 16 : index
    %swap3A_1634 = tpu.vector_load %arg5[%swap3A_1631, %swap3A_1632, %swap3A_1633] {strides = array<i32>} : memref<2x32x81xf32, #tpu.memory_space<vmem>>, vector<16xf32>,
    tpu.vector_store %arg5[%swap3A_1631, %swap3A_1632, %swap3A_1633], %broadcast_in_dim3A_3 {strides = array<i32>} : memref<2x32x81xf32, #tpu.memory_space<vmem>>, vector<16xf32>,
    %swap3A_1635 = arith.constant 1 : i32
    %swap3A_1636 = arith.constant 13 : i32
    %swap3A_1637 = arith.index_cast %swap3A_1635 : i32 to index
    %swap3A_1638 = arith.index_cast %swap3A_1636 : i32 to index
    %swap3A_1639 = arith.constant 32 : index
    %swap3A_1640 = tpu.vector_load %arg5[%swap3A_1637, %swap3A_1638, %swap3A_1639] {strides = array<i32>} : memref<2x32x81xf32, #tpu.memory_space<vmem>>, vector<16xf32>,
    tpu.vector_store %arg5[%swap3A_1637, %swap3A_1638, %swap3A_1639], %broadcast_in_dim3A_3 {strides = array<i32>} : memref<2x32x81xf32, #tpu.memory_space<vmem>>, vector<16xf32>,
    %swap3A_1641 = arith.constant 1 : i32
    %swap3A_1642 = arith.constant 13 : i32
    %swap3A_1643 = arith.index_cast %swap3A_1641 : i32 to index
    %swap3A_1644 = arith.index_cast %swap3A_1642 : i32 to index
    %swap3A_1645 = arith.constant 48 : index
    %swap3A_1646 = tpu.vector_load %arg5[%swap3A_1643, %swap3A_1644, %swap3A_1645] {strides = array<i32>} : memref<2x32x81xf32, #tpu.memory_space<vmem>>, vector<16xf32>,
    tpu.vector_store %arg5[%swap3A_1643, %swap3A_1644, %swap3A_1645], %broadcast_in_dim3A_3 {strides = array<i32>} : memref<2x32x81xf32, #tpu.memory_space<vmem>>, vector<16xf32>,
    %swap3A_1647 = arith.constant 1 : i32
    %swap3A_1648 = arith.constant 13 : i32
    %swap3A_1649 = arith.index_cast %swap3A_1647 : i32 to index
    %swap3A_1650 = arith.index_cast %swap3A_1648 : i32 to index
    %swap3A_1651 = arith.constant 64 : index
    %swap3A_1652 = tpu.vector_load %arg5[%swap3A_1649, %swap3A_1650, %swap3A_1651] {strides = array<i32>} : memref<2x32x81xf32, #tpu.memory_space<vmem>>, vector<16xf32>,
    tpu.vector_store %arg5[%swap3A_1649, %swap3A_1650, %swap3A_1651], %broadcast_in_dim3A_3 {strides = array<i32>} : memref<2x32x81xf32, #tpu.memory_space<vmem>>, vector<16xf32>,
    %swap3A_1653 = arith.constant 1 : i32
    %swap3A_1654 = arith.constant 13 : i32
    %swap3A_1655 = arith.index_cast %swap3A_1653 : i32 to index
    %swap3A_1656 = arith.index_cast %swap3A_1654 : i32 to index
    %swap3A_1657 = arith.constant 65 : index
    %swap3A_1658 = tpu.vector_load %arg5[%swap3A_1655, %swap3A_1656, %swap3A_1657] {strides = array<i32>} : memref<2x32x81xf32, #tpu.memory_space<vmem>>, vector<16xf32>,
    tpu.vector_store %arg5[%swap3A_1655, %swap3A_1656, %swap3A_1657], %broadcast_in_dim3A_3 {strides = array<i32>} : memref<2x32x81xf32, #tpu.memory_space<vmem>>, vector<16xf32>,
    %swap3A_1659 = arith.constant 1 : i32
    %swap3A_1660 = arith.constant 14 : i32
    %swap3A_1661 = arith.index_cast %swap3A_1659 : i32 to index
    %swap3A_1662 = arith.index_cast %swap3A_1660 : i32 to index
    %swap3A_1663 = arith.constant 0 : index
    %swap3A_1664 = tpu.vector_load %arg5[%swap3A_1661, %swap3A_1662, %swap3A_1663] {strides = array<i32>} : memref<2x32x81xf32, #tpu.memory_space<vmem>>, vector<16xf32>,
    tpu.vector_store %arg5[%swap3A_1661, %swap3A_1662, %swap3A_1663], %broadcast_in_dim3A_3 {strides = array<i32>} : memref<2x32x81xf32, #tpu.memory_space<vmem>>, vector<16xf32>,
    %swap3A_1665 = arith.constant 1 : i32
    %swap3A_1666 = arith.constant 14 : i32
    %swap3A_1667 = arith.index_cast %swap3A_1665 : i32 to index
    %swap3A_1668 = arith.index_cast %swap3A_1666 : i32 to index
    %swap3A_1669 = arith.constant 16 : index
    %swap3A_1670 = tpu.vector_load %arg5[%swap3A_1667, %swap3A_1668, %swap3A_1669] {strides = array<i32>} : memref<2x32x81xf32, #tpu.memory_space<vmem>>, vector<16xf32>,
    tpu.vector_store %arg5[%swap3A_1667, %swap3A_1668, %swap3A_1669], %broadcast_in_dim3A_3 {strides = array<i32>} : memref<2x32x81xf32, #tpu.memory_space<vmem>>, vector<16xf32>,
    %swap3A_1671 = arith.constant 1 : i32
    %swap3A_1672 = arith.constant 14 : i32
    %swap3A_1673 = arith.index_cast %swap3A_1671 : i32 to index
    %swap3A_1674 = arith.index_cast %swap3A_1672 : i32 to index
    %swap3A_1675 = arith.constant 32 : index
    %swap3A_1676 = tpu.vector_load %arg5[%swap3A_1673, %swap3A_1674, %swap3A_1675] {strides = array<i32>} : memref<2x32x81xf32, #tpu.memory_space<vmem>>, vector<16xf32>,
    tpu.vector_store %arg5[%swap3A_1673, %swap3A_1674, %swap3A_1675], %broadcast_in_dim3A_3 {strides = array<i32>} : memref<2x32x81xf32, #tpu.memory_space<vmem>>, vector<16xf32>,
    %swap3A_1677 = arith.constant 1 : i32
    %swap3A_1678 = arith.constant 14 : i32
    %swap3A_1679 = arith.index_cast %swap3A_1677 : i32 to index
    %swap3A_1680 = arith.index_cast %swap3A_1678 : i32 to index
    %swap3A_1681 = arith.constant 48 : index
    %swap3A_1682 = tpu.vector_load %arg5[%swap3A_1679, %swap3A_1680, %swap3A_1681] {strides = array<i32>} : memref<2x32x81xf32, #tpu.memory_space<vmem>>, vector<16xf32>,
    tpu.vector_store %arg5[%swap3A_1679, %swap3A_1680, %swap3A_1681], %broadcast_in_dim3A_3 {strides = array<i32>} : memref<2x32x81xf32, #tpu.memory_space<vmem>>, vector<16xf32>,
    %swap3A_1683 = arith.constant 1 : i32
    %swap3A_1684 = arith.constant 14 : i32
    %swap3A_1685 = arith.index_cast %swap3A_1683 : i32 to index
    %swap3A_1686 = arith.index_cast %swap3A_1684 : i32 to index
    %swap3A_1687 = arith.constant 64 : index
    %swap3A_1688 = tpu.vector_load %arg5[%swap3A_1685, %swap3A_1686, %swap3A_1687] {strides = array<i32>} : memref<2x32x81xf32, #tpu.memory_space<vmem>>, vector<16xf32>,
    tpu.vector_store %arg5[%swap3A_1685, %swap3A_1686, %swap3A_1687], %broadcast_in_dim3A_3 {strides = array<i32>} : memref<2x32x81xf32, #tpu.memory_space<vmem>>, vector<16xf32>,
    %swap3A_1689 = arith.constant 1 : i32
    %swap3A_1690 = arith.constant 14 : i32
    %swap3A_1691 = arith.index_cast %swap3A_1689 : i32 to index
    %swap3A_1692 = arith.index_cast %swap3A_1690 : i32 to index
    %swap3A_1693 = arith.constant 65 : index
    %swap3A_1694 = tpu.vector_load %arg5[%swap3A_1691, %swap3A_1692, %swap3A_1693] {strides = array<i32>} : memref<2x32x81xf32, #tpu.memory_space<vmem>>, vector<16xf32>,
    tpu.vector_store %arg5[%swap3A_1691, %swap3A_1692, %swap3A_1693], %broadcast_in_dim3A_3 {strides = array<i32>} : memref<2x32x81xf32, #tpu.memory_space<vmem>>, vector<16xf32>,
    %swap3A_1695 = arith.constant 1 : i32
    %swap3A_1696 = arith.constant 15 : i32
    %swap3A_1697 = arith.index_cast %swap3A_1695 : i32 to index
    %swap3A_1698 = arith.index_cast %swap3A_1696 : i32 to index
    %swap3A_1699 = arith.constant 0 : index
    %swap3A_1700 = tpu.vector_load %arg5[%swap3A_1697, %swap3A_1698, %swap3A_1699] {strides = array<i32>} : memref<2x32x81xf32, #tpu.memory_space<vmem>>, vector<16xf32>,
    tpu.vector_store %arg5[%swap3A_1697, %swap3A_1698, %swap3A_1699], %broadcast_in_dim3A_3 {strides = array<i32>} : memref<2x32x81xf32, #tpu.memory_space<vmem>>, vector<16xf32>,
    %swap3A_1701 = arith.constant 1 : i32
    %swap3A_1702 = arith.constant 15 : i32
    %swap3A_1703 = arith.index_cast %swap3A_1701 : i32 to index
    %swap3A_1704 = arith.index_cast %swap3A_1702 : i32 to index
    %swap3A_1705 = arith.constant 16 : index
    %swap3A_1706 = tpu.vector_load %arg5[%swap3A_1703, %swap3A_1704, %swap3A_1705] {strides = array<i32>} : memref<2x32x81xf32, #tpu.memory_space<vmem>>, vector<16xf32>,
    tpu.vector_store %arg5[%swap3A_1703, %swap3A_1704, %swap3A_1705], %broadcast_in_dim3A_3 {strides = array<i32>} : memref<2x32x81xf32, #tpu.memory_space<vmem>>, vector<16xf32>,
    %swap3A_1707 = arith.constant 1 : i32
    %swap3A_1708 = arith.constant 15 : i32
    %swap3A_1709 = arith.index_cast %swap3A_1707 : i32 to index
    %swap3A_1710 = arith.index_cast %swap3A_1708 : i32 to index
    %swap3A_1711 = arith.constant 32 : index
    %swap3A_1712 = tpu.vector_load %arg5[%swap3A_1709, %swap3A_1710, %swap3A_1711] {strides = array<i32>} : memref<2x32x81xf32, #tpu.memory_space<vmem>>, vector<16xf32>,
    tpu.vector_store %arg5[%swap3A_1709, %swap3A_1710, %swap3A_1711], %broadcast_in_dim3A_3 {strides = array<i32>} : memref<2x32x81xf32, #tpu.memory_space<vmem>>, vector<16xf32>,
    %swap3A_1713 = arith.constant 1 : i32
    %swap3A_1714 = arith.constant 15 : i32
    %swap3A_1715 = arith.index_cast %swap3A_1713 : i32 to index
    %swap3A_1716 = arith.index_cast %swap3A_1714 : i32 to index
    %swap3A_1717 = arith.constant 48 : index
    %swap3A_1718 = tpu.vector_load %arg5[%swap3A_1715, %swap3A_1716, %swap3A_1717] {strides = array<i32>} : memref<2x32x81xf32, #tpu.memory_space<vmem>>, vector<16xf32>,
    tpu.vector_store %arg5[%swap3A_1715, %swap3A_1716, %swap3A_1717], %broadcast_in_dim3A_3 {strides = array<i32>} : memref<2x32x81xf32, #tpu.memory_space<vmem>>, vector<16xf32>,
    %swap3A_1719 = arith.constant 1 : i32
    %swap3A_1720 = arith.constant 15 : i32
    %swap3A_1721 = arith.index_cast %swap3A_1719 : i32 to index
    %swap3A_1722 = arith.index_cast %swap3A_1720 : i32 to index
    %swap3A_1723 = arith.constant 64 : index
    %swap3A_1724 = tpu.vector_load %arg5[%swap3A_1721, %swap3A_1722, %swap3A_1723] {strides = array<i32>} : memref<2x32x81xf32, #tpu.memory_space<vmem>>, vector<16xf32>,
    tpu.vector_store %arg5[%swap3A_1721, %swap3A_1722, %swap3A_1723], %broadcast_in_dim3A_3 {strides = array<i32>} : memref<2x32x81xf32, #tpu.memory_space<vmem>>, vector<16xf32>,
    %swap3A_1725 = arith.constant 1 : i32
    %swap3A_1726 = arith.constant 15 : i32
    %swap3A_1727 = arith.index_cast %swap3A_1725 : i32 to index
    %swap3A_1728 = arith.index_cast %swap3A_1726 : i32 to index
    %swap3A_1729 = arith.constant 65 : index
    %swap3A_1730 = tpu.vector_load %arg5[%swap3A_1727, %swap3A_1728, %swap3A_1729] {strides = array<i32>} : memref<2x32x81xf32, #tpu.memory_space<vmem>>, vector<16xf32>,
    tpu.vector_store %arg5[%swap3A_1727, %swap3A_1728, %swap3A_1729], %broadcast_in_dim3A_3 {strides = array<i32>} : memref<2x32x81xf32, #tpu.memory_space<vmem>>, vector<16xf32>,
    %swap3A_1731 = arith.constant 1 : i32
    %swap3A_1732 = arith.constant 16 : i32
    %swap3A_1733 = arith.index_cast %swap3A_1731 : i32 to index
    %swap3A_1734 = arith.index_cast %swap3A_1732 : i32 to index
    %swap3A_1735 = arith.constant 0 : index
    %swap3A_1736 = tpu.vector_load %arg5[%swap3A_1733, %swap3A_1734, %swap3A_1735] {strides = array<i32>} : memref<2x32x81xf32, #tpu.memory_space<vmem>>, vector<16xf32>,
    tpu.vector_store %arg5[%swap3A_1733, %swap3A_1734, %swap3A_1735], %broadcast_in_dim3A_3 {strides = array<i32>} : memref<2x32x81xf32, #tpu.memory_space<vmem>>, vector<16xf32>,
    %swap3A_1737 = arith.constant 1 : i32
    %swap3A_1738 = arith.constant 16 : i32
    %swap3A_1739 = arith.index_cast %swap3A_1737 : i32 to index
    %swap3A_1740 = arith.index_cast %swap3A_1738 : i32 to index
    %swap3A_1741 = arith.constant 16 : index
    %swap3A_1742 = tpu.vector_load %arg5[%swap3A_1739, %swap3A_1740, %swap3A_1741] {strides = array<i32>} : memref<2x32x81xf32, #tpu.memory_space<vmem>>, vector<16xf32>,
    tpu.vector_store %arg5[%swap3A_1739, %swap3A_1740, %swap3A_1741], %broadcast_in_dim3A_3 {strides = array<i32>} : memref<2x32x81xf32, #tpu.memory_space<vmem>>, vector<16xf32>,
    %swap3A_1743 = arith.constant 1 : i32
    %swap3A_1744 = arith.constant 16 : i32
    %swap3A_1745 = arith.index_cast %swap3A_1743 : i32 to index
    %swap3A_1746 = arith.index_cast %swap3A_1744 : i32 to index
    %swap3A_1747 = arith.constant 32 : index
    %swap3A_1748 = tpu.vector_load %arg5[%swap3A_1745, %swap3A_1746, %swap3A_1747] {strides = array<i32>} : memref<2x32x81xf32, #tpu.memory_space<vmem>>, vector<16xf32>,
    tpu.vector_store %arg5[%swap3A_1745, %swap3A_1746, %swap3A_1747], %broadcast_in_dim3A_3 {strides = array<i32>} : memref<2x32x81xf32, #tpu.memory_space<vmem>>, vector<16xf32>,
    %swap3A_1749 = arith.constant 1 : i32
    %swap3A_1750 = arith.constant 16 : i32
    %swap3A_1751 = arith.index_cast %swap3A_1749 : i32 to index
    %swap3A_1752 = arith.index_cast %swap3A_1750 : i32 to index
    %swap3A_1753 = arith.constant 48 : index
    %swap3A_1754 = tpu.vector_load %arg5[%swap3A_1751, %swap3A_1752, %swap3A_1753] {strides = array<i32>} : memref<2x32x81xf32, #tpu.memory_space<vmem>>, vector<16xf32>,
    tpu.vector_store %arg5[%swap3A_1751, %swap3A_1752, %swap3A_1753], %broadcast_in_dim3A_3 {strides = array<i32>} : memref<2x32x81xf32, #tpu.memory_space<vmem>>, vector<16xf32>,
    %swap3A_1755 = arith.constant 1 : i32
    %swap3A_1756 = arith.constant 16 : i32
    %swap3A_1757 = arith.index_cast %swap3A_1755 : i32 to index
    %swap3A_1758 = arith.index_cast %swap3A_1756 : i32 to index
    %swap3A_1759 = arith.constant 64 : index
    %swap3A_1760 = tpu.vector_load %arg5[%swap3A_1757, %swap3A_1758, %swap3A_1759] {strides = array<i32>} : memref<2x32x81xf32, #tpu.memory_space<vmem>>, vector<16xf32>,
    tpu.vector_store %arg5[%swap3A_1757, %swap3A_1758, %swap3A_1759], %broadcast_in_dim3A_3 {strides = array<i32>} : memref<2x32x81xf32, #tpu.memory_space<vmem>>, vector<16xf32>,
    %swap3A_1761 = arith.constant 1 : i32
    %swap3A_1762 = arith.constant 16 : i32
    %swap3A_1763 = arith.index_cast %swap3A_1761 : i32 to index
    %swap3A_1764 = arith.index_cast %swap3A_1762 : i32 to index
    %swap3A_1765 = arith.constant 65 : index
    %swap3A_1766 = tpu.vector_load %arg5[%swap3A_1763, %swap3A_1764, %swap3A_1765] {strides = array<i32>} : memref<2x32x81xf32, #tpu.memory_space<vmem>>, vector<16xf32>,
    tpu.vector_store %arg5[%swap3A_1763, %swap3A_1764, %swap3A_1765], %broadcast_in_dim3A_3 {strides = array<i32>} : memref<2x32x81xf32, #tpu.memory_space<vmem>>, vector<16xf32>,
    %swap3A_1767 = arith.constant 1 : i32
    %swap3A_1768 = arith.constant 17 : i32
    %swap3A_1769 = arith.index_cast %swap3A_1767 : i32 to index
    %swap3A_1770 = arith.index_cast %swap3A_1768 : i32 to index
    %swap3A_1771 = arith.constant 0 : index
    %swap3A_1772 = tpu.vector_load %arg5[%swap3A_1769, %swap3A_1770, %swap3A_1771] {strides = array<i32>} : memref<2x32x81xf32, #tpu.memory_space<vmem>>, vector<16xf32>,
    tpu.vector_store %arg5[%swap3A_1769, %swap3A_1770, %swap3A_1771], %broadcast_in_dim3A_3 {strides = array<i32>} : memref<2x32x81xf32, #tpu.memory_space<vmem>>, vector<16xf32>,
    %swap3A_1773 = arith.constant 1 : i32
    %swap3A_1774 = arith.constant 17 : i32
    %swap3A_1775 = arith.index_cast %swap3A_1773 : i32 to index
    %swap3A_1776 = arith.index_cast %swap3A_1774 : i32 to index
    %swap3A_1777 = arith.constant 16 : index
    %swap3A_1778 = tpu.vector_load %arg5[%swap3A_1775, %swap3A_1776, %swap3A_1777] {strides = array<i32>} : memref<2x32x81xf32, #tpu.memory_space<vmem>>, vector<16xf32>,
    tpu.vector_store %arg5[%swap3A_1775, %swap3A_1776, %swap3A_1777], %broadcast_in_dim3A_3 {strides = array<i32>} : memref<2x32x81xf32, #tpu.memory_space<vmem>>, vector<16xf32>,
    %swap3A_1779 = arith.constant 1 : i32
    %swap3A_1780 = arith.constant 17 : i32
    %swap3A_1781 = arith.index_cast %swap3A_1779 : i32 to index
    %swap3A_1782 = arith.index_cast %swap3A_1780 : i32 to index
    %swap3A_1783 = arith.constant 32 : index
    %swap3A_1784 = tpu.vector_load %arg5[%swap3A_1781, %swap3A_1782, %swap3A_1783] {strides = array<i32>} : memref<2x32x81xf32, #tpu.memory_space<vmem>>, vector<16xf32>,
    tpu.vector_store %arg5[%swap3A_1781, %swap3A_1782, %swap3A_1783], %broadcast_in_dim3A_3 {strides = array<i32>} : memref<2x32x81xf32, #tpu.memory_space<vmem>>, vector<16xf32>,
    %swap3A_1785 = arith.constant 1 : i32
    %swap3A_1786 = arith.constant 17 : i32
    %swap3A_1787 = arith.index_cast %swap3A_1785 : i32 to index
    %swap3A_1788 = arith.index_cast %swap3A_1786 : i32 to index
    %swap3A_1789 = arith.constant 48 : index
    %swap3A_1790 = tpu.vector_load %arg5[%swap3A_1787, %swap3A_1788, %swap3A_1789] {strides = array<i32>} : memref<2x32x81xf32, #tpu.memory_space<vmem>>, vector<16xf32>,
    tpu.vector_store %arg5[%swap3A_1787, %swap3A_1788, %swap3A_1789], %broadcast_in_dim3A_3 {strides = array<i32>} : memref<2x32x81xf32, #tpu.memory_space<vmem>>, vector<16xf32>,
    %swap3A_1791 = arith.constant 1 : i32
    %swap3A_1792 = arith.constant 17 : i32
    %swap3A_1793 = arith.index_cast %swap3A_1791 : i32 to index
    %swap3A_1794 = arith.index_cast %swap3A_1792 : i32 to index
    %swap3A_1795 = arith.constant 64 : index
    %swap3A_1796 = tpu.vector_load %arg5[%swap3A_1793, %swap3A_1794, %swap3A_1795] {strides = array<i32>} : memref<2x32x81xf32, #tpu.memory_space<vmem>>, vector<16xf32>,
    tpu.vector_store %arg5[%swap3A_1793, %swap3A_1794, %swap3A_1795], %broadcast_in_dim3A_3 {strides = array<i32>} : memref<2x32x81xf32, #tpu.memory_space<vmem>>, vector<16xf32>,
    %swap3A_1797 = arith.constant 1 : i32
    %swap3A_1798 = arith.constant 17 : i32
    %swap3A_1799 = arith.index_cast %swap3A_1797 : i32 to index
    %swap3A_1800 = arith.index_cast %swap3A_1798 : i32 to index
    %swap3A_1801 = arith.constant 65 : index
    %swap3A_1802 = tpu.vector_load %arg5[%swap3A_1799, %swap3A_1800, %swap3A_1801] {strides = array<i32>} : memref<2x32x81xf32, #tpu.memory_space<vmem>>, vector<16xf32>,
    tpu.vector_store %arg5[%swap3A_1799, %swap3A_1800, %swap3A_1801], %broadcast_in_dim3A_3 {strides = array<i32>} : memref<2x32x81xf32, #tpu.memory_space<vmem>>, vector<16xf32>,
    %swap3A_1803 = arith.constant 1 : i32
    %swap3A_1804 = arith.constant 18 : i32
    %swap3A_1805 = arith.index_cast %swap3A_1803 : i32 to index
    %swap3A_1806 = arith.index_cast %swap3A_1804 : i32 to index
    %swap3A_1807 = arith.constant 0 : index
    %swap3A_1808 = tpu.vector_load %arg5[%swap3A_1805, %swap3A_1806, %swap3A_1807] {strides = array<i32>} : memref<2x32x81xf32, #tpu.memory_space<vmem>>, vector<16xf32>,
    tpu.vector_store %arg5[%swap3A_1805, %swap3A_1806, %swap3A_1807], %broadcast_in_dim3A_3 {strides = array<i32>} : memref<2x32x81xf32, #tpu.memory_space<vmem>>, vector<16xf32>,
    %swap3A_1809 = arith.constant 1 : i32
    %swap3A_1810 = arith.constant 18 : i32
    %swap3A_1811 = arith.index_cast %swap3A_1809 : i32 to index
    %swap3A_1812 = arith.index_cast %swap3A_1810 : i32 to index
    %swap3A_1813 = arith.constant 16 : index
    %swap3A_1814 = tpu.vector_load %arg5[%swap3A_1811, %swap3A_1812, %swap3A_1813] {strides = array<i32>} : memref<2x32x81xf32, #tpu.memory_space<vmem>>, vector<16xf32>,
    tpu.vector_store %arg5[%swap3A_1811, %swap3A_1812, %swap3A_1813], %broadcast_in_dim3A_3 {strides = array<i32>} : memref<2x32x81xf32, #tpu.memory_space<vmem>>, vector<16xf32>,
    %swap3A_1815 = arith.constant 1 : i32
    %swap3A_1816 = arith.constant 18 : i32
    %swap3A_1817 = arith.index_cast %swap3A_1815 : i32 to index
    %swap3A_1818 = arith.index_cast %swap3A_1816 : i32 to index
    %swap3A_1819 = arith.constant 32 : index
    %swap3A_1820 = tpu.vector_load %arg5[%swap3A_1817, %swap3A_1818, %swap3A_1819] {strides = array<i32>} : memref<2x32x81xf32, #tpu.memory_space<vmem>>, vector<16xf32>,
    tpu.vector_store %arg5[%swap3A_1817, %swap3A_1818, %swap3A_1819], %broadcast_in_dim3A_3 {strides = array<i32>} : memref<2x32x81xf32, #tpu.memory_space<vmem>>, vector<16xf32>,
    %swap3A_1821 = arith.constant 1 : i32
    %swap3A_1822 = arith.constant 18 : i32
    %swap3A_1823 = arith.index_cast %swap3A_1821 : i32 to index
    %swap3A_1824 = arith.index_cast %swap3A_1822 : i32 to index
    %swap3A_1825 = arith.constant 48 : index
    %swap3A_1826 = tpu.vector_load %arg5[%swap3A_1823, %swap3A_1824, %swap3A_1825] {strides = array<i32>} : memref<2x32x81xf32, #tpu.memory_space<vmem>>, vector<16xf32>,
    tpu.vector_store %arg5[%swap3A_1823, %swap3A_1824, %swap3A_1825], %broadcast_in_dim3A_3 {strides = array<i32>} : memref<2x32x81xf32, #tpu.memory_space<vmem>>, vector<16xf32>,
    %swap3A_1827 = arith.constant 1 : i32
    %swap3A_1828 = arith.constant 18 : i32
    %swap3A_1829 = arith.index_cast %swap3A_1827 : i32 to index
    %swap3A_1830 = arith.index_cast %swap3A_1828 : i32 to index
    %swap3A_1831 = arith.constant 64 : index
    %swap3A_1832 = tpu.vector_load %arg5[%swap3A_1829, %swap3A_1830, %swap3A_1831] {strides = array<i32>} : memref<2x32x81xf32, #tpu.memory_space<vmem>>, vector<16xf32>,
    tpu.vector_store %arg5[%swap3A_1829, %swap3A_1830, %swap3A_1831], %broadcast_in_dim3A_3 {strides = array<i32>} : memref<2x32x81xf32, #tpu.memory_space<vmem>>, vector<16xf32>,
    %swap3A_1833 = arith.constant 1 : i32
    %swap3A_1834 = arith.constant 18 : i32
    %swap3A_1835 = arith.index_cast %swap3A_1833 : i32 to index
    %swap3A_1836 = arith.index_cast %swap3A_1834 : i32 to index
    %swap3A_1837 = arith.constant 65 : index
    %swap3A_1838 = tpu.vector_load %arg5[%swap3A_1835, %swap3A_1836, %swap3A_1837] {strides = array<i32>} : memref<2x32x81xf32, #tpu.memory_space<vmem>>, vector<16xf32>,
    tpu.vector_store %arg5[%swap3A_1835, %swap3A_1836, %swap3A_1837], %broadcast_in_dim3A_3 {strides = array<i32>} : memref<2x32x81xf32, #tpu.memory_space<vmem>>, vector<16xf32>,
    %swap3A_1839 = arith.constant 1 : i32
    %swap3A_1840 = arith.constant 19 : i32
    %swap3A_1841 = arith.index_cast %swap3A_1839 : i32 to index
    %swap3A_1842 = arith.index_cast %swap3A_1840 : i32 to index
    %swap3A_1843 = arith.constant 0 : index
    %swap3A_1844 = tpu.vector_load %arg5[%swap3A_1841, %swap3A_1842, %swap3A_1843] {strides = array<i32>} : memref<2x32x81xf32, #tpu.memory_space<vmem>>, vector<16xf32>,
    tpu.vector_store %arg5[%swap3A_1841, %swap3A_1842, %swap3A_1843], %broadcast_in_dim3A_3 {strides = array<i32>} : memref<2x32x81xf32, #tpu.memory_space<vmem>>, vector<16xf32>,
    %swap3A_1845 = arith.constant 1 : i32
    %swap3A_1846 = arith.constant 19 : i32
    %swap3A_1847 = arith.index_cast %swap3A_1845 : i32 to index
    %swap3A_1848 = arith.index_cast %swap3A_1846 : i32 to index
    %swap3A_1849 = arith.constant 16 : index
    %swap3A_1850 = tpu.vector_load %arg5[%swap3A_1847, %swap3A_1848, %swap3A_1849] {strides = array<i32>} : memref<2x32x81xf32, #tpu.memory_space<vmem>>, vector<16xf32>,
    tpu.vector_store %arg5[%swap3A_1847, %swap3A_1848, %swap3A_1849], %broadcast_in_dim3A_3 {strides = array<i32>} : memref<2x32x81xf32, #tpu.memory_space<vmem>>, vector<16xf32>,
    %swap3A_1851 = arith.constant 1 : i32
    %swap3A_1852 = arith.constant 19 : i32
    %swap3A_1853 = arith.index_cast %swap3A_1851 : i32 to index
    %swap3A_1854 = arith.index_cast %swap3A_1852 : i32 to index
    %swap3A_1855 = arith.constant 32 : index
    %swap3A_1856 = tpu.vector_load %arg5[%swap3A_1853, %swap3A_1854, %swap3A_1855] {strides = array<i32>} : memref<2x32x81xf32, #tpu.memory_space<vmem>>, vector<16xf32>,
    tpu.vector_store %arg5[%swap3A_1853, %swap3A_1854, %swap3A_1855], %broadcast_in_dim3A_3 {strides = array<i32>} : memref<2x32x81xf32, #tpu.memory_space<vmem>>, vector<16xf32>,
    %swap3A_1857 = arith.constant 1 : i32
    %swap3A_1858 = arith.constant 19 : i32
    %swap3A_1859 = arith.index_cast %swap3A_1857 : i32 to index
    %swap3A_1860 = arith.index_cast %swap3A_1858 : i32 to index
    %swap3A_1861 = arith.constant 48 : index
    %swap3A_1862 = tpu.vector_load %arg5[%swap3A_1859, %swap3A_1860, %swap3A_1861] {strides = array<i32>} : memref<2x32x81xf32, #tpu.memory_space<vmem>>, vector<16xf32>,
    tpu.vector_store %arg5[%swap3A_1859, %swap3A_1860, %swap3A_1861], %broadcast_in_dim3A_3 {strides = array<i32>} : memref<2x32x81xf32, #tpu.memory_space<vmem>>, vector<16xf32>,
    %swap3A_1863 = arith.constant 1 : i32
    %swap3A_1864 = arith.constant 19 : i32
    %swap3A_1865 = arith.index_cast %swap3A_1863 : i32 to index
    %swap3A_1866 = arith.index_cast %swap3A_1864 : i32 to index
    %swap3A_1867 = arith.constant 64 : index
    %swap3A_1868 = tpu.vector_load %arg5[%swap3A_1865, %swap3A_1866, %swap3A_1867] {strides = array<i32>} : memref<2x32x81xf32, #tpu.memory_space<vmem>>, vector<16xf32>,
    tpu.vector_store %arg5[%swap3A_1865, %swap3A_1866, %swap3A_1867], %broadcast_in_dim3A_3 {strides = array<i32>} : memref<2x32x81xf32, #tpu.memory_space<vmem>>, vector<16xf32>,
    %swap3A_1869 = arith.constant 1 : i32
    %swap3A_1870 = arith.constant 19 : i32
    %swap3A_1871 = arith.index_cast %swap3A_1869 : i32 to index
    %swap3A_1872 = arith.index_cast %swap3A_1870 : i32 to index
    %swap3A_1873 = arith.constant 65 : index
    %swap3A_1874 = tpu.vector_load %arg5[%swap3A_1871, %swap3A_1872, %swap3A_1873] {strides = array<i32>} : memref<2x32x81xf32, #tpu.memory_space<vmem>>, vector<16xf32>,
    tpu.vector_store %arg5[%swap3A_1871, %swap3A_1872, %swap3A_1873], %broadcast_in_dim3A_3 {strides = array<i32>} : memref<2x32x81xf32, #tpu.memory_space<vmem>>, vector<16xf32>,
    %swap3A_1875 = arith.constant 1 : i32
    %swap3A_1876 = arith.constant 20 : i32
    %swap3A_1877 = arith.index_cast %swap3A_1875 : i32 to index
    %swap3A_1878 = arith.index_cast %swap3A_1876 : i32 to index
    %swap3A_1879 = arith.constant 0 : index
    %swap3A_1880 = tpu.vector_load %arg5[%swap3A_1877, %swap3A_1878, %swap3A_1879] {strides = array<i32>} : memref<2x32x81xf32, #tpu.memory_space<vmem>>, vector<16xf32>,
    tpu.vector_store %arg5[%swap3A_1877, %swap3A_1878, %swap3A_1879], %broadcast_in_dim3A_3 {strides = array<i32>} : memref<2x32x81xf32, #tpu.memory_space<vmem>>, vector<16xf32>,
    %swap3A_1881 = arith.constant 1 : i32
    %swap3A_1882 = arith.constant 20 : i32
    %swap3A_1883 = arith.index_cast %swap3A_1881 : i32 to index
    %swap3A_1884 = arith.index_cast %swap3A_1882 : i32 to index
    %swap3A_1885 = arith.constant 16 : index
    %swap3A_1886 = tpu.vector_load %arg5[%swap3A_1883, %swap3A_1884, %swap3A_1885] {strides = array<i32>} : memref<2x32x81xf32, #tpu.memory_space<vmem>>, vector<16xf32>,
    tpu.vector_store %arg5[%swap3A_1883, %swap3A_1884, %swap3A_1885], %broadcast_in_dim3A_3 {strides = array<i32>} : memref<2x32x81xf32, #tpu.memory_space<vmem>>, vector<16xf32>,
    %swap3A_1887 = arith.constant 1 : i32
    %swap3A_1888 = arith.constant 20 : i32
    %swap3A_1889 = arith.index_cast %swap3A_1887 : i32 to index
    %swap3A_1890 = arith.index_cast %swap3A_1888 : i32 to index
    %swap3A_1891 = arith.constant 32 : index
    %swap3A_1892 = tpu.vector_load %arg5[%swap3A_1889, %swap3A_1890, %swap3A_1891] {strides = array<i32>} : memref<2x32x81xf32, #tpu.memory_space<vmem>>, vector<16xf32>,
    tpu.vector_store %arg5[%swap3A_1889, %swap3A_1890, %swap3A_1891], %broadcast_in_dim3A_3 {strides = array<i32>} : memref<2x32x81xf32, #tpu.memory_space<vmem>>, vector<16xf32>,
    %swap3A_1893 = arith.constant 1 : i32
    %swap3A_1894 = arith.constant 20 : i32
    %swap3A_1895 = arith.index_cast %swap3A_1893 : i32 to index
    %swap3A_1896 = arith.index_cast %swap3A_1894 : i32 to index
    %swap3A_1897 = arith.constant 48 : index
    %swap3A_1898 = tpu.vector_load %arg5[%swap3A_1895, %swap3A_1896, %swap3A_1897] {strides = array<i32>} : memref<2x32x81xf32, #tpu.memory_space<vmem>>, vector<16xf32>,
    tpu.vector_store %arg5[%swap3A_1895, %swap3A_1896, %swap3A_1897], %broadcast_in_dim3A_3 {strides = array<i32>} : memref<2x32x81xf32, #tpu.memory_space<vmem>>, vector<16xf32>,
    %swap3A_1899 = arith.constant 1 : i32
    %swap3A_1900 = arith.constant 20 : i32
    %swap3A_1901 = arith.index_cast %swap3A_1899 : i32 to index
    %swap3A_1902 = arith.index_cast %swap3A_1900 : i32 to index
    %swap3A_1903 = arith.constant 64 : index
    %swap3A_1904 = tpu.vector_load %arg5[%swap3A_1901, %swap3A_1902, %swap3A_1903] {strides = array<i32>} : memref<2x32x81xf32, #tpu.memory_space<vmem>>, vector<16xf32>,
    tpu.vector_store %arg5[%swap3A_1901, %swap3A_1902, %swap3A_1903], %broadcast_in_dim3A_3 {strides = array<i32>} : memref<2x32x81xf32, #tpu.memory_space<vmem>>, vector<16xf32>,
    %swap3A_1905 = arith.constant 1 : i32
    %swap3A_1906 = arith.constant 20 : i32
    %swap3A_1907 = arith.index_cast %swap3A_1905 : i32 to index
    %swap3A_1908 = arith.index_cast %swap3A_1906 : i32 to index
    %swap3A_1909 = arith.constant 65 : index
    %swap3A_1910 = tpu.vector_load %arg5[%swap3A_1907, %swap3A_1908, %swap3A_1909] {strides = array<i32>} : memref<2x32x81xf32, #tpu.memory_space<vmem>>, vector<16xf32>,
    tpu.vector_store %arg5[%swap3A_1907, %swap3A_1908, %swap3A_1909], %broadcast_in_dim3A_3 {strides = array<i32>} : memref<2x32x81xf32, #tpu.memory_space<vmem>>, vector<16xf32>,
    %swap3A_1911 = arith.constant 1 : i32
    %swap3A_1912 = arith.constant 21 : i32
    %swap3A_1913 = arith.index_cast %swap3A_1911 : i32 to index
    %swap3A_1914 = arith.index_cast %swap3A_1912 : i32 to index
    %swap3A_1915 = arith.constant 0 : index
    %swap3A_1916 = tpu.vector_load %arg5[%swap3A_1913, %swap3A_1914, %swap3A_1915] {strides = array<i32>} : memref<2x32x81xf32, #tpu.memory_space<vmem>>, vector<16xf32>,
    tpu.vector_store %arg5[%swap3A_1913, %swap3A_1914, %swap3A_1915], %broadcast_in_dim3A_3 {strides = array<i32>} : memref<2x32x81xf32, #tpu.memory_space<vmem>>, vector<16xf32>,
    %swap3A_1917 = arith.constant 1 : i32
    %swap3A_1918 = arith.constant 21 : i32
    %swap3A_1919 = arith.index_cast %swap3A_1917 : i32 to index
    %swap3A_1920 = arith.index_cast %swap3A_1918 : i32 to index
    %swap3A_1921 = arith.constant 16 : index
    %swap3A_1922 = tpu.vector_load %arg5[%swap3A_1919, %swap3A_1920, %swap3A_1921] {strides = array<i32>} : memref<2x32x81xf32, #tpu.memory_space<vmem>>, vector<16xf32>,
    tpu.vector_store %arg5[%swap3A_1919, %swap3A_1920, %swap3A_1921], %broadcast_in_dim3A_3 {strides = array<i32>} : memref<2x32x81xf32, #tpu.memory_space<vmem>>, vector<16xf32>,
    %swap3A_1923 = arith.constant 1 : i32
    %swap3A_1924 = arith.constant 21 : i32
    %swap3A_1925 = arith.index_cast %swap3A_1923 : i32 to index
    %swap3A_1926 = arith.index_cast %swap3A_1924 : i32 to index
    %swap3A_1927 = arith.constant 32 : index
    %swap3A_1928 = tpu.vector_load %arg5[%swap3A_1925, %swap3A_1926, %swap3A_1927] {strides = array<i32>} : memref<2x32x81xf32, #tpu.memory_space<vmem>>, vector<16xf32>,
    tpu.vector_store %arg5[%swap3A_1925, %swap3A_1926, %swap3A_1927], %broadcast_in_dim3A_3 {strides = array<i32>} : memref<2x32x81xf32, #tpu.memory_space<vmem>>, vector<16xf32>,
    %swap3A_1929 = arith.constant 1 : i32
    %swap3A_1930 = arith.constant 21 : i32
    %swap3A_1931 = arith.index_cast %swap3A_1929 : i32 to index
    %swap3A_1932 = arith.index_cast %swap3A_1930 : i32 to index
    %swap3A_1933 = arith.constant 48 : index
    %swap3A_1934 = tpu.vector_load %arg5[%swap3A_1931, %swap3A_1932, %swap3A_1933] {strides = array<i32>} : memref<2x32x81xf32, #tpu.memory_space<vmem>>, vector<16xf32>,
    tpu.vector_store %arg5[%swap3A_1931, %swap3A_1932, %swap3A_1933], %broadcast_in_dim3A_3 {strides = array<i32>} : memref<2x32x81xf32, #tpu.memory_space<vmem>>, vector<16xf32>,
    %swap3A_1935 = arith.constant 1 : i32
    %swap3A_1936 = arith.constant 21 : i32
    %swap3A_1937 = arith.index_cast %swap3A_1935 : i32 to index
    %swap3A_1938 = arith.index_cast %swap3A_1936 : i32 to index
    %swap3A_1939 = arith.constant 64 : index
    %swap3A_1940 = tpu.vector_load %arg5[%swap3A_1937, %swap3A_1938, %swap3A_1939] {strides = array<i32>} : memref<2x32x81xf32, #tpu.memory_space<vmem>>, vector<16xf32>,
    tpu.vector_store %arg5[%swap3A_1937, %swap3A_1938, %swap3A_1939], %broadcast_in_dim3A_3 {strides = array<i32>} : memref<2x32x81xf32, #tpu.memory_space<vmem>>, vector<16xf32>,
    %swap3A_1941 = arith.constant 1 : i32
    %swap3A_1942 = arith.constant 21 : i32
    %swap3A_1943 = arith.index_cast %swap3A_1941 : i32 to index
    %swap3A_1944 = arith.index_cast %swap3A_1942 : i32 to index
    %swap3A_1945 = arith.constant 65 : index
    %swap3A_1946 = tpu.vector_load %arg5[%swap3A_1943, %swap3A_1944, %swap3A_1945] {strides = array<i32>} : memref<2x32x81xf32, #tpu.memory_space<vmem>>, vector<16xf32>,
    tpu.vector_store %arg5[%swap3A_1943, %swap3A_1944, %swap3A_1945], %broadcast_in_dim3A_3 {strides = array<i32>} : memref<2x32x81xf32, #tpu.memory_space<vmem>>, vector<16xf32>,
    %swap3A_1947 = arith.constant 1 : i32
    %swap3A_1948 = arith.constant 22 : i32
    %swap3A_1949 = arith.index_cast %swap3A_1947 : i32 to index
    %swap3A_1950 = arith.index_cast %swap3A_1948 : i32 to index
    %swap3A_1951 = arith.constant 0 : index
    %swap3A_1952 = tpu.vector_load %arg5[%swap3A_1949, %swap3A_1950, %swap3A_1951] {strides = array<i32>} : memref<2x32x81xf32, #tpu.memory_space<vmem>>, vector<16xf32>,
    tpu.vector_store %arg5[%swap3A_1949, %swap3A_1950, %swap3A_1951], %broadcast_in_dim3A_3 {strides = array<i32>} : memref<2x32x81xf32, #tpu.memory_space<vmem>>, vector<16xf32>,
    %swap3A_1953 = arith.constant 1 : i32
    %swap3A_1954 = arith.constant 22 : i32
    %swap3A_1955 = arith.index_cast %swap3A_1953 : i32 to index
    %swap3A_1956 = arith.index_cast %swap3A_1954 : i32 to index
    %swap3A_1957 = arith.constant 16 : index
    %swap3A_1958 = tpu.vector_load %arg5[%swap3A_1955, %swap3A_1956, %swap3A_1957] {strides = array<i32>} : memref<2x32x81xf32, #tpu.memory_space<vmem>>, vector<16xf32>,
    tpu.vector_store %arg5[%swap3A_1955, %swap3A_1956, %swap3A_1957], %broadcast_in_dim3A_3 {strides = array<i32>} : memref<2x32x81xf32, #tpu.memory_space<vmem>>, vector<16xf32>,
    %swap3A_1959 = arith.constant 1 : i32
    %swap3A_1960 = arith.constant 22 : i32
    %swap3A_1961 = arith.index_cast %swap3A_1959 : i32 to index
    %swap3A_1962 = arith.index_cast %swap3A_1960 : i32 to index
    %swap3A_1963 = arith.constant 32 : index
    %swap3A_1964 = tpu.vector_load %arg5[%swap3A_1961, %swap3A_1962, %swap3A_1963] {strides = array<i32>} : memref<2x32x81xf32, #tpu.memory_space<vmem>>, vector<16xf32>,
    tpu.vector_store %arg5[%swap3A_1961, %swap3A_1962, %swap3A_1963], %broadcast_in_dim3A_3 {strides = array<i32>} : memref<2x32x81xf32, #tpu.memory_space<vmem>>, vector<16xf32>,
    %swap3A_1965 = arith.constant 1 : i32
    %swap3A_1966 = arith.constant 22 : i32
    %swap3A_1967 = arith.index_cast %swap3A_1965 : i32 to index
    %swap3A_1968 = arith.index_cast %swap3A_1966 : i32 to index
    %swap3A_1969 = arith.constant 48 : index
    %swap3A_1970 = tpu.vector_load %arg5[%swap3A_1967, %swap3A_1968, %swap3A_1969] {strides = array<i32>} : memref<2x32x81xf32, #tpu.memory_space<vmem>>, vector<16xf32>,
    tpu.vector_store %arg5[%swap3A_1967, %swap3A_1968, %swap3A_1969], %broadcast_in_dim3A_3 {strides = array<i32>} : memref<2x32x81xf32, #tpu.memory_space<vmem>>, vector<16xf32>,
    %swap3A_1971 = arith.constant 1 : i32
    %swap3A_1972 = arith.constant 22 : i32
    %swap3A_1973 = arith.index_cast %swap3A_1971 : i32 to index
    %swap3A_1974 = arith.index_cast %swap3A_1972 : i32 to index
    %swap3A_1975 = arith.constant 64 : index
    %swap3A_1976 = tpu.vector_load %arg5[%swap3A_1973, %swap3A_1974, %swap3A_1975] {strides = array<i32>} : memref<2x32x81xf32, #tpu.memory_space<vmem>>, vector<16xf32>,
    tpu.vector_store %arg5[%swap3A_1973, %swap3A_1974, %swap3A_1975], %broadcast_in_dim3A_3 {strides = array<i32>} : memref<2x32x81xf32, #tpu.memory_space<vmem>>, vector<16xf32>,
    %swap3A_1977 = arith.constant 1 : i32
    %swap3A_1978 = arith.constant 22 : i32
    %swap3A_1979 = arith.index_cast %swap3A_1977 : i32 to index
    %swap3A_1980 = arith.index_cast %swap3A_1978 : i32 to index
    %swap3A_1981 = arith.constant 65 : index
    %swap3A_1982 = tpu.vector_load %arg5[%swap3A_1979, %swap3A_1980, %swap3A_1981] {strides = array<i32>} : memref<2x32x81xf32, #tpu.memory_space<vmem>>, vector<16xf32>,
    tpu.vector_store %arg5[%swap3A_1979, %swap3A_1980, %swap3A_1981], %broadcast_in_dim3A_3 {strides = array<i32>} : memref<2x32x81xf32, #tpu.memory_space<vmem>>, vector<16xf32>,
    %swap3A_1983 = arith.constant 1 : i32
    %swap3A_1984 = arith.constant 23 : i32
    %swap3A_1985 = arith.index_cast %swap3A_1983 : i32 to index
    %swap3A_1986 = arith.index_cast %swap3A_1984 : i32 to index
    %swap3A_1987 = arith.constant 0 : index
    %swap3A_1988 = tpu.vector_load %arg5[%swap3A_1985, %swap3A_1986, %swap3A_1987] {strides = array<i32>} : memref<2x32x81xf32, #tpu.memory_space<vmem>>, vector<16xf32>,
    tpu.vector_store %arg5[%swap3A_1985, %swap3A_1986, %swap3A_1987], %broadcast_in_dim3A_3 {strides = array<i32>} : memref<2x32x81xf32, #tpu.memory_space<vmem>>, vector<16xf32>,
    %swap3A_1989 = arith.constant 1 : i32
    %swap3A_1990 = arith.constant 23 : i32
    %swap3A_1991 = arith.index_cast %swap3A_1989 : i32 to index
    %swap3A_1992 = arith.index_cast %swap3A_1990 : i32 to index
    %swap3A_1993 = arith.constant 16 : index
    %swap3A_1994 = tpu.vector_load %arg5[%swap3A_1991, %swap3A_1992, %swap3A_1993] {strides = array<i32>} : memref<2x32x81xf32, #tpu.memory_space<vmem>>, vector<16xf32>,
    tpu.vector_store %arg5[%swap3A_1991, %swap3A_1992, %swap3A_1993], %broadcast_in_dim3A_3 {strides = array<i32>} : memref<2x32x81xf32, #tpu.memory_space<vmem>>, vector<16xf32>,
    %swap3A_1995 = arith.constant 1 : i32
    %swap3A_1996 = arith.constant 23 : i32
    %swap3A_1997 = arith.index_cast %swap3A_1995 : i32 to index
    %swap3A_1998 = arith.index_cast %swap3A_1996 : i32 to index
    %swap3A_1999 = arith.constant 32 : index
    %swap3A_2000 = tpu.vector_load %arg5[%swap3A_1997, %swap3A_1998, %swap3A_1999] {strides = array<i32>} : memref<2x32x81xf32, #tpu.memory_space<vmem>>, vector<16xf32>,
    tpu.vector_store %arg5[%swap3A_1997, %swap3A_1998, %swap3A_1999], %broadcast_in_dim3A_3 {strides = array<i32>} : memref<2x32x81xf32, #tpu.memory_space<vmem>>, vector<16xf32>,
    %swap3A_2001 = arith.constant 1 : i32
    %swap3A_2002 = arith.constant 23 : i32
    %swap3A_2003 = arith.index_cast %swap3A_2001 : i32 to index
    %swap3A_2004 = arith.index_cast %swap3A_2002 : i32 to index
    %swap3A_2005 = arith.constant 48 : index
    %swap3A_2006 = tpu.vector_load %arg5[%swap3A_2003, %swap3A_2004, %swap3A_2005] {strides = array<i32>} : memref<2x32x81xf32, #tpu.memory_space<vmem>>, vector<16xf32>,
    tpu.vector_store %arg5[%swap3A_2003, %swap3A_2004, %swap3A_2005], %broadcast_in_dim3A_3 {strides = array<i32>} : memref<2x32x81xf32, #tpu.memory_space<vmem>>, vector<16xf32>,
    %swap3A_2007 = arith.constant 1 : i32
    %swap3A_2008 = arith.constant 23 : i32
    %swap3A_2009 = arith.index_cast %swap3A_2007 : i32 to index
    %swap3A_2010 = arith.index_cast %swap3A_2008 : i32 to index
    %swap3A_2011 = arith.constant 64 : index
    %swap3A_2012 = tpu.vector_load %arg5[%swap3A_2009, %swap3A_2010, %swap3A_2011] {strides = array<i32>} : memref<2x32x81xf32, #tpu.memory_space<vmem>>, vector<16xf32>,
    tpu.vector_store %arg5[%swap3A_2009, %swap3A_2010, %swap3A_2011], %broadcast_in_dim3A_3 {strides = array<i32>} : memref<2x32x81xf32, #tpu.memory_space<vmem>>, vector<16xf32>,
    %swap3A_2013 = arith.constant 1 : i32
    %swap3A_2014 = arith.constant 23 : i32
    %swap3A_2015 = arith.index_cast %swap3A_2013 : i32 to index
    %swap3A_2016 = arith.index_cast %swap3A_2014 : i32 to index
    %swap3A_2017 = arith.constant 65 : index
    %swap3A_2018 = tpu.vector_load %arg5[%swap3A_2015, %swap3A_2016, %swap3A_2017] {strides = array<i32>} : memref<2x32x81xf32, #tpu.memory_space<vmem>>, vector<16xf32>,
    tpu.vector_store %arg5[%swap3A_2015, %swap3A_2016, %swap3A_2017], %broadcast_in_dim3A_3 {strides = array<i32>} : memref<2x32x81xf32, #tpu.memory_space<vmem>>, vector<16xf32>,
    %swap3A_2019 = arith.constant 1 : i32
    %swap3A_2020 = arith.constant 24 : i32
    %swap3A_2021 = arith.index_cast %swap3A_2019 : i32 to index
    %swap3A_2022 = arith.index_cast %swap3A_2020 : i32 to index
    %swap3A_2023 = arith.constant 0 : index
    %swap3A_2024 = tpu.vector_load %arg5[%swap3A_2021, %swap3A_2022, %swap3A_2023] {strides = array<i32>} : memref<2x32x81xf32, #tpu.memory_space<vmem>>, vector<16xf32>,
    tpu.vector_store %arg5[%swap3A_2021, %swap3A_2022, %swap3A_2023], %broadcast_in_dim3A_3 {strides = array<i32>} : memref<2x32x81xf32, #tpu.memory_space<vmem>>, vector<16xf32>,
    %swap3A_2025 = arith.constant 1 : i32
    %swap3A_2026 = arith.constant 24 : i32
    %swap3A_2027 = arith.index_cast %swap3A_2025 : i32 to index
    %swap3A_2028 = arith.index_cast %swap3A_2026 : i32 to index
    %swap3A_2029 = arith.constant 16 : index
    %swap3A_2030 = tpu.vector_load %arg5[%swap3A_2027, %swap3A_2028, %swap3A_2029] {strides = array<i32>} : memref<2x32x81xf32, #tpu.memory_space<vmem>>, vector<16xf32>,
    tpu.vector_store %arg5[%swap3A_2027, %swap3A_2028, %swap3A_2029], %broadcast_in_dim3A_3 {strides = array<i32>} : memref<2x32x81xf32, #tpu.memory_space<vmem>>, vector<16xf32>,
    %swap3A_2031 = arith.constant 1 : i32
    %swap3A_2032 = arith.constant 24 : i32
    %swap3A_2033 = arith.index_cast %swap3A_2031 : i32 to index
    %swap3A_2034 = arith.index_cast %swap3A_2032 : i32 to index
    %swap3A_2035 = arith.constant 32 : index
    %swap3A_2036 = tpu.vector_load %arg5[%swap3A_2033, %swap3A_2034, %swap3A_2035] {strides = array<i32>} : memref<2x32x81xf32, #tpu.memory_space<vmem>>, vector<16xf32>,
    tpu.vector_store %arg5[%swap3A_2033, %swap3A_2034, %swap3A_2035], %broadcast_in_dim3A_3 {strides = array<i32>} : memref<2x32x81xf32, #tpu.memory_space<vmem>>, vector<16xf32>,
    %swap3A_2037 = arith.constant 1 : i32
    %swap3A_2038 = arith.constant 24 : i32
    %swap3A_2039 = arith.index_cast %swap3A_2037 : i32 to index
    %swap3A_2040 = arith.index_cast %swap3A_2038 : i32 to index
    %swap3A_2041 = arith.constant 48 : index
    %swap3A_2042 = tpu.vector_load %arg5[%swap3A_2039, %swap3A_2040, %swap3A_2041] {strides = array<i32>} : memref<2x32x81xf32, #tpu.memory_space<vmem>>, vector<16xf32>,
    tpu.vector_store %arg5[%swap3A_2039, %swap3A_2040, %swap3A_2041], %broadcast_in_dim3A_3 {strides = array<i32>} : memref<2x32x81xf32, #tpu.memory_space<vmem>>, vector<16xf32>,
    %swap3A_2043 = arith.constant 1 : i32
    %swap3A_2044 = arith.constant 24 : i32
    %swap3A_2045 = arith.index_cast %swap3A_2043 : i32 to index
    %swap3A_2046 = arith.index_cast %swap3A_2044 : i32 to index
    %swap3A_2047 = arith.constant 64 : index
    %swap3A_2048 = tpu.vector_load %arg5[%swap3A_2045, %swap3A_2046, %swap3A_2047] {strides = array<i32>} : memref<2x32x81xf32, #tpu.memory_space<vmem>>, vector<16xf32>,
    tpu.vector_store %arg5[%swap3A_2045, %swap3A_2046, %swap3A_2047], %broadcast_in_dim3A_3 {strides = array<i32>} : memref<2x32x81xf32, #tpu.memory_space<vmem>>, vector<16xf32>,
    %swap3A_2049 = arith.constant 1 : i32
    %swap3A_2050 = arith.constant 24 : i32
    %swap3A_2051 = arith.index_cast %swap3A_2049 : i32 to index
    %swap3A_2052 = arith.index_cast %swap3A_2050 : i32 to index
    %swap3A_2053 = arith.constant 65 : index
    %swap3A_2054 = tpu.vector_load %arg5[%swap3A_2051, %swap3A_2052, %swap3A_2053] {strides = array<i32>} : memref<2x32x81xf32, #tpu.memory_space<vmem>>, vector<16xf32>,
    tpu.vector_store %arg5[%swap3A_2051, %swap3A_2052, %swap3A_2053], %broadcast_in_dim3A_3 {strides = array<i32>} : memref<2x32x81xf32, #tpu.memory_space<vmem>>, vector<16xf32>,
    %swap3A_2055 = arith.constant 1 : i32
    %swap3A_2056 = arith.constant 25 : i32
    %swap3A_2057 = arith.index_cast %swap3A_2055 : i32 to index
    %swap3A_2058 = arith.index_cast %swap3A_2056 : i32 to index
    %swap3A_2059 = arith.constant 0 : index
    %swap3A_2060 = tpu.vector_load %arg5[%swap3A_2057, %swap3A_2058, %swap3A_2059] {strides = array<i32>} : memref<2x32x81xf32, #tpu.memory_space<vmem>>, vector<16xf32>,
    tpu.vector_store %arg5[%swap3A_2057, %swap3A_2058, %swap3A_2059], %broadcast_in_dim3A_3 {strides = array<i32>} : memref<2x32x81xf32, #tpu.memory_space<vmem>>, vector<16xf32>,
    %swap3A_2061 = arith.constant 1 : i32
    %swap3A_2062 = arith.constant 25 : i32
    %swap3A_2063 = arith.index_cast %swap3A_2061 : i32 to index
    %swap3A_2064 = arith.index_cast %swap3A_2062 : i32 to index
    %swap3A_2065 = arith.constant 16 : index
    %swap3A_2066 = tpu.vector_load %arg5[%swap3A_2063, %swap3A_2064, %swap3A_2065] {strides = array<i32>} : memref<2x32x81xf32, #tpu.memory_space<vmem>>, vector<16xf32>,
    tpu.vector_store %arg5[%swap3A_2063, %swap3A_2064, %swap3A_2065], %broadcast_in_dim3A_3 {strides = array<i32>} : memref<2x32x81xf32, #tpu.memory_space<vmem>>, vector<16xf32>,
    %swap3A_2067 = arith.constant 1 : i32
    %swap3A_2068 = arith.constant 25 : i32
    %swap3A_2069 = arith.index_cast %swap3A_2067 : i32 to index
    %swap3A_2070 = arith.index_cast %swap3A_2068 : i32 to index
    %swap3A_2071 = arith.constant 32 : index
    %swap3A_2072 = tpu.vector_load %arg5[%swap3A_2069, %swap3A_2070, %swap3A_2071] {strides = array<i32>} : memref<2x32x81xf32, #tpu.memory_space<vmem>>, vector<16xf32>,
    tpu.vector_store %arg5[%swap3A_2069, %swap3A_2070, %swap3A_2071], %broadcast_in_dim3A_3 {strides = array<i32>} : memref<2x32x81xf32, #tpu.memory_space<vmem>>, vector<16xf32>,
    %swap3A_2073 = arith.constant 1 : i32
    %swap3A_2074 = arith.constant 25 : i32
    %swap3A_2075 = arith.index_cast %swap3A_2073 : i32 to index
    %swap3A_2076 = arith.index_cast %swap3A_2074 : i32 to index
    %swap3A_2077 = arith.constant 48 : index
    %swap3A_2078 = tpu.vector_load %arg5[%swap3A_2075, %swap3A_2076, %swap3A_2077] {strides = array<i32>} : memref<2x32x81xf32, #tpu.memory_space<vmem>>, vector<16xf32>,
    tpu.vector_store %arg5[%swap3A_2075, %swap3A_2076, %swap3A_2077], %broadcast_in_dim3A_3 {strides = array<i32>} : memref<2x32x81xf32, #tpu.memory_space<vmem>>, vector<16xf32>,
    %swap3A_2079 = arith.constant 1 : i32
    %swap3A_2080 = arith.constant 25 : i32
    %swap3A_2081 = arith.index_cast %swap3A_2079 : i32 to index
    %swap3A_2082 = arith.index_cast %swap3A_2080 : i32 to index
    %swap3A_2083 = arith.constant 64 : index
    %swap3A_2084 = tpu.vector_load %arg5[%swap3A_2081, %swap3A_2082, %swap3A_2083] {strides = array<i32>} : memref<2x32x81xf32, #tpu.memory_space<vmem>>, vector<16xf32>,
    tpu.vector_store %arg5[%swap3A_2081, %swap3A_2082, %swap3A_2083], %broadcast_in_dim3A_3 {strides = array<i32>} : memref<2x32x81xf32, #tpu.memory_space<vmem>>, vector<16xf32>,
    %swap3A_2085 = arith.constant 1 : i32
    %swap3A_2086 = arith.constant 25 : i32
    %swap3A_2087 = arith.index_cast %swap3A_2085 : i32 to index
    %swap3A_2088 = arith.index_cast %swap3A_2086 : i32 to index
    %swap3A_2089 = arith.constant 65 : index
    %swap3A_2090 = tpu.vector_load %arg5[%swap3A_2087, %swap3A_2088, %swap3A_2089] {strides = array<i32>} : memref<2x32x81xf32, #tpu.memory_space<vmem>>, vector<16xf32>,
    tpu.vector_store %arg5[%swap3A_2087, %swap3A_2088, %swap3A_2089], %broadcast_in_dim3A_3 {strides = array<i32>} : memref<2x32x81xf32, #tpu.memory_space<vmem>>, vector<16xf32>,
    %swap3A_2091 = arith.constant 1 : i32
    %swap3A_2092 = arith.constant 26 : i32
    %swap3A_2093 = arith.index_cast %swap3A_2091 : i32 to index
    %swap3A_2094 = arith.index_cast %swap3A_2092 : i32 to index
    %swap3A_2095 = arith.constant 0 : index
    %swap3A_2096 = tpu.vector_load %arg5[%swap3A_2093, %swap3A_2094, %swap3A_2095] {strides = array<i32>} : memref<2x32x81xf32, #tpu.memory_space<vmem>>, vector<16xf32>,
    tpu.vector_store %arg5[%swap3A_2093, %swap3A_2094, %swap3A_2095], %broadcast_in_dim3A_3 {strides = array<i32>} : memref<2x32x81xf32, #tpu.memory_space<vmem>>, vector<16xf32>,
    %swap3A_2097 = arith.constant 1 : i32
    %swap3A_2098 = arith.constant 26 : i32
    %swap3A_2099 = arith.index_cast %swap3A_2097 : i32 to index
    %swap3A_2100 = arith.index_cast %swap3A_2098 : i32 to index
    %swap3A_2101 = arith.constant 16 : index
    %swap3A_2102 = tpu.vector_load %arg5[%swap3A_2099, %swap3A_2100, %swap3A_2101] {strides = array<i32>} : memref<2x32x81xf32, #tpu.memory_space<vmem>>, vector<16xf32>,
    tpu.vector_store %arg5[%swap3A_2099, %swap3A_2100, %swap3A_2101], %broadcast_in_dim3A_3 {strides = array<i32>} : memref<2x32x81xf32, #tpu.memory_space<vmem>>, vector<16xf32>,
    %swap3A_2103 = arith.constant 1 : i32
    %swap3A_2104 = arith.constant 26 : i32
    %swap3A_2105 = arith.index_cast %swap3A_2103 : i32 to index
    %swap3A_2106 = arith.index_cast %swap3A_2104 : i32 to index
    %swap3A_2107 = arith.constant 32 : index
    %swap3A_2108 = tpu.vector_load %arg5[%swap3A_2105, %swap3A_2106, %swap3A_2107] {strides = array<i32>} : memref<2x32x81xf32, #tpu.memory_space<vmem>>, vector<16xf32>,
    tpu.vector_store %arg5[%swap3A_2105, %swap3A_2106, %swap3A_2107], %broadcast_in_dim3A_3 {strides = array<i32>} : memref<2x32x81xf32, #tpu.memory_space<vmem>>, vector<16xf32>,
    %swap3A_2109 = arith.constant 1 : i32
    %swap3A_2110 = arith.constant 26 : i32
    %swap3A_2111 = arith.index_cast %swap3A_2109 : i32 to index
    %swap3A_2112 = arith.index_cast %swap3A_2110 : i32 to index
    %swap3A_2113 = arith.constant 48 : index
    %swap3A_2114 = tpu.vector_load %arg5[%swap3A_2111, %swap3A_2112, %swap3A_2113] {strides = array<i32>} : memref<2x32x81xf32, #tpu.memory_space<vmem>>, vector<16xf32>,
    tpu.vector_store %arg5[%swap3A_2111, %swap3A_2112, %swap3A_2113], %broadcast_in_dim3A_3 {strides = array<i32>} : memref<2x32x81xf32, #tpu.memory_space<vmem>>, vector<16xf32>,
    %swap3A_2115 = arith.constant 1 : i32
    %swap3A_2116 = arith.constant 26 : i32
    %swap3A_2117 = arith.index_cast %swap3A_2115 : i32 to index
    %swap3A_2118 = arith.index_cast %swap3A_2116 : i32 to index
    %swap3A_2119 = arith.constant 64 : index
    %swap3A_2120 = tpu.vector_load %arg5[%swap3A_2117, %swap3A_2118, %swap3A_2119] {strides = array<i32>} : memref<2x32x81xf32, #tpu.memory_space<vmem>>, vector<16xf32>,
    tpu.vector_store %arg5[%swap3A_2117, %swap3A_2118, %swap3A_2119], %broadcast_in_dim3A_3 {strides = array<i32>} : memref<2x32x81xf32, #tpu.memory_space<vmem>>, vector<16xf32>,
    %swap3A_2121 = arith.constant 1 : i32
    %swap3A_2122 = arith.constant 26 : i32
    %swap3A_2123 = arith.index_cast %swap3A_2121 : i32 to index
    %swap3A_2124 = arith.index_cast %swap3A_2122 : i32 to index
    %swap3A_2125 = arith.constant 65 : index
    %swap3A_2126 = tpu.vector_load %arg5[%swap3A_2123, %swap3A_2124, %swap3A_2125] {strides = array<i32>} : memref<2x32x81xf32, #tpu.memory_space<vmem>>, vector<16xf32>,
    tpu.vector_store %arg5[%swap3A_2123, %swap3A_2124, %swap3A_2125], %broadcast_in_dim3A_3 {strides = array<i32>} : memref<2x32x81xf32, #tpu.memory_space<vmem>>, vector<16xf32>,
    %swap3A_2127 = arith.constant 1 : i32
    %swap3A_2128 = arith.constant 27 : i32
    %swap3A_2129 = arith.index_cast %swap3A_2127 : i32 to index
    %swap3A_2130 = arith.index_cast %swap3A_2128 : i32 to index
    %swap3A_2131 = arith.constant 0 : index
    %swap3A_2132 = tpu.vector_load %arg5[%swap3A_2129, %swap3A_2130, %swap3A_2131] {strides = array<i32>} : memref<2x32x81xf32, #tpu.memory_space<vmem>>, vector<16xf32>,
    tpu.vector_store %arg5[%swap3A_2129, %swap3A_2130, %swap3A_2131], %broadcast_in_dim3A_3 {strides = array<i32>} : memref<2x32x81xf32, #tpu.memory_space<vmem>>, vector<16xf32>,
    %swap3A_2133 = arith.constant 1 : i32
    %swap3A_2134 = arith.constant 27 : i32
    %swap3A_2135 = arith.index_cast %swap3A_2133 : i32 to index
    %swap3A_2136 = arith.index_cast %swap3A_2134 : i32 to index
    %swap3A_2137 = arith.constant 16 : index
    %swap3A_2138 = tpu.vector_load %arg5[%swap3A_2135, %swap3A_2136, %swap3A_2137] {strides = array<i32>} : memref<2x32x81xf32, #tpu.memory_space<vmem>>, vector<16xf32>,
    tpu.vector_store %arg5[%swap3A_2135, %swap3A_2136, %swap3A_2137], %broadcast_in_dim3A_3 {strides = array<i32>} : memref<2x32x81xf32, #tpu.memory_space<vmem>>, vector<16xf32>,
    %swap3A_2139 = arith.constant 1 : i32
    %swap3A_2140 = arith.constant 27 : i32
    %swap3A_2141 = arith.index_cast %swap3A_2139 : i32 to index
    %swap3A_2142 = arith.index_cast %swap3A_2140 : i32 to index
    %swap3A_2143 = arith.constant 32 : index
    %swap3A_2144 = tpu.vector_load %arg5[%swap3A_2141, %swap3A_2142, %swap3A_2143] {strides = array<i32>} : memref<2x32x81xf32, #tpu.memory_space<vmem>>, vector<16xf32>,
    tpu.vector_store %arg5[%swap3A_2141, %swap3A_2142, %swap3A_2143], %broadcast_in_dim3A_3 {strides = array<i32>} : memref<2x32x81xf32, #tpu.memory_space<vmem>>, vector<16xf32>,
    %swap3A_2145 = arith.constant 1 : i32
    %swap3A_2146 = arith.constant 27 : i32
    %swap3A_2147 = arith.index_cast %swap3A_2145 : i32 to index
    %swap3A_2148 = arith.index_cast %swap3A_2146 : i32 to index
    %swap3A_2149 = arith.constant 48 : index
    %swap3A_2150 = tpu.vector_load %arg5[%swap3A_2147, %swap3A_2148, %swap3A_2149] {strides = array<i32>} : memref<2x32x81xf32, #tpu.memory_space<vmem>>, vector<16xf32>,
    tpu.vector_store %arg5[%swap3A_2147, %swap3A_2148, %swap3A_2149], %broadcast_in_dim3A_3 {strides = array<i32>} : memref<2x32x81xf32, #tpu.memory_space<vmem>>, vector<16xf32>,
    %swap3A_2151 = arith.constant 1 : i32
    %swap3A_2152 = arith.constant 27 : i32
    %swap3A_2153 = arith.index_cast %swap3A_2151 : i32 to index
    %swap3A_2154 = arith.index_cast %swap3A_2152 : i32 to index
    %swap3A_2155 = arith.constant 64 : index
    %swap3A_2156 = tpu.vector_load %arg5[%swap3A_2153, %swap3A_2154, %swap3A_2155] {strides = array<i32>} : memref<2x32x81xf32, #tpu.memory_space<vmem>>, vector<16xf32>,
    tpu.vector_store %arg5[%swap3A_2153, %swap3A_2154, %swap3A_2155], %broadcast_in_dim3A_3 {strides = array<i32>} : memref<2x32x81xf32, #tpu.memory_space<vmem>>, vector<16xf32>,
    %swap3A_2157 = arith.constant 1 : i32
    %swap3A_2158 = arith.constant 27 : i32
    %swap3A_2159 = arith.index_cast %swap3A_2157 : i32 to index
    %swap3A_2160 = arith.index_cast %swap3A_2158 : i32 to index
    %swap3A_2161 = arith.constant 65 : index
    %swap3A_2162 = tpu.vector_load %arg5[%swap3A_2159, %swap3A_2160, %swap3A_2161] {strides = array<i32>} : memref<2x32x81xf32, #tpu.memory_space<vmem>>, vector<16xf32>,
    tpu.vector_store %arg5[%swap3A_2159, %swap3A_2160, %swap3A_2161], %broadcast_in_dim3A_3 {strides = array<i32>} : memref<2x32x81xf32, #tpu.memory_space<vmem>>, vector<16xf32>,
    %swap3A_2163 = arith.constant 1 : i32
    %swap3A_2164 = arith.constant 28 : i32
    %swap3A_2165 = arith.index_cast %swap3A_2163 : i32 to index
    %swap3A_2166 = arith.index_cast %swap3A_2164 : i32 to index
    %swap3A_2167 = arith.constant 0 : index
    %swap3A_2168 = tpu.vector_load %arg5[%swap3A_2165, %swap3A_2166, %swap3A_2167] {strides = array<i32>} : memref<2x32x81xf32, #tpu.memory_space<vmem>>, vector<16xf32>,
    tpu.vector_store %arg5[%swap3A_2165, %swap3A_2166, %swap3A_2167], %broadcast_in_dim3A_3 {strides = array<i32>} : memref<2x32x81xf32, #tpu.memory_space<vmem>>, vector<16xf32>,
    %swap3A_2169 = arith.constant 1 : i32
    %swap3A_2170 = arith.constant 28 : i32
    %swap3A_2171 = arith.index_cast %swap3A_2169 : i32 to index
    %swap3A_2172 = arith.index_cast %swap3A_2170 : i32 to index
    %swap3A_2173 = arith.constant 16 : index
    %swap3A_2174 = tpu.vector_load %arg5[%swap3A_2171, %swap3A_2172, %swap3A_2173] {strides = array<i32>} : memref<2x32x81xf32, #tpu.memory_space<vmem>>, vector<16xf32>,
    tpu.vector_store %arg5[%swap3A_2171, %swap3A_2172, %swap3A_2173], %broadcast_in_dim3A_3 {strides = array<i32>} : memref<2x32x81xf32, #tpu.memory_space<vmem>>, vector<16xf32>,
    %swap3A_2175 = arith.constant 1 : i32
    %swap3A_2176 = arith.constant 28 : i32
    %swap3A_2177 = arith.index_cast %swap3A_2175 : i32 to index
    %swap3A_2178 = arith.index_cast %swap3A_2176 : i32 to index
    %swap3A_2179 = arith.constant 32 : index
    %swap3A_2180 = tpu.vector_load %arg5[%swap3A_2177, %swap3A_2178, %swap3A_2179] {strides = array<i32>} : memref<2x32x81xf32, #tpu.memory_space<vmem>>, vector<16xf32>,
    tpu.vector_store %arg5[%swap3A_2177, %swap3A_2178, %swap3A_2179], %broadcast_in_dim3A_3 {strides = array<i32>} : memref<2x32x81xf32, #tpu.memory_space<vmem>>, vector<16xf32>,
    %swap3A_2181 = arith.constant 1 : i32
    %swap3A_2182 = arith.constant 28 : i32
    %swap3A_2183 = arith.index_cast %swap3A_2181 : i32 to index
    %swap3A_2184 = arith.index_cast %swap3A_2182 : i32 to index
    %swap3A_2185 = arith.constant 48 : index
    %swap3A_2186 = tpu.vector_load %arg5[%swap3A_2183, %swap3A_2184, %swap3A_2185] {strides = array<i32>} : memref<2x32x81xf32, #tpu.memory_space<vmem>>, vector<16xf32>,
    tpu.vector_store %arg5[%swap3A_2183, %swap3A_2184, %swap3A_2185], %broadcast_in_dim3A_3 {strides = array<i32>} : memref<2x32x81xf32, #tpu.memory_space<vmem>>, vector<16xf32>,
    %swap3A_2187 = arith.constant 1 : i32
    %swap3A_2188 = arith.constant 28 : i32
    %swap3A_2189 = arith.index_cast %swap3A_2187 : i32 to index
    %swap3A_2190 = arith.index_cast %swap3A_2188 : i32 to index
    %swap3A_2191 = arith.constant 64 : index
    %swap3A_2192 = tpu.vector_load %arg5[%swap3A_2189, %swap3A_2190, %swap3A_2191] {strides = array<i32>} : memref<2x32x81xf32, #tpu.memory_space<vmem>>, vector<16xf32>,
    tpu.vector_store %arg5[%swap3A_2189, %swap3A_2190, %swap3A_2191], %broadcast_in_dim3A_3 {strides = array<i32>} : memref<2x32x81xf32, #tpu.memory_space<vmem>>, vector<16xf32>,
    %swap3A_2193 = arith.constant 1 : i32
    %swap3A_2194 = arith.constant 28 : i32
    %swap3A_2195 = arith.index_cast %swap3A_2193 : i32 to index
    %swap3A_2196 = arith.index_cast %swap3A_2194 : i32 to index
    %swap3A_2197 = arith.constant 65 : index
    %swap3A_2198 = tpu.vector_load %arg5[%swap3A_2195, %swap3A_2196, %swap3A_2197] {strides = array<i32>} : memref<2x32x81xf32, #tpu.memory_space<vmem>>, vector<16xf32>,
    tpu.vector_store %arg5[%swap3A_2195, %swap3A_2196, %swap3A_2197], %broadcast_in_dim3A_3 {strides = array<i32>} : memref<2x32x81xf32, #tpu.memory_space<vmem>>, vector<16xf32>,
    %swap3A_2199 = arith.constant 1 : i32
    %swap3A_2200 = arith.constant 29 : i32
    %swap3A_2201 = arith.index_cast %swap3A_2199 : i32 to index
    %swap3A_2202 = arith.index_cast %swap3A_2200 : i32 to index
    %swap3A_2203 = arith.constant 0 : index
    %swap3A_2204 = tpu.vector_load %arg5[%swap3A_2201, %swap3A_2202, %swap3A_2203] {strides = array<i32>} : memref<2x32x81xf32, #tpu.memory_space<vmem>>, vector<16xf32>,
    tpu.vector_store %arg5[%swap3A_2201, %swap3A_2202, %swap3A_2203], %broadcast_in_dim3A_3 {strides = array<i32>} : memref<2x32x81xf32, #tpu.memory_space<vmem>>, vector<16xf32>,
    %swap3A_2205 = arith.constant 1 : i32
    %swap3A_2206 = arith.constant 29 : i32
    %swap3A_2207 = arith.index_cast %swap3A_2205 : i32 to index
    %swap3A_2208 = arith.index_cast %swap3A_2206 : i32 to index
    %swap3A_2209 = arith.constant 16 : index
    %swap3A_2210 = tpu.vector_load %arg5[%swap3A_2207, %swap3A_2208, %swap3A_2209] {strides = array<i32>} : memref<2x32x81xf32, #tpu.memory_space<vmem>>, vector<16xf32>,
    tpu.vector_store %arg5[%swap3A_2207, %swap3A_2208, %swap3A_2209], %broadcast_in_dim3A_3 {strides = array<i32>} : memref<2x32x81xf32, #tpu.memory_space<vmem>>, vector<16xf32>,
    %swap3A_2211 = arith.constant 1 : i32
    %swap3A_2212 = arith.constant 29 : i32
    %swap3A_2213 = arith.index_cast %swap3A_2211 : i32 to index
    %swap3A_2214 = arith.index_cast %swap3A_2212 : i32 to index
    %swap3A_2215 = arith.constant 32 : index
    %swap3A_2216 = tpu.vector_load %arg5[%swap3A_2213, %swap3A_2214, %swap3A_2215] {strides = array<i32>} : memref<2x32x81xf32, #tpu.memory_space<vmem>>, vector<16xf32>,
    tpu.vector_store %arg5[%swap3A_2213, %swap3A_2214, %swap3A_2215], %broadcast_in_dim3A_3 {strides = array<i32>} : memref<2x32x81xf32, #tpu.memory_space<vmem>>, vector<16xf32>,
    %swap3A_2217 = arith.constant 1 : i32
    %swap3A_2218 = arith.constant 29 : i32
    %swap3A_2219 = arith.index_cast %swap3A_2217 : i32 to index
    %swap3A_2220 = arith.index_cast %swap3A_2218 : i32 to index
    %swap3A_2221 = arith.constant 48 : index
    %swap3A_2222 = tpu.vector_load %arg5[%swap3A_2219, %swap3A_2220, %swap3A_2221] {strides = array<i32>} : memref<2x32x81xf32, #tpu.memory_space<vmem>>, vector<16xf32>,
    tpu.vector_store %arg5[%swap3A_2219, %swap3A_2220, %swap3A_2221], %broadcast_in_dim3A_3 {strides = array<i32>} : memref<2x32x81xf32, #tpu.memory_space<vmem>>, vector<16xf32>,
    %swap3A_2223 = arith.constant 1 : i32
    %swap3A_2224 = arith.constant 29 : i32
    %swap3A_2225 = arith.index_cast %swap3A_2223 : i32 to index
    %swap3A_2226 = arith.index_cast %swap3A_2224 : i32 to index
    %swap3A_2227 = arith.constant 64 : index
    %swap3A_2228 = tpu.vector_load %arg5[%swap3A_2225, %swap3A_2226, %swap3A_2227] {strides = array<i32>} : memref<2x32x81xf32, #tpu.memory_space<vmem>>, vector<16xf32>,
    tpu.vector_store %arg5[%swap3A_2225, %swap3A_2226, %swap3A_2227], %broadcast_in_dim3A_3 {strides = array<i32>} : memref<2x32x81xf32, #tpu.memory_space<vmem>>, vector<16xf32>,
    %swap3A_2229 = arith.constant 1 : i32
    %swap3A_2230 = arith.constant 29 : i32
    %swap3A_2231 = arith.index_cast %swap3A_2229 : i32 to index
    %swap3A_2232 = arith.index_cast %swap3A_2230 : i32 to index
    %swap3A_2233 = arith.constant 65 : index
    %swap3A_2234 = tpu.vector_load %arg5[%swap3A_2231, %swap3A_2232, %swap3A_2233] {strides = array<i32>} : memref<2x32x81xf32, #tpu.memory_space<vmem>>, vector<16xf32>,
    tpu.vector_store %arg5[%swap3A_2231, %swap3A_2232, %swap3A_2233], %broadcast_in_dim3A_3 {strides = array<i32>} : memref<2x32x81xf32, #tpu.memory_space<vmem>>, vector<16xf32>,
    %swap3A_2235 = arith.constant 1 : i32
    %swap3A_2236 = arith.constant 30 : i32
    %swap3A_2237 = arith.index_cast %swap3A_2235 : i32 to index
    %swap3A_2238 = arith.index_cast %swap3A_2236 : i32 to index
    %swap3A_2239 = arith.constant 0 : index
    %swap3A_2240 = tpu.vector_load %arg5[%swap3A_2237, %swap3A_2238, %swap3A_2239] {strides = array<i32>} : memref<2x32x81xf32, #tpu.memory_space<vmem>>, vector<16xf32>,
    tpu.vector_store %arg5[%swap3A_2237, %swap3A_2238, %swap3A_2239], %broadcast_in_dim3A_3 {strides = array<i32>} : memref<2x32x81xf32, #tpu.memory_space<vmem>>, vector<16xf32>,
    %swap3A_2241 = arith.constant 1 : i32
    %swap3A_2242 = arith.constant 30 : i32
    %swap3A_2243 = arith.index_cast %swap3A_2241 : i32 to index
    %swap3A_2244 = arith.index_cast %swap3A_2242 : i32 to index
    %swap3A_2245 = arith.constant 16 : index
    %swap3A_2246 = tpu.vector_load %arg5[%swap3A_2243, %swap3A_2244, %swap3A_2245] {strides = array<i32>} : memref<2x32x81xf32, #tpu.memory_space<vmem>>, vector<16xf32>,
    tpu.vector_store %arg5[%swap3A_2243, %swap3A_2244, %swap3A_2245], %broadcast_in_dim3A_3 {strides = array<i32>} : memref<2x32x81xf32, #tpu.memory_space<vmem>>, vector<16xf32>,
    %swap3A_2247 = arith.constant 1 : i32
    %swap3A_2248 = arith.constant 30 : i32
    %swap3A_2249 = arith.index_cast %swap3A_2247 : i32 to index
    %swap3A_2250 = arith.index_cast %swap3A_2248 : i32 to index
    %swap3A_2251 = arith.constant 32 : index
    %swap3A_2252 = tpu.vector_load %arg5[%swap3A_2249, %swap3A_2250, %swap3A_2251] {strides = array<i32>} : memref<2x32x81xf32, #tpu.memory_space<vmem>>, vector<16xf32>,
    tpu.vector_store %arg5[%swap3A_2249, %swap3A_2250, %swap3A_2251], %broadcast_in_dim3A_3 {strides = array<i32>} : memref<2x32x81xf32, #tpu.memory_space<vmem>>, vector<16xf32>,
    %swap3A_2253 = arith.constant 1 : i32
    %swap3A_2254 = arith.constant 30 : i32
    %swap3A_2255 = arith.index_cast %swap3A_2253 : i32 to index
    %swap3A_2256 = arith.index_cast %swap3A_2254 : i32 to index
    %swap3A_2257 = arith.constant 48 : index
    %swap3A_2258 = tpu.vector_load %arg5[%swap3A_2255, %swap3A_2256, %swap3A_2257] {strides = array<i32>} : memref<2x32x81xf32, #tpu.memory_space<vmem>>, vector<16xf32>,
    tpu.vector_store %arg5[%swap3A_2255, %swap3A_2256, %swap3A_2257], %broadcast_in_dim3A_3 {strides = array<i32>} : memref<2x32x81xf32, #tpu.memory_space<vmem>>, vector<16xf32>,
    %swap3A_2259 = arith.constant 1 : i32
    %swap3A_2260 = arith.constant 30 : i32
    %swap3A_2261 = arith.index_cast %swap3A_2259 : i32 to index
    %swap3A_2262 = arith.index_cast %swap3A_2260 : i32 to index
    %swap3A_2263 = arith.constant 64 : index
    %swap3A_2264 = tpu.vector_load %arg5[%swap3A_2261, %swap3A_2262, %swap3A_2263] {strides = array<i32>} : memref<2x32x81xf32, #tpu.memory_space<vmem>>, vector<16xf32>,
    tpu.vector_store %arg5[%swap3A_2261, %swap3A_2262, %swap3A_2263], %broadcast_in_dim3A_3 {strides = array<i32>} : memref<2x32x81xf32, #tpu.memory_space<vmem>>, vector<16xf32>,
    %swap3A_2265 = arith.constant 1 : i32
    %swap3A_2266 = arith.constant 30 : i32
    %swap3A_2267 = arith.index_cast %swap3A_2265 : i32 to index
    %swap3A_2268 = arith.index_cast %swap3A_2266 : i32 to index
    %swap3A_2269 = arith.constant 65 : index
    %swap3A_2270 = tpu.vector_load %arg5[%swap3A_2267, %swap3A_2268, %swap3A_2269] {strides = array<i32>} : memref<2x32x81xf32, #tpu.memory_space<vmem>>, vector<16xf32>,
    tpu.vector_store %arg5[%swap3A_2267, %swap3A_2268, %swap3A_2269], %broadcast_in_dim3A_3 {strides = array<i32>} : memref<2x32x81xf32, #tpu.memory_space<vmem>>, vector<16xf32>,
    %swap3A_2271 = arith.constant 1 : i32
    %swap3A_2272 = arith.constant 31 : i32
    %swap3A_2273 = arith.index_cast %swap3A_2271 : i32 to index
    %swap3A_2274 = arith.index_cast %swap3A_2272 : i32 to index
    %swap3A_2275 = arith.constant 0 : index
    %swap3A_2276 = tpu.vector_load %arg5[%swap3A_2273, %swap3A_2274, %swap3A_2275] {strides = array<i32>} : memref<2x32x81xf32, #tpu.memory_space<vmem>>, vector<16xf32>,
    tpu.vector_store %arg5[%swap3A_2273, %swap3A_2274, %swap3A_2275], %broadcast_in_dim3A_3 {strides = array<i32>} : memref<2x32x81xf32, #tpu.memory_space<vmem>>, vector<16xf32>,
    %swap3A_2277 = arith.constant 1 : i32
    %swap3A_2278 = arith.constant 31 : i32
    %swap3A_2279 = arith.index_cast %swap3A_2277 : i32 to index
    %swap3A_2280 = arith.index_cast %swap3A_2278 : i32 to index
    %swap3A_2281 = arith.constant 16 : index
    %swap3A_2282 = tpu.vector_load %arg5[%swap3A_2279, %swap3A_2280, %swap3A_2281] {strides = array<i32>} : memref<2x32x81xf32, #tpu.memory_space<vmem>>, vector<16xf32>,
    tpu.vector_store %arg5[%swap3A_2279, %swap3A_2280, %swap3A_2281], %broadcast_in_dim3A_3 {strides = array<i32>} : memref<2x32x81xf32, #tpu.memory_space<vmem>>, vector<16xf32>,
    %swap3A_2283 = arith.constant 1 : i32
    %swap3A_2284 = arith.constant 31 : i32
    %swap3A_2285 = arith.index_cast %swap3A_2283 : i32 to index
    %swap3A_2286 = arith.index_cast %swap3A_2284 : i32 to index
    %swap3A_2287 = arith.constant 32 : index
    %swap3A_2288 = tpu.vector_load %arg5[%swap3A_2285, %swap3A_2286, %swap3A_2287] {strides = array<i32>} : memref<2x32x81xf32, #tpu.memory_space<vmem>>, vector<16xf32>,
    tpu.vector_store %arg5[%swap3A_2285, %swap3A_2286, %swap3A_2287], %broadcast_in_dim3A_3 {strides = array<i32>} : memref<2x32x81xf32, #tpu.memory_space<vmem>>, vector<16xf32>,
    %swap3A_2289 = arith.constant 1 : i32
    %swap3A_2290 = arith.constant 31 : i32
    %swap3A_2291 = arith.index_cast %swap3A_2289 : i32 to index
    %swap3A_2292 = arith.index_cast %swap3A_2290 : i32 to index
    %swap3A_2293 = arith.constant 48 : index
    %swap3A_2294 = tpu.vector_load %arg5[%swap3A_2291, %swap3A_2292, %swap3A_2293] {strides = array<i32>} : memref<2x32x81xf32, #tpu.memory_space<vmem>>, vector<16xf32>,
    tpu.vector_store %arg5[%swap3A_2291, %swap3A_2292, %swap3A_2293], %broadcast_in_dim3A_3 {strides = array<i32>} : memref<2x32x81xf32, #tpu.memory_space<vmem>>, vector<16xf32>,
    %swap3A_2295 = arith.constant 1 : i32
    %swap3A_2296 = arith.constant 31 : i32
    %swap3A_2297 = arith.index_cast %swap3A_2295 : i32 to index
    %swap3A_2298 = arith.index_cast %swap3A_2296 : i32 to index
    %swap3A_2299 = arith.constant 64 : index
    %swap3A_2300 = tpu.vector_load %arg5[%swap3A_2297, %swap3A_2298, %swap3A_2299] {strides = array<i32>} : memref<2x32x81xf32, #tpu.memory_space<vmem>>, vector<16xf32>,
    tpu.vector_store %arg5[%swap3A_2297, %swap3A_2298, %swap3A_2299], %broadcast_in_dim3A_3 {strides = array<i32>} : memref<2x32x81xf32, #tpu.memory_space<vmem>>, vector<16xf32>,
    %swap3A_2301 = arith.constant 1 : i32
    %swap3A_2302 = arith.constant 31 : i32
    %swap3A_2303 = arith.index_cast %swap3A_2301 : i32 to index
    %swap3A_2304 = arith.index_cast %swap3A_2302 : i32 to index
    %swap3A_2305 = arith.constant 65 : index
    %swap3A_2306 = tpu.vector_load %arg5[%swap3A_2303, %swap3A_2304, %swap3A_2305] {strides = array<i32>} : memref<2x32x81xf32, #tpu.memory_space<vmem>>, vector<16xf32>,
    tpu.vector_store %arg5[%swap3A_2303, %swap3A_2304, %swap3A_2305], %broadcast_in_dim3A_3 {strides = array<i32>} : memref<2x32x81xf32, #tpu.memory_space<vmem>>, vector<16xf32>,
    %iota3A = tpu.iota {dimensions = array<i32: 0>} : vector<16xi32>
    %scan3A = arith.constant 0 : i32
    %scan3A_2307 = arith.constant 0 : i32
    %scan3A_2308 = arith.constant 64 : i32
    %scan3A_2309 = arith.addi %scan3A_2307, %scan3A_2308 : i32
    %scan3A_2310 = arith.constant 1 : i32
    %scan3A_2311 = scf.for %scan3A_2313 = %scan3A_2307 to %scan3A_2309 step %scan3A_2310 iter_args(%scan3A_2314 = %scan3A) -> (i32)  : i32 {
      %mul3A_2315 = arith.constant 2 : i32
      %mul3A_2316 = arith.muli %scan3A_2313, %mul3A_2315 : i32
      %add3A_2317 = arith.addi %mul3A_2, %mul3A_2316 : i32
      "tpu.region"() ({
        %run_scoped3A = tpu.sem_alloc : memref<!tpu.dma_semaphore, #tpu.memory_space<semaphore_mem>>
        %dma_start3A = arith.constant 0 : i32
        %dma_start3A_3329 = tpu.memref_slice %arg2[%add3A_2317, %dma_start3A] : memref<4096x32xf32, #tpu.memory_space<hbm>> -> memref<2x32xf32, #tpu.memory_space<hbm>>
        %dma_start3A_3330 = arith.constant 0 : i32
        %dma_start3A_3331 = tpu.memref_slice %arg2[%add3A_2317, %dma_start3A_3330] : memref<4096x32xf32, #tpu.memory_space<hbm>> -> memref<2x32xf32, #tpu.memory_space<hbm>>
        tpu.enqueue_dma source(%dma_start3A_3331 : memref<2x32xf32, #tpu.memory_space<hbm>>) target(%arg4 : memref<2x32xf32, #tpu.memory_space<vmem>>) target_semaphore(%run_scoped3A : memref<!tpu.dma_semaphore, #tpu.memory_space<semaphore_mem>>)
        %dma_wait3A = arith.constant 0 : i32
        %dma_wait3A_3332 = tpu.memref_slice %arg2[%add3A_2317, %dma_wait3A] : memref<4096x32xf32, #tpu.memory_space<hbm>> -> memref<2x32xf32, #tpu.memory_space<hbm>>
        %dma_wait3A_3333 = arith.constant 0 : i32
        %dma_wait3A_3334 = tpu.memref_slice %arg2[%add3A_2317, %dma_wait3A_3333] : memref<4096x32xf32, #tpu.memory_space<hbm>> -> memref<2x32xf32, #tpu.memory_space<hbm>>
        tpu.wait_dma2 semaphore(%run_scoped3A : memref<!tpu.dma_semaphore, #tpu.memory_space<semaphore_mem>>) src(%dma_wait3A_3334 : memref<2x32xf32, #tpu.memory_space<hbm>>) dst(%arg4 : memref<2x32xf32, #tpu.memory_space<vmem>>)
        tpu.yield
      }) : () -> ()
      %broadcast_in_dim3A_2318 = arith.constant 0 : i32
      %broadcast_in_dim3A_2319 = vector.broadcast %broadcast_in_dim3A_2318 : i32 to vector<16xi32>
      %get3A = arith.constant 0 : i32
      %get3A_2320 = arith.index_cast %get3A : i32 to index
      %get3A_2321 = arith.constant 0 : index
      %get3A_2322 = tpu.vector_load %arg4[%get3A_2320, %get3A_2321] {strides = array<i32>} : memref<2x32xf32, #tpu.memory_space<vmem>>, vector<16xf32>,
      %mul3A_2323 = arith.constant 8.000000e+01 : f32
      %mul3A_2324 = vector.broadcast %mul3A_2323 : f32 to vector<16xf32>
      %mul3A_2325 = arith.mulf %mul3A_2324, %get3A_2322 : vector<16xf32>
      %mul3A_2326 = arith.constant 2.000000e-01 : f32
      %mul3A_2327 = vector.broadcast %mul3A_2326 : f32 to vector<16xf32>
      %mul3A_2328 = arith.mulf %mul3A_2325, %mul3A_2327 : vector<16xf32>
      %convert_element_type3A = arith.fptosi %mul3A_2328 : vector<16xf32> to vector<16xi32>
      %jit3A = arith.constant 0 : i32
      %jit3A_2329 = arith.constant 15 : i32
      %max3A = vector.broadcast %jit3A : i32 to vector<16xi32>
      %max3A_2330 = arith.maxsi %max3A, %convert_element_type3A : vector<16xi32>
      %min3A = vector.broadcast %jit3A_2329 : i32 to vector<16xi32>
      %min3A_2331 = arith.minsi %min3A, %max3A_2330 : vector<16xi32>
      %convert_element_type3A_2332 = arith.sitofp %min3A_2331 : vector<16xi32> to vector<16xf32>
      %mul3A_2333 = arith.constant 5.000000e+00 : f32
      %mul3A_2334 = vector.broadcast %mul3A_2333 : f32 to vector<16xf32>
      %mul3A_2335 = arith.mulf %mul3A_2334, %convert_element_type3A_2332 : vector<16xf32>
      %sub3A = arith.subf %mul3A_2325, %mul3A_2335 : vector<16xf32>
      %mul3A_2336 = arith.constant 2.000000e+00 : f32
      %mul3A_2337 = vector.broadcast %mul3A_2336 : f32 to vector<16xf32>
      %mul3A_2338 = arith.mulf %mul3A_2337, %sub3A : vector<16xf32>
      %mul3A_2339 = arith.constant 2.000000e-01 : f32
      %mul3A_2340 = vector.broadcast %mul3A_2339 : f32 to vector<16xf32>
      %mul3A_2341 = arith.mulf %mul3A_2338, %mul3A_2340 : vector<16xf32>
      %sub3A_2342 = arith.constant 1.000000e+00 : f32
      %sub3A_2343 = vector.broadcast %sub3A_2342 : f32 to vector<16xf32>
      %sub3A_2344 = arith.subf %mul3A_2341, %sub3A_2343 : vector<16xf32>
      %sub3A_2345 = arith.constant -1.000000e+00 : f32
      %sub3A_2346 = vector.broadcast %sub3A_2345 : f32 to vector<16xf32>
      %sub3A_2347 = arith.subf %sub3A_2344, %sub3A_2346 : vector<16xf32>
      %sub3A_2348 = arith.constant -6.000000e-01 : f32
      %sub3A_2349 = vector.broadcast %sub3A_2348 : f32 to vector<16xf32>
      %sub3A_2350 = arith.subf %sub3A_2344, %sub3A_2349 : vector<16xf32>
      %sub3A_2351 = arith.constant -2.000000e-01 : f32
      %sub3A_2352 = vector.broadcast %sub3A_2351 : f32 to vector<16xf32>
      %sub3A_2353 = arith.subf %sub3A_2344, %sub3A_2352 : vector<16xf32>
      %sub3A_2354 = arith.constant 2.000000e-01 : f32
      %sub3A_2355 = vector.broadcast %sub3A_2354 : f32 to vector<16xf32>
      %sub3A_2356 = arith.subf %sub3A_2344, %sub3A_2355 : vector<16xf32>
      %sub3A_2357 = arith.constant 6.000000e-01 : f32
      %sub3A_2358 = vector.broadcast %sub3A_2357 : f32 to vector<16xf32>
      %sub3A_2359 = arith.subf %sub3A_2344, %sub3A_2358 : vector<16xf32>
      %sub3A_2360 = arith.constant 1.000000e+00 : f32
      %sub3A_2361 = vector.broadcast %sub3A_2360 : f32 to vector<16xf32>
      %sub3A_2362 = arith.subf %sub3A_2344, %sub3A_2361 : vector<16xf32>
      %mul3A_2363 = arith.mulf %sub3A_2350, %sub3A_2353 : vector<16xf32>
      %mul3A_2364 = arith.mulf %mul3A_2363, %sub3A_2356 : vector<16xf32>
      %mul3A_2365 = arith.mulf %mul3A_2364, %sub3A_2359 : vector<16xf32>
      %mul3A_2366 = arith.mulf %mul3A_2365, %sub3A_2362 : vector<16xf32>
      %mul3A_2367 = arith.constant -0.813802063 : f32
      %mul3A_2368 = vector.broadcast %mul3A_2367 : f32 to vector<16xf32>
      %mul3A_2369 = arith.mulf %mul3A_2366, %mul3A_2368 : vector<16xf32>
      %mul3A_2370 = arith.mulf %sub3A_2347, %sub3A_2353 : vector<16xf32>
      %mul3A_2371 = arith.mulf %mul3A_2370, %sub3A_2356 : vector<16xf32>
      %mul3A_2372 = arith.mulf %mul3A_2371, %sub3A_2359 : vector<16xf32>
      %mul3A_2373 = arith.mulf %mul3A_2372, %sub3A_2362 : vector<16xf32>
      %mul3A_2374 = arith.constant 4.06901026 : f32
      %mul3A_2375 = vector.broadcast %mul3A_2374 : f32 to vector<16xf32>
      %mul3A_2376 = arith.mulf %mul3A_2373, %mul3A_2375 : vector<16xf32>
      %mul3A_2377 = arith.mulf %sub3A_2347, %sub3A_2350 : vector<16xf32>
      %mul3A_2378 = arith.mulf %mul3A_2377, %sub3A_2356 : vector<16xf32>
      %mul3A_2379 = arith.mulf %mul3A_2378, %sub3A_2359 : vector<16xf32>
      %mul3A_2380 = arith.mulf %mul3A_2379, %sub3A_2362 : vector<16xf32>
      %mul3A_2381 = arith.constant -8.13802051 : f32
      %mul3A_2382 = vector.broadcast %mul3A_2381 : f32 to vector<16xf32>
      %mul3A_2383 = arith.mulf %mul3A_2380, %mul3A_2382 : vector<16xf32>
      %mul3A_2384 = arith.mulf %sub3A_2347, %sub3A_2350 : vector<16xf32>
      %mul3A_2385 = arith.mulf %mul3A_2384, %sub3A_2353 : vector<16xf32>
      %mul3A_2386 = arith.mulf %mul3A_2385, %sub3A_2359 : vector<16xf32>
      %mul3A_2387 = arith.mulf %mul3A_2386, %sub3A_2362 : vector<16xf32>
      %mul3A_2388 = arith.constant 8.13802051 : f32
      %mul3A_2389 = vector.broadcast %mul3A_2388 : f32 to vector<16xf32>
      %mul3A_2390 = arith.mulf %mul3A_2387, %mul3A_2389 : vector<16xf32>
      %mul3A_2391 = arith.mulf %sub3A_2347, %sub3A_2350 : vector<16xf32>
      %mul3A_2392 = arith.mulf %mul3A_2391, %sub3A_2353 : vector<16xf32>
      %mul3A_2393 = arith.mulf %mul3A_2392, %sub3A_2356 : vector<16xf32>
      %mul3A_2394 = arith.mulf %mul3A_2393, %sub3A_2362 : vector<16xf32>
      %mul3A_2395 = arith.constant -4.06901026 : f32
      %mul3A_2396 = vector.broadcast %mul3A_2395 : f32 to vector<16xf32>
      %mul3A_2397 = arith.mulf %mul3A_2394, %mul3A_2396 : vector<16xf32>
      %mul3A_2398 = arith.mulf %sub3A_2347, %sub3A_2350 : vector<16xf32>
      %mul3A_2399 = arith.mulf %mul3A_2398, %sub3A_2353 : vector<16xf32>
      %mul3A_2400 = arith.mulf %mul3A_2399, %sub3A_2356 : vector<16xf32>
      %mul3A_2401 = arith.mulf %mul3A_2400, %sub3A_2359 : vector<16xf32>
      %mul3A_2402 = arith.constant 0.813802063 : f32
      %mul3A_2403 = vector.broadcast %mul3A_2402 : f32 to vector<16xf32>
      %mul3A_2404 = arith.mulf %mul3A_2401, %mul3A_2403 : vector<16xf32>
      %add3A_2405 = arith.constant 0 : i32
      %add3A_2406 = vector.broadcast %add3A_2405 : i32 to vector<16xi32>
      %add3A_2407 = arith.addi %iota3A, %add3A_2406 : vector<16xi32>
      %mul3A_2408 = arith.constant 5 : i32
      %mul3A_2409 = vector.broadcast %mul3A_2408 : i32 to vector<16xi32>
      %mul3A_2410 = arith.muli %mul3A_2409, %min3A_2331 : vector<16xi32>
      %mul3A_2411 = arith.constant 2.400000e+04 : f32
      %mul3A_2412 = vector.broadcast %mul3A_2411 : f32 to vector<16xf32>
      %mul3A_2413 = arith.mulf %mul3A_2369, %mul3A_2412 : vector<16xf32>
      %mul3A_2414 = arith.constant 5333.3335 : f32
      %mul3A_2415 = vector.broadcast %mul3A_2414 : f32 to vector<16xf32>
      %mul3A_2416 = arith.mulf %mul3A_2376, %mul3A_2415 : vector<16xf32>
      %add3A_2417 = arith.addf %mul3A_2413, %mul3A_2416 : vector<16xf32>
      %mul3A_2418 = arith.constant -533.333313 : f32
      %mul3A_2419 = vector.broadcast %mul3A_2418 : f32 to vector<16xf32>
      %mul3A_2420 = arith.mulf %mul3A_2383, %mul3A_2419 : vector<16xf32>
      %add3A_2421 = arith.addf %add3A_2417, %mul3A_2420 : vector<16xf32>
      %mul3A_2422 = arith.constant 2.7000624E-13 : f32
      %mul3A_2423 = vector.broadcast %mul3A_2422 : f32 to vector<16xf32>
      %mul3A_2424 = arith.mulf %mul3A_2390, %mul3A_2423 : vector<16xf32>
      %add3A_2425 = arith.addf %add3A_2421, %mul3A_2424 : vector<16xf32>
      %mul3A_2426 = arith.constant 533.333313 : f32
      %mul3A_2427 = vector.broadcast %mul3A_2426 : f32 to vector<16xf32>
      %mul3A_2428 = arith.mulf %mul3A_2397, %mul3A_2427 : vector<16xf32>
      %add3A_2429 = arith.addf %add3A_2425, %mul3A_2428 : vector<16xf32>
      %mul3A_2430 = arith.constant -5333.3335 : f32
      %mul3A_2431 = vector.broadcast %mul3A_2430 : f32 to vector<16xf32>
      %mul3A_2432 = arith.mulf %mul3A_2404, %mul3A_2431 : vector<16xf32>
      %add3A_2433 = arith.addf %add3A_2429, %mul3A_2432 : vector<16xf32>
      %add3A_2434 = arith.constant 0 : i32
      %add3A_2435 = vector.broadcast %add3A_2434 : i32 to vector<16xi32>
      %add3A_2436 = arith.addi %mul3A_2410, %add3A_2435 : vector<16xi32>
      tpu.vector_store_idx %arg5[%broadcast_in_dim3A_2319, %add3A_2407, %add3A_2436], %add3A_2433 : memref<2x32x81xf32, #tpu.memory_space<vmem>>[vector<16xi32>, vector<16xi32>, vector<16xi32>], vector<16xf32>,
      %mul3A_2437 = arith.constant -82133.3359 : f32
      %mul3A_2438 = vector.broadcast %mul3A_2437 : f32 to vector<16xf32>
      %mul3A_2439 = arith.mulf %mul3A_2369, %mul3A_2438 : vector<16xf32>
      %mul3A_2440 = arith.constant -8.000000e+03 : f32
      %mul3A_2441 = vector.broadcast %mul3A_2440 : f32 to vector<16xf32>
      %mul3A_2442 = arith.mulf %mul3A_2376, %mul3A_2441 : vector<16xf32>
      %add3A_2443 = arith.addf %mul3A_2439, %mul3A_2442 : vector<16xf32>
      %mul3A_2444 = arith.constant 8533.333 : f32
      %mul3A_2445 = vector.broadcast %mul3A_2444 : f32 to vector<16xf32>
      %mul3A_2446 = arith.mulf %mul3A_2383, %mul3A_2445 : vector<16xf32>
      %add3A_2447 = arith.addf %add3A_2443, %mul3A_2446 : vector<16xf32>
      %mul3A_2448 = arith.constant -533.333313 : f32
      %mul3A_2449 = vector.broadcast %mul3A_2448 : f32 to vector<16xf32>
      %mul3A_2450 = arith.mulf %mul3A_2390, %mul3A_2449 : vector<16xf32>
      %add3A_2451 = arith.addf %add3A_2447, %mul3A_2450 : vector<16xf32>
      %mul3A_2452 = arith.constant -3.200000e+03 : f32
      %mul3A_2453 = vector.broadcast %mul3A_2452 : f32 to vector<16xf32>
      %mul3A_2454 = arith.mulf %mul3A_2397, %mul3A_2453 : vector<16xf32>
      %add3A_2455 = arith.addf %add3A_2451, %mul3A_2454 : vector<16xf32>
      %mul3A_2456 = arith.constant 32533.334 : f32
      %mul3A_2457 = vector.broadcast %mul3A_2456 : f32 to vector<16xf32>
      %mul3A_2458 = arith.mulf %mul3A_2404, %mul3A_2457 : vector<16xf32>
      %add3A_2459 = arith.addf %add3A_2455, %mul3A_2458 : vector<16xf32>
      %add3A_2460 = arith.constant 1 : i32
      %add3A_2461 = vector.broadcast %add3A_2460 : i32 to vector<16xi32>
      %add3A_2462 = arith.addi %mul3A_2410, %add3A_2461 : vector<16xi32>
      tpu.vector_store_idx %arg5[%broadcast_in_dim3A_2319, %add3A_2407, %add3A_2462], %add3A_2459 : memref<2x32x81xf32, #tpu.memory_space<vmem>>[vector<16xi32>, vector<16xi32>, vector<16xi32>], vector<16xf32>,
      %mul3A_2463 = arith.constant 114133.336 : f32
      %mul3A_2464 = vector.broadcast %mul3A_2463 : f32 to vector<16xf32>
      %mul3A_2465 = arith.mulf %mul3A_2369, %mul3A_2464 : vector<16xf32>
      %mul3A_2466 = arith.constant -2133.33325 : f32
      %mul3A_2467 = vector.broadcast %mul3A_2466 : f32 to vector<16xf32>
      %mul3A_2468 = arith.mulf %mul3A_2376, %mul3A_2467 : vector<16xf32>
      %add3A_2469 = arith.addf %mul3A_2465, %mul3A_2468 : vector<16xf32>
      %mul3A_2470 = arith.constant -1.600000e+04 : f32
      %mul3A_2471 = vector.broadcast %mul3A_2470 : f32 to vector<16xf32>
      %mul3A_2472 = arith.mulf %mul3A_2383, %mul3A_2471 : vector<16xf32>
      %add3A_2473 = arith.addf %add3A_2469, %mul3A_2472 : vector<16xf32>
      %mul3A_2474 = arith.constant 8533.333 : f32
      %mul3A_2475 = vector.broadcast %mul3A_2474 : f32 to vector<16xf32>
      %mul3A_2476 = arith.mulf %mul3A_2390, %mul3A_2475 : vector<16xf32>
      %add3A_2477 = arith.addf %add3A_2473, %mul3A_2476 : vector<16xf32>
      %mul3A_2478 = arith.constant 7466.6665 : f32
      %mul3A_2479 = vector.broadcast %mul3A_2478 : f32 to vector<16xf32>
      %mul3A_2480 = arith.mulf %mul3A_2397, %mul3A_2479 : vector<16xf32>
      %add3A_2481 = arith.addf %add3A_2477, %mul3A_2480 : vector<16xf32>
      %mul3A_2482 = arith.constant -8.320000e+04 : f32
      %mul3A_2483 = vector.broadcast %mul3A_2482 : f32 to vector<16xf32>
      %mul3A_2484 = arith.mulf %mul3A_2404, %mul3A_2483 : vector<16xf32>
      %add3A_2485 = arith.addf %add3A_2481, %mul3A_2484 : vector<16xf32>
      %add3A_2486 = arith.constant 2 : i32
      %add3A_2487 = vector.broadcast %add3A_2486 : i32 to vector<16xi32>
      %add3A_2488 = arith.addi %mul3A_2410, %add3A_2487 : vector<16xi32>
      tpu.vector_store_idx %arg5[%broadcast_in_dim3A_2319, %add3A_2407, %add3A_2488], %add3A_2485 : memref<2x32x81xf32, #tpu.memory_space<vmem>>[vector<16xi32>, vector<16xi32>, vector<16xi32>], vector<16xf32>,
      %mul3A_2489 = arith.constant -8.320000e+04 : f32
      %mul3A_2490 = vector.broadcast %mul3A_2489 : f32 to vector<16xf32>
      %mul3A_2491 = arith.mulf %mul3A_2369, %mul3A_2490 : vector<16xf32>
      %mul3A_2492 = arith.constant 7466.6665 : f32
      %mul3A_2493 = vector.broadcast %mul3A_2492 : f32 to vector<16xf32>
      %mul3A_2494 = arith.mulf %mul3A_2376, %mul3A_2493 : vector<16xf32>
      %add3A_2495 = arith.addf %mul3A_2491, %mul3A_2494 : vector<16xf32>
      %mul3A_2496 = arith.constant 8533.333 : f32
      %mul3A_2497 = vector.broadcast %mul3A_2496 : f32 to vector<16xf32>
      %mul3A_2498 = arith.mulf %mul3A_2383, %mul3A_2497 : vector<16xf32>
      %add3A_2499 = arith.addf %add3A_2495, %mul3A_2498 : vector<16xf32>
      %mul3A_2500 = arith.constant -1.600000e+04 : f32
      %mul3A_2501 = vector.broadcast %mul3A_2500 : f32 to vector<16xf32>
      %mul3A_2502 = arith.mulf %mul3A_2390, %mul3A_2501 : vector<16xf32>
      %add3A_2503 = arith.addf %add3A_2499, %mul3A_2502 : vector<16xf32>
      %mul3A_2504 = arith.constant -2133.33325 : f32
      %mul3A_2505 = vector.broadcast %mul3A_2504 : f32 to vector<16xf32>
      %mul3A_2506 = arith.mulf %mul3A_2397, %mul3A_2505 : vector<16xf32>
      %add3A_2507 = arith.addf %add3A_2503, %mul3A_2506 : vector<16xf32>
      %mul3A_2508 = arith.constant 114133.336 : f32
      %mul3A_2509 = vector.broadcast %mul3A_2508 : f32 to vector<16xf32>
      %mul3A_2510 = arith.mulf %mul3A_2404, %mul3A_2509 : vector<16xf32>
      %add3A_2511 = arith.addf %add3A_2507, %mul3A_2510 : vector<16xf32>
      %add3A_2512 = arith.constant 3 : i32
      %add3A_2513 = vector.broadcast %add3A_2512 : i32 to vector<16xi32>
      %add3A_2514 = arith.addi %mul3A_2410, %add3A_2513 : vector<16xi32>
      tpu.vector_store_idx %arg5[%broadcast_in_dim3A_2319, %add3A_2407, %add3A_2514], %add3A_2511 : memref<2x32x81xf32, #tpu.memory_space<vmem>>[vector<16xi32>, vector<16xi32>, vector<16xi32>], vector<16xf32>,
      %mul3A_2515 = arith.constant 32533.334 : f32
      %mul3A_2516 = vector.broadcast %mul3A_2515 : f32 to vector<16xf32>
      %mul3A_2517 = arith.mulf %mul3A_2369, %mul3A_2516 : vector<16xf32>
      %mul3A_2518 = arith.constant -3.200000e+03 : f32
      %mul3A_2519 = vector.broadcast %mul3A_2518 : f32 to vector<16xf32>
      %mul3A_2520 = arith.mulf %mul3A_2376, %mul3A_2519 : vector<16xf32>
      %add3A_2521 = arith.addf %mul3A_2517, %mul3A_2520 : vector<16xf32>
      %mul3A_2522 = arith.constant -533.333313 : f32
      %mul3A_2523 = vector.broadcast %mul3A_2522 : f32 to vector<16xf32>
      %mul3A_2524 = arith.mulf %mul3A_2383, %mul3A_2523 : vector<16xf32>
      %add3A_2525 = arith.addf %add3A_2521, %mul3A_2524 : vector<16xf32>
      %mul3A_2526 = arith.constant 8533.333 : f32
      %mul3A_2527 = vector.broadcast %mul3A_2526 : f32 to vector<16xf32>
      %mul3A_2528 = arith.mulf %mul3A_2390, %mul3A_2527 : vector<16xf32>
      %add3A_2529 = arith.addf %add3A_2525, %mul3A_2528 : vector<16xf32>
      %mul3A_2530 = arith.constant -8.000000e+03 : f32
      %mul3A_2531 = vector.broadcast %mul3A_2530 : f32 to vector<16xf32>
      %mul3A_2532 = arith.mulf %mul3A_2397, %mul3A_2531 : vector<16xf32>
      %add3A_2533 = arith.addf %add3A_2529, %mul3A_2532 : vector<16xf32>
      %mul3A_2534 = arith.constant -82133.3359 : f32
      %mul3A_2535 = vector.broadcast %mul3A_2534 : f32 to vector<16xf32>
      %mul3A_2536 = arith.mulf %mul3A_2404, %mul3A_2535 : vector<16xf32>
      %add3A_2537 = arith.addf %add3A_2533, %mul3A_2536 : vector<16xf32>
      %add3A_2538 = arith.constant 4 : i32
      %add3A_2539 = vector.broadcast %add3A_2538 : i32 to vector<16xi32>
      %add3A_2540 = arith.addi %mul3A_2410, %add3A_2539 : vector<16xi32>
      tpu.vector_store_idx %arg5[%broadcast_in_dim3A_2319, %add3A_2407, %add3A_2540], %add3A_2537 : memref<2x32x81xf32, #tpu.memory_space<vmem>>[vector<16xi32>, vector<16xi32>, vector<16xi32>], vector<16xf32>,
      %mul3A_2541 = arith.constant -5333.3335 : f32
      %mul3A_2542 = vector.broadcast %mul3A_2541 : f32 to vector<16xf32>
      %mul3A_2543 = arith.mulf %mul3A_2369, %mul3A_2542 : vector<16xf32>
      %mul3A_2544 = arith.constant 533.333313 : f32
      %mul3A_2545 = vector.broadcast %mul3A_2544 : f32 to vector<16xf32>
      %mul3A_2546 = arith.mulf %mul3A_2376, %mul3A_2545 : vector<16xf32>
      %add3A_2547 = arith.addf %mul3A_2543, %mul3A_2546 : vector<16xf32>
      %mul3A_2548 = arith.constant -3.29612876E-14 : f32
      %mul3A_2549 = vector.broadcast %mul3A_2548 : f32 to vector<16xf32>
      %mul3A_2550 = arith.mulf %mul3A_2383, %mul3A_2549 : vector<16xf32>
      %add3A_2551 = arith.addf %add3A_2547, %mul3A_2550 : vector<16xf32>
      %mul3A_2552 = arith.constant -533.333313 : f32
      %mul3A_2553 = vector.broadcast %mul3A_2552 : f32 to vector<16xf32>
      %mul3A_2554 = arith.mulf %mul3A_2390, %mul3A_2553 : vector<16xf32>
      %add3A_2555 = arith.addf %add3A_2551, %mul3A_2554 : vector<16xf32>
      %mul3A_2556 = arith.constant 5333.3335 : f32
      %mul3A_2557 = vector.broadcast %mul3A_2556 : f32 to vector<16xf32>
      %mul3A_2558 = arith.mulf %mul3A_2397, %mul3A_2557 : vector<16xf32>
      %add3A_2559 = arith.addf %add3A_2555, %mul3A_2558 : vector<16xf32>
      %mul3A_2560 = arith.constant 2.400000e+04 : f32
      %mul3A_2561 = vector.broadcast %mul3A_2560 : f32 to vector<16xf32>
      %mul3A_2562 = arith.mulf %mul3A_2404, %mul3A_2561 : vector<16xf32>
      %add3A_2563 = arith.addf %add3A_2559, %mul3A_2562 : vector<16xf32>
      %add3A_2564 = arith.constant 5 : i32
      %add3A_2565 = vector.broadcast %add3A_2564 : i32 to vector<16xi32>
      %add3A_2566 = arith.addi %mul3A_2410, %add3A_2565 : vector<16xi32>
      tpu.vector_store_idx %arg5[%broadcast_in_dim3A_2319, %add3A_2407, %add3A_2566], %add3A_2563 : memref<2x32x81xf32, #tpu.memory_space<vmem>>[vector<16xi32>, vector<16xi32>, vector<16xi32>], vector<16xf32>,
      %get3A_2567 = arith.constant 0 : i32
      %get3A_2568 = arith.index_cast %get3A_2567 : i32 to index
      %get3A_2569 = arith.constant 16 : index
      %get3A_2570 = tpu.vector_load %arg4[%get3A_2568, %get3A_2569] {strides = array<i32>} : memref<2x32xf32, #tpu.memory_space<vmem>>, vector<16xf32>,
      %mul3A_2571 = arith.constant 8.000000e+01 : f32
      %mul3A_2572 = vector.broadcast %mul3A_2571 : f32 to vector<16xf32>
      %mul3A_2573 = arith.mulf %mul3A_2572, %get3A_2570 : vector<16xf32>
      %mul3A_2574 = arith.constant 2.000000e-01 : f32
      %mul3A_2575 = vector.broadcast %mul3A_2574 : f32 to vector<16xf32>
      %mul3A_2576 = arith.mulf %mul3A_2573, %mul3A_2575 : vector<16xf32>
      %convert_element_type3A_2577 = arith.fptosi %mul3A_2576 : vector<16xf32> to vector<16xi32>
      %jit3A_2578 = arith.constant 0 : i32
      %jit3A_2579 = arith.constant 15 : i32
      %max3A_2580 = vector.broadcast %jit3A_2578 : i32 to vector<16xi32>
      %max3A_2581 = arith.maxsi %max3A_2580, %convert_element_type3A_2577 : vector<16xi32>
      %min3A_2582 = vector.broadcast %jit3A_2579 : i32 to vector<16xi32>
      %min3A_2583 = arith.minsi %min3A_2582, %max3A_2581 : vector<16xi32>
      %convert_element_type3A_2584 = arith.sitofp %min3A_2583 : vector<16xi32> to vector<16xf32>
      %mul3A_2585 = arith.constant 5.000000e+00 : f32
      %mul3A_2586 = vector.broadcast %mul3A_2585 : f32 to vector<16xf32>
      %mul3A_2587 = arith.mulf %mul3A_2586, %convert_element_type3A_2584 : vector<16xf32>
      %sub3A_2588 = arith.subf %mul3A_2573, %mul3A_2587 : vector<16xf32>
      %mul3A_2589 = arith.constant 2.000000e+00 : f32
      %mul3A_2590 = vector.broadcast %mul3A_2589 : f32 to vector<16xf32>
      %mul3A_2591 = arith.mulf %mul3A_2590, %sub3A_2588 : vector<16xf32>
      %mul3A_2592 = arith.constant 2.000000e-01 : f32
      %mul3A_2593 = vector.broadcast %mul3A_2592 : f32 to vector<16xf32>
      %mul3A_2594 = arith.mulf %mul3A_2591, %mul3A_2593 : vector<16xf32>
      %sub3A_2595 = arith.constant 1.000000e+00 : f32
      %sub3A_2596 = vector.broadcast %sub3A_2595 : f32 to vector<16xf32>
      %sub3A_2597 = arith.subf %mul3A_2594, %sub3A_2596 : vector<16xf32>
      %sub3A_2598 = arith.constant -1.000000e+00 : f32
      %sub3A_2599 = vector.broadcast %sub3A_2598 : f32 to vector<16xf32>
      %sub3A_2600 = arith.subf %sub3A_2597, %sub3A_2599 : vector<16xf32>
      %sub3A_2601 = arith.constant -6.000000e-01 : f32
      %sub3A_2602 = vector.broadcast %sub3A_2601 : f32 to vector<16xf32>
      %sub3A_2603 = arith.subf %sub3A_2597, %sub3A_2602 : vector<16xf32>
      %sub3A_2604 = arith.constant -2.000000e-01 : f32
      %sub3A_2605 = vector.broadcast %sub3A_2604 : f32 to vector<16xf32>
      %sub3A_2606 = arith.subf %sub3A_2597, %sub3A_2605 : vector<16xf32>
      %sub3A_2607 = arith.constant 2.000000e-01 : f32
      %sub3A_2608 = vector.broadcast %sub3A_2607 : f32 to vector<16xf32>
      %sub3A_2609 = arith.subf %sub3A_2597, %sub3A_2608 : vector<16xf32>
      %sub3A_2610 = arith.constant 6.000000e-01 : f32
      %sub3A_2611 = vector.broadcast %sub3A_2610 : f32 to vector<16xf32>
      %sub3A_2612 = arith.subf %sub3A_2597, %sub3A_2611 : vector<16xf32>
      %sub3A_2613 = arith.constant 1.000000e+00 : f32
      %sub3A_2614 = vector.broadcast %sub3A_2613 : f32 to vector<16xf32>
      %sub3A_2615 = arith.subf %sub3A_2597, %sub3A_2614 : vector<16xf32>
      %mul3A_2616 = arith.mulf %sub3A_2603, %sub3A_2606 : vector<16xf32>
      %mul3A_2617 = arith.mulf %mul3A_2616, %sub3A_2609 : vector<16xf32>
      %mul3A_2618 = arith.mulf %mul3A_2617, %sub3A_2612 : vector<16xf32>
      %mul3A_2619 = arith.mulf %mul3A_2618, %sub3A_2615 : vector<16xf32>
      %mul3A_2620 = arith.constant -0.813802063 : f32
      %mul3A_2621 = vector.broadcast %mul3A_2620 : f32 to vector<16xf32>
      %mul3A_2622 = arith.mulf %mul3A_2619, %mul3A_2621 : vector<16xf32>
      %mul3A_2623 = arith.mulf %sub3A_2600, %sub3A_2606 : vector<16xf32>
      %mul3A_2624 = arith.mulf %mul3A_2623, %sub3A_2609 : vector<16xf32>
      %mul3A_2625 = arith.mulf %mul3A_2624, %sub3A_2612 : vector<16xf32>
      %mul3A_2626 = arith.mulf %mul3A_2625, %sub3A_2615 : vector<16xf32>
      %mul3A_2627 = arith.constant 4.06901026 : f32
      %mul3A_2628 = vector.broadcast %mul3A_2627 : f32 to vector<16xf32>
      %mul3A_2629 = arith.mulf %mul3A_2626, %mul3A_2628 : vector<16xf32>
      %mul3A_2630 = arith.mulf %sub3A_2600, %sub3A_2603 : vector<16xf32>
      %mul3A_2631 = arith.mulf %mul3A_2630, %sub3A_2609 : vector<16xf32>
      %mul3A_2632 = arith.mulf %mul3A_2631, %sub3A_2612 : vector<16xf32>
      %mul3A_2633 = arith.mulf %mul3A_2632, %sub3A_2615 : vector<16xf32>
      %mul3A_2634 = arith.constant -8.13802051 : f32
      %mul3A_2635 = vector.broadcast %mul3A_2634 : f32 to vector<16xf32>
      %mul3A_2636 = arith.mulf %mul3A_2633, %mul3A_2635 : vector<16xf32>
      %mul3A_2637 = arith.mulf %sub3A_2600, %sub3A_2603 : vector<16xf32>
      %mul3A_2638 = arith.mulf %mul3A_2637, %sub3A_2606 : vector<16xf32>
      %mul3A_2639 = arith.mulf %mul3A_2638, %sub3A_2612 : vector<16xf32>
      %mul3A_2640 = arith.mulf %mul3A_2639, %sub3A_2615 : vector<16xf32>
      %mul3A_2641 = arith.constant 8.13802051 : f32
      %mul3A_2642 = vector.broadcast %mul3A_2641 : f32 to vector<16xf32>
      %mul3A_2643 = arith.mulf %mul3A_2640, %mul3A_2642 : vector<16xf32>
      %mul3A_2644 = arith.mulf %sub3A_2600, %sub3A_2603 : vector<16xf32>
      %mul3A_2645 = arith.mulf %mul3A_2644, %sub3A_2606 : vector<16xf32>
      %mul3A_2646 = arith.mulf %mul3A_2645, %sub3A_2609 : vector<16xf32>
      %mul3A_2647 = arith.mulf %mul3A_2646, %sub3A_2615 : vector<16xf32>
      %mul3A_2648 = arith.constant -4.06901026 : f32
      %mul3A_2649 = vector.broadcast %mul3A_2648 : f32 to vector<16xf32>
      %mul3A_2650 = arith.mulf %mul3A_2647, %mul3A_2649 : vector<16xf32>
      %mul3A_2651 = arith.mulf %sub3A_2600, %sub3A_2603 : vector<16xf32>
      %mul3A_2652 = arith.mulf %mul3A_2651, %sub3A_2606 : vector<16xf32>
      %mul3A_2653 = arith.mulf %mul3A_2652, %sub3A_2609 : vector<16xf32>
      %mul3A_2654 = arith.mulf %mul3A_2653, %sub3A_2612 : vector<16xf32>
      %mul3A_2655 = arith.constant 0.813802063 : f32
      %mul3A_2656 = vector.broadcast %mul3A_2655 : f32 to vector<16xf32>
      %mul3A_2657 = arith.mulf %mul3A_2654, %mul3A_2656 : vector<16xf32>
      %add3A_2658 = arith.constant 16 : i32
      %add3A_2659 = vector.broadcast %add3A_2658 : i32 to vector<16xi32>
      %add3A_2660 = arith.addi %iota3A, %add3A_2659 : vector<16xi32>
      %mul3A_2661 = arith.constant 5 : i32
      %mul3A_2662 = vector.broadcast %mul3A_2661 : i32 to vector<16xi32>
      %mul3A_2663 = arith.muli %mul3A_2662, %min3A_2583 : vector<16xi32>
      %mul3A_2664 = arith.constant 2.400000e+04 : f32
      %mul3A_2665 = vector.broadcast %mul3A_2664 : f32 to vector<16xf32>
      %mul3A_2666 = arith.mulf %mul3A_2622, %mul3A_2665 : vector<16xf32>
      %mul3A_2667 = arith.constant 5333.3335 : f32
      %mul3A_2668 = vector.broadcast %mul3A_2667 : f32 to vector<16xf32>
      %mul3A_2669 = arith.mulf %mul3A_2629, %mul3A_2668 : vector<16xf32>
      %add3A_2670 = arith.addf %mul3A_2666, %mul3A_2669 : vector<16xf32>
      %mul3A_2671 = arith.constant -533.333313 : f32
      %mul3A_2672 = vector.broadcast %mul3A_2671 : f32 to vector<16xf32>
      %mul3A_2673 = arith.mulf %mul3A_2636, %mul3A_2672 : vector<16xf32>
      %add3A_2674 = arith.addf %add3A_2670, %mul3A_2673 : vector<16xf32>
      %mul3A_2675 = arith.constant 2.7000624E-13 : f32
      %mul3A_2676 = vector.broadcast %mul3A_2675 : f32 to vector<16xf32>
      %mul3A_2677 = arith.mulf %mul3A_2643, %mul3A_2676 : vector<16xf32>
      %add3A_2678 = arith.addf %add3A_2674, %mul3A_2677 : vector<16xf32>
      %mul3A_2679 = arith.constant 533.333313 : f32
      %mul3A_2680 = vector.broadcast %mul3A_2679 : f32 to vector<16xf32>
      %mul3A_2681 = arith.mulf %mul3A_2650, %mul3A_2680 : vector<16xf32>
      %add3A_2682 = arith.addf %add3A_2678, %mul3A_2681 : vector<16xf32>
      %mul3A_2683 = arith.constant -5333.3335 : f32
      %mul3A_2684 = vector.broadcast %mul3A_2683 : f32 to vector<16xf32>
      %mul3A_2685 = arith.mulf %mul3A_2657, %mul3A_2684 : vector<16xf32>
      %add3A_2686 = arith.addf %add3A_2682, %mul3A_2685 : vector<16xf32>
      %add3A_2687 = arith.constant 0 : i32
      %add3A_2688 = vector.broadcast %add3A_2687 : i32 to vector<16xi32>
      %add3A_2689 = arith.addi %mul3A_2663, %add3A_2688 : vector<16xi32>
      tpu.vector_store_idx %arg5[%broadcast_in_dim3A_2319, %add3A_2660, %add3A_2689], %add3A_2686 : memref<2x32x81xf32, #tpu.memory_space<vmem>>[vector<16xi32>, vector<16xi32>, vector<16xi32>], vector<16xf32>,
      %mul3A_2690 = arith.constant -82133.3359 : f32
      %mul3A_2691 = vector.broadcast %mul3A_2690 : f32 to vector<16xf32>
      %mul3A_2692 = arith.mulf %mul3A_2622, %mul3A_2691 : vector<16xf32>
      %mul3A_2693 = arith.constant -8.000000e+03 : f32
      %mul3A_2694 = vector.broadcast %mul3A_2693 : f32 to vector<16xf32>
      %mul3A_2695 = arith.mulf %mul3A_2629, %mul3A_2694 : vector<16xf32>
      %add3A_2696 = arith.addf %mul3A_2692, %mul3A_2695 : vector<16xf32>
      %mul3A_2697 = arith.constant 8533.333 : f32
      %mul3A_2698 = vector.broadcast %mul3A_2697 : f32 to vector<16xf32>
      %mul3A_2699 = arith.mulf %mul3A_2636, %mul3A_2698 : vector<16xf32>
      %add3A_2700 = arith.addf %add3A_2696, %mul3A_2699 : vector<16xf32>
      %mul3A_2701 = arith.constant -533.333313 : f32
      %mul3A_2702 = vector.broadcast %mul3A_2701 : f32 to vector<16xf32>
      %mul3A_2703 = arith.mulf %mul3A_2643, %mul3A_2702 : vector<16xf32>
      %add3A_2704 = arith.addf %add3A_2700, %mul3A_2703 : vector<16xf32>
      %mul3A_2705 = arith.constant -3.200000e+03 : f32
      %mul3A_2706 = vector.broadcast %mul3A_2705 : f32 to vector<16xf32>
      %mul3A_2707 = arith.mulf %mul3A_2650, %mul3A_2706 : vector<16xf32>
      %add3A_2708 = arith.addf %add3A_2704, %mul3A_2707 : vector<16xf32>
      %mul3A_2709 = arith.constant 32533.334 : f32
      %mul3A_2710 = vector.broadcast %mul3A_2709 : f32 to vector<16xf32>
      %mul3A_2711 = arith.mulf %mul3A_2657, %mul3A_2710 : vector<16xf32>
      %add3A_2712 = arith.addf %add3A_2708, %mul3A_2711 : vector<16xf32>
      %add3A_2713 = arith.constant 1 : i32
      %add3A_2714 = vector.broadcast %add3A_2713 : i32 to vector<16xi32>
      %add3A_2715 = arith.addi %mul3A_2663, %add3A_2714 : vector<16xi32>
      tpu.vector_store_idx %arg5[%broadcast_in_dim3A_2319, %add3A_2660, %add3A_2715], %add3A_2712 : memref<2x32x81xf32, #tpu.memory_space<vmem>>[vector<16xi32>, vector<16xi32>, vector<16xi32>], vector<16xf32>,
      %mul3A_2716 = arith.constant 114133.336 : f32
      %mul3A_2717 = vector.broadcast %mul3A_2716 : f32 to vector<16xf32>
      %mul3A_2718 = arith.mulf %mul3A_2622, %mul3A_2717 : vector<16xf32>
      %mul3A_2719 = arith.constant -2133.33325 : f32
      %mul3A_2720 = vector.broadcast %mul3A_2719 : f32 to vector<16xf32>
      %mul3A_2721 = arith.mulf %mul3A_2629, %mul3A_2720 : vector<16xf32>
      %add3A_2722 = arith.addf %mul3A_2718, %mul3A_2721 : vector<16xf32>
      %mul3A_2723 = arith.constant -1.600000e+04 : f32
      %mul3A_2724 = vector.broadcast %mul3A_2723 : f32 to vector<16xf32>
      %mul3A_2725 = arith.mulf %mul3A_2636, %mul3A_2724 : vector<16xf32>
      %add3A_2726 = arith.addf %add3A_2722, %mul3A_2725 : vector<16xf32>
      %mul3A_2727 = arith.constant 8533.333 : f32
      %mul3A_2728 = vector.broadcast %mul3A_2727 : f32 to vector<16xf32>
      %mul3A_2729 = arith.mulf %mul3A_2643, %mul3A_2728 : vector<16xf32>
      %add3A_2730 = arith.addf %add3A_2726, %mul3A_2729 : vector<16xf32>
      %mul3A_2731 = arith.constant 7466.6665 : f32
      %mul3A_2732 = vector.broadcast %mul3A_2731 : f32 to vector<16xf32>
      %mul3A_2733 = arith.mulf %mul3A_2650, %mul3A_2732 : vector<16xf32>
      %add3A_2734 = arith.addf %add3A_2730, %mul3A_2733 : vector<16xf32>
      %mul3A_2735 = arith.constant -8.320000e+04 : f32
      %mul3A_2736 = vector.broadcast %mul3A_2735 : f32 to vector<16xf32>
      %mul3A_2737 = arith.mulf %mul3A_2657, %mul3A_2736 : vector<16xf32>
      %add3A_2738 = arith.addf %add3A_2734, %mul3A_2737 : vector<16xf32>
      %add3A_2739 = arith.constant 2 : i32
      %add3A_2740 = vector.broadcast %add3A_2739 : i32 to vector<16xi32>
      %add3A_2741 = arith.addi %mul3A_2663, %add3A_2740 : vector<16xi32>
      tpu.vector_store_idx %arg5[%broadcast_in_dim3A_2319, %add3A_2660, %add3A_2741], %add3A_2738 : memref<2x32x81xf32, #tpu.memory_space<vmem>>[vector<16xi32>, vector<16xi32>, vector<16xi32>], vector<16xf32>,
      %mul3A_2742 = arith.constant -8.320000e+04 : f32
      %mul3A_2743 = vector.broadcast %mul3A_2742 : f32 to vector<16xf32>
      %mul3A_2744 = arith.mulf %mul3A_2622, %mul3A_2743 : vector<16xf32>
      %mul3A_2745 = arith.constant 7466.6665 : f32
      %mul3A_2746 = vector.broadcast %mul3A_2745 : f32 to vector<16xf32>
      %mul3A_2747 = arith.mulf %mul3A_2629, %mul3A_2746 : vector<16xf32>
      %add3A_2748 = arith.addf %mul3A_2744, %mul3A_2747 : vector<16xf32>
      %mul3A_2749 = arith.constant 8533.333 : f32
      %mul3A_2750 = vector.broadcast %mul3A_2749 : f32 to vector<16xf32>
      %mul3A_2751 = arith.mulf %mul3A_2636, %mul3A_2750 : vector<16xf32>
      %add3A_2752 = arith.addf %add3A_2748, %mul3A_2751 : vector<16xf32>
      %mul3A_2753 = arith.constant -1.600000e+04 : f32
      %mul3A_2754 = vector.broadcast %mul3A_2753 : f32 to vector<16xf32>
      %mul3A_2755 = arith.mulf %mul3A_2643, %mul3A_2754 : vector<16xf32>
      %add3A_2756 = arith.addf %add3A_2752, %mul3A_2755 : vector<16xf32>
      %mul3A_2757 = arith.constant -2133.33325 : f32
      %mul3A_2758 = vector.broadcast %mul3A_2757 : f32 to vector<16xf32>
      %mul3A_2759 = arith.mulf %mul3A_2650, %mul3A_2758 : vector<16xf32>
      %add3A_2760 = arith.addf %add3A_2756, %mul3A_2759 : vector<16xf32>
      %mul3A_2761 = arith.constant 114133.336 : f32
      %mul3A_2762 = vector.broadcast %mul3A_2761 : f32 to vector<16xf32>
      %mul3A_2763 = arith.mulf %mul3A_2657, %mul3A_2762 : vector<16xf32>
      %add3A_2764 = arith.addf %add3A_2760, %mul3A_2763 : vector<16xf32>
      %add3A_2765 = arith.constant 3 : i32
      %add3A_2766 = vector.broadcast %add3A_2765 : i32 to vector<16xi32>
      %add3A_2767 = arith.addi %mul3A_2663, %add3A_2766 : vector<16xi32>
      tpu.vector_store_idx %arg5[%broadcast_in_dim3A_2319, %add3A_2660, %add3A_2767], %add3A_2764 : memref<2x32x81xf32, #tpu.memory_space<vmem>>[vector<16xi32>, vector<16xi32>, vector<16xi32>], vector<16xf32>,
      %mul3A_2768 = arith.constant 32533.334 : f32
      %mul3A_2769 = vector.broadcast %mul3A_2768 : f32 to vector<16xf32>
      %mul3A_2770 = arith.mulf %mul3A_2622, %mul3A_2769 : vector<16xf32>
      %mul3A_2771 = arith.constant -3.200000e+03 : f32
      %mul3A_2772 = vector.broadcast %mul3A_2771 : f32 to vector<16xf32>
      %mul3A_2773 = arith.mulf %mul3A_2629, %mul3A_2772 : vector<16xf32>
      %add3A_2774 = arith.addf %mul3A_2770, %mul3A_2773 : vector<16xf32>
      %mul3A_2775 = arith.constant -533.333313 : f32
      %mul3A_2776 = vector.broadcast %mul3A_2775 : f32 to vector<16xf32>
      %mul3A_2777 = arith.mulf %mul3A_2636, %mul3A_2776 : vector<16xf32>
      %add3A_2778 = arith.addf %add3A_2774, %mul3A_2777 : vector<16xf32>
      %mul3A_2779 = arith.constant 8533.333 : f32
      %mul3A_2780 = vector.broadcast %mul3A_2779 : f32 to vector<16xf32>
      %mul3A_2781 = arith.mulf %mul3A_2643, %mul3A_2780 : vector<16xf32>
      %add3A_2782 = arith.addf %add3A_2778, %mul3A_2781 : vector<16xf32>
      %mul3A_2783 = arith.constant -8.000000e+03 : f32
      %mul3A_2784 = vector.broadcast %mul3A_2783 : f32 to vector<16xf32>
      %mul3A_2785 = arith.mulf %mul3A_2650, %mul3A_2784 : vector<16xf32>
      %add3A_2786 = arith.addf %add3A_2782, %mul3A_2785 : vector<16xf32>
      %mul3A_2787 = arith.constant -82133.3359 : f32
      %mul3A_2788 = vector.broadcast %mul3A_2787 : f32 to vector<16xf32>
      %mul3A_2789 = arith.mulf %mul3A_2657, %mul3A_2788 : vector<16xf32>
      %add3A_2790 = arith.addf %add3A_2786, %mul3A_2789 : vector<16xf32>
      %add3A_2791 = arith.constant 4 : i32
      %add3A_2792 = vector.broadcast %add3A_2791 : i32 to vector<16xi32>
      %add3A_2793 = arith.addi %mul3A_2663, %add3A_2792 : vector<16xi32>
      tpu.vector_store_idx %arg5[%broadcast_in_dim3A_2319, %add3A_2660, %add3A_2793], %add3A_2790 : memref<2x32x81xf32, #tpu.memory_space<vmem>>[vector<16xi32>, vector<16xi32>, vector<16xi32>], vector<16xf32>,
      %mul3A_2794 = arith.constant -5333.3335 : f32
      %mul3A_2795 = vector.broadcast %mul3A_2794 : f32 to vector<16xf32>
      %mul3A_2796 = arith.mulf %mul3A_2622, %mul3A_2795 : vector<16xf32>
      %mul3A_2797 = arith.constant 533.333313 : f32
      %mul3A_2798 = vector.broadcast %mul3A_2797 : f32 to vector<16xf32>
      %mul3A_2799 = arith.mulf %mul3A_2629, %mul3A_2798 : vector<16xf32>
      %add3A_2800 = arith.addf %mul3A_2796, %mul3A_2799 : vector<16xf32>
      %mul3A_2801 = arith.constant -3.29612876E-14 : f32
      %mul3A_2802 = vector.broadcast %mul3A_2801 : f32 to vector<16xf32>
      %mul3A_2803 = arith.mulf %mul3A_2636, %mul3A_2802 : vector<16xf32>
      %add3A_2804 = arith.addf %add3A_2800, %mul3A_2803 : vector<16xf32>
      %mul3A_2805 = arith.constant -533.333313 : f32
      %mul3A_2806 = vector.broadcast %mul3A_2805 : f32 to vector<16xf32>
      %mul3A_2807 = arith.mulf %mul3A_2643, %mul3A_2806 : vector<16xf32>
      %add3A_2808 = arith.addf %add3A_2804, %mul3A_2807 : vector<16xf32>
      %mul3A_2809 = arith.constant 5333.3335 : f32
      %mul3A_2810 = vector.broadcast %mul3A_2809 : f32 to vector<16xf32>
      %mul3A_2811 = arith.mulf %mul3A_2650, %mul3A_2810 : vector<16xf32>
      %add3A_2812 = arith.addf %add3A_2808, %mul3A_2811 : vector<16xf32>
      %mul3A_2813 = arith.constant 2.400000e+04 : f32
      %mul3A_2814 = vector.broadcast %mul3A_2813 : f32 to vector<16xf32>
      %mul3A_2815 = arith.mulf %mul3A_2657, %mul3A_2814 : vector<16xf32>
      %add3A_2816 = arith.addf %add3A_2812, %mul3A_2815 : vector<16xf32>
      %add3A_2817 = arith.constant 5 : i32
      %add3A_2818 = vector.broadcast %add3A_2817 : i32 to vector<16xi32>
      %add3A_2819 = arith.addi %mul3A_2663, %add3A_2818 : vector<16xi32>
      tpu.vector_store_idx %arg5[%broadcast_in_dim3A_2319, %add3A_2660, %add3A_2819], %add3A_2816 : memref<2x32x81xf32, #tpu.memory_space<vmem>>[vector<16xi32>, vector<16xi32>, vector<16xi32>], vector<16xf32>,
      %broadcast_in_dim3A_2820 = arith.constant 1 : i32
      %broadcast_in_dim3A_2821 = vector.broadcast %broadcast_in_dim3A_2820 : i32 to vector<16xi32>
      %get3A_2822 = arith.constant 1 : i32
      %get3A_2823 = arith.index_cast %get3A_2822 : i32 to index
      %get3A_2824 = arith.constant 0 : index
      %get3A_2825 = tpu.vector_load %arg4[%get3A_2823, %get3A_2824] {strides = array<i32>} : memref<2x32xf32, #tpu.memory_space<vmem>>, vector<16xf32>,
      %mul3A_2826 = arith.constant 8.000000e+01 : f32
      %mul3A_2827 = vector.broadcast %mul3A_2826 : f32 to vector<16xf32>
      %mul3A_2828 = arith.mulf %mul3A_2827, %get3A_2825 : vector<16xf32>
      %mul3A_2829 = arith.constant 2.000000e-01 : f32
      %mul3A_2830 = vector.broadcast %mul3A_2829 : f32 to vector<16xf32>
      %mul3A_2831 = arith.mulf %mul3A_2828, %mul3A_2830 : vector<16xf32>
      %convert_element_type3A_2832 = arith.fptosi %mul3A_2831 : vector<16xf32> to vector<16xi32>
      %jit3A_2833 = arith.constant 0 : i32
      %jit3A_2834 = arith.constant 15 : i32
      %max3A_2835 = vector.broadcast %jit3A_2833 : i32 to vector<16xi32>
      %max3A_2836 = arith.maxsi %max3A_2835, %convert_element_type3A_2832 : vector<16xi32>
      %min3A_2837 = vector.broadcast %jit3A_2834 : i32 to vector<16xi32>
      %min3A_2838 = arith.minsi %min3A_2837, %max3A_2836 : vector<16xi32>
      %convert_element_type3A_2839 = arith.sitofp %min3A_2838 : vector<16xi32> to vector<16xf32>
      %mul3A_2840 = arith.constant 5.000000e+00 : f32
      %mul3A_2841 = vector.broadcast %mul3A_2840 : f32 to vector<16xf32>
      %mul3A_2842 = arith.mulf %mul3A_2841, %convert_element_type3A_2839 : vector<16xf32>
      %sub3A_2843 = arith.subf %mul3A_2828, %mul3A_2842 : vector<16xf32>
      %mul3A_2844 = arith.constant 2.000000e+00 : f32
      %mul3A_2845 = vector.broadcast %mul3A_2844 : f32 to vector<16xf32>
      %mul3A_2846 = arith.mulf %mul3A_2845, %sub3A_2843 : vector<16xf32>
      %mul3A_2847 = arith.constant 2.000000e-01 : f32
      %mul3A_2848 = vector.broadcast %mul3A_2847 : f32 to vector<16xf32>
      %mul3A_2849 = arith.mulf %mul3A_2846, %mul3A_2848 : vector<16xf32>
      %sub3A_2850 = arith.constant 1.000000e+00 : f32
      %sub3A_2851 = vector.broadcast %sub3A_2850 : f32 to vector<16xf32>
      %sub3A_2852 = arith.subf %mul3A_2849, %sub3A_2851 : vector<16xf32>
      %sub3A_2853 = arith.constant -1.000000e+00 : f32
      %sub3A_2854 = vector.broadcast %sub3A_2853 : f32 to vector<16xf32>
      %sub3A_2855 = arith.subf %sub3A_2852, %sub3A_2854 : vector<16xf32>
      %sub3A_2856 = arith.constant -6.000000e-01 : f32
      %sub3A_2857 = vector.broadcast %sub3A_2856 : f32 to vector<16xf32>
      %sub3A_2858 = arith.subf %sub3A_2852, %sub3A_2857 : vector<16xf32>
      %sub3A_2859 = arith.constant -2.000000e-01 : f32
      %sub3A_2860 = vector.broadcast %sub3A_2859 : f32 to vector<16xf32>
      %sub3A_2861 = arith.subf %sub3A_2852, %sub3A_2860 : vector<16xf32>
      %sub3A_2862 = arith.constant 2.000000e-01 : f32
      %sub3A_2863 = vector.broadcast %sub3A_2862 : f32 to vector<16xf32>
      %sub3A_2864 = arith.subf %sub3A_2852, %sub3A_2863 : vector<16xf32>
      %sub3A_2865 = arith.constant 6.000000e-01 : f32
      %sub3A_2866 = vector.broadcast %sub3A_2865 : f32 to vector<16xf32>
      %sub3A_2867 = arith.subf %sub3A_2852, %sub3A_2866 : vector<16xf32>
      %sub3A_2868 = arith.constant 1.000000e+00 : f32
      %sub3A_2869 = vector.broadcast %sub3A_2868 : f32 to vector<16xf32>
      %sub3A_2870 = arith.subf %sub3A_2852, %sub3A_2869 : vector<16xf32>
      %mul3A_2871 = arith.mulf %sub3A_2858, %sub3A_2861 : vector<16xf32>
      %mul3A_2872 = arith.mulf %mul3A_2871, %sub3A_2864 : vector<16xf32>
      %mul3A_2873 = arith.mulf %mul3A_2872, %sub3A_2867 : vector<16xf32>
      %mul3A_2874 = arith.mulf %mul3A_2873, %sub3A_2870 : vector<16xf32>
      %mul3A_2875 = arith.constant -0.813802063 : f32
      %mul3A_2876 = vector.broadcast %mul3A_2875 : f32 to vector<16xf32>
      %mul3A_2877 = arith.mulf %mul3A_2874, %mul3A_2876 : vector<16xf32>
      %mul3A_2878 = arith.mulf %sub3A_2855, %sub3A_2861 : vector<16xf32>
      %mul3A_2879 = arith.mulf %mul3A_2878, %sub3A_2864 : vector<16xf32>
      %mul3A_2880 = arith.mulf %mul3A_2879, %sub3A_2867 : vector<16xf32>
      %mul3A_2881 = arith.mulf %mul3A_2880, %sub3A_2870 : vector<16xf32>
      %mul3A_2882 = arith.constant 4.06901026 : f32
      %mul3A_2883 = vector.broadcast %mul3A_2882 : f32 to vector<16xf32>
      %mul3A_2884 = arith.mulf %mul3A_2881, %mul3A_2883 : vector<16xf32>
      %mul3A_2885 = arith.mulf %sub3A_2855, %sub3A_2858 : vector<16xf32>
      %mul3A_2886 = arith.mulf %mul3A_2885, %sub3A_2864 : vector<16xf32>
      %mul3A_2887 = arith.mulf %mul3A_2886, %sub3A_2867 : vector<16xf32>
      %mul3A_2888 = arith.mulf %mul3A_2887, %sub3A_2870 : vector<16xf32>
      %mul3A_2889 = arith.constant -8.13802051 : f32
      %mul3A_2890 = vector.broadcast %mul3A_2889 : f32 to vector<16xf32>
      %mul3A_2891 = arith.mulf %mul3A_2888, %mul3A_2890 : vector<16xf32>
      %mul3A_2892 = arith.mulf %sub3A_2855, %sub3A_2858 : vector<16xf32>
      %mul3A_2893 = arith.mulf %mul3A_2892, %sub3A_2861 : vector<16xf32>
      %mul3A_2894 = arith.mulf %mul3A_2893, %sub3A_2867 : vector<16xf32>
      %mul3A_2895 = arith.mulf %mul3A_2894, %sub3A_2870 : vector<16xf32>
      %mul3A_2896 = arith.constant 8.13802051 : f32
      %mul3A_2897 = vector.broadcast %mul3A_2896 : f32 to vector<16xf32>
      %mul3A_2898 = arith.mulf %mul3A_2895, %mul3A_2897 : vector<16xf32>
      %mul3A_2899 = arith.mulf %sub3A_2855, %sub3A_2858 : vector<16xf32>
      %mul3A_2900 = arith.mulf %mul3A_2899, %sub3A_2861 : vector<16xf32>
      %mul3A_2901 = arith.mulf %mul3A_2900, %sub3A_2864 : vector<16xf32>
      %mul3A_2902 = arith.mulf %mul3A_2901, %sub3A_2870 : vector<16xf32>
      %mul3A_2903 = arith.constant -4.06901026 : f32
      %mul3A_2904 = vector.broadcast %mul3A_2903 : f32 to vector<16xf32>
      %mul3A_2905 = arith.mulf %mul3A_2902, %mul3A_2904 : vector<16xf32>
      %mul3A_2906 = arith.mulf %sub3A_2855, %sub3A_2858 : vector<16xf32>
      %mul3A_2907 = arith.mulf %mul3A_2906, %sub3A_2861 : vector<16xf32>
      %mul3A_2908 = arith.mulf %mul3A_2907, %sub3A_2864 : vector<16xf32>
      %mul3A_2909 = arith.mulf %mul3A_2908, %sub3A_2867 : vector<16xf32>
      %mul3A_2910 = arith.constant 0.813802063 : f32
      %mul3A_2911 = vector.broadcast %mul3A_2910 : f32 to vector<16xf32>
      %mul3A_2912 = arith.mulf %mul3A_2909, %mul3A_2911 : vector<16xf32>
      %add3A_2913 = arith.constant 0 : i32
      %add3A_2914 = vector.broadcast %add3A_2913 : i32 to vector<16xi32>
      %add3A_2915 = arith.addi %iota3A, %add3A_2914 : vector<16xi32>
      %mul3A_2916 = arith.constant 5 : i32
      %mul3A_2917 = vector.broadcast %mul3A_2916 : i32 to vector<16xi32>
      %mul3A_2918 = arith.muli %mul3A_2917, %min3A_2838 : vector<16xi32>
      %mul3A_2919 = arith.constant 2.400000e+04 : f32
      %mul3A_2920 = vector.broadcast %mul3A_2919 : f32 to vector<16xf32>
      %mul3A_2921 = arith.mulf %mul3A_2877, %mul3A_2920 : vector<16xf32>
      %mul3A_2922 = arith.constant 5333.3335 : f32
      %mul3A_2923 = vector.broadcast %mul3A_2922 : f32 to vector<16xf32>
      %mul3A_2924 = arith.mulf %mul3A_2884, %mul3A_2923 : vector<16xf32>
      %add3A_2925 = arith.addf %mul3A_2921, %mul3A_2924 : vector<16xf32>
      %mul3A_2926 = arith.constant -533.333313 : f32
      %mul3A_2927 = vector.broadcast %mul3A_2926 : f32 to vector<16xf32>
      %mul3A_2928 = arith.mulf %mul3A_2891, %mul3A_2927 : vector<16xf32>
      %add3A_2929 = arith.addf %add3A_2925, %mul3A_2928 : vector<16xf32>
      %mul3A_2930 = arith.constant 2.7000624E-13 : f32
      %mul3A_2931 = vector.broadcast %mul3A_2930 : f32 to vector<16xf32>
      %mul3A_2932 = arith.mulf %mul3A_2898, %mul3A_2931 : vector<16xf32>
      %add3A_2933 = arith.addf %add3A_2929, %mul3A_2932 : vector<16xf32>
      %mul3A_2934 = arith.constant 533.333313 : f32
      %mul3A_2935 = vector.broadcast %mul3A_2934 : f32 to vector<16xf32>
      %mul3A_2936 = arith.mulf %mul3A_2905, %mul3A_2935 : vector<16xf32>
      %add3A_2937 = arith.addf %add3A_2933, %mul3A_2936 : vector<16xf32>
      %mul3A_2938 = arith.constant -5333.3335 : f32
      %mul3A_2939 = vector.broadcast %mul3A_2938 : f32 to vector<16xf32>
      %mul3A_2940 = arith.mulf %mul3A_2912, %mul3A_2939 : vector<16xf32>
      %add3A_2941 = arith.addf %add3A_2937, %mul3A_2940 : vector<16xf32>
      %add3A_2942 = arith.constant 0 : i32
      %add3A_2943 = vector.broadcast %add3A_2942 : i32 to vector<16xi32>
      %add3A_2944 = arith.addi %mul3A_2918, %add3A_2943 : vector<16xi32>
      tpu.vector_store_idx %arg5[%broadcast_in_dim3A_2821, %add3A_2915, %add3A_2944], %add3A_2941 : memref<2x32x81xf32, #tpu.memory_space<vmem>>[vector<16xi32>, vector<16xi32>, vector<16xi32>], vector<16xf32>,
      %mul3A_2945 = arith.constant -82133.3359 : f32
      %mul3A_2946 = vector.broadcast %mul3A_2945 : f32 to vector<16xf32>
      %mul3A_2947 = arith.mulf %mul3A_2877, %mul3A_2946 : vector<16xf32>
      %mul3A_2948 = arith.constant -8.000000e+03 : f32
      %mul3A_2949 = vector.broadcast %mul3A_2948 : f32 to vector<16xf32>
      %mul3A_2950 = arith.mulf %mul3A_2884, %mul3A_2949 : vector<16xf32>
      %add3A_2951 = arith.addf %mul3A_2947, %mul3A_2950 : vector<16xf32>
      %mul3A_2952 = arith.constant 8533.333 : f32
      %mul3A_2953 = vector.broadcast %mul3A_2952 : f32 to vector<16xf32>
      %mul3A_2954 = arith.mulf %mul3A_2891, %mul3A_2953 : vector<16xf32>
      %add3A_2955 = arith.addf %add3A_2951, %mul3A_2954 : vector<16xf32>
      %mul3A_2956 = arith.constant -533.333313 : f32
      %mul3A_2957 = vector.broadcast %mul3A_2956 : f32 to vector<16xf32>
      %mul3A_2958 = arith.mulf %mul3A_2898, %mul3A_2957 : vector<16xf32>
      %add3A_2959 = arith.addf %add3A_2955, %mul3A_2958 : vector<16xf32>
      %mul3A_2960 = arith.constant -3.200000e+03 : f32
      %mul3A_2961 = vector.broadcast %mul3A_2960 : f32 to vector<16xf32>
      %mul3A_2962 = arith.mulf %mul3A_2905, %mul3A_2961 : vector<16xf32>
      %add3A_2963 = arith.addf %add3A_2959, %mul3A_2962 : vector<16xf32>
      %mul3A_2964 = arith.constant 32533.334 : f32
      %mul3A_2965 = vector.broadcast %mul3A_2964 : f32 to vector<16xf32>
      %mul3A_2966 = arith.mulf %mul3A_2912, %mul3A_2965 : vector<16xf32>
      %add3A_2967 = arith.addf %add3A_2963, %mul3A_2966 : vector<16xf32>
      %add3A_2968 = arith.constant 1 : i32
      %add3A_2969 = vector.broadcast %add3A_2968 : i32 to vector<16xi32>
      %add3A_2970 = arith.addi %mul3A_2918, %add3A_2969 : vector<16xi32>
      tpu.vector_store_idx %arg5[%broadcast_in_dim3A_2821, %add3A_2915, %add3A_2970], %add3A_2967 : memref<2x32x81xf32, #tpu.memory_space<vmem>>[vector<16xi32>, vector<16xi32>, vector<16xi32>], vector<16xf32>,
      %mul3A_2971 = arith.constant 114133.336 : f32
      %mul3A_2972 = vector.broadcast %mul3A_2971 : f32 to vector<16xf32>
      %mul3A_2973 = arith.mulf %mul3A_2877, %mul3A_2972 : vector<16xf32>
      %mul3A_2974 = arith.constant -2133.33325 : f32
      %mul3A_2975 = vector.broadcast %mul3A_2974 : f32 to vector<16xf32>
      %mul3A_2976 = arith.mulf %mul3A_2884, %mul3A_2975 : vector<16xf32>
      %add3A_2977 = arith.addf %mul3A_2973, %mul3A_2976 : vector<16xf32>
      %mul3A_2978 = arith.constant -1.600000e+04 : f32
      %mul3A_2979 = vector.broadcast %mul3A_2978 : f32 to vector<16xf32>
      %mul3A_2980 = arith.mulf %mul3A_2891, %mul3A_2979 : vector<16xf32>
      %add3A_2981 = arith.addf %add3A_2977, %mul3A_2980 : vector<16xf32>
      %mul3A_2982 = arith.constant 8533.333 : f32
      %mul3A_2983 = vector.broadcast %mul3A_2982 : f32 to vector<16xf32>
      %mul3A_2984 = arith.mulf %mul3A_2898, %mul3A_2983 : vector<16xf32>
      %add3A_2985 = arith.addf %add3A_2981, %mul3A_2984 : vector<16xf32>
      %mul3A_2986 = arith.constant 7466.6665 : f32
      %mul3A_2987 = vector.broadcast %mul3A_2986 : f32 to vector<16xf32>
      %mul3A_2988 = arith.mulf %mul3A_2905, %mul3A_2987 : vector<16xf32>
      %add3A_2989 = arith.addf %add3A_2985, %mul3A_2988 : vector<16xf32>
      %mul3A_2990 = arith.constant -8.320000e+04 : f32
      %mul3A_2991 = vector.broadcast %mul3A_2990 : f32 to vector<16xf32>
      %mul3A_2992 = arith.mulf %mul3A_2912, %mul3A_2991 : vector<16xf32>
      %add3A_2993 = arith.addf %add3A_2989, %mul3A_2992 : vector<16xf32>
      %add3A_2994 = arith.constant 2 : i32
      %add3A_2995 = vector.broadcast %add3A_2994 : i32 to vector<16xi32>
      %add3A_2996 = arith.addi %mul3A_2918, %add3A_2995 : vector<16xi32>
      tpu.vector_store_idx %arg5[%broadcast_in_dim3A_2821, %add3A_2915, %add3A_2996], %add3A_2993 : memref<2x32x81xf32, #tpu.memory_space<vmem>>[vector<16xi32>, vector<16xi32>, vector<16xi32>], vector<16xf32>,
      %mul3A_2997 = arith.constant -8.320000e+04 : f32
      %mul3A_2998 = vector.broadcast %mul3A_2997 : f32 to vector<16xf32>
      %mul3A_2999 = arith.mulf %mul3A_2877, %mul3A_2998 : vector<16xf32>
      %mul3A_3000 = arith.constant 7466.6665 : f32
      %mul3A_3001 = vector.broadcast %mul3A_3000 : f32 to vector<16xf32>
      %mul3A_3002 = arith.mulf %mul3A_2884, %mul3A_3001 : vector<16xf32>
      %add3A_3003 = arith.addf %mul3A_2999, %mul3A_3002 : vector<16xf32>
      %mul3A_3004 = arith.constant 8533.333 : f32
      %mul3A_3005 = vector.broadcast %mul3A_3004 : f32 to vector<16xf32>
      %mul3A_3006 = arith.mulf %mul3A_2891, %mul3A_3005 : vector<16xf32>
      %add3A_3007 = arith.addf %add3A_3003, %mul3A_3006 : vector<16xf32>
      %mul3A_3008 = arith.constant -1.600000e+04 : f32
      %mul3A_3009 = vector.broadcast %mul3A_3008 : f32 to vector<16xf32>
      %mul3A_3010 = arith.mulf %mul3A_2898, %mul3A_3009 : vector<16xf32>
      %add3A_3011 = arith.addf %add3A_3007, %mul3A_3010 : vector<16xf32>
      %mul3A_3012 = arith.constant -2133.33325 : f32
      %mul3A_3013 = vector.broadcast %mul3A_3012 : f32 to vector<16xf32>
      %mul3A_3014 = arith.mulf %mul3A_2905, %mul3A_3013 : vector<16xf32>
      %add3A_3015 = arith.addf %add3A_3011, %mul3A_3014 : vector<16xf32>
      %mul3A_3016 = arith.constant 114133.336 : f32
      %mul3A_3017 = vector.broadcast %mul3A_3016 : f32 to vector<16xf32>
      %mul3A_3018 = arith.mulf %mul3A_2912, %mul3A_3017 : vector<16xf32>
      %add3A_3019 = arith.addf %add3A_3015, %mul3A_3018 : vector<16xf32>
      %add3A_3020 = arith.constant 3 : i32
      %add3A_3021 = vector.broadcast %add3A_3020 : i32 to vector<16xi32>
      %add3A_3022 = arith.addi %mul3A_2918, %add3A_3021 : vector<16xi32>
      tpu.vector_store_idx %arg5[%broadcast_in_dim3A_2821, %add3A_2915, %add3A_3022], %add3A_3019 : memref<2x32x81xf32, #tpu.memory_space<vmem>>[vector<16xi32>, vector<16xi32>, vector<16xi32>], vector<16xf32>,
      %mul3A_3023 = arith.constant 32533.334 : f32
      %mul3A_3024 = vector.broadcast %mul3A_3023 : f32 to vector<16xf32>
      %mul3A_3025 = arith.mulf %mul3A_2877, %mul3A_3024 : vector<16xf32>
      %mul3A_3026 = arith.constant -3.200000e+03 : f32
      %mul3A_3027 = vector.broadcast %mul3A_3026 : f32 to vector<16xf32>
      %mul3A_3028 = arith.mulf %mul3A_2884, %mul3A_3027 : vector<16xf32>
      %add3A_3029 = arith.addf %mul3A_3025, %mul3A_3028 : vector<16xf32>
      %mul3A_3030 = arith.constant -533.333313 : f32
      %mul3A_3031 = vector.broadcast %mul3A_3030 : f32 to vector<16xf32>
      %mul3A_3032 = arith.mulf %mul3A_2891, %mul3A_3031 : vector<16xf32>
      %add3A_3033 = arith.addf %add3A_3029, %mul3A_3032 : vector<16xf32>
      %mul3A_3034 = arith.constant 8533.333 : f32
      %mul3A_3035 = vector.broadcast %mul3A_3034 : f32 to vector<16xf32>
      %mul3A_3036 = arith.mulf %mul3A_2898, %mul3A_3035 : vector<16xf32>
      %add3A_3037 = arith.addf %add3A_3033, %mul3A_3036 : vector<16xf32>
      %mul3A_3038 = arith.constant -8.000000e+03 : f32
      %mul3A_3039 = vector.broadcast %mul3A_3038 : f32 to vector<16xf32>
      %mul3A_3040 = arith.mulf %mul3A_2905, %mul3A_3039 : vector<16xf32>
      %add3A_3041 = arith.addf %add3A_3037, %mul3A_3040 : vector<16xf32>
      %mul3A_3042 = arith.constant -82133.3359 : f32
      %mul3A_3043 = vector.broadcast %mul3A_3042 : f32 to vector<16xf32>
      %mul3A_3044 = arith.mulf %mul3A_2912, %mul3A_3043 : vector<16xf32>
      %add3A_3045 = arith.addf %add3A_3041, %mul3A_3044 : vector<16xf32>
      %add3A_3046 = arith.constant 4 : i32
      %add3A_3047 = vector.broadcast %add3A_3046 : i32 to vector<16xi32>
      %add3A_3048 = arith.addi %mul3A_2918, %add3A_3047 : vector<16xi32>
      tpu.vector_store_idx %arg5[%broadcast_in_dim3A_2821, %add3A_2915, %add3A_3048], %add3A_3045 : memref<2x32x81xf32, #tpu.memory_space<vmem>>[vector<16xi32>, vector<16xi32>, vector<16xi32>], vector<16xf32>,
      %mul3A_3049 = arith.constant -5333.3335 : f32
      %mul3A_3050 = vector.broadcast %mul3A_3049 : f32 to vector<16xf32>
      %mul3A_3051 = arith.mulf %mul3A_2877, %mul3A_3050 : vector<16xf32>
      %mul3A_3052 = arith.constant 533.333313 : f32
      %mul3A_3053 = vector.broadcast %mul3A_3052 : f32 to vector<16xf32>
      %mul3A_3054 = arith.mulf %mul3A_2884, %mul3A_3053 : vector<16xf32>
      %add3A_3055 = arith.addf %mul3A_3051, %mul3A_3054 : vector<16xf32>
      %mul3A_3056 = arith.constant -3.29612876E-14 : f32
      %mul3A_3057 = vector.broadcast %mul3A_3056 : f32 to vector<16xf32>
      %mul3A_3058 = arith.mulf %mul3A_2891, %mul3A_3057 : vector<16xf32>
      %add3A_3059 = arith.addf %add3A_3055, %mul3A_3058 : vector<16xf32>
      %mul3A_3060 = arith.constant -533.333313 : f32
      %mul3A_3061 = vector.broadcast %mul3A_3060 : f32 to vector<16xf32>
      %mul3A_3062 = arith.mulf %mul3A_2898, %mul3A_3061 : vector<16xf32>
      %add3A_3063 = arith.addf %add3A_3059, %mul3A_3062 : vector<16xf32>
      %mul3A_3064 = arith.constant 5333.3335 : f32
      %mul3A_3065 = vector.broadcast %mul3A_3064 : f32 to vector<16xf32>
      %mul3A_3066 = arith.mulf %mul3A_2905, %mul3A_3065 : vector<16xf32>
      %add3A_3067 = arith.addf %add3A_3063, %mul3A_3066 : vector<16xf32>
      %mul3A_3068 = arith.constant 2.400000e+04 : f32
      %mul3A_3069 = vector.broadcast %mul3A_3068 : f32 to vector<16xf32>
      %mul3A_3070 = arith.mulf %mul3A_2912, %mul3A_3069 : vector<16xf32>
      %add3A_3071 = arith.addf %add3A_3067, %mul3A_3070 : vector<16xf32>
      %add3A_3072 = arith.constant 5 : i32
      %add3A_3073 = vector.broadcast %add3A_3072 : i32 to vector<16xi32>
      %add3A_3074 = arith.addi %mul3A_2918, %add3A_3073 : vector<16xi32>
      tpu.vector_store_idx %arg5[%broadcast_in_dim3A_2821, %add3A_2915, %add3A_3074], %add3A_3071 : memref<2x32x81xf32, #tpu.memory_space<vmem>>[vector<16xi32>, vector<16xi32>, vector<16xi32>], vector<16xf32>,
      %get3A_3075 = arith.constant 1 : i32
      %get3A_3076 = arith.index_cast %get3A_3075 : i32 to index
      %get3A_3077 = arith.constant 16 : index
      %get3A_3078 = tpu.vector_load %arg4[%get3A_3076, %get3A_3077] {strides = array<i32>} : memref<2x32xf32, #tpu.memory_space<vmem>>, vector<16xf32>,
      %mul3A_3079 = arith.constant 8.000000e+01 : f32
      %mul3A_3080 = vector.broadcast %mul3A_3079 : f32 to vector<16xf32>
      %mul3A_3081 = arith.mulf %mul3A_3080, %get3A_3078 : vector<16xf32>
      %mul3A_3082 = arith.constant 2.000000e-01 : f32
      %mul3A_3083 = vector.broadcast %mul3A_3082 : f32 to vector<16xf32>
      %mul3A_3084 = arith.mulf %mul3A_3081, %mul3A_3083 : vector<16xf32>
      %convert_element_type3A_3085 = arith.fptosi %mul3A_3084 : vector<16xf32> to vector<16xi32>
      %jit3A_3086 = arith.constant 0 : i32
      %jit3A_3087 = arith.constant 15 : i32
      %max3A_3088 = vector.broadcast %jit3A_3086 : i32 to vector<16xi32>
      %max3A_3089 = arith.maxsi %max3A_3088, %convert_element_type3A_3085 : vector<16xi32>
      %min3A_3090 = vector.broadcast %jit3A_3087 : i32 to vector<16xi32>
      %min3A_3091 = arith.minsi %min3A_3090, %max3A_3089 : vector<16xi32>
      %convert_element_type3A_3092 = arith.sitofp %min3A_3091 : vector<16xi32> to vector<16xf32>
      %mul3A_3093 = arith.constant 5.000000e+00 : f32
      %mul3A_3094 = vector.broadcast %mul3A_3093 : f32 to vector<16xf32>
      %mul3A_3095 = arith.mulf %mul3A_3094, %convert_element_type3A_3092 : vector<16xf32>
      %sub3A_3096 = arith.subf %mul3A_3081, %mul3A_3095 : vector<16xf32>
      %mul3A_3097 = arith.constant 2.000000e+00 : f32
      %mul3A_3098 = vector.broadcast %mul3A_3097 : f32 to vector<16xf32>
      %mul3A_3099 = arith.mulf %mul3A_3098, %sub3A_3096 : vector<16xf32>
      %mul3A_3100 = arith.constant 2.000000e-01 : f32
      %mul3A_3101 = vector.broadcast %mul3A_3100 : f32 to vector<16xf32>
      %mul3A_3102 = arith.mulf %mul3A_3099, %mul3A_3101 : vector<16xf32>
      %sub3A_3103 = arith.constant 1.000000e+00 : f32
      %sub3A_3104 = vector.broadcast %sub3A_3103 : f32 to vector<16xf32>
      %sub3A_3105 = arith.subf %mul3A_3102, %sub3A_3104 : vector<16xf32>
      %sub3A_3106 = arith.constant -1.000000e+00 : f32
      %sub3A_3107 = vector.broadcast %sub3A_3106 : f32 to vector<16xf32>
      %sub3A_3108 = arith.subf %sub3A_3105, %sub3A_3107 : vector<16xf32>
      %sub3A_3109 = arith.constant -6.000000e-01 : f32
      %sub3A_3110 = vector.broadcast %sub3A_3109 : f32 to vector<16xf32>
      %sub3A_3111 = arith.subf %sub3A_3105, %sub3A_3110 : vector<16xf32>
      %sub3A_3112 = arith.constant -2.000000e-01 : f32
      %sub3A_3113 = vector.broadcast %sub3A_3112 : f32 to vector<16xf32>
      %sub3A_3114 = arith.subf %sub3A_3105, %sub3A_3113 : vector<16xf32>
      %sub3A_3115 = arith.constant 2.000000e-01 : f32
      %sub3A_3116 = vector.broadcast %sub3A_3115 : f32 to vector<16xf32>
      %sub3A_3117 = arith.subf %sub3A_3105, %sub3A_3116 : vector<16xf32>
      %sub3A_3118 = arith.constant 6.000000e-01 : f32
      %sub3A_3119 = vector.broadcast %sub3A_3118 : f32 to vector<16xf32>
      %sub3A_3120 = arith.subf %sub3A_3105, %sub3A_3119 : vector<16xf32>
      %sub3A_3121 = arith.constant 1.000000e+00 : f32
      %sub3A_3122 = vector.broadcast %sub3A_3121 : f32 to vector<16xf32>
      %sub3A_3123 = arith.subf %sub3A_3105, %sub3A_3122 : vector<16xf32>
      %mul3A_3124 = arith.mulf %sub3A_3111, %sub3A_3114 : vector<16xf32>
      %mul3A_3125 = arith.mulf %mul3A_3124, %sub3A_3117 : vector<16xf32>
      %mul3A_3126 = arith.mulf %mul3A_3125, %sub3A_3120 : vector<16xf32>
      %mul3A_3127 = arith.mulf %mul3A_3126, %sub3A_3123 : vector<16xf32>
      %mul3A_3128 = arith.constant -0.813802063 : f32
      %mul3A_3129 = vector.broadcast %mul3A_3128 : f32 to vector<16xf32>
      %mul3A_3130 = arith.mulf %mul3A_3127, %mul3A_3129 : vector<16xf32>
      %mul3A_3131 = arith.mulf %sub3A_3108, %sub3A_3114 : vector<16xf32>
      %mul3A_3132 = arith.mulf %mul3A_3131, %sub3A_3117 : vector<16xf32>
      %mul3A_3133 = arith.mulf %mul3A_3132, %sub3A_3120 : vector<16xf32>
      %mul3A_3134 = arith.mulf %mul3A_3133, %sub3A_3123 : vector<16xf32>
      %mul3A_3135 = arith.constant 4.06901026 : f32
      %mul3A_3136 = vector.broadcast %mul3A_3135 : f32 to vector<16xf32>
      %mul3A_3137 = arith.mulf %mul3A_3134, %mul3A_3136 : vector<16xf32>
      %mul3A_3138 = arith.mulf %sub3A_3108, %sub3A_3111 : vector<16xf32>
      %mul3A_3139 = arith.mulf %mul3A_3138, %sub3A_3117 : vector<16xf32>
      %mul3A_3140 = arith.mulf %mul3A_3139, %sub3A_3120 : vector<16xf32>
      %mul3A_3141 = arith.mulf %mul3A_3140, %sub3A_3123 : vector<16xf32>
      %mul3A_3142 = arith.constant -8.13802051 : f32
      %mul3A_3143 = vector.broadcast %mul3A_3142 : f32 to vector<16xf32>
      %mul3A_3144 = arith.mulf %mul3A_3141, %mul3A_3143 : vector<16xf32>
      %mul3A_3145 = arith.mulf %sub3A_3108, %sub3A_3111 : vector<16xf32>
      %mul3A_3146 = arith.mulf %mul3A_3145, %sub3A_3114 : vector<16xf32>
      %mul3A_3147 = arith.mulf %mul3A_3146, %sub3A_3120 : vector<16xf32>
      %mul3A_3148 = arith.mulf %mul3A_3147, %sub3A_3123 : vector<16xf32>
      %mul3A_3149 = arith.constant 8.13802051 : f32
      %mul3A_3150 = vector.broadcast %mul3A_3149 : f32 to vector<16xf32>
      %mul3A_3151 = arith.mulf %mul3A_3148, %mul3A_3150 : vector<16xf32>
      %mul3A_3152 = arith.mulf %sub3A_3108, %sub3A_3111 : vector<16xf32>
      %mul3A_3153 = arith.mulf %mul3A_3152, %sub3A_3114 : vector<16xf32>
      %mul3A_3154 = arith.mulf %mul3A_3153, %sub3A_3117 : vector<16xf32>
      %mul3A_3155 = arith.mulf %mul3A_3154, %sub3A_3123 : vector<16xf32>
      %mul3A_3156 = arith.constant -4.06901026 : f32
      %mul3A_3157 = vector.broadcast %mul3A_3156 : f32 to vector<16xf32>
      %mul3A_3158 = arith.mulf %mul3A_3155, %mul3A_3157 : vector<16xf32>
      %mul3A_3159 = arith.mulf %sub3A_3108, %sub3A_3111 : vector<16xf32>
      %mul3A_3160 = arith.mulf %mul3A_3159, %sub3A_3114 : vector<16xf32>
      %mul3A_3161 = arith.mulf %mul3A_3160, %sub3A_3117 : vector<16xf32>
      %mul3A_3162 = arith.mulf %mul3A_3161, %sub3A_3120 : vector<16xf32>
      %mul3A_3163 = arith.constant 0.813802063 : f32
      %mul3A_3164 = vector.broadcast %mul3A_3163 : f32 to vector<16xf32>
      %mul3A_3165 = arith.mulf %mul3A_3162, %mul3A_3164 : vector<16xf32>
      %add3A_3166 = arith.constant 16 : i32
      %add3A_3167 = vector.broadcast %add3A_3166 : i32 to vector<16xi32>
      %add3A_3168 = arith.addi %iota3A, %add3A_3167 : vector<16xi32>
      %mul3A_3169 = arith.constant 5 : i32
      %mul3A_3170 = vector.broadcast %mul3A_3169 : i32 to vector<16xi32>
      %mul3A_3171 = arith.muli %mul3A_3170, %min3A_3091 : vector<16xi32>
      %mul3A_3172 = arith.constant 2.400000e+04 : f32
      %mul3A_3173 = vector.broadcast %mul3A_3172 : f32 to vector<16xf32>
      %mul3A_3174 = arith.mulf %mul3A_3130, %mul3A_3173 : vector<16xf32>
      %mul3A_3175 = arith.constant 5333.3335 : f32
      %mul3A_3176 = vector.broadcast %mul3A_3175 : f32 to vector<16xf32>
      %mul3A_3177 = arith.mulf %mul3A_3137, %mul3A_3176 : vector<16xf32>
      %add3A_3178 = arith.addf %mul3A_3174, %mul3A_3177 : vector<16xf32>
      %mul3A_3179 = arith.constant -533.333313 : f32
      %mul3A_3180 = vector.broadcast %mul3A_3179 : f32 to vector<16xf32>
      %mul3A_3181 = arith.mulf %mul3A_3144, %mul3A_3180 : vector<16xf32>
      %add3A_3182 = arith.addf %add3A_3178, %mul3A_3181 : vector<16xf32>
      %mul3A_3183 = arith.constant 2.7000624E-13 : f32
      %mul3A_3184 = vector.broadcast %mul3A_3183 : f32 to vector<16xf32>
      %mul3A_3185 = arith.mulf %mul3A_3151, %mul3A_3184 : vector<16xf32>
      %add3A_3186 = arith.addf %add3A_3182, %mul3A_3185 : vector<16xf32>
      %mul3A_3187 = arith.constant 533.333313 : f32
      %mul3A_3188 = vector.broadcast %mul3A_3187 : f32 to vector<16xf32>
      %mul3A_3189 = arith.mulf %mul3A_3158, %mul3A_3188 : vector<16xf32>
      %add3A_3190 = arith.addf %add3A_3186, %mul3A_3189 : vector<16xf32>
      %mul3A_3191 = arith.constant -5333.3335 : f32
      %mul3A_3192 = vector.broadcast %mul3A_3191 : f32 to vector<16xf32>
      %mul3A_3193 = arith.mulf %mul3A_3165, %mul3A_3192 : vector<16xf32>
      %add3A_3194 = arith.addf %add3A_3190, %mul3A_3193 : vector<16xf32>
      %add3A_3195 = arith.constant 0 : i32
      %add3A_3196 = vector.broadcast %add3A_3195 : i32 to vector<16xi32>
      %add3A_3197 = arith.addi %mul3A_3171, %add3A_3196 : vector<16xi32>
      tpu.vector_store_idx %arg5[%broadcast_in_dim3A_2821, %add3A_3168, %add3A_3197], %add3A_3194 : memref<2x32x81xf32, #tpu.memory_space<vmem>>[vector<16xi32>, vector<16xi32>, vector<16xi32>], vector<16xf32>,
      %mul3A_3198 = arith.constant -82133.3359 : f32
      %mul3A_3199 = vector.broadcast %mul3A_3198 : f32 to vector<16xf32>
      %mul3A_3200 = arith.mulf %mul3A_3130, %mul3A_3199 : vector<16xf32>
      %mul3A_3201 = arith.constant -8.000000e+03 : f32
      %mul3A_3202 = vector.broadcast %mul3A_3201 : f32 to vector<16xf32>
      %mul3A_3203 = arith.mulf %mul3A_3137, %mul3A_3202 : vector<16xf32>
      %add3A_3204 = arith.addf %mul3A_3200, %mul3A_3203 : vector<16xf32>
      %mul3A_3205 = arith.constant 8533.333 : f32
      %mul3A_3206 = vector.broadcast %mul3A_3205 : f32 to vector<16xf32>
      %mul3A_3207 = arith.mulf %mul3A_3144, %mul3A_3206 : vector<16xf32>
      %add3A_3208 = arith.addf %add3A_3204, %mul3A_3207 : vector<16xf32>
      %mul3A_3209 = arith.constant -533.333313 : f32
      %mul3A_3210 = vector.broadcast %mul3A_3209 : f32 to vector<16xf32>
      %mul3A_3211 = arith.mulf %mul3A_3151, %mul3A_3210 : vector<16xf32>
      %add3A_3212 = arith.addf %add3A_3208, %mul3A_3211 : vector<16xf32>
      %mul3A_3213 = arith.constant -3.200000e+03 : f32
      %mul3A_3214 = vector.broadcast %mul3A_3213 : f32 to vector<16xf32>
      %mul3A_3215 = arith.mulf %mul3A_3158, %mul3A_3214 : vector<16xf32>
      %add3A_3216 = arith.addf %add3A_3212, %mul3A_3215 : vector<16xf32>
      %mul3A_3217 = arith.constant 32533.334 : f32
      %mul3A_3218 = vector.broadcast %mul3A_3217 : f32 to vector<16xf32>
      %mul3A_3219 = arith.mulf %mul3A_3165, %mul3A_3218 : vector<16xf32>
      %add3A_3220 = arith.addf %add3A_3216, %mul3A_3219 : vector<16xf32>
      %add3A_3221 = arith.constant 1 : i32
      %add3A_3222 = vector.broadcast %add3A_3221 : i32 to vector<16xi32>
      %add3A_3223 = arith.addi %mul3A_3171, %add3A_3222 : vector<16xi32>
      tpu.vector_store_idx %arg5[%broadcast_in_dim3A_2821, %add3A_3168, %add3A_3223], %add3A_3220 : memref<2x32x81xf32, #tpu.memory_space<vmem>>[vector<16xi32>, vector<16xi32>, vector<16xi32>], vector<16xf32>,
      %mul3A_3224 = arith.constant 114133.336 : f32
      %mul3A_3225 = vector.broadcast %mul3A_3224 : f32 to vector<16xf32>
      %mul3A_3226 = arith.mulf %mul3A_3130, %mul3A_3225 : vector<16xf32>
      %mul3A_3227 = arith.constant -2133.33325 : f32
      %mul3A_3228 = vector.broadcast %mul3A_3227 : f32 to vector<16xf32>
      %mul3A_3229 = arith.mulf %mul3A_3137, %mul3A_3228 : vector<16xf32>
      %add3A_3230 = arith.addf %mul3A_3226, %mul3A_3229 : vector<16xf32>
      %mul3A_3231 = arith.constant -1.600000e+04 : f32
      %mul3A_3232 = vector.broadcast %mul3A_3231 : f32 to vector<16xf32>
      %mul3A_3233 = arith.mulf %mul3A_3144, %mul3A_3232 : vector<16xf32>
      %add3A_3234 = arith.addf %add3A_3230, %mul3A_3233 : vector<16xf32>
      %mul3A_3235 = arith.constant 8533.333 : f32
      %mul3A_3236 = vector.broadcast %mul3A_3235 : f32 to vector<16xf32>
      %mul3A_3237 = arith.mulf %mul3A_3151, %mul3A_3236 : vector<16xf32>
      %add3A_3238 = arith.addf %add3A_3234, %mul3A_3237 : vector<16xf32>
      %mul3A_3239 = arith.constant 7466.6665 : f32
      %mul3A_3240 = vector.broadcast %mul3A_3239 : f32 to vector<16xf32>
      %mul3A_3241 = arith.mulf %mul3A_3158, %mul3A_3240 : vector<16xf32>
      %add3A_3242 = arith.addf %add3A_3238, %mul3A_3241 : vector<16xf32>
      %mul3A_3243 = arith.constant -8.320000e+04 : f32
      %mul3A_3244 = vector.broadcast %mul3A_3243 : f32 to vector<16xf32>
      %mul3A_3245 = arith.mulf %mul3A_3165, %mul3A_3244 : vector<16xf32>
      %add3A_3246 = arith.addf %add3A_3242, %mul3A_3245 : vector<16xf32>
      %add3A_3247 = arith.constant 2 : i32
      %add3A_3248 = vector.broadcast %add3A_3247 : i32 to vector<16xi32>
      %add3A_3249 = arith.addi %mul3A_3171, %add3A_3248 : vector<16xi32>
      tpu.vector_store_idx %arg5[%broadcast_in_dim3A_2821, %add3A_3168, %add3A_3249], %add3A_3246 : memref<2x32x81xf32, #tpu.memory_space<vmem>>[vector<16xi32>, vector<16xi32>, vector<16xi32>], vector<16xf32>,
      %mul3A_3250 = arith.constant -8.320000e+04 : f32
      %mul3A_3251 = vector.broadcast %mul3A_3250 : f32 to vector<16xf32>
      %mul3A_3252 = arith.mulf %mul3A_3130, %mul3A_3251 : vector<16xf32>
      %mul3A_3253 = arith.constant 7466.6665 : f32
      %mul3A_3254 = vector.broadcast %mul3A_3253 : f32 to vector<16xf32>
      %mul3A_3255 = arith.mulf %mul3A_3137, %mul3A_3254 : vector<16xf32>
      %add3A_3256 = arith.addf %mul3A_3252, %mul3A_3255 : vector<16xf32>
      %mul3A_3257 = arith.constant 8533.333 : f32
      %mul3A_3258 = vector.broadcast %mul3A_3257 : f32 to vector<16xf32>
      %mul3A_3259 = arith.mulf %mul3A_3144, %mul3A_3258 : vector<16xf32>
      %add3A_3260 = arith.addf %add3A_3256, %mul3A_3259 : vector<16xf32>
      %mul3A_3261 = arith.constant -1.600000e+04 : f32
      %mul3A_3262 = vector.broadcast %mul3A_3261 : f32 to vector<16xf32>
      %mul3A_3263 = arith.mulf %mul3A_3151, %mul3A_3262 : vector<16xf32>
      %add3A_3264 = arith.addf %add3A_3260, %mul3A_3263 : vector<16xf32>
      %mul3A_3265 = arith.constant -2133.33325 : f32
      %mul3A_3266 = vector.broadcast %mul3A_3265 : f32 to vector<16xf32>
      %mul3A_3267 = arith.mulf %mul3A_3158, %mul3A_3266 : vector<16xf32>
      %add3A_3268 = arith.addf %add3A_3264, %mul3A_3267 : vector<16xf32>
      %mul3A_3269 = arith.constant 114133.336 : f32
      %mul3A_3270 = vector.broadcast %mul3A_3269 : f32 to vector<16xf32>
      %mul3A_3271 = arith.mulf %mul3A_3165, %mul3A_3270 : vector<16xf32>
      %add3A_3272 = arith.addf %add3A_3268, %mul3A_3271 : vector<16xf32>
      %add3A_3273 = arith.constant 3 : i32
      %add3A_3274 = vector.broadcast %add3A_3273 : i32 to vector<16xi32>
      %add3A_3275 = arith.addi %mul3A_3171, %add3A_3274 : vector<16xi32>
      tpu.vector_store_idx %arg5[%broadcast_in_dim3A_2821, %add3A_3168, %add3A_3275], %add3A_3272 : memref<2x32x81xf32, #tpu.memory_space<vmem>>[vector<16xi32>, vector<16xi32>, vector<16xi32>], vector<16xf32>,
      %mul3A_3276 = arith.constant 32533.334 : f32
      %mul3A_3277 = vector.broadcast %mul3A_3276 : f32 to vector<16xf32>
      %mul3A_3278 = arith.mulf %mul3A_3130, %mul3A_3277 : vector<16xf32>
      %mul3A_3279 = arith.constant -3.200000e+03 : f32
      %mul3A_3280 = vector.broadcast %mul3A_3279 : f32 to vector<16xf32>
      %mul3A_3281 = arith.mulf %mul3A_3137, %mul3A_3280 : vector<16xf32>
      %add3A_3282 = arith.addf %mul3A_3278, %mul3A_3281 : vector<16xf32>
      %mul3A_3283 = arith.constant -533.333313 : f32
      %mul3A_3284 = vector.broadcast %mul3A_3283 : f32 to vector<16xf32>
      %mul3A_3285 = arith.mulf %mul3A_3144, %mul3A_3284 : vector<16xf32>
      %add3A_3286 = arith.addf %add3A_3282, %mul3A_3285 : vector<16xf32>
      %mul3A_3287 = arith.constant 8533.333 : f32
      %mul3A_3288 = vector.broadcast %mul3A_3287 : f32 to vector<16xf32>
      %mul3A_3289 = arith.mulf %mul3A_3151, %mul3A_3288 : vector<16xf32>
      %add3A_3290 = arith.addf %add3A_3286, %mul3A_3289 : vector<16xf32>
      %mul3A_3291 = arith.constant -8.000000e+03 : f32
      %mul3A_3292 = vector.broadcast %mul3A_3291 : f32 to vector<16xf32>
      %mul3A_3293 = arith.mulf %mul3A_3158, %mul3A_3292 : vector<16xf32>
      %add3A_3294 = arith.addf %add3A_3290, %mul3A_3293 : vector<16xf32>
      %mul3A_3295 = arith.constant -82133.3359 : f32
      %mul3A_3296 = vector.broadcast %mul3A_3295 : f32 to vector<16xf32>
      %mul3A_3297 = arith.mulf %mul3A_3165, %mul3A_3296 : vector<16xf32>
      %add3A_3298 = arith.addf %add3A_3294, %mul3A_3297 : vector<16xf32>
      %add3A_3299 = arith.constant 4 : i32
      %add3A_3300 = vector.broadcast %add3A_3299 : i32 to vector<16xi32>
      %add3A_3301 = arith.addi %mul3A_3171, %add3A_3300 : vector<16xi32>
      tpu.vector_store_idx %arg5[%broadcast_in_dim3A_2821, %add3A_3168, %add3A_3301], %add3A_3298 : memref<2x32x81xf32, #tpu.memory_space<vmem>>[vector<16xi32>, vector<16xi32>, vector<16xi32>], vector<16xf32>,
      %mul3A_3302 = arith.constant -5333.3335 : f32
      %mul3A_3303 = vector.broadcast %mul3A_3302 : f32 to vector<16xf32>
      %mul3A_3304 = arith.mulf %mul3A_3130, %mul3A_3303 : vector<16xf32>
      %mul3A_3305 = arith.constant 533.333313 : f32
      %mul3A_3306 = vector.broadcast %mul3A_3305 : f32 to vector<16xf32>
      %mul3A_3307 = arith.mulf %mul3A_3137, %mul3A_3306 : vector<16xf32>
      %add3A_3308 = arith.addf %mul3A_3304, %mul3A_3307 : vector<16xf32>
      %mul3A_3309 = arith.constant -3.29612876E-14 : f32
      %mul3A_3310 = vector.broadcast %mul3A_3309 : f32 to vector<16xf32>
      %mul3A_3311 = arith.mulf %mul3A_3144, %mul3A_3310 : vector<16xf32>
      %add3A_3312 = arith.addf %add3A_3308, %mul3A_3311 : vector<16xf32>
      %mul3A_3313 = arith.constant -533.333313 : f32
      %mul3A_3314 = vector.broadcast %mul3A_3313 : f32 to vector<16xf32>
      %mul3A_3315 = arith.mulf %mul3A_3151, %mul3A_3314 : vector<16xf32>
      %add3A_3316 = arith.addf %add3A_3312, %mul3A_3315 : vector<16xf32>
      %mul3A_3317 = arith.constant 5333.3335 : f32
      %mul3A_3318 = vector.broadcast %mul3A_3317 : f32 to vector<16xf32>
      %mul3A_3319 = arith.mulf %mul3A_3158, %mul3A_3318 : vector<16xf32>
      %add3A_3320 = arith.addf %add3A_3316, %mul3A_3319 : vector<16xf32>
      %mul3A_3321 = arith.constant 2.400000e+04 : f32
      %mul3A_3322 = vector.broadcast %mul3A_3321 : f32 to vector<16xf32>
      %mul3A_3323 = arith.mulf %mul3A_3165, %mul3A_3322 : vector<16xf32>
      %add3A_3324 = arith.addf %add3A_3320, %mul3A_3323 : vector<16xf32>
      %add3A_3325 = arith.constant 5 : i32
      %add3A_3326 = vector.broadcast %add3A_3325 : i32 to vector<16xi32>
      %add3A_3327 = arith.addi %mul3A_3171, %add3A_3326 : vector<16xi32>
      tpu.vector_store_idx %arg5[%broadcast_in_dim3A_2821, %add3A_3168, %add3A_3327], %add3A_3324 : memref<2x32x81xf32, #tpu.memory_space<vmem>>[vector<16xi32>, vector<16xi32>, vector<16xi32>], vector<16xf32>,
      "tpu.region"() ({
        %run_scoped3A = tpu.sem_alloc : memref<!tpu.dma_semaphore, #tpu.memory_space<semaphore_mem>>
        %dma_start3A = arith.constant 0 : i32
        %dma_start3A_3329 = arith.constant 0 : i32
        %dma_start3A_3330 = tpu.memref_slice %arg3[%add3A_2317, %dma_start3A, %dma_start3A_3329] : memref<4096x32x81xf32, #tpu.memory_space<hbm>> -> memref<2x32x81xf32, #tpu.memory_space<hbm>>
        %dma_start3A_3331 = arith.constant 0 : i32
        %dma_start3A_3332 = arith.constant 0 : i32
        %dma_start3A_3333 = tpu.memref_slice %arg3[%add3A_2317, %dma_start3A_3331, %dma_start3A_3332] : memref<4096x32x81xf32, #tpu.memory_space<hbm>> -> memref<2x32x81xf32, #tpu.memory_space<hbm>>
        tpu.enqueue_dma source(%arg5 : memref<2x32x81xf32, #tpu.memory_space<vmem>>) target(%dma_start3A_3333 : memref<2x32x81xf32, #tpu.memory_space<hbm>>) target_semaphore(%run_scoped3A : memref<!tpu.dma_semaphore, #tpu.memory_space<semaphore_mem>>)
        %dma_wait3A = arith.constant 0 : i32
        %dma_wait3A_3334 = arith.constant 0 : i32
        %dma_wait3A_3335 = tpu.memref_slice %arg3[%add3A_2317, %dma_wait3A, %dma_wait3A_3334] : memref<4096x32x81xf32, #tpu.memory_space<hbm>> -> memref<2x32x81xf32, #tpu.memory_space<hbm>>
        %dma_wait3A_3336 = arith.constant 0 : i32
        %dma_wait3A_3337 = arith.constant 0 : i32
        %dma_wait3A_3338 = tpu.memref_slice %arg3[%add3A_2317, %dma_wait3A_3336, %dma_wait3A_3337] : memref<4096x32x81xf32, #tpu.memory_space<hbm>> -> memref<2x32x81xf32, #tpu.memory_space<hbm>>
        tpu.wait_dma2 semaphore(%run_scoped3A : memref<!tpu.dma_semaphore, #tpu.memory_space<semaphore_mem>>) src(%arg5 : memref<2x32x81xf32, #tpu.memory_space<vmem>>) dst(%dma_wait3A_3338 : memref<2x32x81xf32, #tpu.memory_space<hbm>>)
        tpu.yield
      }) : () -> ()
      tpu.vector_store_idx %arg5[%broadcast_in_dim3A_2319, %add3A_2407, %add3A_2436], %broadcast_in_dim3A_3 : memref<2x32x81xf32, #tpu.memory_space<vmem>>[vector<16xi32>, vector<16xi32>, vector<16xi32>], vector<16xf32>,
      tpu.vector_store_idx %arg5[%broadcast_in_dim3A_2319, %add3A_2407, %add3A_2462], %broadcast_in_dim3A_3 : memref<2x32x81xf32, #tpu.memory_space<vmem>>[vector<16xi32>, vector<16xi32>, vector<16xi32>], vector<16xf32>,
      tpu.vector_store_idx %arg5[%broadcast_in_dim3A_2319, %add3A_2407, %add3A_2488], %broadcast_in_dim3A_3 : memref<2x32x81xf32, #tpu.memory_space<vmem>>[vector<16xi32>, vector<16xi32>, vector<16xi32>], vector<16xf32>,
      tpu.vector_store_idx %arg5[%broadcast_in_dim3A_2319, %add3A_2407, %add3A_2514], %broadcast_in_dim3A_3 : memref<2x32x81xf32, #tpu.memory_space<vmem>>[vector<16xi32>, vector<16xi32>, vector<16xi32>], vector<16xf32>,
      tpu.vector_store_idx %arg5[%broadcast_in_dim3A_2319, %add3A_2407, %add3A_2540], %broadcast_in_dim3A_3 : memref<2x32x81xf32, #tpu.memory_space<vmem>>[vector<16xi32>, vector<16xi32>, vector<16xi32>], vector<16xf32>,
      tpu.vector_store_idx %arg5[%broadcast_in_dim3A_2319, %add3A_2407, %add3A_2566], %broadcast_in_dim3A_3 : memref<2x32x81xf32, #tpu.memory_space<vmem>>[vector<16xi32>, vector<16xi32>, vector<16xi32>], vector<16xf32>,
      tpu.vector_store_idx %arg5[%broadcast_in_dim3A_2319, %add3A_2660, %add3A_2689], %broadcast_in_dim3A_3 : memref<2x32x81xf32, #tpu.memory_space<vmem>>[vector<16xi32>, vector<16xi32>, vector<16xi32>], vector<16xf32>,
      tpu.vector_store_idx %arg5[%broadcast_in_dim3A_2319, %add3A_2660, %add3A_2715], %broadcast_in_dim3A_3 : memref<2x32x81xf32, #tpu.memory_space<vmem>>[vector<16xi32>, vector<16xi32>, vector<16xi32>], vector<16xf32>,
      tpu.vector_store_idx %arg5[%broadcast_in_dim3A_2319, %add3A_2660, %add3A_2741], %broadcast_in_dim3A_3 : memref<2x32x81xf32, #tpu.memory_space<vmem>>[vector<16xi32>, vector<16xi32>, vector<16xi32>], vector<16xf32>,
      tpu.vector_store_idx %arg5[%broadcast_in_dim3A_2319, %add3A_2660, %add3A_2767], %broadcast_in_dim3A_3 : memref<2x32x81xf32, #tpu.memory_space<vmem>>[vector<16xi32>, vector<16xi32>, vector<16xi32>], vector<16xf32>,
      tpu.vector_store_idx %arg5[%broadcast_in_dim3A_2319, %add3A_2660, %add3A_2793], %broadcast_in_dim3A_3 : memref<2x32x81xf32, #tpu.memory_space<vmem>>[vector<16xi32>, vector<16xi32>, vector<16xi32>], vector<16xf32>,
      tpu.vector_store_idx %arg5[%broadcast_in_dim3A_2319, %add3A_2660, %add3A_2819], %broadcast_in_dim3A_3 : memref<2x32x81xf32, #tpu.memory_space<vmem>>[vector<16xi32>, vector<16xi32>, vector<16xi32>], vector<16xf32>,
      tpu.vector_store_idx %arg5[%broadcast_in_dim3A_2821, %add3A_2915, %add3A_2944], %broadcast_in_dim3A_3 : memref<2x32x81xf32, #tpu.memory_space<vmem>>[vector<16xi32>, vector<16xi32>, vector<16xi32>], vector<16xf32>,
      tpu.vector_store_idx %arg5[%broadcast_in_dim3A_2821, %add3A_2915, %add3A_2970], %broadcast_in_dim3A_3 : memref<2x32x81xf32, #tpu.memory_space<vmem>>[vector<16xi32>, vector<16xi32>, vector<16xi32>], vector<16xf32>,
      tpu.vector_store_idx %arg5[%broadcast_in_dim3A_2821, %add3A_2915, %add3A_2996], %broadcast_in_dim3A_3 : memref<2x32x81xf32, #tpu.memory_space<vmem>>[vector<16xi32>, vector<16xi32>, vector<16xi32>], vector<16xf32>,
      tpu.vector_store_idx %arg5[%broadcast_in_dim3A_2821, %add3A_2915, %add3A_3022], %broadcast_in_dim3A_3 : memref<2x32x81xf32, #tpu.memory_space<vmem>>[vector<16xi32>, vector<16xi32>, vector<16xi32>], vector<16xf32>,
      tpu.vector_store_idx %arg5[%broadcast_in_dim3A_2821, %add3A_2915, %add3A_3048], %broadcast_in_dim3A_3 : memref<2x32x81xf32, #tpu.memory_space<vmem>>[vector<16xi32>, vector<16xi32>, vector<16xi32>], vector<16xf32>,
      tpu.vector_store_idx %arg5[%broadcast_in_dim3A_2821, %add3A_2915, %add3A_3074], %broadcast_in_dim3A_3 : memref<2x32x81xf32, #tpu.memory_space<vmem>>[vector<16xi32>, vector<16xi32>, vector<16xi32>], vector<16xf32>,
      tpu.vector_store_idx %arg5[%broadcast_in_dim3A_2821, %add3A_3168, %add3A_3197], %broadcast_in_dim3A_3 : memref<2x32x81xf32, #tpu.memory_space<vmem>>[vector<16xi32>, vector<16xi32>, vector<16xi32>], vector<16xf32>,
      tpu.vector_store_idx %arg5[%broadcast_in_dim3A_2821, %add3A_3168, %add3A_3223], %broadcast_in_dim3A_3 : memref<2x32x81xf32, #tpu.memory_space<vmem>>[vector<16xi32>, vector<16xi32>, vector<16xi32>], vector<16xf32>,
      tpu.vector_store_idx %arg5[%broadcast_in_dim3A_2821, %add3A_3168, %add3A_3249], %broadcast_in_dim3A_3 : memref<2x32x81xf32, #tpu.memory_space<vmem>>[vector<16xi32>, vector<16xi32>, vector<16xi32>], vector<16xf32>,
      tpu.vector_store_idx %arg5[%broadcast_in_dim3A_2821, %add3A_3168, %add3A_3275], %broadcast_in_dim3A_3 : memref<2x32x81xf32, #tpu.memory_space<vmem>>[vector<16xi32>, vector<16xi32>, vector<16xi32>], vector<16xf32>,
      tpu.vector_store_idx %arg5[%broadcast_in_dim3A_2821, %add3A_3168, %add3A_3301], %broadcast_in_dim3A_3 : memref<2x32x81xf32, #tpu.memory_space<vmem>>[vector<16xi32>, vector<16xi32>, vector<16xi32>], vector<16xf32>,
      tpu.vector_store_idx %arg5[%broadcast_in_dim3A_2821, %add3A_3168, %add3A_3327], %broadcast_in_dim3A_3 : memref<2x32x81xf32, #tpu.memory_space<vmem>>[vector<16xi32>, vector<16xi32>, vector<16xi32>], vector<16xf32>,
      %scan3A_3328 = arith.constant 0 : i32
      scf.yield %scan3A_3328 : i32
    }
    %scan3A_2312 = arith.constant 64 : i32
    return
  }
}

module attributes {stable_mosaic.version = 14 : i64} {
  func.func @_block_kernel(%arg0: i32, %arg1: memref<1x1x8192xf32, #tpu.memory_space<vmem>>, %arg2: memref<256x32xf32, #tpu.memory_space<vmem>>, %arg3: memref<32x81xf32, #tpu.memory_space<vmem>>, %arg4: memref<48x81xf32, #tpu.memory_space<vmem>>, %arg5: memref<256x32xf32, #tpu.memory_space<vmem>>, %arg6: memref<256x32xf32, #tpu.memory_space<vmem>>, %arg7: memref<256x32xf32, #tpu.memory_space<vmem>>, %arg8: memref<256x32x81xf32, #tpu.memory_space<vmem>>, %arg9: memref<256x32x81xf32, #tpu.memory_space<vmem>>) attributes {dimension_semantics = [#tpu.dimension_semantics<arbitrary>], iteration_bounds = array<i64: 16>, scalar_prefetch = 0 : i64, scratch_operands = 0 : i64, tpu.core_type = #tpu.core_type<tc>, window_params = [{transform_indices = @transform_0, window_bounds = array<i64: 1, 1, 8192>}, {transform_indices = @transform_1, window_bounds = array<i64: 256, 32>}, {pipeline_mode = #tpu.pipeline_mode<synchronous>, transform_indices = @transform_2, window_bounds = array<i64: 32, 81>}, {pipeline_mode = #tpu.pipeline_mode<synchronous>, transform_indices = @transform_3, window_bounds = array<i64: 48, 81>}, {transform_indices = @transform_4, window_bounds = array<i64: 256, 32>}, {transform_indices = @transform_5, window_bounds = array<i64: 256, 32>}, {transform_indices = @transform_6, window_bounds = array<i64: 256, 32>}, {transform_indices = @transform_7, window_bounds = array<i64: 256, 32, 81>}, {transform_indices = @transform_8, window_bounds = array<i64: 256, 32, 81>}]} {
    %get3A = arith.constant 0 : index
    %get3A_0 = arith.constant 0 : index
    %get3A_1 = vector.load %arg2[%get3A, %get3A_0] : memref<256x32xf32, #tpu.memory_space<vmem>>, vector<256x32xf32>
    %sub3A = arith.constant 0.000000e+00 : f32
    %sub3A_2 = vector.broadcast %sub3A : f32 to vector<256x32xf32>
    %sub3A_3 = arith.subf %get3A_1, %sub3A_2 : vector<256x32xf32>
    %mul3A = arith.constant 8.000000e+01 : f32
    %mul3A_4 = vector.broadcast %mul3A : f32 to vector<256x32xf32>
    %mul3A_5 = arith.mulf %mul3A_4, %sub3A_3 : vector<256x32xf32>
    %mul3A_6 = arith.constant 1.000000e+00 : f32
    %mul3A_7 = vector.broadcast %mul3A_6 : f32 to vector<256x32xf32>
    %mul3A_8 = arith.mulf %mul3A_5, %mul3A_7 : vector<256x32xf32>
    %mul3A_9 = arith.constant 2.000000e-01 : f32
    %mul3A_10 = vector.broadcast %mul3A_9 : f32 to vector<256x32xf32>
    %mul3A_11 = arith.mulf %mul3A_8, %mul3A_10 : vector<256x32xf32>
    %floor3A = math.floor %mul3A_11 : vector<256x32xf32>
    %jit3A = arith.constant 0.000000e+00 : f32
    %jit3A_12 = arith.constant 15 : i32
    %max3A = vector.broadcast %jit3A : f32 to vector<256x32xf32>
    %max3A_13 = arith.maximumf %max3A, %floor3A : vector<256x32xf32>
    %convert_element_type3A = arith.sitofp %jit3A_12 : i32 to f32
    %min3A = vector.broadcast %convert_element_type3A : f32 to vector<256x32xf32>
    %min3A_14 = arith.minimumf %min3A, %max3A_13 : vector<256x32xf32>
    %convert_element_type3A_15 = arith.fptosi %min3A_14 : vector<256x32xf32> to vector<256x32xi32>
    %broadcast_in_dim3A = vector.shape_cast %convert_element_type3A_15 : vector<256x32xi32> to vector<256x32x1xi32>
    %iota3A = tpu.iota {dimensions = array<i32: 2>} : vector<256x32x81xi32>
    %mul3A_16 = arith.constant 5 : i32
    %mul3A_17 = vector.broadcast %mul3A_16 : i32 to vector<256x32x1xi32>
    %mul3A_18 = arith.muli %mul3A_17, %broadcast_in_dim3A : vector<256x32x1xi32>
    %sub3A_19 = vector.broadcast %mul3A_18 : vector<256x32x1xi32> to vector<256x32x81xi32>
    %sub3A_20 = arith.subi %iota3A, %sub3A_19 : vector<256x32x81xi32>
    %ge3A = arith.constant 0 : i32
    %ge3A_21 = vector.broadcast %ge3A : i32 to vector<256x32x81xi32>
    %ge3A_22 = arith.cmpi sge, %sub3A_20, %ge3A_21 : vector<256x32x81xi32>
    %lt3A = arith.constant 5 : i32
    %lt3A_23 = vector.broadcast %lt3A : i32 to vector<256x32x81xi32>
    %lt3A_24 = arith.cmpi slt, %sub3A_20, %lt3A_23 : vector<256x32x81xi32>
    %and3A = arith.andi %ge3A_22, %lt3A_24 : vector<256x32x81xi1>
    %eq3A = arith.constant 5 : i32
    %eq3A_25 = vector.broadcast %eq3A : i32 to vector<256x32x81xi32>
    %eq3A_26 = arith.cmpi eq, %sub3A_20, %eq3A_25 : vector<256x32x81xi32>
    %get3A_27 = arith.constant 0 : index
    %get3A_28 = arith.constant 0 : index
    %get3A_29 = arith.constant 0 : index
    %get3A_30 = vector.load %arg1[%get3A_27, %get3A_28, %get3A_29] : memref<1x1x8192xf32, #tpu.memory_space<vmem>>, vector<1x1x8192xf32>
    %get3A_31 = vector.shape_cast %get3A_30 : vector<1x1x8192xf32> to vector<1x8192xf32>
    %sub3A_32 = arith.constant 0.000000e+00 : f32
    %sub3A_33 = vector.broadcast %sub3A_32 : f32 to vector<1x8192xf32>
    %sub3A_34 = arith.subf %get3A_31, %sub3A_33 : vector<1x8192xf32>
    %mul3A_35 = arith.constant 8.000000e+01 : f32
    %mul3A_36 = vector.broadcast %mul3A_35 : f32 to vector<1x8192xf32>
    %mul3A_37 = arith.mulf %mul3A_36, %sub3A_34 : vector<1x8192xf32>
    %mul3A_38 = arith.constant 1.000000e+00 : f32
    %mul3A_39 = vector.broadcast %mul3A_38 : f32 to vector<1x8192xf32>
    %mul3A_40 = arith.mulf %mul3A_37, %mul3A_39 : vector<1x8192xf32>
    %mul3A_41 = arith.constant 2.000000e-01 : f32
    %mul3A_42 = vector.broadcast %mul3A_41 : f32 to vector<1x8192xf32>
    %mul3A_43 = arith.mulf %mul3A_40, %mul3A_42 : vector<1x8192xf32>
    %floor3A_44 = math.floor %mul3A_43 : vector<1x8192xf32>
    %jit3A_45 = arith.constant 0.000000e+00 : f32
    %jit3A_46 = arith.constant 15 : i32
    %max3A_47 = vector.broadcast %jit3A_45 : f32 to vector<1x8192xf32>
    %max3A_48 = arith.maximumf %max3A_47, %floor3A_44 : vector<1x8192xf32>
    %convert_element_type3A_49 = arith.sitofp %jit3A_46 : i32 to f32
    %min3A_50 = vector.broadcast %convert_element_type3A_49 : f32 to vector<1x8192xf32>
    %min3A_51 = arith.minimumf %min3A_50, %max3A_48 : vector<1x8192xf32>
    %mul3A_52 = arith.constant 5.000000e+00 : f32
    %mul3A_53 = vector.broadcast %mul3A_52 : f32 to vector<1x8192xf32>
    %mul3A_54 = arith.mulf %mul3A_53, %min3A_51 : vector<1x8192xf32>
    %sub3A_55 = arith.subf %mul3A_40, %mul3A_54 : vector<1x8192xf32>
    %mul3A_56 = arith.constant 2.000000e+00 : f32
    %mul3A_57 = vector.broadcast %mul3A_56 : f32 to vector<1x8192xf32>
    %mul3A_58 = arith.mulf %mul3A_57, %sub3A_55 : vector<1x8192xf32>
    %mul3A_59 = arith.constant 2.000000e-01 : f32
    %mul3A_60 = vector.broadcast %mul3A_59 : f32 to vector<1x8192xf32>
    %mul3A_61 = arith.mulf %mul3A_58, %mul3A_60 : vector<1x8192xf32>
    %sub3A_62 = arith.constant 1.000000e+00 : f32
    %sub3A_63 = vector.broadcast %sub3A_62 : f32 to vector<1x8192xf32>
    %sub3A_64 = arith.subf %mul3A_61, %sub3A_63 : vector<1x8192xf32>
    %broadcast_in_dim3A_65 = vector.shape_cast %sub3A_64 : vector<1x8192xf32> to vector<1x8192xf32>
    %broadcast_in_dim3A_66 = vector.broadcast %broadcast_in_dim3A_65 : vector<1x8192xf32> to vector<8x8192xf32>
    %iota3A_67 = tpu.iota {dimensions = array<i32: 0>} : vector<8x8192xi32>
    %iota3A_68 = tpu.iota {dimensions = array<i32: 0>} : vector<8x128xi32>
    %convert_element_type3A_69 = arith.sitofp %iota3A_68 : vector<8x128xi32> to vector<8x128xf32>
    %eq3A_70 = arith.constant 0 : i32
    %eq3A_71 = vector.broadcast %eq3A_70 : i32 to vector<8x128xi32>
    %eq3A_72 = arith.cmpi eq, %iota3A_68, %eq3A_71 : vector<8x128xi32>
    %sub3A_73 = arith.constant 0.000000e+00 : f32
    %sub3A_74 = vector.broadcast %sub3A_73 : f32 to vector<8x128xf32>
    %sub3A_75 = arith.subf %convert_element_type3A_69, %sub3A_74 : vector<8x128xf32>
    %jit3A_76 = arith.constant 1.000000e+00 : f32
    %broadcast_in_dim3A_77 = vector.broadcast %jit3A_76 : f32 to vector<8x128xf32>
    %select_n3A = arith.select %eq3A_72, %broadcast_in_dim3A_77, %sub3A_75 : vector<8x128xi1>, vector<8x128xf32>
    %div3A = arith.constant 2.500000e+00 : f32
    %div3A_78 = vector.broadcast %div3A : f32 to vector<8x128xf32>
    %div3A_79 = arith.divf %div3A_78, %select_n3A : vector<8x128xf32>
    %eq3A_80 = arith.constant 0 : i32
    %eq3A_81 = vector.broadcast %eq3A_80 : i32 to vector<8x8192xi32>
    %eq3A_82 = arith.cmpi eq, %iota3A_67, %eq3A_81 : vector<8x8192xi32>
    %sub3A_83 = arith.constant -1.000000e+00 : f32
    %sub3A_84 = vector.broadcast %sub3A_83 : f32 to vector<8x8192xf32>
    %sub3A_85 = arith.subf %broadcast_in_dim3A_66, %sub3A_84 : vector<8x8192xf32>
    %slice3A = vector.extract_strided_slice %div3A_79 {offsets = [0, 0], sizes = [8, 1], strides = [1, 1]} : vector<8x128xf32> to vector<8x1xf32>
    %mul3A_86 = vector.broadcast %slice3A : vector<8x1xf32> to vector<8x8192xf32>
    %mul3A_87 = arith.mulf %sub3A_85, %mul3A_86 : vector<8x8192xf32>
    %jit3A_88 = arith.constant 1.000000e+00 : f32
    %broadcast_in_dim3A_89 = vector.broadcast %jit3A_88 : f32 to vector<8x8192xf32>
    %select_n3A_90 = arith.select %eq3A_82, %broadcast_in_dim3A_89, %mul3A_87 : vector<8x8192xi1>, vector<8x8192xf32>
    %eq3A_91 = arith.constant 1 : i32
    %eq3A_92 = vector.broadcast %eq3A_91 : i32 to vector<8x128xi32>
    %eq3A_93 = arith.cmpi eq, %iota3A_68, %eq3A_92 : vector<8x128xi32>
    %sub3A_94 = arith.constant 1.000000e+00 : f32
    %sub3A_95 = vector.broadcast %sub3A_94 : f32 to vector<8x128xf32>
    %sub3A_96 = arith.subf %convert_element_type3A_69, %sub3A_95 : vector<8x128xf32>
    %jit3A_97 = arith.constant 1.000000e+00 : f32
    %broadcast_in_dim3A_98 = vector.broadcast %jit3A_97 : f32 to vector<8x128xf32>
    %select_n3A_99 = arith.select %eq3A_93, %broadcast_in_dim3A_98, %sub3A_96 : vector<8x128xi1>, vector<8x128xf32>
    %div3A_100 = arith.constant 2.500000e+00 : f32
    %div3A_101 = vector.broadcast %div3A_100 : f32 to vector<8x128xf32>
    %div3A_102 = arith.divf %div3A_101, %select_n3A_99 : vector<8x128xf32>
    %eq3A_103 = arith.constant 1 : i32
    %eq3A_104 = vector.broadcast %eq3A_103 : i32 to vector<8x8192xi32>
    %eq3A_105 = arith.cmpi eq, %iota3A_67, %eq3A_104 : vector<8x8192xi32>
    %sub3A_106 = arith.constant -6.000000e-01 : f32
    %sub3A_107 = vector.broadcast %sub3A_106 : f32 to vector<8x8192xf32>
    %sub3A_108 = arith.subf %broadcast_in_dim3A_66, %sub3A_107 : vector<8x8192xf32>
    %slice3A_109 = vector.extract_strided_slice %div3A_102 {offsets = [0, 0], sizes = [8, 1], strides = [1, 1]} : vector<8x128xf32> to vector<8x1xf32>
    %mul3A_110 = vector.broadcast %slice3A_109 : vector<8x1xf32> to vector<8x8192xf32>
    %mul3A_111 = arith.mulf %sub3A_108, %mul3A_110 : vector<8x8192xf32>
    %jit3A_112 = arith.constant 1.000000e+00 : f32
    %broadcast_in_dim3A_113 = vector.broadcast %jit3A_112 : f32 to vector<8x8192xf32>
    %select_n3A_114 = arith.select %eq3A_105, %broadcast_in_dim3A_113, %mul3A_111 : vector<8x8192xi1>, vector<8x8192xf32>
    %mul3A_115 = arith.mulf %select_n3A_90, %select_n3A_114 : vector<8x8192xf32>
    %eq3A_116 = arith.constant 2 : i32
    %eq3A_117 = vector.broadcast %eq3A_116 : i32 to vector<8x128xi32>
    %eq3A_118 = arith.cmpi eq, %iota3A_68, %eq3A_117 : vector<8x128xi32>
    %sub3A_119 = arith.constant 2.000000e+00 : f32
    %sub3A_120 = vector.broadcast %sub3A_119 : f32 to vector<8x128xf32>
    %sub3A_121 = arith.subf %convert_element_type3A_69, %sub3A_120 : vector<8x128xf32>
    %jit3A_122 = arith.constant 1.000000e+00 : f32
    %broadcast_in_dim3A_123 = vector.broadcast %jit3A_122 : f32 to vector<8x128xf32>
    %select_n3A_124 = arith.select %eq3A_118, %broadcast_in_dim3A_123, %sub3A_121 : vector<8x128xi1>, vector<8x128xf32>
    %div3A_125 = arith.constant 2.500000e+00 : f32
    %div3A_126 = vector.broadcast %div3A_125 : f32 to vector<8x128xf32>
    %div3A_127 = arith.divf %div3A_126, %select_n3A_124 : vector<8x128xf32>
    %eq3A_128 = arith.constant 2 : i32
    %eq3A_129 = vector.broadcast %eq3A_128 : i32 to vector<8x8192xi32>
    %eq3A_130 = arith.cmpi eq, %iota3A_67, %eq3A_129 : vector<8x8192xi32>
    %sub3A_131 = arith.constant -2.000000e-01 : f32
    %sub3A_132 = vector.broadcast %sub3A_131 : f32 to vector<8x8192xf32>
    %sub3A_133 = arith.subf %broadcast_in_dim3A_66, %sub3A_132 : vector<8x8192xf32>
    %slice3A_134 = vector.extract_strided_slice %div3A_127 {offsets = [0, 0], sizes = [8, 1], strides = [1, 1]} : vector<8x128xf32> to vector<8x1xf32>
    %mul3A_135 = vector.broadcast %slice3A_134 : vector<8x1xf32> to vector<8x8192xf32>
    %mul3A_136 = arith.mulf %sub3A_133, %mul3A_135 : vector<8x8192xf32>
    %jit3A_137 = arith.constant 1.000000e+00 : f32
    %broadcast_in_dim3A_138 = vector.broadcast %jit3A_137 : f32 to vector<8x8192xf32>
    %select_n3A_139 = arith.select %eq3A_130, %broadcast_in_dim3A_138, %mul3A_136 : vector<8x8192xi1>, vector<8x8192xf32>
    %mul3A_140 = arith.mulf %mul3A_115, %select_n3A_139 : vector<8x8192xf32>
    %eq3A_141 = arith.constant 3 : i32
    %eq3A_142 = vector.broadcast %eq3A_141 : i32 to vector<8x128xi32>
    %eq3A_143 = arith.cmpi eq, %iota3A_68, %eq3A_142 : vector<8x128xi32>
    %sub3A_144 = arith.constant 3.000000e+00 : f32
    %sub3A_145 = vector.broadcast %sub3A_144 : f32 to vector<8x128xf32>
    %sub3A_146 = arith.subf %convert_element_type3A_69, %sub3A_145 : vector<8x128xf32>
    %jit3A_147 = arith.constant 1.000000e+00 : f32
    %broadcast_in_dim3A_148 = vector.broadcast %jit3A_147 : f32 to vector<8x128xf32>
    %select_n3A_149 = arith.select %eq3A_143, %broadcast_in_dim3A_148, %sub3A_146 : vector<8x128xi1>, vector<8x128xf32>
    %div3A_150 = arith.constant 2.500000e+00 : f32
    %div3A_151 = vector.broadcast %div3A_150 : f32 to vector<8x128xf32>
    %div3A_152 = arith.divf %div3A_151, %select_n3A_149 : vector<8x128xf32>
    %eq3A_153 = arith.constant 3 : i32
    %eq3A_154 = vector.broadcast %eq3A_153 : i32 to vector<8x8192xi32>
    %eq3A_155 = arith.cmpi eq, %iota3A_67, %eq3A_154 : vector<8x8192xi32>
    %sub3A_156 = arith.constant 2.000000e-01 : f32
    %sub3A_157 = vector.broadcast %sub3A_156 : f32 to vector<8x8192xf32>
    %sub3A_158 = arith.subf %broadcast_in_dim3A_66, %sub3A_157 : vector<8x8192xf32>
    %slice3A_159 = vector.extract_strided_slice %div3A_152 {offsets = [0, 0], sizes = [8, 1], strides = [1, 1]} : vector<8x128xf32> to vector<8x1xf32>
    %mul3A_160 = vector.broadcast %slice3A_159 : vector<8x1xf32> to vector<8x8192xf32>
    %mul3A_161 = arith.mulf %sub3A_158, %mul3A_160 : vector<8x8192xf32>
    %jit3A_162 = arith.constant 1.000000e+00 : f32
    %broadcast_in_dim3A_163 = vector.broadcast %jit3A_162 : f32 to vector<8x8192xf32>
    %select_n3A_164 = arith.select %eq3A_155, %broadcast_in_dim3A_163, %mul3A_161 : vector<8x8192xi1>, vector<8x8192xf32>
    %mul3A_165 = arith.mulf %mul3A_140, %select_n3A_164 : vector<8x8192xf32>
    %eq3A_166 = arith.constant 4 : i32
    %eq3A_167 = vector.broadcast %eq3A_166 : i32 to vector<8x128xi32>
    %eq3A_168 = arith.cmpi eq, %iota3A_68, %eq3A_167 : vector<8x128xi32>
    %sub3A_169 = arith.constant 4.000000e+00 : f32
    %sub3A_170 = vector.broadcast %sub3A_169 : f32 to vector<8x128xf32>
    %sub3A_171 = arith.subf %convert_element_type3A_69, %sub3A_170 : vector<8x128xf32>
    %jit3A_172 = arith.constant 1.000000e+00 : f32
    %broadcast_in_dim3A_173 = vector.broadcast %jit3A_172 : f32 to vector<8x128xf32>
    %select_n3A_174 = arith.select %eq3A_168, %broadcast_in_dim3A_173, %sub3A_171 : vector<8x128xi1>, vector<8x128xf32>
    %div3A_175 = arith.constant 2.500000e+00 : f32
    %div3A_176 = vector.broadcast %div3A_175 : f32 to vector<8x128xf32>
    %div3A_177 = arith.divf %div3A_176, %select_n3A_174 : vector<8x128xf32>
    %eq3A_178 = arith.constant 4 : i32
    %eq3A_179 = vector.broadcast %eq3A_178 : i32 to vector<8x8192xi32>
    %eq3A_180 = arith.cmpi eq, %iota3A_67, %eq3A_179 : vector<8x8192xi32>
    %sub3A_181 = arith.constant 6.000000e-01 : f32
    %sub3A_182 = vector.broadcast %sub3A_181 : f32 to vector<8x8192xf32>
    %sub3A_183 = arith.subf %broadcast_in_dim3A_66, %sub3A_182 : vector<8x8192xf32>
    %slice3A_184 = vector.extract_strided_slice %div3A_177 {offsets = [0, 0], sizes = [8, 1], strides = [1, 1]} : vector<8x128xf32> to vector<8x1xf32>
    %mul3A_185 = vector.broadcast %slice3A_184 : vector<8x1xf32> to vector<8x8192xf32>
    %mul3A_186 = arith.mulf %sub3A_183, %mul3A_185 : vector<8x8192xf32>
    %jit3A_187 = arith.constant 1.000000e+00 : f32
    %broadcast_in_dim3A_188 = vector.broadcast %jit3A_187 : f32 to vector<8x8192xf32>
    %select_n3A_189 = arith.select %eq3A_180, %broadcast_in_dim3A_188, %mul3A_186 : vector<8x8192xi1>, vector<8x8192xf32>
    %mul3A_190 = arith.mulf %mul3A_165, %select_n3A_189 : vector<8x8192xf32>
    %eq3A_191 = arith.constant 5 : i32
    %eq3A_192 = vector.broadcast %eq3A_191 : i32 to vector<8x128xi32>
    %eq3A_193 = arith.cmpi eq, %iota3A_68, %eq3A_192 : vector<8x128xi32>
    %sub3A_194 = arith.constant 5.000000e+00 : f32
    %sub3A_195 = vector.broadcast %sub3A_194 : f32 to vector<8x128xf32>
    %sub3A_196 = arith.subf %convert_element_type3A_69, %sub3A_195 : vector<8x128xf32>
    %jit3A_197 = arith.constant 1.000000e+00 : f32
    %broadcast_in_dim3A_198 = vector.broadcast %jit3A_197 : f32 to vector<8x128xf32>
    %select_n3A_199 = arith.select %eq3A_193, %broadcast_in_dim3A_198, %sub3A_196 : vector<8x128xi1>, vector<8x128xf32>
    %div3A_200 = arith.constant 2.500000e+00 : f32
    %div3A_201 = vector.broadcast %div3A_200 : f32 to vector<8x128xf32>
    %div3A_202 = arith.divf %div3A_201, %select_n3A_199 : vector<8x128xf32>
    %eq3A_203 = arith.constant 5 : i32
    %eq3A_204 = vector.broadcast %eq3A_203 : i32 to vector<8x8192xi32>
    %eq3A_205 = arith.cmpi eq, %iota3A_67, %eq3A_204 : vector<8x8192xi32>
    %sub3A_206 = arith.constant 1.000000e+00 : f32
    %sub3A_207 = vector.broadcast %sub3A_206 : f32 to vector<8x8192xf32>
    %sub3A_208 = arith.subf %broadcast_in_dim3A_66, %sub3A_207 : vector<8x8192xf32>
    %slice3A_209 = vector.extract_strided_slice %div3A_202 {offsets = [0, 0], sizes = [8, 1], strides = [1, 1]} : vector<8x128xf32> to vector<8x1xf32>
    %mul3A_210 = vector.broadcast %slice3A_209 : vector<8x1xf32> to vector<8x8192xf32>
    %mul3A_211 = arith.mulf %sub3A_208, %mul3A_210 : vector<8x8192xf32>
    %jit3A_212 = arith.constant 1.000000e+00 : f32
    %broadcast_in_dim3A_213 = vector.broadcast %jit3A_212 : f32 to vector<8x8192xf32>
    %select_n3A_214 = arith.select %eq3A_205, %broadcast_in_dim3A_213, %mul3A_211 : vector<8x8192xi1>, vector<8x8192xf32>
    %mul3A_215 = arith.mulf %mul3A_190, %select_n3A_214 : vector<8x8192xf32>
    %get3A_216 = arith.constant 0 : index
    %get3A_217 = arith.constant 0 : index
    %get3A_218 = vector.load %arg4[%get3A_216, %get3A_217] : memref<48x81xf32, #tpu.memory_space<vmem>>, vector<48x81xf32>
    %get3A_219 = arith.constant 0 : index
    %get3A_220 = arith.constant 0 : index
    %get3A_221 = vector.load %arg3[%get3A_219, %get3A_220] : memref<32x81xf32, #tpu.memory_space<vmem>>, vector<32x81xf32>
    %broadcast_in_dim3A_222 = vector.shape_cast %get3A_221 : vector<32x81xf32> to vector<1x32x81xf32>
    %slice3A_223 = vector.extract_strided_slice %get3A_218 {offsets = [0, 0], sizes = [8, 81], strides = [1, 1]} : vector<48x81xf32> to vector<8x81xf32>
    %slice3A_224 = vector.extract_strided_slice %get3A_218 {offsets = [8, 0], sizes = [8, 81], strides = [1, 1]} : vector<48x81xf32> to vector<8x81xf32>
    %dot_general3A = arith.constant dense<0.000000e+00> : vector<8192x81xf32>
    %dot_general3A_225 = tpu.matmul %mul3A_215, %slice3A_223, %dot_general3A {dimension_numbers = #tpu.dot_dimension_numbers<[0], [0], [1], [1], [0, 1, 1, 1], [], []>, transpose_lhs_hint = false} : vector<8x8192xf32>, vector<8x81xf32>, vector<8192x81xf32> -> vector<8192x81xf32>
    %reshape3A = vector.shape_cast %dot_general3A_225 : vector<8192x81xf32> to vector<256x32x81xf32>
    %dot_general3A_226 = arith.constant dense<0.000000e+00> : vector<8192x81xf32>
    %dot_general3A_227 = tpu.matmul %mul3A_215, %slice3A_224, %dot_general3A_226 {dimension_numbers = #tpu.dot_dimension_numbers<[0], [0], [1], [1], [0, 1, 1, 1], [], []>, transpose_lhs_hint = false} : vector<8x8192xf32>, vector<8x81xf32>, vector<8192x81xf32> -> vector<8192x81xf32>
    %reshape3A_228 = vector.shape_cast %dot_general3A_227 : vector<8192x81xf32> to vector<256x32x81xf32>
    %jit3A_229 = arith.constant 0.000000e+00 : f32
    %broadcast_in_dim3A_230 = vector.broadcast %jit3A_229 : f32 to vector<256x32x81xf32>
    %select_n3A_231 = arith.select %eq3A_26, %reshape3A_228, %broadcast_in_dim3A_230 : vector<256x32x81xi1>, vector<256x32x81xf32>
    %select_n3A_232 = arith.select %and3A, %reshape3A, %select_n3A_231 : vector<256x32x81xi1>, vector<256x32x81xf32>
    %swap3A = arith.constant 0 : index
    %swap3A_233 = arith.constant 0 : index
    %swap3A_234 = arith.constant 0 : index
    %swap3A_235 = vector.load %arg8[%swap3A, %swap3A_233, %swap3A_234] : memref<256x32x81xf32, #tpu.memory_space<vmem>>, vector<256x32x81xf32>
    tpu.vector_store %arg8[%swap3A, %swap3A_233, %swap3A_234], %select_n3A_232 {strides = array<i32>} : memref<256x32x81xf32, #tpu.memory_space<vmem>>, vector<256x32x81xf32>,
    %mul3A_236 = vector.broadcast %broadcast_in_dim3A_222 : vector<1x32x81xf32> to vector<256x32x81xf32>
    %mul3A_237 = arith.mulf %select_n3A_232, %mul3A_236 : vector<256x32x81xf32>
    %reduce_sum3A = arith.constant dense<0.000000e+00> : vector<256x32xf32>
    %reduce_sum3A_238 = vector.multi_reduction <add>, %mul3A_237, %reduce_sum3A [2] : vector<256x32x81xf32> to vector<256x32xf32>
    %swap3A_239 = arith.constant 0 : index
    %swap3A_240 = arith.constant 0 : index
    %swap3A_241 = vector.load %arg5[%swap3A_239, %swap3A_240] : memref<256x32xf32, #tpu.memory_space<vmem>>, vector<256x32xf32>
    tpu.vector_store %arg5[%swap3A_239, %swap3A_240], %reduce_sum3A_238 {strides = array<i32>} : memref<256x32xf32, #tpu.memory_space<vmem>>, vector<256x32xf32>,
    %slice3A_242 = vector.extract_strided_slice %get3A_218 {offsets = [16, 0], sizes = [8, 81], strides = [1, 1]} : vector<48x81xf32> to vector<8x81xf32>
    %slice3A_243 = vector.extract_strided_slice %get3A_218 {offsets = [24, 0], sizes = [8, 81], strides = [1, 1]} : vector<48x81xf32> to vector<8x81xf32>
    %dot_general3A_244 = arith.constant dense<0.000000e+00> : vector<8192x81xf32>
    %dot_general3A_245 = tpu.matmul %mul3A_215, %slice3A_242, %dot_general3A_244 {dimension_numbers = #tpu.dot_dimension_numbers<[0], [0], [1], [1], [0, 1, 1, 1], [], []>, transpose_lhs_hint = false} : vector<8x8192xf32>, vector<8x81xf32>, vector<8192x81xf32> -> vector<8192x81xf32>
    %reshape3A_246 = vector.shape_cast %dot_general3A_245 : vector<8192x81xf32> to vector<256x32x81xf32>
    %dot_general3A_247 = arith.constant dense<0.000000e+00> : vector<8192x81xf32>
    %dot_general3A_248 = tpu.matmul %mul3A_215, %slice3A_243, %dot_general3A_247 {dimension_numbers = #tpu.dot_dimension_numbers<[0], [0], [1], [1], [0, 1, 1, 1], [], []>, transpose_lhs_hint = false} : vector<8x8192xf32>, vector<8x81xf32>, vector<8192x81xf32> -> vector<8192x81xf32>
    %reshape3A_249 = vector.shape_cast %dot_general3A_248 : vector<8192x81xf32> to vector<256x32x81xf32>
    %jit3A_250 = arith.constant 0.000000e+00 : f32
    %broadcast_in_dim3A_251 = vector.broadcast %jit3A_250 : f32 to vector<256x32x81xf32>
    %select_n3A_252 = arith.select %eq3A_26, %reshape3A_249, %broadcast_in_dim3A_251 : vector<256x32x81xi1>, vector<256x32x81xf32>
    %select_n3A_253 = arith.select %and3A, %reshape3A_246, %select_n3A_252 : vector<256x32x81xi1>, vector<256x32x81xf32>
    %swap3A_254 = arith.constant 0 : index
    %swap3A_255 = arith.constant 0 : index
    %swap3A_256 = arith.constant 0 : index
    %swap3A_257 = vector.load %arg9[%swap3A_254, %swap3A_255, %swap3A_256] : memref<256x32x81xf32, #tpu.memory_space<vmem>>, vector<256x32x81xf32>
    tpu.vector_store %arg9[%swap3A_254, %swap3A_255, %swap3A_256], %select_n3A_253 {strides = array<i32>} : memref<256x32x81xf32, #tpu.memory_space<vmem>>, vector<256x32x81xf32>,
    %mul3A_258 = vector.broadcast %broadcast_in_dim3A_222 : vector<1x32x81xf32> to vector<256x32x81xf32>
    %mul3A_259 = arith.mulf %select_n3A_253, %mul3A_258 : vector<256x32x81xf32>
    %reduce_sum3A_260 = arith.constant dense<0.000000e+00> : vector<256x32xf32>
    %reduce_sum3A_261 = vector.multi_reduction <add>, %mul3A_259, %reduce_sum3A_260 [2] : vector<256x32x81xf32> to vector<256x32xf32>
    %swap3A_262 = arith.constant 0 : index
    %swap3A_263 = arith.constant 0 : index
    %swap3A_264 = vector.load %arg6[%swap3A_262, %swap3A_263] : memref<256x32xf32, #tpu.memory_space<vmem>>, vector<256x32xf32>
    tpu.vector_store %arg6[%swap3A_262, %swap3A_263], %reduce_sum3A_261 {strides = array<i32>} : memref<256x32xf32, #tpu.memory_space<vmem>>, vector<256x32xf32>,
    %slice3A_265 = vector.extract_strided_slice %get3A_218 {offsets = [32, 0], sizes = [8, 81], strides = [1, 1]} : vector<48x81xf32> to vector<8x81xf32>
    %slice3A_266 = vector.extract_strided_slice %get3A_218 {offsets = [40, 0], sizes = [8, 81], strides = [1, 1]} : vector<48x81xf32> to vector<8x81xf32>
    %dot_general3A_267 = arith.constant dense<0.000000e+00> : vector<8192x81xf32>
    %dot_general3A_268 = tpu.matmul %mul3A_215, %slice3A_265, %dot_general3A_267 {dimension_numbers = #tpu.dot_dimension_numbers<[0], [0], [1], [1], [0, 1, 1, 1], [], []>, transpose_lhs_hint = false} : vector<8x8192xf32>, vector<8x81xf32>, vector<8192x81xf32> -> vector<8192x81xf32>
    %reshape3A_269 = vector.shape_cast %dot_general3A_268 : vector<8192x81xf32> to vector<256x32x81xf32>
    %dot_general3A_270 = arith.constant dense<0.000000e+00> : vector<8192x81xf32>
    %dot_general3A_271 = tpu.matmul %mul3A_215, %slice3A_266, %dot_general3A_270 {dimension_numbers = #tpu.dot_dimension_numbers<[0], [0], [1], [1], [0, 1, 1, 1], [], []>, transpose_lhs_hint = false} : vector<8x8192xf32>, vector<8x81xf32>, vector<8192x81xf32> -> vector<8192x81xf32>
    %reshape3A_272 = vector.shape_cast %dot_general3A_271 : vector<8192x81xf32> to vector<256x32x81xf32>
    %jit3A_273 = arith.constant 0.000000e+00 : f32
    %broadcast_in_dim3A_274 = vector.broadcast %jit3A_273 : f32 to vector<256x32x81xf32>
    %select_n3A_275 = arith.select %eq3A_26, %reshape3A_272, %broadcast_in_dim3A_274 : vector<256x32x81xi1>, vector<256x32x81xf32>
    %select_n3A_276 = arith.select %and3A, %reshape3A_269, %select_n3A_275 : vector<256x32x81xi1>, vector<256x32x81xf32>
    %mul3A_277 = vector.broadcast %broadcast_in_dim3A_222 : vector<1x32x81xf32> to vector<256x32x81xf32>
    %mul3A_278 = arith.mulf %select_n3A_276, %mul3A_277 : vector<256x32x81xf32>
    %reduce_sum3A_279 = arith.constant dense<0.000000e+00> : vector<256x32xf32>
    %reduce_sum3A_280 = vector.multi_reduction <add>, %mul3A_278, %reduce_sum3A_279 [2] : vector<256x32x81xf32> to vector<256x32xf32>
    %swap3A_281 = arith.constant 0 : index
    %swap3A_282 = arith.constant 0 : index
    %swap3A_283 = vector.load %arg7[%swap3A_281, %swap3A_282] : memref<256x32xf32, #tpu.memory_space<vmem>>, vector<256x32xf32>
    tpu.vector_store %arg7[%swap3A_281, %swap3A_282], %reduce_sum3A_280 {strides = array<i32>} : memref<256x32xf32, #tpu.memory_space<vmem>>, vector<256x32xf32>,
    return
  }
  func.func @transform_0(%arg0: i32) -> (i32, i32, i32) {
    %c0_i32 = arith.constant 0 : i32
    %c0_i32_0 = arith.constant 0 : i32
    %c0_i32_1 = arith.constant 0 : i32
    return %arg0, %c0_i32, %c0_i32_0 : i32, i32, i32
  }
  func.func @transform_1(%arg0: i32) -> (i32, i32) {
    %c0_i32 = arith.constant 0 : i32
    %c0_i32_0 = arith.constant 0 : i32
    return %arg0, %c0_i32 : i32, i32
  }
  func.func @transform_2(%arg0: i32) -> (i32, i32) {
    %c0_i32 = arith.constant 0 : i32
    %c0_i32_0 = arith.constant 0 : i32
    %c0_i32_1 = arith.constant 0 : i32
    return %c0_i32, %c0_i32_0 : i32, i32
  }
  func.func @transform_3(%arg0: i32) -> (i32, i32) {
    %c0_i32 = arith.constant 0 : i32
    %c0_i32_0 = arith.constant 0 : i32
    %c0_i32_1 = arith.constant 0 : i32
    return %c0_i32, %c0_i32_0 : i32, i32
  }
  func.func @transform_4(%arg0: i32) -> (i32, i32) {
    %c0_i32 = arith.constant 0 : i32
    %c0_i32_0 = arith.constant 0 : i32
    return %arg0, %c0_i32 : i32, i32
  }
  func.func @transform_5(%arg0: i32) -> (i32, i32) {
    %c0_i32 = arith.constant 0 : i32
    %c0_i32_0 = arith.constant 0 : i32
    return %arg0, %c0_i32 : i32, i32
  }
  func.func @transform_6(%arg0: i32) -> (i32, i32) {
    %c0_i32 = arith.constant 0 : i32
    %c0_i32_0 = arith.constant 0 : i32
    return %arg0, %c0_i32 : i32, i32
  }
  func.func @transform_7(%arg0: i32) -> (i32, i32, i32) {
    %c0_i32 = arith.constant 0 : i32
    %c0_i32_0 = arith.constant 0 : i32
    %c0_i32_1 = arith.constant 0 : i32
    return %arg0, %c0_i32, %c0_i32_0 : i32, i32, i32
  }
  func.func @transform_8(%arg0: i32) -> (i32, i32, i32) {
    %c0_i32 = arith.constant 0 : i32
    %c0_i32_0 = arith.constant 0 : i32
    %c0_i32_1 = arith.constant 0 : i32
    return %arg0, %c0_i32, %c0_i32_0 : i32, i32, i32
  }
}

</mosaic_0001>

<sc_bundles>
// kernel: kernel.4.cloned.1.call-start
scs
__scs_entry_jumppad:
0x0: {  	(pc) =	sbr.rel $0x88, $3  }
0x1: {  	(tag) =	ssettag $0x0;
	lr =	simm.s32 $0x1  }
0x2: {  	[smem:$0x3F9F] =	sst lr;
	_ =	strace $0xD0000000  }
0x3: {  	_ = 	snop  }
0x4: {  	_ = 	snop  }
0x5: {  	_ = 	snop  }
0x6: {  	_ = 	snop  }
0x7: {  	_ = 	snop  }
__scs_overlays_trampoline_lowered:
0x8: {  	[smem:$0x3FAE] =	sst s0  }
0x9: {  	[smem:$0x3FAF] =	sst s1  }
0xa: {  	[smem:$0x3FB0] =	sst s2  }
0xb: {  	[smem:$0x3FB1] =	sst s3  }
0xc: {  	[smem:$0x3FB2] =	sst s4  }
0xd: {  	[smem:$0x3FB3] =	sst s5  }
0xe: {  	[smem:$0x3FB4] =	sst s6  }
0xf: {  	[smem:$0x3FB5] =	sst s7  }
0x10: {  	[smem:$0x3FB6] =	sst s8  }
0x11: {  	[smem:$0x3FB7] =	sst s9;
	s0 =	simm.s32 @!p0 $0x0  }
0x12: {  	s1 =	sld [smem:$0x3F9D];
	s0 =	simm.s32 @p0 $0x1  }
0x13: {  	[smem:$0x3FB8] =	sst s0;
	s0 =	simm.s32 @!p1 $0x0  }
0x14: {  	s2 =	sld [smem:$0x3F9C];
	s0 =	simm.s32 @p1 $0x1  }
0x15: {  	[smem:$0x3FB9] =	sst s0;
	s0 =	simm.s32 @!p2 $0x0  }
0x16: {  	s3 =	sld [smem:$0x3FDB];
	s0 =	simm.s32 @p2 $0x1  }
0x17: {  	s4 =	simm.s32 $0x1BF5;
	[smem:$0x3FBB] =	sst s0  }
0x18: {  	s0 =	sld [smem:$0x3F9E];
	_ =	swait.ge [sflag:s4], $0x0  }
0x19: {  	s7 =	sld [smem:$0x3F9F]  }
0x1a: {  	s8 =	sadd.s32 $0xFFFFE003, lr  }
0x1b: {  	s9 =	sadd.s32 $0xFFFFFEF7, lr;
	s5 =	simm.s32 $0xFFFFFFFF;
	p2 =	slt.u32 s8, $0xFFFFF086  }
0x1c: {  	p1 =	slt.u32 s9, $0xF7A;
	s5 =	simm.s32 @!p2 $0x0  }
0x1d: {  	s5 =	simm.s32 @p1 $0x1;
	p0 =	seq.s32 s7, s2  }
0x1e: {  	s7 =	smul.u32 @!p0 $0xF7A, s2;
	p2 =	seq.s32 @!p0 s5, $0x0  }
0x1f: {  	s9 =	smul.u32 $0xF7A, s1;
	s8 =	simm.s32 @!p0 $0x1BF5;
	p2 =	por !p2, p0  }
0x20: {  	[sflag:s8] =	ssyncset.s32 @!p0 $0xFFFFF086;
	s6 =	sadd.s32 @!p0 s3, s7;
	s7 =	simm.s32 @!p0 $0x108  }
0x21: {  	s3 =	sadd.s32 s3, s9;
	s6 =	sadd.s32 @!p0 $0x88, s6;
	s7 =	simm.s32 @p2 $0x1082  }
0x22: {  	[simem:s7], [sflag:s8] =	dma.local @!p0 [hbm:s6], $0xF7A  }
0x23: {  	s9 =	sor.u32 $0xD0000000, s2;
	s6 =	simm.s32 $0x108;
	_ =	swait.ge @!p0 [sflag:s8], $0x0  }
0x24: {  	s3 =	sadd.s32 $0x88, s3;
	s6 =	simm.s32 @!p1 $0x1082;
	[sflag:s4] =	ssyncset.s32 $0xFFFFF086  }
0x25: {  	[simem:s6], [sflag:s4] =	dma.local [hbm:s3], $0xF7A  }
0x26: {  	[smem:$0x3F9F] =	sst s1;
	(tag) =	ssettag s2;
	_ =	strace s9  }
0x27: {  	s1 =	sld [smem:$0x3FAF]  }
0x28: {  	s2 =	sld [smem:$0x3FB0]  }
0x29: {  	s4 =	sld [smem:$0x3FB2]  }
0x2a: {  	p0 =	seq.s32 s5, $0x0;
	s5 =	sld [smem:$0x3FB3]  }
0x2b: {  	s6 =	sld [smem:$0x3FB4]  }
0x2c: {  	s7 =	sld [smem:$0x3FB5]  }
0x2d: {  	s3 =	simm.s32 $0x108;
	s8 =	sld [smem:$0x3FB6]  }
0x2e: {  	s3 =	simm.s32 @!p0 $0x1082;
	s9 =	sld [smem:$0x3FB7]  }
0x2f: {  	lr =	sadd.s32 s0, s3;
	s0 =	sld [smem:$0x3FAE]  }
0x30: {  	s3 =	sld [smem:$0x3FB1]  }
0x31: {  	[smem:$0x3FBA] =	sst s10  }
0x32: {  	s10 =	sld [smem:$0x3FB8];
	_ =	sdelay $0x3  }
0x33: {  	p0 =	seq.s32 s10, $0x1;
	s10 =	sld [smem:$0x3FBA];
	_ =	sdelay $0x3  }
0x34: {  	[smem:$0x3FBA] =	sst s10  }
0x35: {  	s10 =	sld [smem:$0x3FB9];
	_ =	sdelay $0x3  }
0x36: {  	p1 =	seq.s32 s10, $0x1;
	s10 =	sld [smem:$0x3FBA];
	_ =	sdelay $0x3  }
0x37: {  	[smem:$0x3FBA] =	sst s10  }
0x38: {  	s10 =	sld [smem:$0x3FBB]  }
0x39: {  	_ = 	snop;
	(pc) =	sbr.ind lr, $3  }
0x3a: {  	_ = 	snop  }
0x3b: {  	_ = 	snop  }
0x3c: {  	p2 =	seq.s32 s10, $0x1;
	s10 =	sld [smem:$0x3FBA]  }
0x3d: {  	_ =	shalt  }
0x3e: {  	_ =	shalt  }
0x3f: {  	_ =	shalt  }
0x40: {  	_ =	shalt  }
0x41: {  	_ =	shalt  }
0x42: {  	_ =	shalt  }
0x43: {  	_ =	shalt  }
0x44: {  	_ =	shalt  }
0x45: {  	_ =	shalt  }
0x46: {  	_ =	shalt  }
0x47: {  	_ =	shalt  }
0x48: {  	_ =	shalt  }
0x49: {  	_ =	shalt  }
0x4a: {  	_ =	shalt  }
0x4b: {  	_ =	shalt  }
0x4c: {  	_ =	shalt  }
0x4d: {  	_ =	shalt  }
0x4e: {  	_ =	shalt  }
0x4f: {  	_ =	shalt  }
0x50: {  	_ =	shalt  }
0x51: {  	_ =	shalt  }
0x52: {  	_ =	shalt  }
0x53: {  	_ =	shalt  }
0x54: {  	_ =	shalt  }
0x55: {  	_ =	shalt  }
0x56: {  	_ =	shalt  }
0x57: {  	_ =	shalt  }
0x58: {  	_ =	shalt  }
0x59: {  	_ =	shalt  }
0x5a: {  	_ =	shalt  }
0x5b: {  	_ =	shalt  }
0x5c: {  	_ =	shalt  }
0x5d: {  	_ =	shalt  }
0x5e: {  	_ =	shalt  }
0x5f: {  	_ =	shalt  }
0x60: {  	_ =	shalt  }
0x61: {  	_ =	shalt  }
0x62: {  	_ =	shalt  }
0x63: {  	_ =	shalt  }
0x64: {  	_ =	shalt  }
0x65: {  	_ =	shalt  }
0x66: {  	_ =	shalt  }
0x67: {  	_ =	shalt  }
0x68: {  	_ =	shalt  }
0x69: {  	_ =	shalt  }
0x6a: {  	_ =	shalt  }
0x6b: {  	_ =	shalt  }
0x6c: {  	_ =	shalt  }
0x6d: {  	_ =	shalt  }
0x6e: {  	_ =	shalt  }
0x6f: {  	_ =	shalt  }
0x70: {  	_ =	shalt  }
0x71: {  	_ =	shalt  }
0x72: {  	_ =	shalt  }
0x73: {  	_ =	shalt  }
0x74: {  	_ =	shalt  }
0x75: {  	_ =	shalt  }
0x76: {  	_ =	shalt  }
0x77: {  	_ =	shalt  }
0x78: {  	_ =	shalt  }
0x79: {  	_ =	shalt  }
0x7a: {  	_ =	shalt  }
0x7b: {  	_ =	shalt  }
0x7c: {  	_ =	shalt  }
0x7d: {  	_ =	shalt  }
0x7e: {  	_ =	shalt  }
0x7f: {  	_ =	shalt  }
0x80: {  	_ =	shalt  }
0x81: {  	_ =	shalt  }
0x82: {  	_ =	shalt  }
0x83: {  	_ =	shalt  }
0x84: {  	_ =	shalt  }
0x85: {  	_ =	shalt  }
0x86: {  	_ =	shalt  }
0x87: {  	_ =	shalt  }
.Lfunc_end0:
.L_simem_size_0:
called_computation_lowered:
.L_overlay_start_0:
0x88: {  	s2 =	sld [smem:$0x3FD9]  }
0x89: {  	s3 =	sld [smem:$0x3FFE];
	_ =	sdelay $0x1  }
0x8a: {  	s1 =	srdreg.scid  }
0x8b: {  	s0 =	sand.u32 $0x1, s1  }
0x8c: {  	s14 =	sshll.u32 s0, $0xA;
	s2 =	sadd.s32 s3, s2  }
0x8d: {  	s2 =	sadd.s32 s2, s14  }
0x8e: {  	[smem:$0x3FC6] =	sst s2  }
0x8f: {  	_ = 	snop  }
0x90: {  	s2 =	sld [smem:$0x3FD0];
	_ =	sdelay $0x2  }
0x91: {  	s15 =	simm.s32 $0xA;
	s4 =	simm.s32 $0x10  }
0x92: {  	[smem:s4], [sflag:s15] =	dma.local [hbm:s2], $0x1  }
0x93: {  	_ =	swait.eq [sflag:s15], $0x1  }
0x94: {  	[sflag:s15] =	ssyncset.done $0x0  }
0x95: {  	[sflag:s15] =	ssyncadd.s32 $0xFFFFFFFF  }
0x96: {  	s16 =	sld [smem:$0x15];
	(tm) =	ssettm $0x1  }
0x97: {  	s17 =	sld [smem:$0x3FFB];
	_ =	sdelay $0x3  }
0x98: {  	_ =	strace s17  }
0x99: {  	s3 =	sld [smem:$0x3FFC];
	_ =	sdelay $0x3  }
0x9a: {  	_ =	strace s3  }
0x9b: {  	s3 =	sld [smem:$0x3FFD];
	_ =	sdelay $0x3  }
0x9c: {  	_ =	strace s3  }
0x9d: {  	_ =	strace $0x8FFFFFFF  }
0x9e: {  	s18 =	sld [smem:$0x3FDB];
	_ =	sdelay $0x1  }
0x9f: {  	s19 =	simm.s32 $_scs_section_size  }
0xa0: {  	s5 =	simm.s32 $_size__tile_overlayer_lowered;
	s6 =	simm.s32 $_tile_overlayer_lowered  }
0xa1: {  	s22 =	simm.s32 $0x1BFF;
	s21 =	sshll.u32 s6, $0x1;
	s3 =	sadd.s32 s19, s18  }
0xa2: {  	s7 =	simm.s32 $0x0;
	s20 =	sshll.u32 s5, $0x1;
	s5 =	sadd.s32 s21, s3  }
0xa3: {  	[timem:s7], [sflag:s22] =	dma.local [hbm:s5], s20  }
0xa4: {  	_ =	swait.ge [sflag:s22], s20  }
0xa5: {  	s4 =	ssub.s32 $0x0, s20;
	[sflag:s22] =	ssyncset.done $0x0  }
0xa6: {  	[sflag:s22] =	ssyncadd.s32 s4;
	_ =	sdelay $0x1  }
0xa7: {  	s23 =	simm.s32 $0x1B8B  }
0xa8: {  	_ =	swait.ge [sflag:s23], $0x1  }
0xa9: {  	[sflag:s23] =	ssyncset.done $0x0  }
0xaa: {  	s25 =	simm.s32 $0x1B8E;
	s24 =	sld [smem:$0x3FFE];
	[sflag:s23] =	ssyncadd.s32 $0xFFFFFFFF  }
0xab: {  	s26 =	simm.s32 $execute0_lowered;
	[smem:$0x3FD2] =	sst s25  }
0xac: {  	s5 =	sshll.u32 s26, $0x1;
	_ =	strace $0x80000046;
	[dreg:$0x1] =	wrdreg $0xFFFFFFFF  }
0xad: {  	s28 =	simm.s32 $_size_execute0_lowered;
	s3 =	sadd.s32 s3, s5;
	[dreg:$0x0] =	wrdreg $0x0  }
0xae: {  	s5 =	sshll.u32 s28, $0x1;
	[dreg:$0x2] =	wrdreg s3  }
0xaf: {  	[dreg:$0x3] =	wrdreg s5  }
0xb0: {  	[dreg:$0x4] =	wrdreg $0xC0  }
0xb1: {  	_ =	task [dreg:s7], $0x5FFFF  }
0xb2: {  	[dreg:$0x1] =	wrdreg $0xFFFFFFFF  }
0xb3: {  	[dreg:$0x0] =	wrdreg $0x60  }
0xb4: {  	[dreg:$0x2] =	wrdreg s16  }
0xb5: {  	[dreg:$0x3] =	wrdreg s24  }
0xb6: {  	[dreg:$0x4] =	wrdreg $0x9  }
0xb7: {  	_ =	task.clear_ibuf [dreg:s7], $0x5FFFF;
	_ =	strace $0x90000046  }
0xb8: {  	s29 =	simm.s32 $0x9;
	_ =	strace $0x80000048  }
0xb9: {  	_ =	swait.ge [sflag:s29], $0x1  }
0xba: {  	[sflag:s29] =	ssyncadd.s32 $0xFFFFFFFF  }
0xbb: {  	_ =	strace $0x90000048  }
0xbc: {  	_ =	sfence  }
0xbd: {  	s30 =	sld [smem:$0x0];
	_ =	sdelay $0x2  }
0xbe: {  	s31 =	sshll.u32 s1, $0xD;
	s1 =	sshrl.u32 s1, $0x2  }
0xbf: {  	s3 =	sand.u32 $0x4000, s31;
	s1 =	sadd.s32 s1, s30  }
0xc0: {  	s0 =	sor.u32 s3, s0;
	s1 =	sshll.u32 s1, $0x11  }
0xc1: {  	s0 =	sor.u32 s1, s0  }
0xc2: {  	s0 =	sadd.s32 $0x8F2B, s0  }
0xc3: {  	[sflag:s0] =	ssyncadd.remote.s32 $0x1  }
0xc4: {  	_ =	sfence.sel $0xFFFF  }
0xc5: {  	[dreg:$0x0] =	wrdreg $0xFFFFFFFF;
	(pc) =	sbr.abs _section_cstart, $3  }
0xc6: {  	[dreg:$0x1] =	wrdreg $0xFFFFFFFF  }
0xc7: {  	_ =	task.clear_ibuf [dreg:s7], $0x2FFFF;
	_ =	strace $0x9FFFFFFF  }
0xc8: {  	(tm) =	ssettm $0x7FFFFFFF  }
0xc9: {  	_ =	shalt  }
tec
execute0_lowered:
.L_overlay_start_1:
0x0: {  	(tag) =	ssettag $0x1  }
0x1: {  	v0 =	vlaneseq.u32  }
0x2: {  	v0 =	vmul.u32 $0x80, v0  }
0x3: {  	s1 =	rddreg [dreg:$0x0]  }
0x4: {  	s4 =	rddreg [dreg:$0x1];
	s3 =	srdreg.scid;
	v1 =	vimm.f32 $0.0e+00;
	v2 =	vor.u32 $0x1, v0;
	v3 =	vor.u32 $0x2, v0  }
0x5: {  	s0 =	rddreg [dreg:$0x2];
	s2 =	simm.s32 $0x0;
	s5 =	sand.u32 $0x1, s3;
	v4 =	vor.u32 $0x3, v0;
	v5 =	vor.u32 $0x4, v0;
	v6 =	vor.u32 $0x5, v0  }
0x6: {  	[smem:$0x7FF] =	sst s2;
	s3 =	stileid.u32;
	s6 =	ssub.s32 $0x2, s5;
	v7 =	vor.u32 $0x800, v0;
	v8 =	vor.u32 $0x801, v0;
	v9 =	vor.u32 $0x802, v0  }
0x7: {  	_ =	strace $0x80000047;
	s7 =	sshll.u32 s3, $0x11;
	s30 =	sshll.u32 s5, $0x10;
	v10 =	vor.u32 $0x803, v0;
	v11 =	vor.u32 $0x804, v0;
	v12 =	vor.u32 $0x805, v0  }
0x8: {  	s31 =	sshll.u32 s3, $0xC;
	s8 =	sshrl.u32 s6, $0x1;
	s4 =	sadd.s32 s7, s4;
	v13 =	vor.u32 $0x1000, v0;
	v14 =	vor.u32 $0x1001, v0;
	v15 =	vor.u32 $0x1002, v0  }
0x9: {  	s9 =	sshll.u32 s5, $0xB;
	v16 =	vor.u32 $0x1003, v0;
	v17 =	vor.u32 $0x1004, v0;
	v18 =	vor.u32 $0x1005, v0;
	s6 =	ssub.s32 s6, s8;
	s7 =	sadd.s32 s30, s4  }
0xa: {  	v19 =	vor.u32 $0x1800, v0;
	v20 =	vor.u32 $0x1801, v0;
	v21 =	vor.u32 $0x1802, v0;
	s8 =	simm.s32 $0x100;
	s4 =	smax.u32 s6, $0x1;
	s5 =	sadd.s32 $0xE00, s7  }
0xb: {  	v22 =	vor.u32 $0x1803, v0;
	v23 =	vor.u32 $0x1804, v0;
	v24 =	vor.u32 $0x1805, v0;
	s6 =	sor.u32 s9, s31;
	s7 =	simm.s32 $0x1;
	s9 =	simm.s32 $0x0  }
.LBB2_1:
0xc: {  	[tilespmem:$0x100] =	vst v1  }
0xd: {  	[tilespmem:$0x110] =	vst v1  }
0xe: {  	[tilespmem:$0x120] =	vst v1  }
0xf: {  	[tilespmem:$0x130] =	vst v1  }
0x10: {  	[tilespmem:$0x140] =	vst v1  }
0x11: {  	[tilespmem:$0x180] =	vst v1  }
0x12: {  	[tilespmem:$0x190] =	vst v1  }
0x13: {  	[tilespmem:$0x1A0] =	vst v1  }
0x14: {  	[tilespmem:$0x1B0] =	vst v1  }
0x15: {  	[tilespmem:$0x1C0] =	vst v1  }
0x16: {  	[tilespmem:$0x200] =	vst v1  }
0x17: {  	[tilespmem:$0x210] =	vst v1  }
0x18: {  	[tilespmem:$0x220] =	vst v1  }
0x19: {  	[tilespmem:$0x230] =	vst v1  }
0x1a: {  	[tilespmem:$0x240] =	vst v1  }
0x1b: {  	[tilespmem:$0x280] =	vst v1  }
0x1c: {  	[tilespmem:$0x290] =	vst v1  }
0x1d: {  	[tilespmem:$0x2A0] =	vst v1  }
0x1e: {  	[tilespmem:$0x2B0] =	vst v1  }
0x1f: {  	[tilespmem:$0x2C0] =	vst v1  }
0x20: {  	[tilespmem:$0x300] =	vst v1  }
0x21: {  	[tilespmem:$0x310] =	vst v1  }
0x22: {  	[tilespmem:$0x320] =	vst v1  }
0x23: {  	[tilespmem:$0x330] =	vst v1  }
0x24: {  	[tilespmem:$0x340] =	vst v1  }
0x25: {  	[tilespmem:$0x380] =	vst v1  }
0x26: {  	[tilespmem:$0x390] =	vst v1  }
0x27: {  	[tilespmem:$0x3A0] =	vst v1  }
0x28: {  	[tilespmem:$0x3B0] =	vst v1  }
0x29: {  	[tilespmem:$0x3C0] =	vst v1  }
0x2a: {  	[tilespmem:$0x400] =	vst v1  }
0x2b: {  	[tilespmem:$0x410] =	vst v1  }
0x2c: {  	[tilespmem:$0x420] =	vst v1  }
0x2d: {  	[tilespmem:$0x430] =	vst v1  }
0x2e: {  	[tilespmem:$0x440] =	vst v1  }
0x2f: {  	[tilespmem:$0x480] =	vst v1  }
0x30: {  	[tilespmem:$0x490] =	vst v1  }
0x31: {  	[tilespmem:$0x4A0] =	vst v1  }
0x32: {  	[tilespmem:$0x4B0] =	vst v1  }
0x33: {  	[tilespmem:$0x4C0] =	vst v1  }
0x34: {  	[tilespmem:$0x500] =	vst v1  }
0x35: {  	[tilespmem:$0x510] =	vst v1  }
0x36: {  	[tilespmem:$0x520] =	vst v1  }
0x37: {  	[tilespmem:$0x530] =	vst v1  }
0x38: {  	[tilespmem:$0x540] =	vst v1  }
0x39: {  	[tilespmem:$0x580] =	vst v1  }
0x3a: {  	[tilespmem:$0x590] =	vst v1  }
0x3b: {  	[tilespmem:$0x5A0] =	vst v1  }
0x3c: {  	[tilespmem:$0x5B0] =	vst v1  }
0x3d: {  	[tilespmem:$0x5C0] =	vst v1  }
0x3e: {  	[tilespmem:$0x600] =	vst v1  }
0x3f: {  	[tilespmem:$0x610] =	vst v1  }
0x40: {  	[tilespmem:$0x620] =	vst v1  }
0x41: {  	[tilespmem:$0x630] =	vst v1  }
0x42: {  	[tilespmem:$0x640] =	vst v1  }
0x43: {  	[tilespmem:$0x680] =	vst v1  }
0x44: {  	[tilespmem:$0x690] =	vst v1  }
0x45: {  	[tilespmem:$0x6A0] =	vst v1  }
0x46: {  	[tilespmem:$0x6B0] =	vst v1  }
0x47: {  	[tilespmem:$0x6C0] =	vst v1  }
0x48: {  	[tilespmem:$0x700] =	vst v1  }
0x49: {  	[tilespmem:$0x710] =	vst v1  }
0x4a: {  	[tilespmem:$0x720] =	vst v1  }
0x4b: {  	[tilespmem:$0x730] =	vst v1  }
0x4c: {  	[tilespmem:$0x740] =	vst v1  }
0x4d: {  	[tilespmem:$0x780] =	vst v1  }
0x4e: {  	[tilespmem:$0x790] =	vst v1  }
0x4f: {  	[tilespmem:$0x7A0] =	vst v1  }
0x50: {  	[tilespmem:$0x7B0] =	vst v1  }
0x51: {  	[tilespmem:$0x7C0] =	vst v1  }
0x52: {  	[tilespmem:$0x800] =	vst v1  }
0x53: {  	[tilespmem:$0x810] =	vst v1  }
0x54: {  	[tilespmem:$0x820] =	vst v1  }
0x55: {  	[tilespmem:$0x830] =	vst v1  }
0x56: {  	[tilespmem:$0x840] =	vst v1  }
0x57: {  	[tilespmem:$0x880] =	vst v1  }
0x58: {  	[tilespmem:$0x890] =	vst v1  }
0x59: {  	[tilespmem:$0x8A0] =	vst v1  }
0x5a: {  	[tilespmem:$0x8B0] =	vst v1  }
0x5b: {  	[tilespmem:$0x8C0] =	vst v1  }
0x5c: {  	[tilespmem:$0x900] =	vst v1  }
0x5d: {  	[tilespmem:$0x910] =	vst v1  }
0x5e: {  	[tilespmem:$0x920] =	vst v1  }
0x5f: {  	[tilespmem:$0x930] =	vst v1  }
0x60: {  	[tilespmem:$0x940] =	vst v1  }
0x61: {  	[tilespmem:$0x980] =	vst v1  }
0x62: {  	[tilespmem:$0x990] =	vst v1  }
0x63: {  	[tilespmem:$0x9A0] =	vst v1  }
0x64: {  	[tilespmem:$0x9B0] =	vst v1  }
0x65: {  	[tilespmem:$0x9C0] =	vst v1  }
0x66: {  	[tilespmem:$0xA00] =	vst v1  }
0x67: {  	[tilespmem:$0xA10] =	vst v1  }
0x68: {  	[tilespmem:$0xA20] =	vst v1  }
0x69: {  	[tilespmem:$0xA30] =	vst v1  }
0x6a: {  	[tilespmem:$0xA40] =	vst v1  }
0x6b: {  	[tilespmem:$0xA80] =	vst v1  }
0x6c: {  	[tilespmem:$0xA90] =	vst v1  }
0x6d: {  	[tilespmem:$0xAA0] =	vst v1  }
0x6e: {  	[tilespmem:$0xAB0] =	vst v1  }
0x6f: {  	[tilespmem:$0xAC0] =	vst v1  }
0x70: {  	[tilespmem:$0xB00] =	vst v1  }
0x71: {  	[tilespmem:$0xB10] =	vst v1  }
0x72: {  	[tilespmem:$0xB20] =	vst v1  }
0x73: {  	[tilespmem:$0xB30] =	vst v1  }
0x74: {  	[tilespmem:$0xB40] =	vst v1  }
0x75: {  	[tilespmem:$0xB80] =	vst v1  }
0x76: {  	[tilespmem:$0xB90] =	vst v1  }
0x77: {  	[tilespmem:$0xBA0] =	vst v1  }
0x78: {  	[tilespmem:$0xBB0] =	vst v1  }
0x79: {  	[tilespmem:$0xBC0] =	vst v1  }
0x7a: {  	[tilespmem:$0xC00] =	vst v1  }
0x7b: {  	[tilespmem:$0xC10] =	vst v1  }
0x7c: {  	[tilespmem:$0xC20] =	vst v1  }
0x7d: {  	[tilespmem:$0xC30] =	vst v1  }
0x7e: {  	[tilespmem:$0xC40] =	vst v1  }
0x7f: {  	[tilespmem:$0xC80] =	vst v1  }
0x80: {  	[tilespmem:$0xC90] =	vst v1  }
0x81: {  	[tilespmem:$0xCA0] =	vst v1  }
0x82: {  	[tilespmem:$0xCB0] =	vst v1  }
0x83: {  	[tilespmem:$0xCC0] =	vst v1  }
0x84: {  	[tilespmem:$0xD00] =	vst v1  }
0x85: {  	[tilespmem:$0xD10] =	vst v1  }
0x86: {  	[tilespmem:$0xD20] =	vst v1  }
0x87: {  	[tilespmem:$0xD30] =	vst v1  }
0x88: {  	[tilespmem:$0xD40] =	vst v1  }
0x89: {  	[tilespmem:$0xD80] =	vst v1  }
0x8a: {  	[tilespmem:$0xD90] =	vst v1  }
0x8b: {  	[tilespmem:$0xDA0] =	vst v1  }
0x8c: {  	[tilespmem:$0xDB0] =	vst v1  }
0x8d: {  	[tilespmem:$0xDC0] =	vst v1  }
0x8e: {  	[tilespmem:$0xE00] =	vst v1  }
0x8f: {  	[tilespmem:$0xE10] =	vst v1  }
0x90: {  	[tilespmem:$0xE20] =	vst v1  }
0x91: {  	[tilespmem:$0xE30] =	vst v1  }
0x92: {  	[tilespmem:$0xE40] =	vst v1  }
0x93: {  	[tilespmem:$0xE80] =	vst v1  }
0x94: {  	[tilespmem:$0xE90] =	vst v1  }
0x95: {  	[tilespmem:$0xEA0] =	vst v1  }
0x96: {  	[tilespmem:$0xEB0] =	vst v1  }
0x97: {  	[tilespmem:$0xEC0] =	vst v1  }
0x98: {  	[tilespmem:$0xF00] =	vst v1  }
0x99: {  	[tilespmem:$0xF10] =	vst v1  }
0x9a: {  	[tilespmem:$0xF20] =	vst v1  }
0x9b: {  	[tilespmem:$0xF30] =	vst v1  }
0x9c: {  	[tilespmem:$0xF40] =	vst v1  }
0x9d: {  	[tilespmem:$0xF80] =	vst v1  }
0x9e: {  	[tilespmem:$0xF90] =	vst v1  }
0x9f: {  	[tilespmem:$0xFA0] =	vst v1  }
0xa0: {  	[tilespmem:$0xFB0] =	vst v1  }
0xa1: {  	[tilespmem:$0xFC0] =	vst v1  }
0xa2: {  	[tilespmem:$0x1000] =	vst v1  }
0xa3: {  	[tilespmem:$0x1010] =	vst v1  }
0xa4: {  	[tilespmem:$0x1020] =	vst v1  }
0xa5: {  	[tilespmem:$0x1030] =	vst v1  }
0xa6: {  	[tilespmem:$0x1040] =	vst v1  }
0xa7: {  	[tilespmem:$0x1080] =	vst v1  }
0xa8: {  	[tilespmem:$0x1090] =	vst v1  }
0xa9: {  	[tilespmem:$0x10A0] =	vst v1  }
0xaa: {  	[tilespmem:$0x10B0] =	vst v1  }
0xab: {  	[tilespmem:$0x10C0] =	vst v1  }
0xac: {  	[tilespmem:$0x1100] =	vst v1  }
0xad: {  	[tilespmem:$0x1110] =	vst v1  }
0xae: {  	[tilespmem:$0x1120] =	vst v1  }
0xaf: {  	[tilespmem:$0x1130] =	vst v1  }
0xb0: {  	[tilespmem:$0x1140] =	vst v1  }
0xb1: {  	[tilespmem:$0x1180] =	vst v1  }
0xb2: {  	[tilespmem:$0x1190] =	vst v1  }
0xb3: {  	[tilespmem:$0x11A0] =	vst v1  }
0xb4: {  	[tilespmem:$0x11B0] =	vst v1  }
0xb5: {  	[tilespmem:$0x11C0] =	vst v1  }
0xb6: {  	[tilespmem:$0x1200] =	vst v1  }
0xb7: {  	[tilespmem:$0x1210] =	vst v1  }
0xb8: {  	[tilespmem:$0x1220] =	vst v1  }
0xb9: {  	[tilespmem:$0x1230] =	vst v1  }
0xba: {  	[tilespmem:$0x1240] =	vst v1  }
0xbb: {  	[tilespmem:$0x1280] =	vst v1  }
0xbc: {  	[tilespmem:$0x1290] =	vst v1  }
0xbd: {  	[tilespmem:$0x12A0] =	vst v1  }
0xbe: {  	[tilespmem:$0x12B0] =	vst v1  }
0xbf: {  	[tilespmem:$0x12C0] =	vst v1  }
0xc0: {  	[tilespmem:$0x1300] =	vst v1  }
0xc1: {  	[tilespmem:$0x1310] =	vst v1  }
0xc2: {  	[tilespmem:$0x1320] =	vst v1  }
0xc3: {  	[tilespmem:$0x1330] =	vst v1  }
0xc4: {  	[tilespmem:$0x1340] =	vst v1  }
0xc5: {  	[tilespmem:$0x1380] =	vst v1  }
0xc6: {  	[tilespmem:$0x1390] =	vst v1  }
0xc7: {  	[tilespmem:$0x13A0] =	vst v1  }
0xc8: {  	[tilespmem:$0x13B0] =	vst v1  }
0xc9: {  	[tilespmem:$0x13C0] =	vst v1  }
0xca: {  	[tilespmem:$0x1400] =	vst v1  }
0xcb: {  	[tilespmem:$0x1410] =	vst v1  }
0xcc: {  	[tilespmem:$0x1420] =	vst v1  }
0xcd: {  	[tilespmem:$0x1430] =	vst v1  }
0xce: {  	[tilespmem:$0x1440] =	vst v1  }
0xcf: {  	[tilespmem:$0x1480] =	vst v1  }
0xd0: {  	[tilespmem:$0x1490] =	vst v1  }
0xd1: {  	[tilespmem:$0x14A0] =	vst v1  }
0xd2: {  	[tilespmem:$0x14B0] =	vst v1  }
0xd3: {  	[tilespmem:$0x14C0] =	vst v1  }
0xd4: {  	[tilespmem:$0x1500] =	vst v1  }
0xd5: {  	[tilespmem:$0x1510] =	vst v1  }
0xd6: {  	[tilespmem:$0x1520] =	vst v1  }
0xd7: {  	[tilespmem:$0x1530] =	vst v1  }
0xd8: {  	[tilespmem:$0x1540] =	vst v1  }
0xd9: {  	[tilespmem:$0x1580] =	vst v1  }
0xda: {  	[tilespmem:$0x1590] =	vst v1  }
0xdb: {  	[tilespmem:$0x15A0] =	vst v1  }
0xdc: {  	[tilespmem:$0x15B0] =	vst v1  }
0xdd: {  	[tilespmem:$0x15C0] =	vst v1  }
0xde: {  	[tilespmem:$0x1600] =	vst v1  }
0xdf: {  	[tilespmem:$0x1610] =	vst v1  }
0xe0: {  	[tilespmem:$0x1620] =	vst v1  }
0xe1: {  	[tilespmem:$0x1630] =	vst v1  }
0xe2: {  	[tilespmem:$0x1640] =	vst v1  }
0xe3: {  	[tilespmem:$0x1680] =	vst v1  }
0xe4: {  	[tilespmem:$0x1690] =	vst v1  }
0xe5: {  	[tilespmem:$0x16A0] =	vst v1  }
0xe6: {  	[tilespmem:$0x16B0] =	vst v1  }
0xe7: {  	[tilespmem:$0x16C0] =	vst v1  }
0xe8: {  	[tilespmem:$0x1700] =	vst v1  }
0xe9: {  	[tilespmem:$0x1710] =	vst v1  }
0xea: {  	[tilespmem:$0x1720] =	vst v1  }
0xeb: {  	[tilespmem:$0x1730] =	vst v1  }
0xec: {  	[tilespmem:$0x1740] =	vst v1  }
0xed: {  	[tilespmem:$0x1780] =	vst v1  }
0xee: {  	[tilespmem:$0x1790] =	vst v1  }
0xef: {  	[tilespmem:$0x17A0] =	vst v1  }
0xf0: {  	[tilespmem:$0x17B0] =	vst v1  }
0xf1: {  	[tilespmem:$0x17C0] =	vst v1  }
0xf2: {  	[tilespmem:$0x1800] =	vst v1  }
0xf3: {  	[tilespmem:$0x1810] =	vst v1  }
0xf4: {  	[tilespmem:$0x1820] =	vst v1  }
0xf5: {  	[tilespmem:$0x1830] =	vst v1  }
0xf6: {  	[tilespmem:$0x1840] =	vst v1  }
0xf7: {  	[tilespmem:$0x1880] =	vst v1  }
0xf8: {  	[tilespmem:$0x1890] =	vst v1  }
0xf9: {  	[tilespmem:$0x18A0] =	vst v1  }
0xfa: {  	[tilespmem:$0x18B0] =	vst v1  }
0xfb: {  	[tilespmem:$0x18C0] =	vst v1  }
0xfc: {  	[tilespmem:$0x1900] =	vst v1  }
0xfd: {  	[tilespmem:$0x1910] =	vst v1  }
0xfe: {  	[tilespmem:$0x1920] =	vst v1  }
0xff: {  	[tilespmem:$0x1930] =	vst v1  }
0x100: {  	[tilespmem:$0x1940] =	vst v1  }
0x101: {  	[tilespmem:$0x1980] =	vst v1  }
0x102: {  	[tilespmem:$0x1990] =	vst v1  }
0x103: {  	[tilespmem:$0x19A0] =	vst v1  }
0x104: {  	[tilespmem:$0x19B0] =	vst v1  }
0x105: {  	[tilespmem:$0x19C0] =	vst v1  }
0x106: {  	[tilespmem:$0x1A00] =	vst v1  }
0x107: {  	[tilespmem:$0x1A10] =	vst v1  }
0x108: {  	[tilespmem:$0x1A20] =	vst v1  }
0x109: {  	[tilespmem:$0x1A30] =	vst v1  }
0x10a: {  	[tilespmem:$0x1A40] =	vst v1  }
0x10b: {  	[tilespmem:$0x1A80] =	vst v1  }
0x10c: {  	[tilespmem:$0x741] =	vst v1  }
0x10d: {  	[tilespmem:$0x1A90] =	vst v1  }
0x10e: {  	[tilespmem:$0x1AA0] =	vst v1  }
0x10f: {  	[tilespmem:$0x1AC0] =	vst v1  }
0x110: {  	[tilespmem:$0x1AB0] =	vst v1  }
0x111: {  	[tilespmem:$0x1B00] =	vst v1  }
0x112: {  	[tilespmem:$0x6C1] =	vst v1  }
0x113: {  	[tilespmem:$0x1B10] =	vst v1  }
0x114: {  	[tilespmem:$0x1B20] =	vst v1  }
0x115: {  	[tilespmem:$0x1B40] =	vst v1  }
0x116: {  	[tilespmem:$0x1B30] =	vst v1  }
0x117: {  	[tilespmem:$0x1B80] =	vst v1  }
0x118: {  	[tilespmem:$0x641] =	vst v1  }
0x119: {  	[tilespmem:$0x1B90] =	vst v1  }
0x11a: {  	[tilespmem:$0x1BA0] =	vst v1  }
0x11b: {  	[tilespmem:$0x1BC0] =	vst v1  }
0x11c: {  	[tilespmem:$0x1BB0] =	vst v1  }
0x11d: {  	[tilespmem:$0x1C00] =	vst v1  }
0x11e: {  	[tilespmem:$0x5C1] =	vst v1  }
0x11f: {  	[tilespmem:$0x1C10] =	vst v1  }
0x120: {  	[tilespmem:$0x1C20] =	vst v1  }
0x121: {  	[tilespmem:$0x1C40] =	vst v1  }
0x122: {  	[tilespmem:$0x1C30] =	vst v1  }
0x123: {  	[tilespmem:$0x1C80] =	vst v1  }
0x124: {  	[tilespmem:$0x541] =	vst v1  }
0x125: {  	[tilespmem:$0x1C90] =	vst v1  }
0x126: {  	[tilespmem:$0x1CA0] =	vst v1  }
0x127: {  	[tilespmem:$0x1CC0] =	vst v1  }
0x128: {  	[tilespmem:$0x1CB0] =	vst v1  }
0x129: {  	[tilespmem:$0x1D00] =	vst v1  }
0x12a: {  	[tilespmem:$0x4C1] =	vst v1  }
0x12b: {  	[tilespmem:$0x1D10] =	vst v1  }
0x12c: {  	[tilespmem:$0x1D20] =	vst v1  }
0x12d: {  	[tilespmem:$0x1D40] =	vst v1  }
0x12e: {  	[tilespmem:$0x1D30] =	vst v1  }
0x12f: {  	[tilespmem:$0x1D80] =	vst v1  }
0x130: {  	[tilespmem:$0x441] =	vst v1  }
0x131: {  	[tilespmem:$0x1D90] =	vst v1  }
0x132: {  	[tilespmem:$0x1DA0] =	vst v1  }
0x133: {  	[tilespmem:$0x1DC0] =	vst v1  }
0x134: {  	[tilespmem:$0x1DB0] =	vst v1  }
0x135: {  	[tilespmem:$0x1E00] =	vst v1  }
0x136: {  	[tilespmem:$0x3C1] =	vst v1  }
0x137: {  	[tilespmem:$0x1E10] =	vst v1  }
0x138: {  	[tilespmem:$0x1E20] =	vst v1  }
0x139: {  	[tilespmem:$0x1E40] =	vst v1  }
0x13a: {  	[tilespmem:$0x1E30] =	vst v1  }
0x13b: {  	[tilespmem:$0x1E80] =	vst v1  }
0x13c: {  	[tilespmem:$0x341] =	vst v1  }
0x13d: {  	[tilespmem:$0x1E90] =	vst v1  }
0x13e: {  	[tilespmem:$0x1EA0] =	vst v1  }
0x13f: {  	[tilespmem:$0x1EC0] =	vst v1  }
0x140: {  	[tilespmem:$0x1EB0] =	vst v1  }
0x141: {  	[tilespmem:$0x1F00] =	vst v1  }
0x142: {  	[tilespmem:$0x2C1] =	vst v1  }
0x143: {  	[tilespmem:$0x1F10] =	vst v1  }
0x144: {  	[tilespmem:$0x1F20] =	vst v1  }
0x145: {  	[tilespmem:$0x1F40] =	vst v1  }
0x146: {  	[tilespmem:$0x1F30] =	vst v1  }
0x147: {  	[tilespmem:$0x1F80] =	vst v1  }
0x148: {  	[tilespmem:$0x241] =	vst v1  }
0x149: {  	[tilespmem:$0x1F90] =	vst v1  }
0x14a: {  	[tilespmem:$0x1FA0] =	vst v1  }
0x14b: {  	[tilespmem:$0x1FC0] =	vst v1  }
0x14c: {  	[tilespmem:$0x1FB0] =	vst v1  }
0x14d: {  	[tilespmem:$0x2000] =	vst v1  }
0x14e: {  	[tilespmem:$0x1C1] =	vst v1  }
0x14f: {  	[tilespmem:$0x2010] =	vst v1  }
0x150: {  	[tilespmem:$0x2020] =	vst v1  }
0x151: {  	[tilespmem:$0x2040] =	vst v1  }
0x152: {  	[tilespmem:$0x2030] =	vst v1  }
0x153: {  	[tilespmem:$0x2080] =	vst v1  }
0x154: {  	[tilespmem:$0x141] =	vst v1  }
0x155: {  	[tilespmem:$0x2090] =	vst v1  }
0x156: {  	[tilespmem:$0x20A0] =	vst v1  }
0x157: {  	[tilespmem:$0x20C0] =	vst v1  }
0x158: {  	[tilespmem:$0x20B0] =	vst v1  }
0x159: {  	[tilespmem:$0x7C1] =	vst v1  }
0x15a: {  	[tilespmem:$0x841] =	vst v1  }
0x15b: {  	[tilespmem:$0x8C1] =	vst v1  }
0x15c: {  	[tilespmem:$0x941] =	vst v1  }
0x15d: {  	[tilespmem:$0x9C1] =	vst v1  }
0x15e: {  	[tilespmem:$0xA41] =	vst v1  }
0x15f: {  	[tilespmem:$0xAC1] =	vst v1  }
0x160: {  	[tilespmem:$0xB41] =	vst v1  }
0x161: {  	[tilespmem:$0xBC1] =	vst v1  }
0x162: {  	[tilespmem:$0xC41] =	vst v1  }
0x163: {  	[tilespmem:$0xCC1] =	vst v1  }
0x164: {  	[tilespmem:$0xD41] =	vst v1  }
0x165: {  	[tilespmem:$0xDC1] =	vst v1  }
0x166: {  	[tilespmem:$0xE41] =	vst v1  }
0x167: {  	[tilespmem:$0xEC1] =	vst v1  }
0x168: {  	[tilespmem:$0xF41] =	vst v1  }
0x169: {  	[tilespmem:$0xFC1] =	vst v1  }
0x16a: {  	[tilespmem:$0x1041] =	vst v1  }
0x16b: {  	[tilespmem:$0x10C1] =	vst v1  }
0x16c: {  	[tilespmem:$0x1141] =	vst v1  }
0x16d: {  	[tilespmem:$0x11C1] =	vst v1  }
0x16e: {  	[tilespmem:$0x1241] =	vst v1  }
0x16f: {  	[tilespmem:$0x12C1] =	vst v1  }
0x170: {  	[tilespmem:$0x1341] =	vst v1  }
0x171: {  	[tilespmem:$0x13C1] =	vst v1  }
0x172: {  	[tilespmem:$0x1441] =	vst v1  }
0x173: {  	[tilespmem:$0x14C1] =	vst v1  }
0x174: {  	[tilespmem:$0x1541] =	vst v1  }
0x175: {  	[tilespmem:$0x15C1] =	vst v1  }
0x176: {  	[tilespmem:$0x1641] =	vst v1  }
0x177: {  	[tilespmem:$0x16C1] =	vst v1  }
0x178: {  	[tilespmem:$0x1741] =	vst v1  }
0x179: {  	[tilespmem:$0x17C1] =	vst v1  }
0x17a: {  	[tilespmem:$0x1841] =	vst v1  }
0x17b: {  	[tilespmem:$0x18C1] =	vst v1  }
0x17c: {  	[tilespmem:$0x1941] =	vst v1  }
0x17d: {  	[tilespmem:$0x19C1] =	vst v1  }
0x17e: {  	[tilespmem:$0x1A41] =	vst v1  }
0x17f: {  	[tilespmem:$0x1AC1] =	vst v1  }
0x180: {  	[tilespmem:$0x1B41] =	vst v1  }
0x181: {  	[tilespmem:$0x1BC1] =	vst v1  }
0x182: {  	[tilespmem:$0x1C41] =	vst v1  }
0x183: {  	[tilespmem:$0x1CC1] =	vst v1  }
0x184: {  	[tilespmem:$0x1D41] =	vst v1  }
0x185: {  	[tilespmem:$0x1DC1] =	vst v1  }
0x186: {  	[tilespmem:$0x1E41] =	vst v1  }
0x187: {  	[tilespmem:$0x1EC1] =	vst v1  }
0x188: {  	[tilespmem:$0x1F41] =	vst v1  }
0x189: {  	[tilespmem:$0x1FC1] =	vst v1  }
0x18a: {  	[tilespmem:$0x2041] =	vst v1  }
0x18b: {  	s10 =	smov.u32 s5;
	s11 =	simm.s32 $0x0;
	[tilespmem:$0x20C1] =	vst v1  }
.LBB2_2:
0x18c: {  	s12 =	sadd.s32 s11, s6;
	s13 =	sand.u32 $0x60, s11  }
0x18d: {  	s12 =	sand.u32 $0xFF80, s12;
	s13 =	sadd.s32 s1, s13  }
0x18e: {  	s12 =	sadd.s32 s12, s13  }
0x18f: {  	[tilespmem:s2], [sflag:$0x1] =	stream.linear.gather [hbm4b:s12+s2], $0x100, $0x38;
	[tilespmem:$0x2100] =	vst v63  }
0x190: {  	_ =	swait.ge [sflag:s7], $0x100  }
0x191: {  	[sflag:s7] =	ssyncset.done $0x0  }
0x192: {  	[sflag:s7] =	ssyncadd.s32 $0xFFFFFF00  }
0x193: {  	v25 =	vld [tilespmem:$0x0];
	_ =	sdelay $0x4  }
0x194: {  	v25 =	vmul.f32 $8.000000000e+01, v25;
	_ =	sdelay $0x1  }
0x195: {  	v26 =	vmul.f32 $2.000000030e-01, v25;
	_ =	sdelay $0x1  }
0x196: {  	v26 =	vtrunc.f32 v26  }
0x197: {  	v26 =	vcvt.f32.s32 v26;
	_ =	sdelay $0x1  }
0x198: {  	vm0 =	vgt.s32 v26, $0x0  }
0x199: {  	v26 =	vnsel vm0, $0x0, v26  }
0x19a: {  	v26 =	vmin.u32 v26, $0xF  }
0x19b: {  	v27 =	vcvt.s32.f32 v26;
	_ =	sdelay $0x1  }
0x19c: {  	v27 =	vmul.f32 $5.000000000e+00, v27;
	_ =	sdelay $0x1  }
0x19d: {  	v25 =	vsub.f32 v25, v27;
	_ =	sdelay $0x1  }
0x19e: {  	v25 =	vadd.f32 v25, v25;
	_ =	sdelay $0x1  }
0x19f: {  	v25 =	vmul.f32 $2.000000030e-01, v25;
	_ =	sdelay $0x1  }
0x1a0: {  	v25 =	vadd.f32 $-1.000000000e+00, v25;
	_ =	sdelay $0x1  }
0x1a1: {  	v27 =	vadd.f32 $6.000000240e-01, v25  }
0x1a2: {  	v28 =	vadd.f32 $2.000000030e-01, v25;
	v29 =	vadd.f32 $1.000000000e+00, v25;
	_ =	sdelay $0x1  }
0x1a3: {  	v30 =	vadd.f32 $-2.000000030e-01, v25;
	v31 =	vmul.f32 v28, v27;
	v32 =	vmul.f32 v28, v29  }
0x1a4: {  	v27 =	vmul.f32 v27, v29  }
0x1a5: {  	v46 =	vadd.f32 $-6.000000240e-01, v25;
	v31 =	vmul.f32 v31, v30;
	v32 =	vmul.f32 v32, v30  }
0x1a6: {  	v33 =	vmul.f32 v27, v30;
	v27 =	vmul.f32 v27, v28  }
0x1a7: {  	v25 =	vadd.f32 $-1.000000000e+00, v25;
	v31 =	vmul.f32 v31, v46;
	v32 =	vmul.f32 v32, v46  }
0x1a8: {  	v33 =	vmul.f32 v33, v46;
	v49 =	vmul.f32 v27, v46  }
0x1a9: {  	v27 =	vmul.f32 v27, v30;
	v31 =	vmul.f32 v31, v25  }
0x1aa: {  	v47 =	vmul.f32 v32, v25;
	v48 =	vmul.f32 v33, v25  }
0x1ab: {  	v33 =	vmul.f32 v49, v25;
	v25 =	vmul.f32 v27, v25  }
0x1ac: {  	v31 =	vmul.f32 $-8.138020630e-01, v31;
	v28 =	vmul.f32 $4.069010260e+00, v47  }
0x1ad: {  	v32 =	vmul.f32 $-8.138020510e+00, v48;
	v33 =	vmul.f32 $8.138020510e+00, v33  }
0x1ae: {  	v35 =	vmul.f32 $-4.069010260e+00, v25;
	v25 =	vmul.f32 v27, v46  }
0x1af: {  	v50 =	vmul.f32 $2.400000000e+04, v31;
	v34 =	vmul.f32 $5.333333500e+03, v28  }
0x1b0: {  	v51 =	vmul.f32 $-5.333333130e+02, v32;
	v52 =	vmul.f32 $2.700062400e-13, v33  }
0x1b1: {  	v53 =	vmul.f32 $-8.213333590e+04, v31;
	v36 =	vmul.f32 $8.000000000e+03, v28  }
0x1b2: {  	v54 =	vmul.f32 $5.333333130e+02, v35;
	v37 =	vmul.f32 $8.138020630e-01, v25  }
0x1b3: {  	v55 =	vmul.f32 $8.533333000e+03, v32;
	v57 =	vmul.f32 $-5.333333130e+02, v33;
	v30 =	vadd.f32 v34, v50  }
0x1b4: {  	v38 =	vmul.u32 $0x5, v26;
	v26 =	vmul.f32 $1.141333360e+05, v31;
	v39 =	vmul.f32 $2.133333250e+03, v28  }
0x1b5: {  	v59 =	vmul.f32 $1.600000000e+04, v32;
	v41 =	vmul.f32 $8.320000000e+04, v31;
	v27 =	vadd.f32 v30, v51  }
0x1b6: {  	v42 =	vmul.f32 $7.466666500e+03, v28;
	v43 =	vmul.f32 $8.533333000e+03, v33  }
0x1b7: {  	v61 =	vmul.f32 $7.466666500e+03, v35;
	v25 =	vsub.f32 v53, v36;
	v27 =	vadd.f32 v27, v52  }
0x1b8: {  	v62 =	vmul.f32 $3.253333400e+04, v31;
	v63 =	vmul.f32 $3.200000000e+03, v28  }
0x1b9: {  	v56 =	vmul.f32 $5.333333500e+03, v37;
	v25 =	vadd.f32 v25, v55;
	v27 =	vadd.f32 v27, v54  }
0x1ba: {  	v31 =	vmul.f32 $5.333333500e+03, v31;
	v28 =	vmul.f32 $5.333333130e+02, v28  }
0x1bb: {  	v25 =	vadd.f32 v25, v57;
	v40 =	vsub.f32 v27, v56;
	v27 =	vmul.f32 $3.200000000e+03, v35  }
0x1bc: {  	v33 =	vmul.f32 $1.600000000e+04, v33;
	v46 =	vmul.f32 $2.133333250e+03, v35;
	v26 =	vsub.f32 v26, v39  }
0x1bd: {  	v58 =	vmul.f32 $3.253333400e+04, v37;
	v28 =	vsub.f32 v28, v31;
	v27 =	vsub.f32 v25, v27  }
0x1be: {  	v47 =	vmul.f32 $3.296128760e-14, v32;
	v39 =	vsub.f32 v26, v59;
	v30 =	vsub.f32 v62, v63  }
0x1bf: {  	v45 =	vmul.f32 $8.320000000e+04, v37;
	v44 =	vadd.f32 v27, v58;
	v27 =	vsub.f32 v42, v41  }
0x1c0: {  	v50 =	vmul.f32 $1.141333360e+05, v37;
	v53 =	vmul.f32 $8.000000000e+03, v35;
	v60 =	vadd.f32 v39, v43  }
0x1c1: {  	v49 =	vadd.f32 v30, v51;
	v25 =	vor.u32 v0, v38;
	v27 =	vadd.f32 v27, v55  }
0x1c2: {  	v26 =	vadd.s32 v2, v38;
	v51 =	vsub.f32 v28, v47;
	v29 =	vadd.f32 v60, v61  }
0x1c3: {  	v52 =	vadd.f32 v49, v43;
	v33 =	vsub.f32 v27, v33;
	v27 =	vadd.s32 v3, v38  }
0x1c4: {  	v28 =	vadd.s32 v4, v38;
	v36 =	vadd.f32 v51, v57;
	v48 =	vsub.f32 v29, v45  }
0x1c5: {  	v29 =	vadd.s32 v5, v38;
	v35 =	vmul.f32 $5.333333500e+03, v35;
	v33 =	vsub.f32 v33, v46  }
0x1c6: {  	v30 =	vadd.s32 v6, v38;
	v54 =	vmul.f32 $8.213333590e+04, v37;
	v31 =	vsub.f32 v52, v53;
	[tilespmem:v25+s8+$0x0] =	vst.idx.msk $0xffff, v40  }
0x1c7: {  	v56 =	vmul.f32 $2.400000000e+04, v37;
	v55 =	vadd.f32 v36, v35;
	[tilespmem:v26+s8+$0x0] =	vst.idx.msk $0xffff, v44;
	v33 =	vadd.f32 v33, v50  }
0x1c8: {  	v31 =	vsub.f32 v31, v54;
	[tilespmem:v27+s8+$0x0] =	vst.idx.msk $0xffff, v48  }
0x1c9: {  	v57 =	vadd.f32 v55, v56;
	[tilespmem:v28+s8+$0x0] =	vst.idx.msk $0xffff, v33  }
0x1ca: {  	[tilespmem:v29+s8+$0x0] =	vst.idx.msk $0xffff, v31  }
0x1cb: {  	[tilespmem:v30+s8+$0x0] =	vst.idx.msk $0xffff, v57  }
0x1cc: {  	v31 =	vld [tilespmem:$0x10];
	_ =	sdelay $0x4  }
0x1cd: {  	v31 =	vmul.f32 $8.000000000e+01, v31;
	_ =	sdelay $0x1  }
0x1ce: {  	v58 =	vmul.f32 $2.000000030e-01, v31;
	_ =	sdelay $0x1  }
0x1cf: {  	v32 =	vtrunc.f32 v58  }
0x1d0: {  	v32 =	vcvt.f32.s32 v32;
	_ =	sdelay $0x1  }
0x1d1: {  	vm13 =	vgt.s32 v32, $0x0  }
0x1d2: {  	v32 =	vnsel vm13, $0x0, v32  }
0x1d3: {  	v32 =	vmin.u32 v32, $0xF  }
0x1d4: {  	v59 =	vcvt.s32.f32 v32;
	_ =	sdelay $0x1  }
0x1d5: {  	v33 =	vmul.f32 $5.000000000e+00, v59;
	_ =	sdelay $0x1  }
0x1d6: {  	v31 =	vsub.f32 v31, v33;
	_ =	sdelay $0x1  }
0x1d7: {  	v31 =	vadd.f32 v31, v31;
	_ =	sdelay $0x1  }
0x1d8: {  	v31 =	vmul.f32 $2.000000030e-01, v31;
	_ =	sdelay $0x1  }
0x1d9: {  	v31 =	vadd.f32 $-1.000000000e+00, v31;
	_ =	sdelay $0x1  }
0x1da: {  	v60 =	vadd.f32 $6.000000240e-01, v31  }
0x1db: {  	v61 =	vadd.f32 $2.000000030e-01, v31;
	v62 =	vadd.f32 $1.000000000e+00, v31;
	_ =	sdelay $0x1  }
0x1dc: {  	v63 =	vadd.f32 $-2.000000030e-01, v31;
	v42 =	vmul.f32 v61, v60;
	v43 =	vmul.f32 v61, v62  }
0x1dd: {  	v33 =	vmul.f32 v60, v62  }
0x1de: {  	v44 =	vadd.f32 $-6.000000240e-01, v31;
	v37 =	vmul.f32 v42, v63;
	v38 =	vmul.f32 v43, v63  }
0x1df: {  	v45 =	vmul.f32 v33, v63;
	v33 =	vmul.f32 v33, v61  }
0x1e0: {  	v31 =	vadd.f32 $-1.000000000e+00, v31;
	v37 =	vmul.f32 v37, v44;
	v38 =	vmul.f32 v38, v44  }
0x1e1: {  	v39 =	vmul.f32 v45, v44;
	v48 =	vmul.f32 v33, v44  }
0x1e2: {  	v33 =	vmul.f32 v33, v63;
	v37 =	vmul.f32 v37, v31  }
0x1e3: {  	v46 =	vmul.f32 v38, v31;
	v47 =	vmul.f32 v39, v31  }
0x1e4: {  	v39 =	vmul.f32 v48, v31;
	v31 =	vmul.f32 v33, v31  }
0x1e5: {  	v51 =	vmul.f32 v33, v44;
	v37 =	vmul.f32 $-8.138020630e-01, v37  }
0x1e6: {  	v34 =	vmul.f32 $4.069010260e+00, v46;
	v38 =	vmul.f32 $-8.138020510e+00, v47  }
0x1e7: {  	v39 =	vmul.f32 $8.138020510e+00, v39;
	v41 =	vmul.f32 $-4.069010260e+00, v31  }
0x1e8: {  	v43 =	vmul.f32 $8.138020630e-01, v51;
	v49 =	vmul.f32 $2.400000000e+04, v37  }
0x1e9: {  	v50 =	vmul.f32 $5.333333500e+03, v34;
	v40 =	vmul.f32 $-5.333333130e+02, v38  }
0x1ea: {  	v53 =	vmul.f32 $2.700062400e-13, v39;
	v54 =	vmul.f32 $-8.213333590e+04, v37  }
0x1eb: {  	v55 =	vmul.f32 $8.000000000e+03, v34;
	v56 =	vmul.f32 $5.333333130e+02, v41  }
0x1ec: {  	v58 =	vmul.f32 $8.533333000e+03, v38;
	v59 =	vmul.f32 $5.333333500e+03, v43  }
0x1ed: {  	v42 =	vmul.f32 $-5.333333130e+02, v39;
	v60 =	vmul.f32 $1.141333360e+05, v37  }
0x1ee: {  	v45 =	vmul.f32 $2.133333250e+03, v34;
	v61 =	vmul.f32 $3.200000000e+03, v41  }
0x1ef: {  	v44 =	vmul.u32 $0x5, v32;
	v62 =	vmul.f32 $3.253333400e+04, v43;
	v63 =	vmul.f32 $1.600000000e+04, v38  }
0x1f0: {  	v47 =	vmul.f32 $8.320000000e+04, v37;
	v48 =	vmul.f32 $7.466666500e+03, v34;
	v36 =	vadd.f32 v50, v49  }
0x1f1: {  	v57 =	vsub.f32 v54, v55;
	v32 =	vsub.f32 v60, v45;
	v49 =	vmul.f32 $8.533333000e+03, v39  }
0x1f2: {  	v39 =	vmul.f32 $1.600000000e+04, v39;
	v54 =	vmul.f32 $3.253333400e+04, v37;
	v52 =	vadd.f32 v36, v40  }
0x1f3: {  	v51 =	vsub.f32 v48, v47;
	v55 =	vmul.f32 $3.200000000e+03, v34;
	v37 =	vmul.f32 $5.333333500e+03, v37  }
0x1f4: {  	v34 =	vmul.f32 $5.333333130e+02, v34;
	v31 =	vadd.f32 v57, v58;
	v33 =	vadd.f32 v52, v53  }
0x1f5: {  	v48 =	vmul.f32 $8.000000000e+03, v41;
	v45 =	vsub.f32 v32, v63;
	v36 =	vsub.f32 v54, v55  }
0x1f6: {  	v32 =	vadd.s32 v8, v44;
	v31 =	vadd.f32 v31, v42;
	v33 =	vadd.f32 v33, v56  }
0x1f7: {  	v57 =	vmul.f32 $2.133333250e+03, v41;
	v34 =	vsub.f32 v34, v37;
	v52 =	vadd.f32 v45, v49  }
0x1f8: {  	v53 =	vmul.f32 $7.466666500e+03, v41;
	v46 =	vsub.f32 v33, v59;
	v33 =	vsub.f32 v31, v61  }
0x1f9: {  	v60 =	vadd.f32 v36, v40;
	v41 =	vmul.f32 $5.333333500e+03, v41;
	v31 =	vor.u32 v7, v44  }
0x1fa: {  	v50 =	vadd.f32 v33, v62;
	v33 =	vadd.f32 v51, v58;
	v58 =	vmul.f32 $3.296128760e-14, v38  }
0x1fb: {  	v35 =	vadd.f32 v52, v53;
	v56 =	vmul.f32 $8.320000000e+04, v43;
	v63 =	vadd.f32 v60, v49  }
0x1fc: {  	v39 =	vsub.f32 v33, v39;
	v33 =	vadd.s32 v9, v44;
	v62 =	vsub.f32 v34, v58  }
0x1fd: {  	v59 =	vsub.f32 v35, v56;
	v61 =	vmul.f32 $1.141333360e+05, v43;
	v34 =	vadd.s32 v10, v44  }
0x1fe: {  	v35 =	vadd.s32 v11, v44;
	v39 =	vsub.f32 v39, v57;
	v42 =	vadd.f32 v62, v42  }
0x1ff: {  	v36 =	vadd.s32 v12, v44;
	v49 =	vmul.f32 $8.213333590e+04, v43;
	v37 =	vsub.f32 v63, v48;
	[tilespmem:v31+s8+$0x0] =	vst.idx.msk $0xffff, v46  }
0x200: {  	v52 =	vmul.f32 $2.400000000e+04, v43;
	[tilespmem:v32+s8+$0x0] =	vst.idx.msk $0xffff, v50;
	v39 =	vadd.f32 v39, v61;
	v51 =	vadd.f32 v42, v41  }
0x201: {  	v37 =	vsub.f32 v37, v49;
	[tilespmem:v33+s8+$0x0] =	vst.idx.msk $0xffff, v59  }
0x202: {  	[tilespmem:v34+s8+$0x0] =	vst.idx.msk $0xffff, v39;
	v53 =	vadd.f32 v51, v52  }
0x203: {  	[tilespmem:v35+s8+$0x0] =	vst.idx.msk $0xffff, v37  }
0x204: {  	[tilespmem:v36+s8+$0x0] =	vst.idx.msk $0xffff, v53  }
0x205: {  	v37 =	vld [tilespmem:$0x80];
	_ =	sdelay $0x4  }
0x206: {  	v37 =	vmul.f32 $8.000000000e+01, v37;
	_ =	sdelay $0x1  }
0x207: {  	v54 =	vmul.f32 $2.000000030e-01, v37;
	_ =	sdelay $0x1  }
0x208: {  	v38 =	vtrunc.f32 v54  }
0x209: {  	v38 =	vcvt.f32.s32 v38;
	_ =	sdelay $0x1  }
0x20a: {  	vm14 =	vgt.s32 v38, $0x0  }
0x20b: {  	v38 =	vnsel vm14, $0x0, v38  }
0x20c: {  	v38 =	vmin.u32 v38, $0xF  }
0x20d: {  	v55 =	vcvt.s32.f32 v38;
	_ =	sdelay $0x1  }
0x20e: {  	v39 =	vmul.f32 $5.000000000e+00, v55;
	_ =	sdelay $0x1  }
0x20f: {  	v37 =	vsub.f32 v37, v39;
	_ =	sdelay $0x1  }
0x210: {  	v37 =	vadd.f32 v37, v37;
	_ =	sdelay $0x1  }
0x211: {  	v37 =	vmul.f32 $2.000000030e-01, v37;
	_ =	sdelay $0x1  }
0x212: {  	v37 =	vadd.f32 $-1.000000000e+00, v37;
	_ =	sdelay $0x1  }
0x213: {  	v56 =	vadd.f32 $6.000000240e-01, v37;
	v57 =	vadd.f32 $2.000000030e-01, v37  }
0x214: {  	v58 =	vadd.f32 $1.000000000e+00, v37  }
0x215: {  	v59 =	vadd.f32 $-2.000000030e-01, v37;
	v60 =	vmul.f32 v57, v56  }
0x216: {  	v61 =	vmul.f32 v57, v58;
	v39 =	vmul.f32 v56, v58  }
0x217: {  	v62 =	vadd.f32 $-6.000000240e-01, v37;
	v43 =	vmul.f32 v60, v59  }
0x218: {  	v44 =	vmul.f32 v61, v59;
	v63 =	vmul.f32 v39, v59  }
0x219: {  	v39 =	vmul.f32 v39, v57;
	v43 =	vmul.f32 v43, v62  }
0x21a: {  	v37 =	vadd.f32 $-1.000000000e+00, v37;
	v44 =	vmul.f32 v44, v62;
	v45 =	vmul.f32 v63, v62  }
0x21b: {  	v50 =	vmul.f32 v39, v62;
	v39 =	vmul.f32 v39, v59  }
0x21c: {  	v43 =	vmul.f32 v43, v37;
	v48 =	vmul.f32 v44, v37  }
0x21d: {  	v49 =	vmul.f32 v45, v37;
	v45 =	vmul.f32 v50, v37  }
0x21e: {  	v37 =	vmul.f32 v39, v37;
	v53 =	vmul.f32 v39, v62  }
0x21f: {  	v43 =	vmul.f32 $-8.138020630e-01, v43;
	v40 =	vmul.f32 $4.069010260e+00, v48  }
0x220: {  	v44 =	vmul.f32 $-8.138020510e+00, v49;
	v45 =	vmul.f32 $8.138020510e+00, v45  }
0x221: {  	v47 =	vmul.f32 $-4.069010260e+00, v37;
	v49 =	vmul.f32 $8.138020630e-01, v53  }
0x222: {  	v51 =	vmul.f32 $2.400000000e+04, v43;
	v52 =	vmul.f32 $5.333333500e+03, v40  }
0x223: {  	v46 =	vmul.f32 $-5.333333130e+02, v44;
	v55 =	vmul.f32 $2.700062400e-13, v45  }
0x224: {  	v56 =	vmul.f32 $-8.213333590e+04, v43;
	v57 =	vmul.f32 $8.000000000e+03, v40  }
0x225: {  	v58 =	vmul.f32 $5.333333130e+02, v47;
	v60 =	vmul.f32 $5.333333500e+03, v49  }
0x226: {  	v48 =	vmul.f32 $-5.333333130e+02, v45;
	v61 =	vmul.f32 $1.141333360e+05, v43  }
0x227: {  	v62 =	vmul.f32 $3.200000000e+03, v47;
	v63 =	vmul.f32 $3.253333400e+04, v49;
	v42 =	vadd.f32 v52, v51  }
0x228: {  	v50 =	vmul.u32 $0x5, v38;
	v53 =	vmul.f32 $8.320000000e+04, v43;
	v51 =	vmul.f32 $2.133333250e+03, v40  }
0x229: {  	v59 =	vsub.f32 v56, v57;
	v54 =	vadd.f32 v42, v46;
	v42 =	vmul.f32 $8.533333000e+03, v44  }
0x22a: {  	v57 =	vmul.f32 $1.600000000e+04, v44;
	v38 =	vsub.f32 v61, v51;
	v61 =	vmul.f32 $3.253333400e+04, v43  }
0x22b: {  	v43 =	vmul.f32 $5.333333500e+03, v43;
	v39 =	vadd.f32 v54, v55;
	v37 =	vadd.f32 v59, v42  }
0x22c: {  	v54 =	vmul.f32 $7.466666500e+03, v40;
	v51 =	vsub.f32 v38, v57;
	v55 =	vmul.f32 $8.533333000e+03, v45  }
0x22d: {  	v38 =	vadd.s32 v14, v50;
	v39 =	vadd.f32 v39, v58;
	v37 =	vadd.f32 v37, v48  }
0x22e: {  	v45 =	vmul.f32 $1.600000000e+04, v45;
	v58 =	vsub.f32 v54, v53;
	v59 =	vadd.f32 v51, v55  }
0x22f: {  	v57 =	vmul.f32 $2.133333250e+03, v47;
	v52 =	vsub.f32 v39, v60;
	v39 =	vsub.f32 v37, v62  }
0x230: {  	v54 =	vmul.f32 $8.000000000e+03, v47;
	v37 =	vor.u32 v13, v50;
	v62 =	vmul.f32 $3.200000000e+03, v40  }
0x231: {  	v60 =	vmul.f32 $7.466666500e+03, v47;
	v40 =	vmul.f32 $5.333333130e+02, v40;
	v56 =	vadd.f32 v39, v63  }
0x232: {  	v47 =	vmul.f32 $5.333333500e+03, v47;
	v39 =	vadd.f32 v58, v42;
	v42 =	vsub.f32 v61, v62  }
0x233: {  	v41 =	vadd.f32 v59, v60;
	v40 =	vsub.f32 v40, v43;
	v58 =	vmul.f32 $3.296128760e-14, v44  }
0x234: {  	v63 =	vmul.f32 $8.320000000e+04, v49;
	v61 =	vmul.f32 $1.141333360e+05, v49;
	v60 =	vadd.f32 v42, v46  }
0x235: {  	v45 =	vsub.f32 v39, v45;
	v39 =	vadd.s32 v15, v50;
	v62 =	vsub.f32 v40, v58  }
0x236: {  	v59 =	vsub.f32 v41, v63;
	v40 =	vadd.s32 v16, v50;
	v63 =	vadd.f32 v60, v55  }
0x237: {  	v41 =	vadd.s32 v17, v50;
	v45 =	vsub.f32 v45, v57;
	v48 =	vadd.f32 v62, v48  }
0x238: {  	v42 =	vadd.s32 v18, v50;
	[tilespmem:v37+s8+$0x0] =	vst.idx.msk $0xffff, v52;
	v55 =	vmul.f32 $8.213333590e+04, v49;
	v43 =	vsub.f32 v63, v54  }
0x239: {  	[tilespmem:v38+s8+$0x0] =	vst.idx.msk $0xffff, v56;
	v57 =	vmul.f32 $2.400000000e+04, v49;
	v45 =	vadd.f32 v45, v61;
	v56 =	vadd.f32 v48, v47  }
0x23a: {  	[tilespmem:v39+s8+$0x0] =	vst.idx.msk $0xffff, v59;
	v43 =	vsub.f32 v43, v55  }
0x23b: {  	[tilespmem:v40+s8+$0x0] =	vst.idx.msk $0xffff, v45;
	v58 =	vadd.f32 v56, v57  }
0x23c: {  	[tilespmem:v41+s8+$0x0] =	vst.idx.msk $0xffff, v43  }
0x23d: {  	[tilespmem:v42+s8+$0x0] =	vst.idx.msk $0xffff, v58  }
0x23e: {  	v43 =	vld [tilespmem:$0x90];
	_ =	sdelay $0x4  }
0x23f: {  	v43 =	vmul.f32 $8.000000000e+01, v43;
	_ =	sdelay $0x1  }
0x240: {  	v59 =	vmul.f32 $2.000000030e-01, v43;
	_ =	sdelay $0x1  }
0x241: {  	v44 =	vtrunc.f32 v59  }
0x242: {  	v44 =	vcvt.f32.s32 v44;
	_ =	sdelay $0x1  }
0x243: {  	vm15 =	vgt.s32 v44, $0x0  }
0x244: {  	v44 =	vnsel vm15, $0x0, v44  }
0x245: {  	v44 =	vmin.u32 v44, $0xF  }
0x246: {  	v60 =	vcvt.s32.f32 v44;
	_ =	sdelay $0x1  }
0x247: {  	v45 =	vmul.f32 $5.000000000e+00, v60;
	_ =	sdelay $0x1  }
0x248: {  	v43 =	vsub.f32 v43, v45;
	_ =	sdelay $0x1  }
0x249: {  	v43 =	vadd.f32 v43, v43;
	_ =	sdelay $0x1  }
0x24a: {  	v43 =	vmul.f32 $2.000000030e-01, v43;
	_ =	sdelay $0x1  }
0x24b: {  	v43 =	vadd.f32 $-1.000000000e+00, v43;
	_ =	sdelay $0x1  }
0x24c: {  	v61 =	vadd.f32 $6.000000240e-01, v43;
	v62 =	vadd.f32 $2.000000030e-01, v43  }
0x24d: {  	v55 =	vadd.f32 $1.000000000e+00, v43  }
0x24e: {  	v63 =	vadd.f32 $-2.000000030e-01, v43;
	v54 =	vmul.f32 v62, v61  }
0x24f: {  	v56 =	vmul.f32 v62, v55;
	v45 =	vmul.f32 v61, v55  }
0x250: {  	v50 =	vadd.f32 $-6.000000240e-01, v43;
	v48 =	vmul.f32 v54, v63  }
0x251: {  	v57 =	vmul.f32 v56, v63;
	v58 =	vmul.f32 v45, v63  }
0x252: {  	v45 =	vmul.f32 v45, v62;
	v48 =	vmul.f32 v48, v50  }
0x253: {  	v43 =	vadd.f32 $-1.000000000e+00, v43;
	v49 =	vmul.f32 v57, v50;
	v51 =	vmul.f32 v58, v50  }
0x254: {  	v61 =	vmul.f32 v45, v50;
	v45 =	vmul.f32 v45, v63  }
0x255: {  	v48 =	vmul.f32 v48, v43;
	v59 =	vmul.f32 v49, v43  }
0x256: {  	v60 =	vmul.f32 v51, v43;
	v62 =	vmul.f32 v61, v43  }
0x257: {  	v43 =	vmul.f32 v45, v43;
	v45 =	vmul.f32 v45, v50  }
0x258: {  	v48 =	vmul.f32 $-8.138020630e-01, v48;
	v46 =	vmul.f32 $4.069010260e+00, v59  }
0x259: {  	v47 =	vmul.f32 $-8.138020510e+00, v60;
	v49 =	vmul.f32 $8.138020510e+00, v62  }
0x25a: {  	v43 =	vmul.f32 $-4.069010260e+00, v43;
	v45 =	vmul.f32 $8.138020630e-01, v45  }
0x25b: {  	v63 =	vmul.f32 $2.400000000e+04, v48;
	v56 =	vmul.f32 $5.333333500e+03, v46  }
0x25c: {  	v52 =	vmul.f32 $-5.333333130e+02, v47;
	v57 =	vmul.f32 $-8.213333590e+04, v48  }
0x25d: {  	v44 =	vmul.u32 $0x5, v44;
	v58 =	vmul.f32 $8.000000000e+03, v46;
	v60 =	vmul.f32 $2.700062400e-13, v49  }
0x25e: {  	v61 =	vmul.f32 $5.333333130e+02, v43;
	v54 =	vmul.f32 $8.533333000e+03, v47;
	v51 =	vadd.f32 v56, v63  }
0x25f: {  	v62 =	vmul.f32 $1.141333360e+05, v48;
	v55 =	vmul.f32 $8.533333000e+03, v49;
	v53 =	vsub.f32 v57, v58  }
0x260: {  	v63 =	vmul.f32 $2.133333250e+03, v46;
	v57 =	vmul.f32 $-5.333333130e+02, v49;
	v59 =	vadd.f32 v51, v52  }
0x261: {  	v56 =	vmul.f32 $5.333333500e+03, v45;
	v58 =	vmul.f32 $3.200000000e+03, v43;
	v53 =	vadd.f32 v53, v54  }
0x262: {  	v51 =	vsub.f32 v62, v63;
	v50 =	vadd.f32 v59, v60;
	v60 =	vmul.f32 $1.600000000e+04, v47  }
0x263: {  	v49 =	vmul.f32 $1.600000000e+04, v49;
	v62 =	vmul.f32 $8.320000000e+04, v45;
	v53 =	vadd.f32 v53, v57  }
0x264: {  	v63 =	vmul.f32 $3.253333400e+04, v48;
	v50 =	vadd.f32 v50, v61;
	v51 =	vsub.f32 v51, v60  }
0x265: {  	v53 =	vsub.f32 v53, v58;
	v58 =	vmul.f32 $8.320000000e+04, v48;
	v60 =	vmul.f32 $7.466666500e+03, v46  }
0x266: {  	v59 =	vmul.f32 $3.253333400e+04, v45;
	v61 =	vmul.f32 $7.466666500e+03, v43;
	v50 =	vsub.f32 v50, v56  }
0x267: {  	v48 =	vmul.f32 $5.333333500e+03, v48;
	v51 =	vadd.f32 v51, v55;
	v58 =	vsub.f32 v60, v58  }
0x268: {  	v53 =	vadd.f32 v53, v59;
	v60 =	vmul.f32 $3.200000000e+03, v46;
	v46 =	vmul.f32 $5.333333130e+02, v46  }
0x269: {  	v47 =	vmul.f32 $3.296128760e-14, v47;
	v51 =	vadd.f32 v51, v61;
	v54 =	vadd.f32 v58, v54  }
0x26a: {  	v56 =	vadd.s32 v21, v44;
	v61 =	vsub.f32 v63, v60;
	v46 =	vsub.f32 v46, v48  }
0x26b: {  	v48 =	vadd.s32 v20, v44;
	v49 =	vsub.f32 v54, v49;
	v54 =	vor.u32 v19, v44  }
0x26c: {  	v58 =	vmul.f32 $1.141333360e+05, v45;
	v63 =	vmul.f32 $8.000000000e+03, v43;
	v52 =	vadd.f32 v61, v52  }
0x26d: {  	v51 =	vsub.f32 v51, v62;
	v62 =	vmul.f32 $2.133333250e+03, v43;
	v46 =	vsub.f32 v46, v47  }
0x26e: {  	v60 =	vadd.s32 v23, v44;
	v47 =	vadd.s32 v22, v44;
	v52 =	vadd.f32 v52, v55  }
0x26f: {  	v43 =	vmul.f32 $5.333333500e+03, v43;
	v49 =	vsub.f32 v49, v62;
	v46 =	vadd.f32 v46, v57  }
0x270: {  	v44 =	vadd.s32 v24, v44;
	v62 =	vmul.f32 $8.213333590e+04, v45;
	v61 =	vsub.f32 v52, v63;
	[tilespmem:v54+s8+$0x0] =	vst.idx.msk $0xffff, v50  }
0x271: {  	v45 =	vmul.f32 $2.400000000e+04, v45;
	v49 =	vadd.f32 v49, v58;
	v43 =	vadd.f32 v46, v43;
	[tilespmem:v48+s8+$0x0] =	vst.idx.msk $0xffff, v53  }
0x272: {  	v63 =	vsub.f32 v61, v62;
	[tilespmem:v56+s8+$0x0] =	vst.idx.msk $0xffff, v51  }
0x273: {  	v43 =	vadd.f32 v43, v45;
	[tilespmem:v47+s8+$0x0] =	vst.idx.msk $0xffff, v49  }
0x274: {  	[tilespmem:v60+s8+$0x0] =	vst.idx.msk $0xffff, v63  }
0x275: {  	[tilespmem:v44+s8+$0x0] =	vst.idx.msk $0xffff, v43  }
0x276: {  	[hbm4b:s10+s2] =	stream.linear.scatter [tilespmem:s8], [sflag:$0x1], $0x2000, $0x38;
	[tilespmem:$0x2100] =	vst v63  }
0x277: {  	_ =	swait.ge [sflag:s7], $0x2000  }
0x278: {  	[sflag:s7] =	ssyncset.done $0x0  }
0x279: {  	[sflag:s7] =	ssyncadd.s32 $0xFFFFE000  }
0x27a: {  	[tilespmem:v25+s8+$0x0] =	vst.idx.msk $0xffff, v1  }
0x27b: {  	[tilespmem:v26+s8+$0x0] =	vst.idx.msk $0xffff, v1  }
0x27c: {  	[tilespmem:v27+s8+$0x0] =	vst.idx.msk $0xffff, v1  }
0x27d: {  	[tilespmem:v28+s8+$0x0] =	vst.idx.msk $0xffff, v1  }
0x27e: {  	[tilespmem:v29+s8+$0x0] =	vst.idx.msk $0xffff, v1  }
0x27f: {  	[tilespmem:v30+s8+$0x0] =	vst.idx.msk $0xffff, v1  }
0x280: {  	[tilespmem:v31+s8+$0x0] =	vst.idx.msk $0xffff, v1  }
0x281: {  	[tilespmem:v32+s8+$0x0] =	vst.idx.msk $0xffff, v1  }
0x282: {  	[tilespmem:v33+s8+$0x0] =	vst.idx.msk $0xffff, v1  }
0x283: {  	[tilespmem:v34+s8+$0x0] =	vst.idx.msk $0xffff, v1  }
0x284: {  	[tilespmem:v35+s8+$0x0] =	vst.idx.msk $0xffff, v1  }
0x285: {  	[tilespmem:v36+s8+$0x0] =	vst.idx.msk $0xffff, v1  }
0x286: {  	[tilespmem:v37+s8+$0x0] =	vst.idx.msk $0xffff, v1  }
0x287: {  	[tilespmem:v38+s8+$0x0] =	vst.idx.msk $0xffff, v1  }
0x288: {  	[tilespmem:v39+s8+$0x0] =	vst.idx.msk $0xffff, v1  }
0x289: {  	[tilespmem:v40+s8+$0x0] =	vst.idx.msk $0xffff, v1  }
0x28a: {  	[tilespmem:v41+s8+$0x0] =	vst.idx.msk $0xffff, v1  }
0x28b: {  	[tilespmem:v42+s8+$0x0] =	vst.idx.msk $0xffff, v1  }
0x28c: {  	p0 =	sne.s32 s11, $0x7E0;
	[tilespmem:v54+s8+$0x0] =	vst.idx.msk $0xffff, v1  }
.Ltmp0:
0x28d: {  	[tilespmem:v48+s8+$0x0] =	vst.idx.msk $0xffff, v1;
	(pc) =	sbr.rel @p0 .LBB2_2-.Ltmp0, $4  }
0x28e: {  	[tilespmem:v56+s8+$0x0] =	vst.idx.msk $0xffff, v1  }
0x28f: {  	[tilespmem:v47+s8+$0x0] =	vst.idx.msk $0xffff, v1  }
0x290: {  	[tilespmem:v60+s8+$0x0] =	vst.idx.msk $0xffff, v1  }
0x291: {  	s11 =	sadd.s32 $0x20, s11;
	s10 =	sadd.s32 $0x400, s10;
	[tilespmem:v44+s8+$0x0] =	vst.idx.msk $0xffff, v1  }
0x292: {  	s9 =	sadd.s32 $0x1, s9  }
0x293: {  	p0 =	sne.s32 s9, s4  }
.Ltmp1:
0x294: {  	_ = 	snop;
	(pc) =	sbr.rel @p0 .LBB2_1-.Ltmp1, $1  }
0x295: {  	_ =	sdelay $0x3  }
0x296: {  	_ =	sfence.sel $0x180000  }
0x297: {  	[bflag:$0x0] =	sbarrier.arrive $0xFFFF  }
0x298: {  	p0 =	sne.s32 s3, $0x0;
	_ =	strace $0x90000047  }
0x299: {  	s0 =	sadd.s32 @!p0 $0x100000, s0;
	[bflag:$0x2] =	sbarrier.arrive $0xFFFF  }
0x29a: {  	[sflag:s0] =	ssyncadd.tile.s32 @!p0 $0x1;
	_ =	shalt  }
.Lfunc_end2:
_tile_overlayer_lowered:
.L_overlay_start_2:
0x29b: {  	(tag) =	ssettag $0x2  }
0x29c: {  	s0 =	rddreg [dreg:$0x0];
	s2 =	stileid.u32  }
0x29d: {  	s1 =	rddreg [dreg:$0x1];
	p0 =	sne.s32 s2, $0x0  }
0x29e: {  	s3 =	rddreg [dreg:$0x2];
	[bflag:$0x3] =	sbarrier.arrive $0xFFFF;
	s2 =	simm.s32 @!p0 $0x1C01  }
0x29f: {  	[timem:s3], [sflag:s2] =	dma.local @!p0 [hbm:s0], s1  }
0x2a0: {  	s0 =	simm.s32 @!p0 $0x1  }
0x2a1: {  	_ =	swait.ge @!p0 [sflag:s0], s1  }
0x2a2: {  	s1 =	ssub.s32 @!p0 $0x0, s1;
	[sflag:s0] =	ssyncset.done @!p0 $0x0  }
0x2a3: {  	[sflag:s0] =	ssyncadd.s32 @!p0 s1  }
0x2a4: {  	[bflag:$0x3] =	sbarrier.arrive $0xFFFF  }
0x2a5: {  	_ =	shalt  }

</sc_bundles>
